<compile_context>
chip_gen: v7x
topology: tpu7x:2x2x1
jax: 0.10.2.dev20260603
libtpu: 0.0.44.dev20260713+nightly
codegen_flags: <defaults>
</compile_context>

<pallas_src>
import functools

import jax
import jax.numpy as jnp
from jax import lax
from jax.experimental import pallas as pl
from jax.experimental.pallas import tpu as pltpu
from jax.experimental.pallas import tpu_sc as plsc

NC = 2
NS = 16
NW = NC * NS

EB = 96
ET = 16
KB = 2
NBUF = 2 * KB
HW = 128

_sc_mesh = plsc.VectorSubcoreMesh(core_axis_name="c", subcore_axis_name="s",
                                  num_cores=NC, num_subcores=NS)


def _make_hist(n, e):
    chunk = e // NW
    ng = chunk // (EB * KB)
    ng -= ng % 2
    rem = chunk - ng * EB * KB
    nt = rem // ET
    assert rem % ET == 0 and nt <= KB
    rows_t = (n // NS) // 8 * 8
    rows_ra = n - NS * rows_t

    @functools.partial(
        pl.kernel,
        out_type=jax.ShapeDtypeStruct((NC, n, HW), jnp.float32),
        mesh=_sc_mesh,
        scratch_types=[
            pltpu.VMEM((NBUF, 2, EB), jnp.int32),
            pltpu.VMEM((KB, 2, ET), jnp.int32),
            pltpu.VMEM((EB, HW), jnp.float32),
            pltpu.VMEM_SHARED((n, HW), jnp.float32),
            pltpu.SemaphoreType.DMA,
            pltpu.SemaphoreType.DMA,
            pltpu.SemaphoreType.DMA,
        ],
    )
    def hist(dst_hbm, zeros_hbm, ones_hbm, out_hbm, idx_v, idxt_v, ones_v,
             hist_sh, sem_i, sem_s, sem_z):
        c = lax.axis_index("c")
        s = lax.axis_index("s")
        wid = s * NC + c
        cbase = wid * chunk

        off = s * rows_t
        pltpu.async_copy(zeros_hbm.at[pl.ds(off, rows_t)],
                         hist_sh.at[pl.ds(off, rows_t)], sem_z)

        @pl.when(s == 0)
        def _():
            if rows_ra:
                pltpu.async_copy(zeros_hbm.at[pl.ds(NS * rows_t, rows_ra)],
                                 hist_sh.at[pl.ds(NS * rows_t, rows_ra)],
                                 sem_z)
        pltpu.sync_copy(ones_hbm, ones_v)

        def fire_front(k, slots):
            for i, b in enumerate(slots):
                start = cbase + (k * KB + i) * EB
                pltpu.async_copy(dst_hbm.at[pl.ds(start, EB)],
                                 idx_v.at[b, 1], sem_i)
            for b in slots:
                pltpu.make_async_copy(dst_hbm.at[pl.ds(cbase, EB)],
                                      idx_v.at[b, 1], sem_i).wait()

        def fire_scatter(slots):
            for b in slots:
                pltpu.async_copy(ones_v, hist_sh.at[idx_v.at[b, 1]], sem_s,
                                 add=True)

        def fire_group(k, slots):
            fire_front(k, slots)
            fire_scatter(slots)

        def drain_group(slots):
            for b in slots:
                pltpu.make_async_copy(ones_v, hist_sh.at[idx_v.at[b, 1]],
                                      sem_s).wait()

        lo = tuple(range(KB))
        hi = tuple(range(KB, NBUF))
        fire_front(0, lo)
        fire_front(1, hi)
        pltpu.make_async_copy(zeros_hbm.at[pl.ds(off, rows_t)],
                              hist_sh.at[pl.ds(off, rows_t)], sem_z).wait()

        @pl.when(s == 0)
        def _():
            if rows_ra:
                pltpu.make_async_copy(
                    zeros_hbm.at[pl.ds(NS * rows_t, rows_ra)],
                    hist_sh.at[pl.ds(NS * rows_t, rows_ra)], sem_z).wait()
        plsc.subcore_barrier()
        fire_scatter(lo)
        fire_scatter(hi)

        def body(g, carry):
            k = 2 * g + 2
            drain_group(lo)
            fire_group(k, lo)
            drain_group(hi)
            fire_group(k + 1, hi)
            return carry

        lax.fori_loop(0, (ng - 2) // 2, body, 0)
        drain_group(lo)
        drain_group(hi)

        tbase = cbase + ng * EB * KB
        for i in range(nt):
            pltpu.async_copy(dst_hbm.at[pl.ds(tbase + i * ET, ET)],
                             idxt_v.at[i, 1], sem_i)
        for i in range(nt):
            pltpu.make_async_copy(dst_hbm.at[pl.ds(cbase, ET)],
                                  idxt_v.at[i, 1], sem_i).wait()
        for i in range(nt):
            pltpu.async_copy(ones_v.at[pl.ds(0, ET)],
                             hist_sh.at[idxt_v.at[i, 1]], sem_s, add=True)
        for i in range(nt):
            pltpu.make_async_copy(ones_v.at[pl.ds(0, ET)],
                                  hist_sh.at[idxt_v.at[i, 1]], sem_s).wait()
        plsc.subcore_barrier()

        pltpu.sync_copy(hist_sh.at[pl.ds(off, rows_t)],
                        out_hbm.at[c, pl.ds(off, rows_t)])

        @pl.when(s == 0)
        def _():
            if rows_ra:
                pltpu.sync_copy(hist_sh.at[pl.ds(NS * rows_t, rows_ra)],
                                out_hbm.at[c, pl.ds(NS * rows_t, rows_ra)])

    return hist


def _make_edge_agg(n, e, d):
    chunk = e // NW
    ng = chunk // (EB * KB)
    ng -= ng % 2
    rem = chunk - ng * EB * KB
    nt = rem // ET
    assert rem % ET == 0 and nt <= KB
    rows_t = (n // NS) // 8 * 8
    rows_ra = n - NS * rows_t

    @functools.partial(
        pl.kernel,
        out_type=jax.ShapeDtypeStruct((NC, n, d), jnp.float32),
        mesh=_sc_mesh,
        scratch_types=[
            pltpu.VMEM((NBUF, 2, EB), jnp.int32),
            pltpu.VMEM((KB, 2, ET), jnp.int32),
            pltpu.VMEM((NBUF, EB, d), jnp.float32),
            pltpu.VMEM_SHARED((n, d), jnp.float32),
            pltpu.SemaphoreType.DMA,
            pltpu.SemaphoreType.DMA,
            pltpu.SemaphoreType.DMA,
            pltpu.SemaphoreType.DMA,
        ],
    )
    def edge_agg(y_hbm, src_hbm, dst_hbm, zeros_hbm, out_hbm,
                 idx_v, idxt_v, rows_v, acc_sh, sem_i, sem_g, sem_s, sem_z):
        c = lax.axis_index("c")
        s = lax.axis_index("s")
        wid = s * NC + c
        cbase = wid * chunk

        off = s * rows_t
        pltpu.async_copy(zeros_hbm.at[pl.ds(off, rows_t)],
                         acc_sh.at[pl.ds(off, rows_t)], sem_z)

        @pl.when(s == 0)
        def _():
            if rows_ra:
                pltpu.async_copy(zeros_hbm.at[pl.ds(NS * rows_t, rows_ra)],
                                 acc_sh.at[pl.ds(NS * rows_t, rows_ra)],
                                 sem_z)

        def fire_front(k, slots):
            for i, b in enumerate(slots):
                start = cbase + (k * KB + i) * EB
                pltpu.async_copy(src_hbm.at[pl.ds(start, EB)],
                                 idx_v.at[b, 0], sem_i)
                pltpu.async_copy(dst_hbm.at[pl.ds(start, EB)],
                                 idx_v.at[b, 1], sem_i)
            for b in slots:
                pltpu.make_async_copy(src_hbm.at[pl.ds(cbase, EB)],
                                      idx_v.at[b, 0], sem_i).wait()
                pltpu.make_async_copy(dst_hbm.at[pl.ds(cbase, EB)],
                                      idx_v.at[b, 1], sem_i).wait()
            for b in slots:
                pltpu.async_copy(y_hbm.at[idx_v.at[b, 0]], rows_v.at[b],
                                 sem_g)
            for b in slots:
                pltpu.make_async_copy(y_hbm.at[idx_v.at[b, 0]], rows_v.at[b],
                                      sem_g).wait()

        def fire_scatter(slots):
            for b in slots:
                pltpu.async_copy(rows_v.at[b], acc_sh.at[idx_v.at[b, 1]],
                                 sem_s, add=True)

        def fire_group(k, slots):
            fire_front(k, slots)
            fire_scatter(slots)

        def drain_group(slots):
            for b in slots:
                pltpu.make_async_copy(rows_v.at[b],
                                      acc_sh.at[idx_v.at[b, 1]], sem_s).wait()

        lo = tuple(range(KB))
        hi = tuple(range(KB, NBUF))
        fire_front(0, lo)
        fire_front(1, hi)
        pltpu.make_async_copy(zeros_hbm.at[pl.ds(off, rows_t)],
                              acc_sh.at[pl.ds(off, rows_t)], sem_z).wait()

        @pl.when(s == 0)
        def _():
            if rows_ra:
                pltpu.make_async_copy(
                    zeros_hbm.at[pl.ds(NS * rows_t, rows_ra)],
                    acc_sh.at[pl.ds(NS * rows_t, rows_ra)], sem_z).wait()
        plsc.subcore_barrier()
        fire_scatter(lo)
        fire_scatter(hi)

        def body(g, carry):
            k = 2 * g + 2
            drain_group(lo)
            fire_group(k, lo)
            drain_group(hi)
            fire_group(k + 1, hi)
            return carry

        lax.fori_loop(0, (ng - 2) // 2, body, 0)
        drain_group(lo)
        drain_group(hi)

        tbase = cbase + ng * EB * KB
        for i in range(nt):
            pltpu.async_copy(src_hbm.at[pl.ds(tbase + i * ET, ET)],
                             idxt_v.at[i, 0], sem_i)
            pltpu.async_copy(dst_hbm.at[pl.ds(tbase + i * ET, ET)],
                             idxt_v.at[i, 1], sem_i)
        for i in range(nt):
            pltpu.make_async_copy(src_hbm.at[pl.ds(cbase, ET)],
                                  idxt_v.at[i, 0], sem_i).wait()
            pltpu.make_async_copy(dst_hbm.at[pl.ds(cbase, ET)],
                                  idxt_v.at[i, 1], sem_i).wait()
        for i in range(nt):
            pltpu.async_copy(y_hbm.at[idxt_v.at[i, 0]],
                             rows_v.at[i, pl.ds(0, ET)], sem_g)
        for i in range(nt):
            pltpu.make_async_copy(y_hbm.at[idxt_v.at[i, 0]],
                                  rows_v.at[i, pl.ds(0, ET)], sem_g).wait()
        for i in range(nt):
            pltpu.async_copy(rows_v.at[i, pl.ds(0, ET)],
                             acc_sh.at[idxt_v.at[i, 1]], sem_s, add=True)
        for i in range(nt):
            pltpu.make_async_copy(rows_v.at[i, pl.ds(0, ET)],
                                  acc_sh.at[idxt_v.at[i, 1]], sem_s).wait()
        plsc.subcore_barrier()

        pltpu.sync_copy(acc_sh.at[pl.ds(off, rows_t)],
                        out_hbm.at[c, pl.ds(off, rows_t)])

        @pl.when(s == 0)
        def _():
            if rows_ra:
                pltpu.sync_copy(acc_sh.at[pl.ds(NS * rows_t, rows_ra)],
                                out_hbm.at[c, pl.ds(NS * rows_t, rows_ra)])

    return edge_agg


def _dinv_block(h0, h1):
    deg = h0[:, 0:1] + h1[:, 0:1] + 1.0
    return lax.rsqrt(deg)


def _tc_mm(x_ref, w_ref, y_ref):
    y_ref[...] = jnp.dot(x_ref[...], w_ref[...],
                         preferred_element_type=jnp.float32)


def _tc_scale(xw_ref, h0_ref, h1_ref, y_ref):
    dinv = _dinv_block(h0_ref[...], h1_ref[...])
    y_ref[...] = xw_ref[...] * dinv


def _tc_mid(a0_ref, a1_ref, y_ref, h0_ref, h1_ref, b_ref, comp_ref, w_ref,
            out_ref):
    dinv = _dinv_block(h0_ref[...], h1_ref[...])
    conv = dinv * (a0_ref[...] + a1_ref[...] + y_ref[...]) + b_ref[...]
    h = jnp.maximum(conv + comp_ref[...], 0.0)
    hw = jnp.dot(h, w_ref[...], preferred_element_type=jnp.float32)
    out_ref[...] = hw * dinv


def _tc_last(a0_ref, a1_ref, y_ref, h0_ref, h1_ref, b_ref, comp_ref, out_ref):
    dinv = _dinv_block(h0_ref[...], h1_ref[...])
    out_ref[...] = (dinv * (a0_ref[...] + a1_ref[...] + y_ref[...])
                    + b_ref[...] + comp_ref[...])


def kernel(x, edge_index, W1, b1, W2, b2, comp1, comp2):
    n, d = x.shape
    e = edge_index.shape[1]
    assert e % NW == 0 and n % NS == 0

    hist_fn = _make_hist(n, e)
    agg_fn = _make_edge_agg(n, e, d)

    zeros_h = jnp.zeros((n, HW), jnp.float32)
    ones_h = jnp.ones((EB, HW), jnp.float32)
    zeros_a = jnp.zeros((n, d), jnp.float32)

    src = edge_index[0]
    dst = edge_index[1]
    hist = hist_fn(dst, zeros_h, ones_h)
    h0, h1 = hist[0], hist[1]

    r = 1000
    grid = (n // r,)
    row_spec = pl.BlockSpec((r, d), lambda i: (i, 0))
    hist_spec = pl.BlockSpec((r, HW), lambda i: (i, 0))
    w_spec = pl.BlockSpec((d, d), lambda i: (0, 0))
    b_spec = pl.BlockSpec((1, d), lambda i: (0, 0))

    b1r = b1.reshape(1, d)
    b2r = b2.reshape(1, d)

    xw1 = pl.pallas_call(
        _tc_mm,
        grid=grid,
        in_specs=[row_spec, w_spec],
        out_specs=row_spec,
        out_shape=jax.ShapeDtypeStruct((n, d), jnp.float32),
    )(x, W1)

    y1 = pl.pallas_call(
        _tc_scale,
        grid=grid,
        in_specs=[row_spec, hist_spec, hist_spec],
        out_specs=row_spec,
        out_shape=jax.ShapeDtypeStruct((n, d), jnp.float32),
    )(xw1, h0, h1)

    acc1 = agg_fn(y1, src, dst, zeros_a)

    y2 = pl.pallas_call(
        _tc_mid,
        grid=grid,
        in_specs=[row_spec, row_spec, row_spec, hist_spec, hist_spec,
                  b_spec, row_spec, w_spec],
        out_specs=row_spec,
        out_shape=jax.ShapeDtypeStruct((n, d), jnp.float32),
    )(acc1[0], acc1[1], y1, h0, h1, b1r, comp1, W2)

    acc2 = agg_fn(y2, src, dst, zeros_a)

    out = pl.pallas_call(
        _tc_last,
        grid=grid,
        in_specs=[row_spec, row_spec, row_spec, hist_spec, hist_spec,
                  b_spec, row_spec],
        out_specs=row_spec,
        out_shape=jax.ShapeDtypeStruct((n, d), jnp.float32),
    )(acc2[0], acc2[1], y2, h0, h1, b2r, comp2)

    return out

# --- scband reference (transcript-rebuilt; emitter-appended) ---
"""Pipeline reference for scband-gnnencoder-43224550868255 (READ-ONLY COPY).

The authoritative reference and input builder live on the scoring server;
editing this copy changes nothing except your own understanding.
"""

import jax, jax.numpy as jnp
import numpy as np

N = 10000
E = 320000
D = 128


def setup_inputs(seed: int = 0) -> dict:
    key = jax.random.key(seed)
    ks = jax.random.split(key, 8)
    x = jax.random.normal(ks[0], (N, D), dtype=jnp.float32)
    edge_index = jax.random.randint(ks[1], (2, E), 0, N, dtype=jnp.int32)
    W1 = jax.random.normal(ks[2], (D, D), dtype=jnp.float32) * 0.1
    b1 = jnp.zeros((D,), dtype=jnp.float32)
    W2 = jax.random.normal(ks[3], (D, D), dtype=jnp.float32) * 0.1
    b2 = jnp.zeros((D,), dtype=jnp.float32)
    # add_compensation params: FloatTensor(N, D).normal_(mean=-1, std=1)
    comp1 = jax.random.normal(ks[4], (N, D), dtype=jnp.float32) - 1.0
    comp2 = jax.random.normal(ks[5], (N, D), dtype=jnp.float32) - 1.0
    return {"x": x, "edge_index": edge_index, "W1": W1, "b1": b1, "W2": W2, "b2": b2, "comp1": comp1, "comp2": comp2}


def _gcn_conv(x, W, b, src, dst, n):
    # GCN-style propagation with self-loops and symmetric degree normalization
    # (stand-in for PPMIConv's cached normalized propagation)
    xw = x @ W
    loop = jnp.arange(n, dtype=src.dtype)
    s = jnp.concatenate([src, loop])
    d = jnp.concatenate([dst, loop])
    deg = jnp.zeros((n,), dtype=x.dtype).at[d].add(1.0)
    dinv = jnp.where(deg > 0, 1.0 / jnp.sqrt(deg), 0.0)
    norm = dinv[s] * dinv[d]
    msg = xw[s] * norm[:, None]
    out = jax.ops.segment_sum(msg, d, num_segments=n)
    return out + b


def reference(x, edge_index, W1, b1, W2, b2, comp1, comp2):
    src = edge_index[0]
    dst = edge_index[1]
    n = x.shape[0]
    # layer 1: conv -> compensation -> relu -> dropout (identity at eval)
    h = _gcn_conv(x, W1, b1, src, dst, n)
    h = h + comp1
    h = jax.nn.relu(h)
    # layer 2: conv -> compensation
    h = _gcn_conv(h, W2, b2, src, dst, n)
    h = h + comp2
    return h

if __name__ == "__main__":
    import jax
    _d = setup_inputs()
    print(jax.jit(kernel)(*tuple(_d.values())))

</pallas_src>

<mosaic_0001>
#map = affine_map<(d0, d1) -> (0)>
#map1 = affine_map<(d0, d1) -> (0, 0)>
#map2 = affine_map<(d0, d1) -> (0, 0, 0)>
module attributes {stable_mosaic.version = 14 : i64} {
  func.func @hist(%arg0: i32, %arg1: i32, %arg2: memref<320000xi32, #tpu.memory_space<hbm>>, %arg3: memref<10000x128xf32, #tpu.memory_space<hbm>>, %arg4: memref<96x128xf32, #tpu.memory_space<hbm>>, %arg5: memref<2x10000x128xf32, #tpu.memory_space<hbm>>, %arg6: memref<4x2x96xi32, #tpu.memory_space<vmem>>, %arg7: memref<2x2x16xi32, #tpu.memory_space<vmem>>, %arg8: memref<96x128xf32, #tpu.memory_space<vmem>>, %arg9: memref<10000x128xf32, #tpu.memory_space<vmem_shared>>, %arg10: memref<!tpu.dma_semaphore, #tpu.memory_space<semaphore_mem>>, %arg11: memref<!tpu.dma_semaphore, #tpu.memory_space<semaphore_mem>>, %arg12: memref<!tpu.dma_semaphore, #tpu.memory_space<semaphore_mem>>) attributes {dimension_semantics = [#tpu.dimension_semantics<core_parallel>, #tpu.dimension_semantics<subcore_parallel>], iteration_bounds = array<i64: 2, 16>, scalar_prefetch = 0 : i64, scratch_operands = 7 : i64, tpu.core_type = #tpu.core_type<sc_vector_subcore>, window_params = [{transform_indices = #map}, {transform_indices = #map1}, {transform_indices = #map1}, {transform_indices = #map2}]} {
    %mul3A = arith.constant 2 : i32
    %mul3A_0 = arith.muli %arg1, %mul3A : i32
    %add3A = arith.addi %mul3A_0, %arg0 : i32
    %mul3A_1 = arith.constant 10000 : i32
    %mul3A_2 = arith.muli %add3A, %mul3A_1 : i32
    %mul3A_3 = arith.constant 624 : i32
    %mul3A_4 = arith.muli %arg1, %mul3A_3 : i32
    %dma_start3A = arith.constant 0 : i32
    %dma_start3A_5 = tpu.memref_slice %arg9[%mul3A_4, %dma_start3A] : memref<10000x128xf32, #tpu.memory_space<vmem_shared>> -> memref<624x128xf32, #tpu.memory_space<vmem_shared>>
    %dma_start3A_6 = arith.constant 0 : i32
    %dma_start3A_7 = tpu.memref_slice %arg3[%mul3A_4, %dma_start3A_6] : memref<10000x128xf32, #tpu.memory_space<hbm>> -> memref<624x128xf32, #tpu.memory_space<hbm>>
    tpu.enqueue_dma source(%dma_start3A_7 : memref<624x128xf32, #tpu.memory_space<hbm>>) target(%dma_start3A_5 : memref<624x128xf32, #tpu.memory_space<vmem_shared>>) target_semaphore(%arg12 : memref<!tpu.dma_semaphore, #tpu.memory_space<semaphore_mem>>)
    %eq3A = arith.constant 0 : i32
    %eq3A_8 = arith.cmpi eq, %arg1, %eq3A : i32
    %convert_element_type3A = arith.extui %eq3A_8 : i1 to i32
    %cond3A = arith.constant 0 : i32
    %cond3A_9 = arith.cmpi ne, %convert_element_type3A, %cond3A : i32
    scf.if %cond3A_9 {
      %dma_start3A_227 = arith.constant 9984 : i32
      %dma_start3A_228 = arith.constant 0 : i32
      %dma_start3A_229 = tpu.memref_slice %arg9[%dma_start3A_227, %dma_start3A_228] : memref<10000x128xf32, #tpu.memory_space<vmem_shared>> -> memref<16x128xf32, #tpu.memory_space<vmem_shared>>
      %dma_start3A_230 = arith.constant 9984 : i32
      %dma_start3A_231 = arith.constant 0 : i32
      %dma_start3A_232 = tpu.memref_slice %arg3[%dma_start3A_230, %dma_start3A_231] : memref<10000x128xf32, #tpu.memory_space<hbm>> -> memref<16x128xf32, #tpu.memory_space<hbm>>
      tpu.enqueue_dma source(%dma_start3A_232 : memref<16x128xf32, #tpu.memory_space<hbm>>) target(%dma_start3A_229 : memref<16x128xf32, #tpu.memory_space<vmem_shared>>) target_semaphore(%arg12 : memref<!tpu.dma_semaphore, #tpu.memory_space<semaphore_mem>>)
    } else {
    }
    "tpu.region"() ({
      %run_scoped3A = tpu.sem_alloc : memref<!tpu.dma_semaphore, #tpu.memory_space<semaphore_mem>>
      tpu.enqueue_dma source(%arg4 : memref<96x128xf32, #tpu.memory_space<hbm>>) target(%arg8 : memref<96x128xf32, #tpu.memory_space<vmem>>) target_semaphore(%run_scoped3A : memref<!tpu.dma_semaphore, #tpu.memory_space<semaphore_mem>>)
      tpu.wait_dma2 semaphore(%run_scoped3A : memref<!tpu.dma_semaphore, #tpu.memory_space<semaphore_mem>>) src(%arg4 : memref<96x128xf32, #tpu.memory_space<hbm>>) dst(%arg8 : memref<96x128xf32, #tpu.memory_space<vmem>>)
      tpu.yield
    }) : () -> ()
    %add3A_10 = arith.constant 0 : i32
    %add3A_11 = arith.addi %mul3A_2, %add3A_10 : i32
    %dma_start3A_12 = arith.constant 0 : i32
    %dma_start3A_13 = arith.constant 1 : i32
    %dma_start3A_14 = arith.constant 0 : i32
    %dma_start3A_15 = tpu.memref_slice %arg6[%dma_start3A_12, %dma_start3A_13, %dma_start3A_14] : memref<4x2x96xi32, #tpu.memory_space<vmem>> -> memref<1x1x96xi32, #tpu.memory_space<vmem>>
    %dma_start3A_16 = tpu.memref_squeeze %dma_start3A_15 : memref<1x1x96xi32, #tpu.memory_space<vmem>> -> memref<96xi32, #tpu.memory_space<vmem>>
    %dma_start3A_17 = tpu.memref_slice %arg2[%add3A_11] : memref<320000xi32, #tpu.memory_space<hbm>> -> memref<96xi32, #tpu.memory_space<hbm>>
    %dma_start3A_18 = arith.constant 0 : i32
    %dma_start3A_19 = tpu.memref_slice %arg6[%dma_start3A_12, %dma_start3A_13, %dma_start3A_18] : memref<4x2x96xi32, #tpu.memory_space<vmem>> -> memref<1x1x96xi32, #tpu.memory_space<vmem>>
    %dma_start3A_20 = tpu.memref_squeeze %dma_start3A_19 : memref<1x1x96xi32, #tpu.memory_space<vmem>> -> memref<96xi32, #tpu.memory_space<vmem>>
    %dma_start3A_21 = tpu.memref_slice %arg2[%add3A_11] : memref<320000xi32, #tpu.memory_space<hbm>> -> memref<96xi32, #tpu.memory_space<hbm>>
    tpu.enqueue_dma source(%dma_start3A_21 : memref<96xi32, #tpu.memory_space<hbm>>) target(%dma_start3A_20 : memref<96xi32, #tpu.memory_space<vmem>>) target_semaphore(%arg10 : memref<!tpu.dma_semaphore, #tpu.memory_space<semaphore_mem>>)
    %add3A_22 = arith.constant 96 : i32
    %add3A_23 = arith.addi %mul3A_2, %add3A_22 : i32
    %dma_start3A_24 = arith.constant 1 : i32
    %dma_start3A_25 = arith.constant 1 : i32
    %dma_start3A_26 = arith.constant 0 : i32
    %dma_start3A_27 = tpu.memref_slice %arg6[%dma_start3A_24, %dma_start3A_25, %dma_start3A_26] : memref<4x2x96xi32, #tpu.memory_space<vmem>> -> memref<1x1x96xi32, #tpu.memory_space<vmem>>
    %dma_start3A_28 = tpu.memref_squeeze %dma_start3A_27 : memref<1x1x96xi32, #tpu.memory_space<vmem>> -> memref<96xi32, #tpu.memory_space<vmem>>
    %dma_start3A_29 = tpu.memref_slice %arg2[%add3A_23] : memref<320000xi32, #tpu.memory_space<hbm>> -> memref<96xi32, #tpu.memory_space<hbm>>
    %dma_start3A_30 = arith.constant 0 : i32
    %dma_start3A_31 = tpu.memref_slice %arg6[%dma_start3A_24, %dma_start3A_25, %dma_start3A_30] : memref<4x2x96xi32, #tpu.memory_space<vmem>> -> memref<1x1x96xi32, #tpu.memory_space<vmem>>
    %dma_start3A_32 = tpu.memref_squeeze %dma_start3A_31 : memref<1x1x96xi32, #tpu.memory_space<vmem>> -> memref<96xi32, #tpu.memory_space<vmem>>
    %dma_start3A_33 = tpu.memref_slice %arg2[%add3A_23] : memref<320000xi32, #tpu.memory_space<hbm>> -> memref<96xi32, #tpu.memory_space<hbm>>
    tpu.enqueue_dma source(%dma_start3A_33 : memref<96xi32, #tpu.memory_space<hbm>>) target(%dma_start3A_32 : memref<96xi32, #tpu.memory_space<vmem>>) target_semaphore(%arg10 : memref<!tpu.dma_semaphore, #tpu.memory_space<semaphore_mem>>)
    %dma_wait3A = arith.constant 0 : i32
    %dma_wait3A_34 = arith.constant 1 : i32
    %dma_wait3A_35 = arith.constant 0 : i32
    %dma_wait3A_36 = tpu.memref_slice %arg6[%dma_wait3A, %dma_wait3A_34, %dma_wait3A_35] : memref<4x2x96xi32, #tpu.memory_space<vmem>> -> memref<1x1x96xi32, #tpu.memory_space<vmem>>
    %dma_wait3A_37 = tpu.memref_squeeze %dma_wait3A_36 : memref<1x1x96xi32, #tpu.memory_space<vmem>> -> memref<96xi32, #tpu.memory_space<vmem>>
    %dma_wait3A_38 = tpu.memref_slice %arg2[%mul3A_2] : memref<320000xi32, #tpu.memory_space<hbm>> -> memref<96xi32, #tpu.memory_space<hbm>>
    %dma_wait3A_39 = arith.constant 0 : i32
    %dma_wait3A_40 = tpu.memref_slice %arg6[%dma_wait3A, %dma_wait3A_34, %dma_wait3A_39] : memref<4x2x96xi32, #tpu.memory_space<vmem>> -> memref<1x1x96xi32, #tpu.memory_space<vmem>>
    %dma_wait3A_41 = tpu.memref_squeeze %dma_wait3A_40 : memref<1x1x96xi32, #tpu.memory_space<vmem>> -> memref<96xi32, #tpu.memory_space<vmem>>
    %dma_wait3A_42 = tpu.memref_slice %arg2[%mul3A_2] : memref<320000xi32, #tpu.memory_space<hbm>> -> memref<96xi32, #tpu.memory_space<hbm>>
    tpu.wait_dma2 semaphore(%arg10 : memref<!tpu.dma_semaphore, #tpu.memory_space<semaphore_mem>>) src(%dma_wait3A_42 : memref<96xi32, #tpu.memory_space<hbm>>) dst(%dma_wait3A_41 : memref<96xi32, #tpu.memory_space<vmem>>)
    %dma_wait3A_43 = arith.constant 1 : i32
    %dma_wait3A_44 = arith.constant 1 : i32
    %dma_wait3A_45 = arith.constant 0 : i32
    %dma_wait3A_46 = tpu.memref_slice %arg6[%dma_wait3A_43, %dma_wait3A_44, %dma_wait3A_45] : memref<4x2x96xi32, #tpu.memory_space<vmem>> -> memref<1x1x96xi32, #tpu.memory_space<vmem>>
    %dma_wait3A_47 = tpu.memref_squeeze %dma_wait3A_46 : memref<1x1x96xi32, #tpu.memory_space<vmem>> -> memref<96xi32, #tpu.memory_space<vmem>>
    %dma_wait3A_48 = tpu.memref_slice %arg2[%mul3A_2] : memref<320000xi32, #tpu.memory_space<hbm>> -> memref<96xi32, #tpu.memory_space<hbm>>
    %dma_wait3A_49 = arith.constant 0 : i32
    %dma_wait3A_50 = tpu.memref_slice %arg6[%dma_wait3A_43, %dma_wait3A_44, %dma_wait3A_49] : memref<4x2x96xi32, #tpu.memory_space<vmem>> -> memref<1x1x96xi32, #tpu.memory_space<vmem>>
    %dma_wait3A_51 = tpu.memref_squeeze %dma_wait3A_50 : memref<1x1x96xi32, #tpu.memory_space<vmem>> -> memref<96xi32, #tpu.memory_space<vmem>>
    %dma_wait3A_52 = tpu.memref_slice %arg2[%mul3A_2] : memref<320000xi32, #tpu.memory_space<hbm>> -> memref<96xi32, #tpu.memory_space<hbm>>
    tpu.wait_dma2 semaphore(%arg10 : memref<!tpu.dma_semaphore, #tpu.memory_space<semaphore_mem>>) src(%dma_wait3A_52 : memref<96xi32, #tpu.memory_space<hbm>>) dst(%dma_wait3A_51 : memref<96xi32, #tpu.memory_space<vmem>>)
    %add3A_53 = arith.constant 192 : i32
    %add3A_54 = arith.addi %mul3A_2, %add3A_53 : i32
    %dma_start3A_55 = arith.constant 2 : i32
    %dma_start3A_56 = arith.constant 1 : i32
    %dma_start3A_57 = arith.constant 0 : i32
    %dma_start3A_58 = tpu.memref_slice %arg6[%dma_start3A_55, %dma_start3A_56, %dma_start3A_57] : memref<4x2x96xi32, #tpu.memory_space<vmem>> -> memref<1x1x96xi32, #tpu.memory_space<vmem>>
    %dma_start3A_59 = tpu.memref_squeeze %dma_start3A_58 : memref<1x1x96xi32, #tpu.memory_space<vmem>> -> memref<96xi32, #tpu.memory_space<vmem>>
    %dma_start3A_60 = tpu.memref_slice %arg2[%add3A_54] : memref<320000xi32, #tpu.memory_space<hbm>> -> memref<96xi32, #tpu.memory_space<hbm>>
    %dma_start3A_61 = arith.constant 0 : i32
    %dma_start3A_62 = tpu.memref_slice %arg6[%dma_start3A_55, %dma_start3A_56, %dma_start3A_61] : memref<4x2x96xi32, #tpu.memory_space<vmem>> -> memref<1x1x96xi32, #tpu.memory_space<vmem>>
    %dma_start3A_63 = tpu.memref_squeeze %dma_start3A_62 : memref<1x1x96xi32, #tpu.memory_space<vmem>> -> memref<96xi32, #tpu.memory_space<vmem>>
    %dma_start3A_64 = tpu.memref_slice %arg2[%add3A_54] : memref<320000xi32, #tpu.memory_space<hbm>> -> memref<96xi32, #tpu.memory_space<hbm>>
    tpu.enqueue_dma source(%dma_start3A_64 : memref<96xi32, #tpu.memory_space<hbm>>) target(%dma_start3A_63 : memref<96xi32, #tpu.memory_space<vmem>>) target_semaphore(%arg10 : memref<!tpu.dma_semaphore, #tpu.memory_space<semaphore_mem>>)
    %add3A_65 = arith.constant 288 : i32
    %add3A_66 = arith.addi %mul3A_2, %add3A_65 : i32
    %dma_start3A_67 = arith.constant 3 : i32
    %dma_start3A_68 = arith.constant 1 : i32
    %dma_start3A_69 = arith.constant 0 : i32
    %dma_start3A_70 = tpu.memref_slice %arg6[%dma_start3A_67, %dma_start3A_68, %dma_start3A_69] : memref<4x2x96xi32, #tpu.memory_space<vmem>> -> memref<1x1x96xi32, #tpu.memory_space<vmem>>
    %dma_start3A_71 = tpu.memref_squeeze %dma_start3A_70 : memref<1x1x96xi32, #tpu.memory_space<vmem>> -> memref<96xi32, #tpu.memory_space<vmem>>
    %dma_start3A_72 = tpu.memref_slice %arg2[%add3A_66] : memref<320000xi32, #tpu.memory_space<hbm>> -> memref<96xi32, #tpu.memory_space<hbm>>
    %dma_start3A_73 = arith.constant 0 : i32
    %dma_start3A_74 = tpu.memref_slice %arg6[%dma_start3A_67, %dma_start3A_68, %dma_start3A_73] : memref<4x2x96xi32, #tpu.memory_space<vmem>> -> memref<1x1x96xi32, #tpu.memory_space<vmem>>
    %dma_start3A_75 = tpu.memref_squeeze %dma_start3A_74 : memref<1x1x96xi32, #tpu.memory_space<vmem>> -> memref<96xi32, #tpu.memory_space<vmem>>
    %dma_start3A_76 = tpu.memref_slice %arg2[%add3A_66] : memref<320000xi32, #tpu.memory_space<hbm>> -> memref<96xi32, #tpu.memory_space<hbm>>
    tpu.enqueue_dma source(%dma_start3A_76 : memref<96xi32, #tpu.memory_space<hbm>>) target(%dma_start3A_75 : memref<96xi32, #tpu.memory_space<vmem>>) target_semaphore(%arg10 : memref<!tpu.dma_semaphore, #tpu.memory_space<semaphore_mem>>)
    %dma_wait3A_77 = arith.constant 2 : i32
    %dma_wait3A_78 = arith.constant 1 : i32
    %dma_wait3A_79 = arith.constant 0 : i32
    %dma_wait3A_80 = tpu.memref_slice %arg6[%dma_wait3A_77, %dma_wait3A_78, %dma_wait3A_79] : memref<4x2x96xi32, #tpu.memory_space<vmem>> -> memref<1x1x96xi32, #tpu.memory_space<vmem>>
    %dma_wait3A_81 = tpu.memref_squeeze %dma_wait3A_80 : memref<1x1x96xi32, #tpu.memory_space<vmem>> -> memref<96xi32, #tpu.memory_space<vmem>>
    %dma_wait3A_82 = tpu.memref_slice %arg2[%mul3A_2] : memref<320000xi32, #tpu.memory_space<hbm>> -> memref<96xi32, #tpu.memory_space<hbm>>
    %dma_wait3A_83 = arith.constant 0 : i32
    %dma_wait3A_84 = tpu.memref_slice %arg6[%dma_wait3A_77, %dma_wait3A_78, %dma_wait3A_83] : memref<4x2x96xi32, #tpu.memory_space<vmem>> -> memref<1x1x96xi32, #tpu.memory_space<vmem>>
    %dma_wait3A_85 = tpu.memref_squeeze %dma_wait3A_84 : memref<1x1x96xi32, #tpu.memory_space<vmem>> -> memref<96xi32, #tpu.memory_space<vmem>>
    %dma_wait3A_86 = tpu.memref_slice %arg2[%mul3A_2] : memref<320000xi32, #tpu.memory_space<hbm>> -> memref<96xi32, #tpu.memory_space<hbm>>
    tpu.wait_dma2 semaphore(%arg10 : memref<!tpu.dma_semaphore, #tpu.memory_space<semaphore_mem>>) src(%dma_wait3A_86 : memref<96xi32, #tpu.memory_space<hbm>>) dst(%dma_wait3A_85 : memref<96xi32, #tpu.memory_space<vmem>>)
    %dma_wait3A_87 = arith.constant 3 : i32
    %dma_wait3A_88 = arith.constant 1 : i32
    %dma_wait3A_89 = arith.constant 0 : i32
    %dma_wait3A_90 = tpu.memref_slice %arg6[%dma_wait3A_87, %dma_wait3A_88, %dma_wait3A_89] : memref<4x2x96xi32, #tpu.memory_space<vmem>> -> memref<1x1x96xi32, #tpu.memory_space<vmem>>
    %dma_wait3A_91 = tpu.memref_squeeze %dma_wait3A_90 : memref<1x1x96xi32, #tpu.memory_space<vmem>> -> memref<96xi32, #tpu.memory_space<vmem>>
    %dma_wait3A_92 = tpu.memref_slice %arg2[%mul3A_2] : memref<320000xi32, #tpu.memory_space<hbm>> -> memref<96xi32, #tpu.memory_space<hbm>>
    %dma_wait3A_93 = arith.constant 0 : i32
    %dma_wait3A_94 = tpu.memref_slice %arg6[%dma_wait3A_87, %dma_wait3A_88, %dma_wait3A_93] : memref<4x2x96xi32, #tpu.memory_space<vmem>> -> memref<1x1x96xi32, #tpu.memory_space<vmem>>
    %dma_wait3A_95 = tpu.memref_squeeze %dma_wait3A_94 : memref<1x1x96xi32, #tpu.memory_space<vmem>> -> memref<96xi32, #tpu.memory_space<vmem>>
    %dma_wait3A_96 = tpu.memref_slice %arg2[%mul3A_2] : memref<320000xi32, #tpu.memory_space<hbm>> -> memref<96xi32, #tpu.memory_space<hbm>>
    tpu.wait_dma2 semaphore(%arg10 : memref<!tpu.dma_semaphore, #tpu.memory_space<semaphore_mem>>) src(%dma_wait3A_96 : memref<96xi32, #tpu.memory_space<hbm>>) dst(%dma_wait3A_95 : memref<96xi32, #tpu.memory_space<vmem>>)
    %dma_wait3A_97 = arith.constant 0 : i32
    %dma_wait3A_98 = tpu.memref_slice %arg9[%mul3A_4, %dma_wait3A_97] : memref<10000x128xf32, #tpu.memory_space<vmem_shared>> -> memref<624x128xf32, #tpu.memory_space<vmem_shared>>
    %dma_wait3A_99 = arith.constant 0 : i32
    %dma_wait3A_100 = tpu.memref_slice %arg3[%mul3A_4, %dma_wait3A_99] : memref<10000x128xf32, #tpu.memory_space<hbm>> -> memref<624x128xf32, #tpu.memory_space<hbm>>
    tpu.wait_dma2 semaphore(%arg12 : memref<!tpu.dma_semaphore, #tpu.memory_space<semaphore_mem>>) src(%dma_wait3A_100 : memref<624x128xf32, #tpu.memory_space<hbm>>) dst(%dma_wait3A_98 : memref<624x128xf32, #tpu.memory_space<vmem_shared>>)
    %eq3A_101 = arith.constant 0 : i32
    %eq3A_102 = arith.cmpi eq, %arg1, %eq3A_101 : i32
    %convert_element_type3A_103 = arith.extui %eq3A_102 : i1 to i32
    %cond3A_104 = arith.constant 0 : i32
    %cond3A_105 = arith.cmpi ne, %convert_element_type3A_103, %cond3A_104 : i32
    scf.if %cond3A_105 {
      %dma_wait3A_227 = arith.constant 9984 : i32
      %dma_wait3A_228 = arith.constant 0 : i32
      %dma_wait3A_229 = tpu.memref_slice %arg9[%dma_wait3A_227, %dma_wait3A_228] : memref<10000x128xf32, #tpu.memory_space<vmem_shared>> -> memref<16x128xf32, #tpu.memory_space<vmem_shared>>
      %dma_wait3A_230 = arith.constant 9984 : i32
      %dma_wait3A_231 = arith.constant 0 : i32
      %dma_wait3A_232 = tpu.memref_slice %arg3[%dma_wait3A_230, %dma_wait3A_231] : memref<10000x128xf32, #tpu.memory_space<hbm>> -> memref<16x128xf32, #tpu.memory_space<hbm>>
      tpu.wait_dma2 semaphore(%arg12 : memref<!tpu.dma_semaphore, #tpu.memory_space<semaphore_mem>>) src(%dma_wait3A_232 : memref<16x128xf32, #tpu.memory_space<hbm>>) dst(%dma_wait3A_229 : memref<16x128xf32, #tpu.memory_space<vmem_shared>>)
    } else {
    }
    %barrier3A = arith.constant 0 : index
    tpu.barrier barrier_id(%barrier3A)
    %dma_start3A_106 = arith.constant 0 : i32
    %dma_start3A_107 = arith.constant 1 : i32
    %dma_start3A_108 = arith.constant 0 : i32
    %dma_start3A_109 = tpu.memref_slice %arg6[%dma_start3A_106, %dma_start3A_107, %dma_start3A_108] : memref<4x2x96xi32, #tpu.memory_space<vmem>> -> memref<1x1x96xi32, #tpu.memory_space<vmem>>
    %dma_start3A_110 = tpu.memref_squeeze %dma_start3A_109 : memref<1x1x96xi32, #tpu.memory_space<vmem>> -> memref<96xi32, #tpu.memory_space<vmem>>
    %dma_start3A_111 = arith.constant 0 : i32
    %dma_start3A_112 = arith.constant 0 : i32
    %dma_start3A_113 = tpu.memref_slice %arg9[%dma_start3A_111, %dma_start3A_112] : memref<10000x128xf32, #tpu.memory_space<vmem_shared>> -> memref<10000x128xf32, #tpu.memory_space<vmem_shared>>
    tpu.enqueue_indirect_dma source(%arg8 : memref<96x128xf32, #tpu.memory_space<vmem>>) target(%dma_start3A_113 : memref<10000x128xf32, #tpu.memory_space<vmem_shared>>) offsets(%dma_start3A_110 : memref<96xi32, #tpu.memory_space<vmem>>) semaphore(%arg11 : memref<!tpu.dma_semaphore, #tpu.memory_space<semaphore_mem>>) {add = true}
    %dma_start3A_114 = arith.constant 1 : i32
    %dma_start3A_115 = arith.constant 1 : i32
    %dma_start3A_116 = arith.constant 0 : i32
    %dma_start3A_117 = tpu.memref_slice %arg6[%dma_start3A_114, %dma_start3A_115, %dma_start3A_116] : memref<4x2x96xi32, #tpu.memory_space<vmem>> -> memref<1x1x96xi32, #tpu.memory_space<vmem>>
    %dma_start3A_118 = tpu.memref_squeeze %dma_start3A_117 : memref<1x1x96xi32, #tpu.memory_space<vmem>> -> memref<96xi32, #tpu.memory_space<vmem>>
    %dma_start3A_119 = arith.constant 0 : i32
    %dma_start3A_120 = arith.constant 0 : i32
    %dma_start3A_121 = tpu.memref_slice %arg9[%dma_start3A_119, %dma_start3A_120] : memref<10000x128xf32, #tpu.memory_space<vmem_shared>> -> memref<10000x128xf32, #tpu.memory_space<vmem_shared>>
    tpu.enqueue_indirect_dma source(%arg8 : memref<96x128xf32, #tpu.memory_space<vmem>>) target(%dma_start3A_121 : memref<10000x128xf32, #tpu.memory_space<vmem_shared>>) offsets(%dma_start3A_118 : memref<96xi32, #tpu.memory_space<vmem>>) semaphore(%arg11 : memref<!tpu.dma_semaphore, #tpu.memory_space<semaphore_mem>>) {add = true}
    %dma_start3A_122 = arith.constant 2 : i32
    %dma_start3A_123 = arith.constant 1 : i32
    %dma_start3A_124 = arith.constant 0 : i32
    %dma_start3A_125 = tpu.memref_slice %arg6[%dma_start3A_122, %dma_start3A_123, %dma_start3A_124] : memref<4x2x96xi32, #tpu.memory_space<vmem>> -> memref<1x1x96xi32, #tpu.memory_space<vmem>>
    %dma_start3A_126 = tpu.memref_squeeze %dma_start3A_125 : memref<1x1x96xi32, #tpu.memory_space<vmem>> -> memref<96xi32, #tpu.memory_space<vmem>>
    %dma_start3A_127 = arith.constant 0 : i32
    %dma_start3A_128 = arith.constant 0 : i32
    %dma_start3A_129 = tpu.memref_slice %arg9[%dma_start3A_127, %dma_start3A_128] : memref<10000x128xf32, #tpu.memory_space<vmem_shared>> -> memref<10000x128xf32, #tpu.memory_space<vmem_shared>>
    tpu.enqueue_indirect_dma source(%arg8 : memref<96x128xf32, #tpu.memory_space<vmem>>) target(%dma_start3A_129 : memref<10000x128xf32, #tpu.memory_space<vmem_shared>>) offsets(%dma_start3A_126 : memref<96xi32, #tpu.memory_space<vmem>>) semaphore(%arg11 : memref<!tpu.dma_semaphore, #tpu.memory_space<semaphore_mem>>) {add = true}
    %dma_start3A_130 = arith.constant 3 : i32
    %dma_start3A_131 = arith.constant 1 : i32
    %dma_start3A_132 = arith.constant 0 : i32
    %dma_start3A_133 = tpu.memref_slice %arg6[%dma_start3A_130, %dma_start3A_131, %dma_start3A_132] : memref<4x2x96xi32, #tpu.memory_space<vmem>> -> memref<1x1x96xi32, #tpu.memory_space<vmem>>
    %dma_start3A_134 = tpu.memref_squeeze %dma_start3A_133 : memref<1x1x96xi32, #tpu.memory_space<vmem>> -> memref<96xi32, #tpu.memory_space<vmem>>
    %dma_start3A_135 = arith.constant 0 : i32
    %dma_start3A_136 = arith.constant 0 : i32
    %dma_start3A_137 = tpu.memref_slice %arg9[%dma_start3A_135, %dma_start3A_136] : memref<10000x128xf32, #tpu.memory_space<vmem_shared>> -> memref<10000x128xf32, #tpu.memory_space<vmem_shared>>
    tpu.enqueue_indirect_dma source(%arg8 : memref<96x128xf32, #tpu.memory_space<vmem>>) target(%dma_start3A_137 : memref<10000x128xf32, #tpu.memory_space<vmem_shared>>) offsets(%dma_start3A_134 : memref<96xi32, #tpu.memory_space<vmem>>) semaphore(%arg11 : memref<!tpu.dma_semaphore, #tpu.memory_space<semaphore_mem>>) {add = true}
    %scan3A = arith.constant 0 : i32
    %scan3A_138 = arith.constant 0 : i32
    %scan3A_139 = arith.constant 25 : i32
    %scan3A_140 = arith.addi %scan3A_138, %scan3A_139 : i32
    %scan3A_141 = arith.constant 1 : i32
    scf.for %scan3A_227 = %scan3A_138 to %scan3A_140 step %scan3A_141  : i32 {
      %mul3A_228 = arith.constant 2 : i32
      %mul3A_229 = arith.muli %mul3A_228, %scan3A_227 : i32
      %add3A_230 = arith.constant 2 : i32
      %add3A_231 = arith.addi %mul3A_229, %add3A_230 : i32
      %dma_wait3A_232 = arith.constant 0 : i32
      %dma_wait3A_233 = arith.constant 1 : i32
      %dma_wait3A_234 = arith.constant 0 : i32
      %dma_wait3A_235 = tpu.memref_slice %arg6[%dma_wait3A_232, %dma_wait3A_233, %dma_wait3A_234] : memref<4x2x96xi32, #tpu.memory_space<vmem>> -> memref<1x1x96xi32, #tpu.memory_space<vmem>>
      %dma_wait3A_236 = tpu.memref_squeeze %dma_wait3A_235 : memref<1x1x96xi32, #tpu.memory_space<vmem>> -> memref<96xi32, #tpu.memory_space<vmem>>
      %dma_wait3A_237 = arith.constant 0 : i32
      %dma_wait3A_238 = arith.constant 0 : i32
      %dma_wait3A_239 = tpu.memref_slice %arg9[%dma_wait3A_237, %dma_wait3A_238] : memref<10000x128xf32, #tpu.memory_space<vmem_shared>> -> memref<10000x128xf32, #tpu.memory_space<vmem_shared>>
      tpu.wait_indirect_dma semaphore(%arg11 : memref<!tpu.dma_semaphore, #tpu.memory_space<semaphore_mem>>) src(%arg8 : memref<96x128xf32, #tpu.memory_space<vmem>>) dst(%dma_wait3A_239 : memref<10000x128xf32, #tpu.memory_space<vmem_shared>>)
      %dma_wait3A_240 = arith.constant 1 : i32
      %dma_wait3A_241 = arith.constant 1 : i32
      %dma_wait3A_242 = arith.constant 0 : i32
      %dma_wait3A_243 = tpu.memref_slice %arg6[%dma_wait3A_240, %dma_wait3A_241, %dma_wait3A_242] : memref<4x2x96xi32, #tpu.memory_space<vmem>> -> memref<1x1x96xi32, #tpu.memory_space<vmem>>
      %dma_wait3A_244 = tpu.memref_squeeze %dma_wait3A_243 : memref<1x1x96xi32, #tpu.memory_space<vmem>> -> memref<96xi32, #tpu.memory_space<vmem>>
      %dma_wait3A_245 = arith.constant 0 : i32
      %dma_wait3A_246 = arith.constant 0 : i32
      %dma_wait3A_247 = tpu.memref_slice %arg9[%dma_wait3A_245, %dma_wait3A_246] : memref<10000x128xf32, #tpu.memory_space<vmem_shared>> -> memref<10000x128xf32, #tpu.memory_space<vmem_shared>>
      tpu.wait_indirect_dma semaphore(%arg11 : memref<!tpu.dma_semaphore, #tpu.memory_space<semaphore_mem>>) src(%arg8 : memref<96x128xf32, #tpu.memory_space<vmem>>) dst(%dma_wait3A_247 : memref<10000x128xf32, #tpu.memory_space<vmem_shared>>)
      %mul3A_248 = arith.constant 2 : i32
      %mul3A_249 = arith.muli %add3A_231, %mul3A_248 : i32
      %add3A_250 = arith.constant 0 : i32
      %add3A_251 = arith.addi %mul3A_249, %add3A_250 : i32
      %mul3A_252 = arith.constant 96 : i32
      %mul3A_253 = arith.muli %add3A_251, %mul3A_252 : i32
      %add3A_254 = arith.addi %mul3A_2, %mul3A_253 : i32
      %dma_start3A_255 = arith.constant 0 : i32
      %dma_start3A_256 = arith.constant 1 : i32
      %dma_start3A_257 = arith.constant 0 : i32
      %dma_start3A_258 = tpu.memref_slice %arg6[%dma_start3A_255, %dma_start3A_256, %dma_start3A_257] : memref<4x2x96xi32, #tpu.memory_space<vmem>> -> memref<1x1x96xi32, #tpu.memory_space<vmem>>
      %dma_start3A_259 = tpu.memref_squeeze %dma_start3A_258 : memref<1x1x96xi32, #tpu.memory_space<vmem>> -> memref<96xi32, #tpu.memory_space<vmem>>
      %dma_start3A_260 = tpu.memref_slice %arg2[%add3A_254] : memref<320000xi32, #tpu.memory_space<hbm>> -> memref<96xi32, #tpu.memory_space<hbm>>
      %dma_start3A_261 = arith.constant 0 : i32
      %dma_start3A_262 = tpu.memref_slice %arg6[%dma_start3A_255, %dma_start3A_256, %dma_start3A_261] : memref<4x2x96xi32, #tpu.memory_space<vmem>> -> memref<1x1x96xi32, #tpu.memory_space<vmem>>
      %dma_start3A_263 = tpu.memref_squeeze %dma_start3A_262 : memref<1x1x96xi32, #tpu.memory_space<vmem>> -> memref<96xi32, #tpu.memory_space<vmem>>
      %dma_start3A_264 = tpu.memref_slice %arg2[%add3A_254] : memref<320000xi32, #tpu.memory_space<hbm>> -> memref<96xi32, #tpu.memory_space<hbm>>
      tpu.enqueue_dma source(%dma_start3A_264 : memref<96xi32, #tpu.memory_space<hbm>>) target(%dma_start3A_263 : memref<96xi32, #tpu.memory_space<vmem>>) target_semaphore(%arg10 : memref<!tpu.dma_semaphore, #tpu.memory_space<semaphore_mem>>)
      %mul3A_265 = arith.constant 2 : i32
      %mul3A_266 = arith.muli %add3A_231, %mul3A_265 : i32
      %add3A_267 = arith.constant 1 : i32
      %add3A_268 = arith.addi %mul3A_266, %add3A_267 : i32
      %mul3A_269 = arith.constant 96 : i32
      %mul3A_270 = arith.muli %add3A_268, %mul3A_269 : i32
      %add3A_271 = arith.addi %mul3A_2, %mul3A_270 : i32
      %dma_start3A_272 = arith.constant 1 : i32
      %dma_start3A_273 = arith.constant 1 : i32
      %dma_start3A_274 = arith.constant 0 : i32
      %dma_start3A_275 = tpu.memref_slice %arg6[%dma_start3A_272, %dma_start3A_273, %dma_start3A_274] : memref<4x2x96xi32, #tpu.memory_space<vmem>> -> memref<1x1x96xi32, #tpu.memory_space<vmem>>
      %dma_start3A_276 = tpu.memref_squeeze %dma_start3A_275 : memref<1x1x96xi32, #tpu.memory_space<vmem>> -> memref<96xi32, #tpu.memory_space<vmem>>
      %dma_start3A_277 = tpu.memref_slice %arg2[%add3A_271] : memref<320000xi32, #tpu.memory_space<hbm>> -> memref<96xi32, #tpu.memory_space<hbm>>
      %dma_start3A_278 = arith.constant 0 : i32
      %dma_start3A_279 = tpu.memref_slice %arg6[%dma_start3A_272, %dma_start3A_273, %dma_start3A_278] : memref<4x2x96xi32, #tpu.memory_space<vmem>> -> memref<1x1x96xi32, #tpu.memory_space<vmem>>
      %dma_start3A_280 = tpu.memref_squeeze %dma_start3A_279 : memref<1x1x96xi32, #tpu.memory_space<vmem>> -> memref<96xi32, #tpu.memory_space<vmem>>
      %dma_start3A_281 = tpu.memref_slice %arg2[%add3A_271] : memref<320000xi32, #tpu.memory_space<hbm>> -> memref<96xi32, #tpu.memory_space<hbm>>
      tpu.enqueue_dma source(%dma_start3A_281 : memref<96xi32, #tpu.memory_space<hbm>>) target(%dma_start3A_280 : memref<96xi32, #tpu.memory_space<vmem>>) target_semaphore(%arg10 : memref<!tpu.dma_semaphore, #tpu.memory_space<semaphore_mem>>)
      %dma_wait3A_282 = arith.constant 0 : i32
      %dma_wait3A_283 = arith.constant 1 : i32
      %dma_wait3A_284 = arith.constant 0 : i32
      %dma_wait3A_285 = tpu.memref_slice %arg6[%dma_wait3A_282, %dma_wait3A_283, %dma_wait3A_284] : memref<4x2x96xi32, #tpu.memory_space<vmem>> -> memref<1x1x96xi32, #tpu.memory_space<vmem>>
      %dma_wait3A_286 = tpu.memref_squeeze %dma_wait3A_285 : memref<1x1x96xi32, #tpu.memory_space<vmem>> -> memref<96xi32, #tpu.memory_space<vmem>>
      %dma_wait3A_287 = tpu.memref_slice %arg2[%mul3A_2] : memref<320000xi32, #tpu.memory_space<hbm>> -> memref<96xi32, #tpu.memory_space<hbm>>
      %dma_wait3A_288 = arith.constant 0 : i32
      %dma_wait3A_289 = tpu.memref_slice %arg6[%dma_wait3A_282, %dma_wait3A_283, %dma_wait3A_288] : memref<4x2x96xi32, #tpu.memory_space<vmem>> -> memref<1x1x96xi32, #tpu.memory_space<vmem>>
      %dma_wait3A_290 = tpu.memref_squeeze %dma_wait3A_289 : memref<1x1x96xi32, #tpu.memory_space<vmem>> -> memref<96xi32, #tpu.memory_space<vmem>>
      %dma_wait3A_291 = tpu.memref_slice %arg2[%mul3A_2] : memref<320000xi32, #tpu.memory_space<hbm>> -> memref<96xi32, #tpu.memory_space<hbm>>
      tpu.wait_dma2 semaphore(%arg10 : memref<!tpu.dma_semaphore, #tpu.memory_space<semaphore_mem>>) src(%dma_wait3A_291 : memref<96xi32, #tpu.memory_space<hbm>>) dst(%dma_wait3A_290 : memref<96xi32, #tpu.memory_space<vmem>>)
      %dma_wait3A_292 = arith.constant 1 : i32
      %dma_wait3A_293 = arith.constant 1 : i32
      %dma_wait3A_294 = arith.constant 0 : i32
      %dma_wait3A_295 = tpu.memref_slice %arg6[%dma_wait3A_292, %dma_wait3A_293, %dma_wait3A_294] : memref<4x2x96xi32, #tpu.memory_space<vmem>> -> memref<1x1x96xi32, #tpu.memory_space<vmem>>
      %dma_wait3A_296 = tpu.memref_squeeze %dma_wait3A_295 : memref<1x1x96xi32, #tpu.memory_space<vmem>> -> memref<96xi32, #tpu.memory_space<vmem>>
      %dma_wait3A_297 = tpu.memref_slice %arg2[%mul3A_2] : memref<320000xi32, #tpu.memory_space<hbm>> -> memref<96xi32, #tpu.memory_space<hbm>>
      %dma_wait3A_298 = arith.constant 0 : i32
      %dma_wait3A_299 = tpu.memref_slice %arg6[%dma_wait3A_292, %dma_wait3A_293, %dma_wait3A_298] : memref<4x2x96xi32, #tpu.memory_space<vmem>> -> memref<1x1x96xi32, #tpu.memory_space<vmem>>
      %dma_wait3A_300 = tpu.memref_squeeze %dma_wait3A_299 : memref<1x1x96xi32, #tpu.memory_space<vmem>> -> memref<96xi32, #tpu.memory_space<vmem>>
      %dma_wait3A_301 = tpu.memref_slice %arg2[%mul3A_2] : memref<320000xi32, #tpu.memory_space<hbm>> -> memref<96xi32, #tpu.memory_space<hbm>>
      tpu.wait_dma2 semaphore(%arg10 : memref<!tpu.dma_semaphore, #tpu.memory_space<semaphore_mem>>) src(%dma_wait3A_301 : memref<96xi32, #tpu.memory_space<hbm>>) dst(%dma_wait3A_300 : memref<96xi32, #tpu.memory_space<vmem>>)
      %dma_start3A_302 = arith.constant 0 : i32
      %dma_start3A_303 = arith.constant 1 : i32
      %dma_start3A_304 = arith.constant 0 : i32
      %dma_start3A_305 = tpu.memref_slice %arg6[%dma_start3A_302, %dma_start3A_303, %dma_start3A_304] : memref<4x2x96xi32, #tpu.memory_space<vmem>> -> memref<1x1x96xi32, #tpu.memory_space<vmem>>
      %dma_start3A_306 = tpu.memref_squeeze %dma_start3A_305 : memref<1x1x96xi32, #tpu.memory_space<vmem>> -> memref<96xi32, #tpu.memory_space<vmem>>
      %dma_start3A_307 = arith.constant 0 : i32
      %dma_start3A_308 = arith.constant 0 : i32
      %dma_start3A_309 = tpu.memref_slice %arg9[%dma_start3A_307, %dma_start3A_308] : memref<10000x128xf32, #tpu.memory_space<vmem_shared>> -> memref<10000x128xf32, #tpu.memory_space<vmem_shared>>
      tpu.enqueue_indirect_dma source(%arg8 : memref<96x128xf32, #tpu.memory_space<vmem>>) target(%dma_start3A_309 : memref<10000x128xf32, #tpu.memory_space<vmem_shared>>) offsets(%dma_start3A_306 : memref<96xi32, #tpu.memory_space<vmem>>) semaphore(%arg11 : memref<!tpu.dma_semaphore, #tpu.memory_space<semaphore_mem>>) {add = true}
      %dma_start3A_310 = arith.constant 1 : i32
      %dma_start3A_311 = arith.constant 1 : i32
      %dma_start3A_312 = arith.constant 0 : i32
      %dma_start3A_313 = tpu.memref_slice %arg6[%dma_start3A_310, %dma_start3A_311, %dma_start3A_312] : memref<4x2x96xi32, #tpu.memory_space<vmem>> -> memref<1x1x96xi32, #tpu.memory_space<vmem>>
      %dma_start3A_314 = tpu.memref_squeeze %dma_start3A_313 : memref<1x1x96xi32, #tpu.memory_space<vmem>> -> memref<96xi32, #tpu.memory_space<vmem>>
      %dma_start3A_315 = arith.constant 0 : i32
      %dma_start3A_316 = arith.constant 0 : i32
      %dma_start3A_317 = tpu.memref_slice %arg9[%dma_start3A_315, %dma_start3A_316] : memref<10000x128xf32, #tpu.memory_space<vmem_shared>> -> memref<10000x128xf32, #tpu.memory_space<vmem_shared>>
      tpu.enqueue_indirect_dma source(%arg8 : memref<96x128xf32, #tpu.memory_space<vmem>>) target(%dma_start3A_317 : memref<10000x128xf32, #tpu.memory_space<vmem_shared>>) offsets(%dma_start3A_314 : memref<96xi32, #tpu.memory_space<vmem>>) semaphore(%arg11 : memref<!tpu.dma_semaphore, #tpu.memory_space<semaphore_mem>>) {add = true}
      %dma_wait3A_318 = arith.constant 2 : i32
      %dma_wait3A_319 = arith.constant 1 : i32
      %dma_wait3A_320 = arith.constant 0 : i32
      %dma_wait3A_321 = tpu.memref_slice %arg6[%dma_wait3A_318, %dma_wait3A_319, %dma_wait3A_320] : memref<4x2x96xi32, #tpu.memory_space<vmem>> -> memref<1x1x96xi32, #tpu.memory_space<vmem>>
      %dma_wait3A_322 = tpu.memref_squeeze %dma_wait3A_321 : memref<1x1x96xi32, #tpu.memory_space<vmem>> -> memref<96xi32, #tpu.memory_space<vmem>>
      %dma_wait3A_323 = arith.constant 0 : i32
      %dma_wait3A_324 = arith.constant 0 : i32
      %dma_wait3A_325 = tpu.memref_slice %arg9[%dma_wait3A_323, %dma_wait3A_324] : memref<10000x128xf32, #tpu.memory_space<vmem_shared>> -> memref<10000x128xf32, #tpu.memory_space<vmem_shared>>
      tpu.wait_indirect_dma semaphore(%arg11 : memref<!tpu.dma_semaphore, #tpu.memory_space<semaphore_mem>>) src(%arg8 : memref<96x128xf32, #tpu.memory_space<vmem>>) dst(%dma_wait3A_325 : memref<10000x128xf32, #tpu.memory_space<vmem_shared>>)
      %dma_wait3A_326 = arith.constant 3 : i32
      %dma_wait3A_327 = arith.constant 1 : i32
      %dma_wait3A_328 = arith.constant 0 : i32
      %dma_wait3A_329 = tpu.memref_slice %arg6[%dma_wait3A_326, %dma_wait3A_327, %dma_wait3A_328] : memref<4x2x96xi32, #tpu.memory_space<vmem>> -> memref<1x1x96xi32, #tpu.memory_space<vmem>>
      %dma_wait3A_330 = tpu.memref_squeeze %dma_wait3A_329 : memref<1x1x96xi32, #tpu.memory_space<vmem>> -> memref<96xi32, #tpu.memory_space<vmem>>
      %dma_wait3A_331 = arith.constant 0 : i32
      %dma_wait3A_332 = arith.constant 0 : i32
      %dma_wait3A_333 = tpu.memref_slice %arg9[%dma_wait3A_331, %dma_wait3A_332] : memref<10000x128xf32, #tpu.memory_space<vmem_shared>> -> memref<10000x128xf32, #tpu.memory_space<vmem_shared>>
      tpu.wait_indirect_dma semaphore(%arg11 : memref<!tpu.dma_semaphore, #tpu.memory_space<semaphore_mem>>) src(%arg8 : memref<96x128xf32, #tpu.memory_space<vmem>>) dst(%dma_wait3A_333 : memref<10000x128xf32, #tpu.memory_space<vmem_shared>>)
      %add3A_334 = arith.constant 1 : i32
      %add3A_335 = arith.addi %add3A_231, %add3A_334 : i32
      %mul3A_336 = arith.constant 2 : i32
      %mul3A_337 = arith.muli %add3A_335, %mul3A_336 : i32
      %add3A_338 = arith.constant 0 : i32
      %add3A_339 = arith.addi %mul3A_337, %add3A_338 : i32
      %mul3A_340 = arith.constant 96 : i32
      %mul3A_341 = arith.muli %add3A_339, %mul3A_340 : i32
      %add3A_342 = arith.addi %mul3A_2, %mul3A_341 : i32
      %dma_start3A_343 = arith.constant 2 : i32
      %dma_start3A_344 = arith.constant 1 : i32
      %dma_start3A_345 = arith.constant 0 : i32
      %dma_start3A_346 = tpu.memref_slice %arg6[%dma_start3A_343, %dma_start3A_344, %dma_start3A_345] : memref<4x2x96xi32, #tpu.memory_space<vmem>> -> memref<1x1x96xi32, #tpu.memory_space<vmem>>
      %dma_start3A_347 = tpu.memref_squeeze %dma_start3A_346 : memref<1x1x96xi32, #tpu.memory_space<vmem>> -> memref<96xi32, #tpu.memory_space<vmem>>
      %dma_start3A_348 = tpu.memref_slice %arg2[%add3A_342] : memref<320000xi32, #tpu.memory_space<hbm>> -> memref<96xi32, #tpu.memory_space<hbm>>
      %dma_start3A_349 = arith.constant 0 : i32
      %dma_start3A_350 = tpu.memref_slice %arg6[%dma_start3A_343, %dma_start3A_344, %dma_start3A_349] : memref<4x2x96xi32, #tpu.memory_space<vmem>> -> memref<1x1x96xi32, #tpu.memory_space<vmem>>
      %dma_start3A_351 = tpu.memref_squeeze %dma_start3A_350 : memref<1x1x96xi32, #tpu.memory_space<vmem>> -> memref<96xi32, #tpu.memory_space<vmem>>
      %dma_start3A_352 = tpu.memref_slice %arg2[%add3A_342] : memref<320000xi32, #tpu.memory_space<hbm>> -> memref<96xi32, #tpu.memory_space<hbm>>
      tpu.enqueue_dma source(%dma_start3A_352 : memref<96xi32, #tpu.memory_space<hbm>>) target(%dma_start3A_351 : memref<96xi32, #tpu.memory_space<vmem>>) target_semaphore(%arg10 : memref<!tpu.dma_semaphore, #tpu.memory_space<semaphore_mem>>)
      %mul3A_353 = arith.constant 2 : i32
      %mul3A_354 = arith.muli %add3A_335, %mul3A_353 : i32
      %add3A_355 = arith.constant 1 : i32
      %add3A_356 = arith.addi %mul3A_354, %add3A_355 : i32
      %mul3A_357 = arith.constant 96 : i32
      %mul3A_358 = arith.muli %add3A_356, %mul3A_357 : i32
      %add3A_359 = arith.addi %mul3A_2, %mul3A_358 : i32
      %dma_start3A_360 = arith.constant 3 : i32
      %dma_start3A_361 = arith.constant 1 : i32
      %dma_start3A_362 = arith.constant 0 : i32
      %dma_start3A_363 = tpu.memref_slice %arg6[%dma_start3A_360, %dma_start3A_361, %dma_start3A_362] : memref<4x2x96xi32, #tpu.memory_space<vmem>> -> memref<1x1x96xi32, #tpu.memory_space<vmem>>
      %dma_start3A_364 = tpu.memref_squeeze %dma_start3A_363 : memref<1x1x96xi32, #tpu.memory_space<vmem>> -> memref<96xi32, #tpu.memory_space<vmem>>
      %dma_start3A_365 = tpu.memref_slice %arg2[%add3A_359] : memref<320000xi32, #tpu.memory_space<hbm>> -> memref<96xi32, #tpu.memory_space<hbm>>
      %dma_start3A_366 = arith.constant 0 : i32
      %dma_start3A_367 = tpu.memref_slice %arg6[%dma_start3A_360, %dma_start3A_361, %dma_start3A_366] : memref<4x2x96xi32, #tpu.memory_space<vmem>> -> memref<1x1x96xi32, #tpu.memory_space<vmem>>
      %dma_start3A_368 = tpu.memref_squeeze %dma_start3A_367 : memref<1x1x96xi32, #tpu.memory_space<vmem>> -> memref<96xi32, #tpu.memory_space<vmem>>
      %dma_start3A_369 = tpu.memref_slice %arg2[%add3A_359] : memref<320000xi32, #tpu.memory_space<hbm>> -> memref<96xi32, #tpu.memory_space<hbm>>
      tpu.enqueue_dma source(%dma_start3A_369 : memref<96xi32, #tpu.memory_space<hbm>>) target(%dma_start3A_368 : memref<96xi32, #tpu.memory_space<vmem>>) target_semaphore(%arg10 : memref<!tpu.dma_semaphore, #tpu.memory_space<semaphore_mem>>)
      %dma_wait3A_370 = arith.constant 2 : i32
      %dma_wait3A_371 = arith.constant 1 : i32
      %dma_wait3A_372 = arith.constant 0 : i32
      %dma_wait3A_373 = tpu.memref_slice %arg6[%dma_wait3A_370, %dma_wait3A_371, %dma_wait3A_372] : memref<4x2x96xi32, #tpu.memory_space<vmem>> -> memref<1x1x96xi32, #tpu.memory_space<vmem>>
      %dma_wait3A_374 = tpu.memref_squeeze %dma_wait3A_373 : memref<1x1x96xi32, #tpu.memory_space<vmem>> -> memref<96xi32, #tpu.memory_space<vmem>>
      %dma_wait3A_375 = tpu.memref_slice %arg2[%mul3A_2] : memref<320000xi32, #tpu.memory_space<hbm>> -> memref<96xi32, #tpu.memory_space<hbm>>
      %dma_wait3A_376 = arith.constant 0 : i32
      %dma_wait3A_377 = tpu.memref_slice %arg6[%dma_wait3A_370, %dma_wait3A_371, %dma_wait3A_376] : memref<4x2x96xi32, #tpu.memory_space<vmem>> -> memref<1x1x96xi32, #tpu.memory_space<vmem>>
      %dma_wait3A_378 = tpu.memref_squeeze %dma_wait3A_377 : memref<1x1x96xi32, #tpu.memory_space<vmem>> -> memref<96xi32, #tpu.memory_space<vmem>>
      %dma_wait3A_379 = tpu.memref_slice %arg2[%mul3A_2] : memref<320000xi32, #tpu.memory_space<hbm>> -> memref<96xi32, #tpu.memory_space<hbm>>
      tpu.wait_dma2 semaphore(%arg10 : memref<!tpu.dma_semaphore, #tpu.memory_space<semaphore_mem>>) src(%dma_wait3A_379 : memref<96xi32, #tpu.memory_space<hbm>>) dst(%dma_wait3A_378 : memref<96xi32, #tpu.memory_space<vmem>>)
      %dma_wait3A_380 = arith.constant 3 : i32
      %dma_wait3A_381 = arith.constant 1 : i32
      %dma_wait3A_382 = arith.constant 0 : i32
      %dma_wait3A_383 = tpu.memref_slice %arg6[%dma_wait3A_380, %dma_wait3A_381, %dma_wait3A_382] : memref<4x2x96xi32, #tpu.memory_space<vmem>> -> memref<1x1x96xi32, #tpu.memory_space<vmem>>
      %dma_wait3A_384 = tpu.memref_squeeze %dma_wait3A_383 : memref<1x1x96xi32, #tpu.memory_space<vmem>> -> memref<96xi32, #tpu.memory_space<vmem>>
      %dma_wait3A_385 = tpu.memref_slice %arg2[%mul3A_2] : memref<320000xi32, #tpu.memory_space<hbm>> -> memref<96xi32, #tpu.memory_space<hbm>>
      %dma_wait3A_386 = arith.constant 0 : i32
      %dma_wait3A_387 = tpu.memref_slice %arg6[%dma_wait3A_380, %dma_wait3A_381, %dma_wait3A_386] : memref<4x2x96xi32, #tpu.memory_space<vmem>> -> memref<1x1x96xi32, #tpu.memory_space<vmem>>
      %dma_wait3A_388 = tpu.memref_squeeze %dma_wait3A_387 : memref<1x1x96xi32, #tpu.memory_space<vmem>> -> memref<96xi32, #tpu.memory_space<vmem>>
      %dma_wait3A_389 = tpu.memref_slice %arg2[%mul3A_2] : memref<320000xi32, #tpu.memory_space<hbm>> -> memref<96xi32, #tpu.memory_space<hbm>>
      tpu.wait_dma2 semaphore(%arg10 : memref<!tpu.dma_semaphore, #tpu.memory_space<semaphore_mem>>) src(%dma_wait3A_389 : memref<96xi32, #tpu.memory_space<hbm>>) dst(%dma_wait3A_388 : memref<96xi32, #tpu.memory_space<vmem>>)
      %dma_start3A_390 = arith.constant 2 : i32
      %dma_start3A_391 = arith.constant 1 : i32
      %dma_start3A_392 = arith.constant 0 : i32
      %dma_start3A_393 = tpu.memref_slice %arg6[%dma_start3A_390, %dma_start3A_391, %dma_start3A_392] : memref<4x2x96xi32, #tpu.memory_space<vmem>> -> memref<1x1x96xi32, #tpu.memory_space<vmem>>
      %dma_start3A_394 = tpu.memref_squeeze %dma_start3A_393 : memref<1x1x96xi32, #tpu.memory_space<vmem>> -> memref<96xi32, #tpu.memory_space<vmem>>
      %dma_start3A_395 = arith.constant 0 : i32
      %dma_start3A_396 = arith.constant 0 : i32
      %dma_start3A_397 = tpu.memref_slice %arg9[%dma_start3A_395, %dma_start3A_396] : memref<10000x128xf32, #tpu.memory_space<vmem_shared>> -> memref<10000x128xf32, #tpu.memory_space<vmem_shared>>
      tpu.enqueue_indirect_dma source(%arg8 : memref<96x128xf32, #tpu.memory_space<vmem>>) target(%dma_start3A_397 : memref<10000x128xf32, #tpu.memory_space<vmem_shared>>) offsets(%dma_start3A_394 : memref<96xi32, #tpu.memory_space<vmem>>) semaphore(%arg11 : memref<!tpu.dma_semaphore, #tpu.memory_space<semaphore_mem>>) {add = true}
      %dma_start3A_398 = arith.constant 3 : i32
      %dma_start3A_399 = arith.constant 1 : i32
      %dma_start3A_400 = arith.constant 0 : i32
      %dma_start3A_401 = tpu.memref_slice %arg6[%dma_start3A_398, %dma_start3A_399, %dma_start3A_400] : memref<4x2x96xi32, #tpu.memory_space<vmem>> -> memref<1x1x96xi32, #tpu.memory_space<vmem>>
      %dma_start3A_402 = tpu.memref_squeeze %dma_start3A_401 : memref<1x1x96xi32, #tpu.memory_space<vmem>> -> memref<96xi32, #tpu.memory_space<vmem>>
      %dma_start3A_403 = arith.constant 0 : i32
      %dma_start3A_404 = arith.constant 0 : i32
      %dma_start3A_405 = tpu.memref_slice %arg9[%dma_start3A_403, %dma_start3A_404] : memref<10000x128xf32, #tpu.memory_space<vmem_shared>> -> memref<10000x128xf32, #tpu.memory_space<vmem_shared>>
      tpu.enqueue_indirect_dma source(%arg8 : memref<96x128xf32, #tpu.memory_space<vmem>>) target(%dma_start3A_405 : memref<10000x128xf32, #tpu.memory_space<vmem_shared>>) offsets(%dma_start3A_402 : memref<96xi32, #tpu.memory_space<vmem>>) semaphore(%arg11 : memref<!tpu.dma_semaphore, #tpu.memory_space<semaphore_mem>>) {add = true}
    }
    %scan3A_142 = arith.constant 25 : i32
    %dma_wait3A_143 = arith.constant 0 : i32
    %dma_wait3A_144 = arith.constant 1 : i32
    %dma_wait3A_145 = arith.constant 0 : i32
    %dma_wait3A_146 = tpu.memref_slice %arg6[%dma_wait3A_143, %dma_wait3A_144, %dma_wait3A_145] : memref<4x2x96xi32, #tpu.memory_space<vmem>> -> memref<1x1x96xi32, #tpu.memory_space<vmem>>
    %dma_wait3A_147 = tpu.memref_squeeze %dma_wait3A_146 : memref<1x1x96xi32, #tpu.memory_space<vmem>> -> memref<96xi32, #tpu.memory_space<vmem>>
    %dma_wait3A_148 = arith.constant 0 : i32
    %dma_wait3A_149 = arith.constant 0 : i32
    %dma_wait3A_150 = tpu.memref_slice %arg9[%dma_wait3A_148, %dma_wait3A_149] : memref<10000x128xf32, #tpu.memory_space<vmem_shared>> -> memref<10000x128xf32, #tpu.memory_space<vmem_shared>>
    tpu.wait_indirect_dma semaphore(%arg11 : memref<!tpu.dma_semaphore, #tpu.memory_space<semaphore_mem>>) src(%arg8 : memref<96x128xf32, #tpu.memory_space<vmem>>) dst(%dma_wait3A_150 : memref<10000x128xf32, #tpu.memory_space<vmem_shared>>)
    %dma_wait3A_151 = arith.constant 1 : i32
    %dma_wait3A_152 = arith.constant 1 : i32
    %dma_wait3A_153 = arith.constant 0 : i32
    %dma_wait3A_154 = tpu.memref_slice %arg6[%dma_wait3A_151, %dma_wait3A_152, %dma_wait3A_153] : memref<4x2x96xi32, #tpu.memory_space<vmem>> -> memref<1x1x96xi32, #tpu.memory_space<vmem>>
    %dma_wait3A_155 = tpu.memref_squeeze %dma_wait3A_154 : memref<1x1x96xi32, #tpu.memory_space<vmem>> -> memref<96xi32, #tpu.memory_space<vmem>>
    %dma_wait3A_156 = arith.constant 0 : i32
    %dma_wait3A_157 = arith.constant 0 : i32
    %dma_wait3A_158 = tpu.memref_slice %arg9[%dma_wait3A_156, %dma_wait3A_157] : memref<10000x128xf32, #tpu.memory_space<vmem_shared>> -> memref<10000x128xf32, #tpu.memory_space<vmem_shared>>
    tpu.wait_indirect_dma semaphore(%arg11 : memref<!tpu.dma_semaphore, #tpu.memory_space<semaphore_mem>>) src(%arg8 : memref<96x128xf32, #tpu.memory_space<vmem>>) dst(%dma_wait3A_158 : memref<10000x128xf32, #tpu.memory_space<vmem_shared>>)
    %dma_wait3A_159 = arith.constant 2 : i32
    %dma_wait3A_160 = arith.constant 1 : i32
    %dma_wait3A_161 = arith.constant 0 : i32
    %dma_wait3A_162 = tpu.memref_slice %arg6[%dma_wait3A_159, %dma_wait3A_160, %dma_wait3A_161] : memref<4x2x96xi32, #tpu.memory_space<vmem>> -> memref<1x1x96xi32, #tpu.memory_space<vmem>>
    %dma_wait3A_163 = tpu.memref_squeeze %dma_wait3A_162 : memref<1x1x96xi32, #tpu.memory_space<vmem>> -> memref<96xi32, #tpu.memory_space<vmem>>
    %dma_wait3A_164 = arith.constant 0 : i32
    %dma_wait3A_165 = arith.constant 0 : i32
    %dma_wait3A_166 = tpu.memref_slice %arg9[%dma_wait3A_164, %dma_wait3A_165] : memref<10000x128xf32, #tpu.memory_space<vmem_shared>> -> memref<10000x128xf32, #tpu.memory_space<vmem_shared>>
    tpu.wait_indirect_dma semaphore(%arg11 : memref<!tpu.dma_semaphore, #tpu.memory_space<semaphore_mem>>) src(%arg8 : memref<96x128xf32, #tpu.memory_space<vmem>>) dst(%dma_wait3A_166 : memref<10000x128xf32, #tpu.memory_space<vmem_shared>>)
    %dma_wait3A_167 = arith.constant 3 : i32
    %dma_wait3A_168 = arith.constant 1 : i32
    %dma_wait3A_169 = arith.constant 0 : i32
    %dma_wait3A_170 = tpu.memref_slice %arg6[%dma_wait3A_167, %dma_wait3A_168, %dma_wait3A_169] : memref<4x2x96xi32, #tpu.memory_space<vmem>> -> memref<1x1x96xi32, #tpu.memory_space<vmem>>
    %dma_wait3A_171 = tpu.memref_squeeze %dma_wait3A_170 : memref<1x1x96xi32, #tpu.memory_space<vmem>> -> memref<96xi32, #tpu.memory_space<vmem>>
    %dma_wait3A_172 = arith.constant 0 : i32
    %dma_wait3A_173 = arith.constant 0 : i32
    %dma_wait3A_174 = tpu.memref_slice %arg9[%dma_wait3A_172, %dma_wait3A_173] : memref<10000x128xf32, #tpu.memory_space<vmem_shared>> -> memref<10000x128xf32, #tpu.memory_space<vmem_shared>>
    tpu.wait_indirect_dma semaphore(%arg11 : memref<!tpu.dma_semaphore, #tpu.memory_space<semaphore_mem>>) src(%arg8 : memref<96x128xf32, #tpu.memory_space<vmem>>) dst(%dma_wait3A_174 : memref<10000x128xf32, #tpu.memory_space<vmem_shared>>)
    %add3A_175 = arith.constant 9984 : i32
    %add3A_176 = arith.addi %mul3A_2, %add3A_175 : i32
    %add3A_177 = arith.constant 0 : i32
    %add3A_178 = arith.addi %add3A_176, %add3A_177 : i32
    %dma_start3A_179 = arith.constant 0 : i32
    %dma_start3A_180 = arith.constant 1 : i32
    %dma_start3A_181 = arith.constant 0 : i32
    %dma_start3A_182 = tpu.memref_slice %arg7[%dma_start3A_179, %dma_start3A_180, %dma_start3A_181] : memref<2x2x16xi32, #tpu.memory_space<vmem>> -> memref<1x1x16xi32, #tpu.memory_space<vmem>>
    %dma_start3A_183 = tpu.memref_squeeze %dma_start3A_182 : memref<1x1x16xi32, #tpu.memory_space<vmem>> -> memref<16xi32, #tpu.memory_space<vmem>>
    %dma_start3A_184 = tpu.memref_slice %arg2[%add3A_178] : memref<320000xi32, #tpu.memory_space<hbm>> -> memref<16xi32, #tpu.memory_space<hbm>>
    %dma_start3A_185 = arith.constant 0 : i32
    %dma_start3A_186 = tpu.memref_slice %arg7[%dma_start3A_179, %dma_start3A_180, %dma_start3A_185] : memref<2x2x16xi32, #tpu.memory_space<vmem>> -> memref<1x1x16xi32, #tpu.memory_space<vmem>>
    %dma_start3A_187 = tpu.memref_squeeze %dma_start3A_186 : memref<1x1x16xi32, #tpu.memory_space<vmem>> -> memref<16xi32, #tpu.memory_space<vmem>>
    %dma_start3A_188 = tpu.memref_slice %arg2[%add3A_178] : memref<320000xi32, #tpu.memory_space<hbm>> -> memref<16xi32, #tpu.memory_space<hbm>>
    tpu.enqueue_dma source(%dma_start3A_188 : memref<16xi32, #tpu.memory_space<hbm>>) target(%dma_start3A_187 : memref<16xi32, #tpu.memory_space<vmem>>) target_semaphore(%arg10 : memref<!tpu.dma_semaphore, #tpu.memory_space<semaphore_mem>>)
    %dma_wait3A_189 = arith.constant 0 : i32
    %dma_wait3A_190 = arith.constant 1 : i32
    %dma_wait3A_191 = arith.constant 0 : i32
    %dma_wait3A_192 = tpu.memref_slice %arg7[%dma_wait3A_189, %dma_wait3A_190, %dma_wait3A_191] : memref<2x2x16xi32, #tpu.memory_space<vmem>> -> memref<1x1x16xi32, #tpu.memory_space<vmem>>
    %dma_wait3A_193 = tpu.memref_squeeze %dma_wait3A_192 : memref<1x1x16xi32, #tpu.memory_space<vmem>> -> memref<16xi32, #tpu.memory_space<vmem>>
    %dma_wait3A_194 = tpu.memref_slice %arg2[%mul3A_2] : memref<320000xi32, #tpu.memory_space<hbm>> -> memref<16xi32, #tpu.memory_space<hbm>>
    %dma_wait3A_195 = arith.constant 0 : i32
    %dma_wait3A_196 = tpu.memref_slice %arg7[%dma_wait3A_189, %dma_wait3A_190, %dma_wait3A_195] : memref<2x2x16xi32, #tpu.memory_space<vmem>> -> memref<1x1x16xi32, #tpu.memory_space<vmem>>
    %dma_wait3A_197 = tpu.memref_squeeze %dma_wait3A_196 : memref<1x1x16xi32, #tpu.memory_space<vmem>> -> memref<16xi32, #tpu.memory_space<vmem>>
    %dma_wait3A_198 = tpu.memref_slice %arg2[%mul3A_2] : memref<320000xi32, #tpu.memory_space<hbm>> -> memref<16xi32, #tpu.memory_space<hbm>>
    tpu.wait_dma2 semaphore(%arg10 : memref<!tpu.dma_semaphore, #tpu.memory_space<semaphore_mem>>) src(%dma_wait3A_198 : memref<16xi32, #tpu.memory_space<hbm>>) dst(%dma_wait3A_197 : memref<16xi32, #tpu.memory_space<vmem>>)
    %dma_start3A_199 = arith.constant 0 : i32
    %dma_start3A_200 = arith.constant 1 : i32
    %dma_start3A_201 = arith.constant 0 : i32
    %dma_start3A_202 = arith.constant 0 : i32
    %dma_start3A_203 = tpu.memref_slice %arg8[%dma_start3A_201, %dma_start3A_202] : memref<96x128xf32, #tpu.memory_space<vmem>> -> memref<16x128xf32, #tpu.memory_space<vmem>>
    %dma_start3A_204 = arith.constant 0 : i32
    %dma_start3A_205 = tpu.memref_slice %arg7[%dma_start3A_199, %dma_start3A_200, %dma_start3A_204] : memref<2x2x16xi32, #tpu.memory_space<vmem>> -> memref<1x1x16xi32, #tpu.memory_space<vmem>>
    %dma_start3A_206 = tpu.memref_squeeze %dma_start3A_205 : memref<1x1x16xi32, #tpu.memory_space<vmem>> -> memref<16xi32, #tpu.memory_space<vmem>>
    %dma_start3A_207 = arith.constant 0 : i32
    %dma_start3A_208 = arith.constant 0 : i32
    %dma_start3A_209 = tpu.memref_slice %arg9[%dma_start3A_207, %dma_start3A_208] : memref<10000x128xf32, #tpu.memory_space<vmem_shared>> -> memref<10000x128xf32, #tpu.memory_space<vmem_shared>>
    tpu.enqueue_indirect_dma source(%dma_start3A_203 : memref<16x128xf32, #tpu.memory_space<vmem>>) target(%dma_start3A_209 : memref<10000x128xf32, #tpu.memory_space<vmem_shared>>) offsets(%dma_start3A_206 : memref<16xi32, #tpu.memory_space<vmem>>) semaphore(%arg11 : memref<!tpu.dma_semaphore, #tpu.memory_space<semaphore_mem>>) {add = true}
    %dma_wait3A_210 = arith.constant 0 : i32
    %dma_wait3A_211 = arith.constant 1 : i32
    %dma_wait3A_212 = arith.constant 0 : i32
    %dma_wait3A_213 = arith.constant 0 : i32
    %dma_wait3A_214 = tpu.memref_slice %arg8[%dma_wait3A_212, %dma_wait3A_213] : memref<96x128xf32, #tpu.memory_space<vmem>> -> memref<16x128xf32, #tpu.memory_space<vmem>>
    %dma_wait3A_215 = arith.constant 0 : i32
    %dma_wait3A_216 = tpu.memref_slice %arg7[%dma_wait3A_210, %dma_wait3A_211, %dma_wait3A_215] : memref<2x2x16xi32, #tpu.memory_space<vmem>> -> memref<1x1x16xi32, #tpu.memory_space<vmem>>
    %dma_wait3A_217 = tpu.memref_squeeze %dma_wait3A_216 : memref<1x1x16xi32, #tpu.memory_space<vmem>> -> memref<16xi32, #tpu.memory_space<vmem>>
    %dma_wait3A_218 = arith.constant 0 : i32
    %dma_wait3A_219 = arith.constant 0 : i32
    %dma_wait3A_220 = tpu.memref_slice %arg9[%dma_wait3A_218, %dma_wait3A_219] : memref<10000x128xf32, #tpu.memory_space<vmem_shared>> -> memref<10000x128xf32, #tpu.memory_space<vmem_shared>>
    tpu.wait_indirect_dma semaphore(%arg11 : memref<!tpu.dma_semaphore, #tpu.memory_space<semaphore_mem>>) src(%dma_wait3A_214 : memref<16x128xf32, #tpu.memory_space<vmem>>) dst(%dma_wait3A_220 : memref<10000x128xf32, #tpu.memory_space<vmem_shared>>)
    %barrier3A_221 = arith.constant 0 : index
    tpu.barrier barrier_id(%barrier3A_221)
    "tpu.region"() ({
      %run_scoped3A = tpu.sem_alloc : memref<!tpu.dma_semaphore, #tpu.memory_space<semaphore_mem>>
      %dma_start3A_227 = arith.constant 0 : i32
      %dma_start3A_228 = tpu.memref_slice %arg5[%arg0, %mul3A_4, %dma_start3A_227] : memref<2x10000x128xf32, #tpu.memory_space<hbm>> -> memref<1x624x128xf32, #tpu.memory_space<hbm>>
      %dma_start3A_229 = tpu.memref_squeeze %dma_start3A_228 : memref<1x624x128xf32, #tpu.memory_space<hbm>> -> memref<624x128xf32, #tpu.memory_space<hbm>>
      %dma_start3A_230 = arith.constant 0 : i32
      %dma_start3A_231 = tpu.memref_slice %arg9[%mul3A_4, %dma_start3A_230] : memref<10000x128xf32, #tpu.memory_space<vmem_shared>> -> memref<624x128xf32, #tpu.memory_space<vmem_shared>>
      tpu.enqueue_dma source(%dma_start3A_231 : memref<624x128xf32, #tpu.memory_space<vmem_shared>>) target(%dma_start3A_229 : memref<624x128xf32, #tpu.memory_space<hbm>>) target_semaphore(%run_scoped3A : memref<!tpu.dma_semaphore, #tpu.memory_space<semaphore_mem>>)
      %dma_wait3A_232 = arith.constant 0 : i32
      %dma_wait3A_233 = tpu.memref_slice %arg5[%arg0, %mul3A_4, %dma_wait3A_232] : memref<2x10000x128xf32, #tpu.memory_space<hbm>> -> memref<1x624x128xf32, #tpu.memory_space<hbm>>
      %dma_wait3A_234 = tpu.memref_squeeze %dma_wait3A_233 : memref<1x624x128xf32, #tpu.memory_space<hbm>> -> memref<624x128xf32, #tpu.memory_space<hbm>>
      %dma_wait3A_235 = arith.constant 0 : i32
      %dma_wait3A_236 = tpu.memref_slice %arg9[%mul3A_4, %dma_wait3A_235] : memref<10000x128xf32, #tpu.memory_space<vmem_shared>> -> memref<624x128xf32, #tpu.memory_space<vmem_shared>>
      tpu.wait_dma2 semaphore(%run_scoped3A : memref<!tpu.dma_semaphore, #tpu.memory_space<semaphore_mem>>) src(%dma_wait3A_236 : memref<624x128xf32, #tpu.memory_space<vmem_shared>>) dst(%dma_wait3A_234 : memref<624x128xf32, #tpu.memory_space<hbm>>)
      tpu.yield
    }) : () -> ()
    %eq3A_222 = arith.constant 0 : i32
    %eq3A_223 = arith.cmpi eq, %arg1, %eq3A_222 : i32
    %convert_element_type3A_224 = arith.extui %eq3A_223 : i1 to i32
    %cond3A_225 = arith.constant 0 : i32
    %cond3A_226 = arith.cmpi ne, %convert_element_type3A_224, %cond3A_225 : i32
    scf.if %cond3A_226 {
      "tpu.region"() ({
        %run_scoped3A = tpu.sem_alloc : memref<!tpu.dma_semaphore, #tpu.memory_space<semaphore_mem>>
        %dma_start3A_227 = arith.constant 9984 : i32
        %dma_start3A_228 = arith.constant 0 : i32
        %dma_start3A_229 = tpu.memref_slice %arg5[%arg0, %dma_start3A_227, %dma_start3A_228] : memref<2x10000x128xf32, #tpu.memory_space<hbm>> -> memref<1x16x128xf32, #tpu.memory_space<hbm>>
        %dma_start3A_230 = tpu.memref_squeeze %dma_start3A_229 : memref<1x16x128xf32, #tpu.memory_space<hbm>> -> memref<16x128xf32, #tpu.memory_space<hbm>>
        %dma_start3A_231 = arith.constant 9984 : i32
        %dma_start3A_232 = arith.constant 0 : i32
        %dma_start3A_233 = tpu.memref_slice %arg9[%dma_start3A_231, %dma_start3A_232] : memref<10000x128xf32, #tpu.memory_space<vmem_shared>> -> memref<16x128xf32, #tpu.memory_space<vmem_shared>>
        tpu.enqueue_dma source(%dma_start3A_233 : memref<16x128xf32, #tpu.memory_space<vmem_shared>>) target(%dma_start3A_230 : memref<16x128xf32, #tpu.memory_space<hbm>>) target_semaphore(%run_scoped3A : memref<!tpu.dma_semaphore, #tpu.memory_space<semaphore_mem>>)
        %dma_wait3A_234 = arith.constant 9984 : i32
        %dma_wait3A_235 = arith.constant 0 : i32
        %dma_wait3A_236 = tpu.memref_slice %arg5[%arg0, %dma_wait3A_234, %dma_wait3A_235] : memref<2x10000x128xf32, #tpu.memory_space<hbm>> -> memref<1x16x128xf32, #tpu.memory_space<hbm>>
        %dma_wait3A_237 = tpu.memref_squeeze %dma_wait3A_236 : memref<1x16x128xf32, #tpu.memory_space<hbm>> -> memref<16x128xf32, #tpu.memory_space<hbm>>
        %dma_wait3A_238 = arith.constant 9984 : i32
        %dma_wait3A_239 = arith.constant 0 : i32
        %dma_wait3A_240 = tpu.memref_slice %arg9[%dma_wait3A_238, %dma_wait3A_239] : memref<10000x128xf32, #tpu.memory_space<vmem_shared>> -> memref<16x128xf32, #tpu.memory_space<vmem_shared>>
        tpu.wait_dma2 semaphore(%run_scoped3A : memref<!tpu.dma_semaphore, #tpu.memory_space<semaphore_mem>>) src(%dma_wait3A_240 : memref<16x128xf32, #tpu.memory_space<vmem_shared>>) dst(%dma_wait3A_237 : memref<16x128xf32, #tpu.memory_space<hbm>>)
        tpu.yield
      }) : () -> ()
    } else {
    }
    return
  }
}

#map = affine_map<(d0, d1) -> (0, 0)>
#map1 = affine_map<(d0, d1) -> (0)>
#map2 = affine_map<(d0, d1) -> (0, 0, 0)>
module attributes {stable_mosaic.version = 14 : i64} {
  func.func @edge_agg(%arg0: i32, %arg1: i32, %arg2: memref<10000x128xf32, #tpu.memory_space<hbm>>, %arg3: memref<320000xi32, #tpu.memory_space<hbm>>, %arg4: memref<320000xi32, #tpu.memory_space<hbm>>, %arg5: memref<10000x128xf32, #tpu.memory_space<hbm>>, %arg6: memref<2x10000x128xf32, #tpu.memory_space<hbm>>, %arg7: memref<4x2x96xi32, #tpu.memory_space<vmem>>, %arg8: memref<2x2x16xi32, #tpu.memory_space<vmem>>, %arg9: memref<4x96x128xf32, #tpu.memory_space<vmem>>, %arg10: memref<10000x128xf32, #tpu.memory_space<vmem_shared>>, %arg11: memref<!tpu.dma_semaphore, #tpu.memory_space<semaphore_mem>>, %arg12: memref<!tpu.dma_semaphore, #tpu.memory_space<semaphore_mem>>, %arg13: memref<!tpu.dma_semaphore, #tpu.memory_space<semaphore_mem>>, %arg14: memref<!tpu.dma_semaphore, #tpu.memory_space<semaphore_mem>>) attributes {dimension_semantics = [#tpu.dimension_semantics<core_parallel>, #tpu.dimension_semantics<subcore_parallel>], iteration_bounds = array<i64: 2, 16>, scalar_prefetch = 0 : i64, scratch_operands = 8 : i64, tpu.core_type = #tpu.core_type<sc_vector_subcore>, window_params = [{transform_indices = #map}, {transform_indices = #map1}, {transform_indices = #map1}, {transform_indices = #map}, {transform_indices = #map2}]} {
    %mul3A = arith.constant 2 : i32
    %mul3A_0 = arith.muli %arg1, %mul3A : i32
    %add3A = arith.addi %mul3A_0, %arg0 : i32
    %mul3A_1 = arith.constant 10000 : i32
    %mul3A_2 = arith.muli %add3A, %mul3A_1 : i32
    %mul3A_3 = arith.constant 624 : i32
    %mul3A_4 = arith.muli %arg1, %mul3A_3 : i32
    %dma_start3A = arith.constant 0 : i32
    %dma_start3A_5 = tpu.memref_slice %arg10[%mul3A_4, %dma_start3A] : memref<10000x128xf32, #tpu.memory_space<vmem_shared>> -> memref<624x128xf32, #tpu.memory_space<vmem_shared>>
    %dma_start3A_6 = arith.constant 0 : i32
    %dma_start3A_7 = tpu.memref_slice %arg5[%mul3A_4, %dma_start3A_6] : memref<10000x128xf32, #tpu.memory_space<hbm>> -> memref<624x128xf32, #tpu.memory_space<hbm>>
    tpu.enqueue_dma source(%dma_start3A_7 : memref<624x128xf32, #tpu.memory_space<hbm>>) target(%dma_start3A_5 : memref<624x128xf32, #tpu.memory_space<vmem_shared>>) target_semaphore(%arg14 : memref<!tpu.dma_semaphore, #tpu.memory_space<semaphore_mem>>)
    %eq3A = arith.constant 0 : i32
    %eq3A_8 = arith.cmpi eq, %arg1, %eq3A : i32
    %convert_element_type3A = arith.extui %eq3A_8 : i1 to i32
    %cond3A = arith.constant 0 : i32
    %cond3A_9 = arith.cmpi ne, %convert_element_type3A, %cond3A : i32
    scf.if %cond3A_9 {
      %dma_start3A_503 = arith.constant 9984 : i32
      %dma_start3A_504 = arith.constant 0 : i32
      %dma_start3A_505 = tpu.memref_slice %arg10[%dma_start3A_503, %dma_start3A_504] : memref<10000x128xf32, #tpu.memory_space<vmem_shared>> -> memref<16x128xf32, #tpu.memory_space<vmem_shared>>
      %dma_start3A_506 = arith.constant 9984 : i32
      %dma_start3A_507 = arith.constant 0 : i32
      %dma_start3A_508 = tpu.memref_slice %arg5[%dma_start3A_506, %dma_start3A_507] : memref<10000x128xf32, #tpu.memory_space<hbm>> -> memref<16x128xf32, #tpu.memory_space<hbm>>
      tpu.enqueue_dma source(%dma_start3A_508 : memref<16x128xf32, #tpu.memory_space<hbm>>) target(%dma_start3A_505 : memref<16x128xf32, #tpu.memory_space<vmem_shared>>) target_semaphore(%arg14 : memref<!tpu.dma_semaphore, #tpu.memory_space<semaphore_mem>>)
    } else {
    }
    %add3A_10 = arith.constant 0 : i32
    %add3A_11 = arith.addi %mul3A_2, %add3A_10 : i32
    %dma_start3A_12 = arith.constant 0 : i32
    %dma_start3A_13 = arith.constant 0 : i32
    %dma_start3A_14 = arith.constant 0 : i32
    %dma_start3A_15 = tpu.memref_slice %arg7[%dma_start3A_12, %dma_start3A_13, %dma_start3A_14] : memref<4x2x96xi32, #tpu.memory_space<vmem>> -> memref<1x1x96xi32, #tpu.memory_space<vmem>>
    %dma_start3A_16 = tpu.memref_squeeze %dma_start3A_15 : memref<1x1x96xi32, #tpu.memory_space<vmem>> -> memref<96xi32, #tpu.memory_space<vmem>>
    %dma_start3A_17 = tpu.memref_slice %arg3[%add3A_11] : memref<320000xi32, #tpu.memory_space<hbm>> -> memref<96xi32, #tpu.memory_space<hbm>>
    %dma_start3A_18 = arith.constant 0 : i32
    %dma_start3A_19 = tpu.memref_slice %arg7[%dma_start3A_12, %dma_start3A_13, %dma_start3A_18] : memref<4x2x96xi32, #tpu.memory_space<vmem>> -> memref<1x1x96xi32, #tpu.memory_space<vmem>>
    %dma_start3A_20 = tpu.memref_squeeze %dma_start3A_19 : memref<1x1x96xi32, #tpu.memory_space<vmem>> -> memref<96xi32, #tpu.memory_space<vmem>>
    %dma_start3A_21 = tpu.memref_slice %arg3[%add3A_11] : memref<320000xi32, #tpu.memory_space<hbm>> -> memref<96xi32, #tpu.memory_space<hbm>>
    tpu.enqueue_dma source(%dma_start3A_21 : memref<96xi32, #tpu.memory_space<hbm>>) target(%dma_start3A_20 : memref<96xi32, #tpu.memory_space<vmem>>) target_semaphore(%arg11 : memref<!tpu.dma_semaphore, #tpu.memory_space<semaphore_mem>>)
    %dma_start3A_22 = arith.constant 0 : i32
    %dma_start3A_23 = arith.constant 1 : i32
    %dma_start3A_24 = arith.constant 0 : i32
    %dma_start3A_25 = tpu.memref_slice %arg7[%dma_start3A_22, %dma_start3A_23, %dma_start3A_24] : memref<4x2x96xi32, #tpu.memory_space<vmem>> -> memref<1x1x96xi32, #tpu.memory_space<vmem>>
    %dma_start3A_26 = tpu.memref_squeeze %dma_start3A_25 : memref<1x1x96xi32, #tpu.memory_space<vmem>> -> memref<96xi32, #tpu.memory_space<vmem>>
    %dma_start3A_27 = tpu.memref_slice %arg4[%add3A_11] : memref<320000xi32, #tpu.memory_space<hbm>> -> memref<96xi32, #tpu.memory_space<hbm>>
    %dma_start3A_28 = arith.constant 0 : i32
    %dma_start3A_29 = tpu.memref_slice %arg7[%dma_start3A_22, %dma_start3A_23, %dma_start3A_28] : memref<4x2x96xi32, #tpu.memory_space<vmem>> -> memref<1x1x96xi32, #tpu.memory_space<vmem>>
    %dma_start3A_30 = tpu.memref_squeeze %dma_start3A_29 : memref<1x1x96xi32, #tpu.memory_space<vmem>> -> memref<96xi32, #tpu.memory_space<vmem>>
    %dma_start3A_31 = tpu.memref_slice %arg4[%add3A_11] : memref<320000xi32, #tpu.memory_space<hbm>> -> memref<96xi32, #tpu.memory_space<hbm>>
    tpu.enqueue_dma source(%dma_start3A_31 : memref<96xi32, #tpu.memory_space<hbm>>) target(%dma_start3A_30 : memref<96xi32, #tpu.memory_space<vmem>>) target_semaphore(%arg11 : memref<!tpu.dma_semaphore, #tpu.memory_space<semaphore_mem>>)
    %add3A_32 = arith.constant 96 : i32
    %add3A_33 = arith.addi %mul3A_2, %add3A_32 : i32
    %dma_start3A_34 = arith.constant 1 : i32
    %dma_start3A_35 = arith.constant 0 : i32
    %dma_start3A_36 = arith.constant 0 : i32
    %dma_start3A_37 = tpu.memref_slice %arg7[%dma_start3A_34, %dma_start3A_35, %dma_start3A_36] : memref<4x2x96xi32, #tpu.memory_space<vmem>> -> memref<1x1x96xi32, #tpu.memory_space<vmem>>
    %dma_start3A_38 = tpu.memref_squeeze %dma_start3A_37 : memref<1x1x96xi32, #tpu.memory_space<vmem>> -> memref<96xi32, #tpu.memory_space<vmem>>
    %dma_start3A_39 = tpu.memref_slice %arg3[%add3A_33] : memref<320000xi32, #tpu.memory_space<hbm>> -> memref<96xi32, #tpu.memory_space<hbm>>
    %dma_start3A_40 = arith.constant 0 : i32
    %dma_start3A_41 = tpu.memref_slice %arg7[%dma_start3A_34, %dma_start3A_35, %dma_start3A_40] : memref<4x2x96xi32, #tpu.memory_space<vmem>> -> memref<1x1x96xi32, #tpu.memory_space<vmem>>
    %dma_start3A_42 = tpu.memref_squeeze %dma_start3A_41 : memref<1x1x96xi32, #tpu.memory_space<vmem>> -> memref<96xi32, #tpu.memory_space<vmem>>
    %dma_start3A_43 = tpu.memref_slice %arg3[%add3A_33] : memref<320000xi32, #tpu.memory_space<hbm>> -> memref<96xi32, #tpu.memory_space<hbm>>
    tpu.enqueue_dma source(%dma_start3A_43 : memref<96xi32, #tpu.memory_space<hbm>>) target(%dma_start3A_42 : memref<96xi32, #tpu.memory_space<vmem>>) target_semaphore(%arg11 : memref<!tpu.dma_semaphore, #tpu.memory_space<semaphore_mem>>)
    %dma_start3A_44 = arith.constant 1 : i32
    %dma_start3A_45 = arith.constant 1 : i32
    %dma_start3A_46 = arith.constant 0 : i32
    %dma_start3A_47 = tpu.memref_slice %arg7[%dma_start3A_44, %dma_start3A_45, %dma_start3A_46] : memref<4x2x96xi32, #tpu.memory_space<vmem>> -> memref<1x1x96xi32, #tpu.memory_space<vmem>>
    %dma_start3A_48 = tpu.memref_squeeze %dma_start3A_47 : memref<1x1x96xi32, #tpu.memory_space<vmem>> -> memref<96xi32, #tpu.memory_space<vmem>>
    %dma_start3A_49 = tpu.memref_slice %arg4[%add3A_33] : memref<320000xi32, #tpu.memory_space<hbm>> -> memref<96xi32, #tpu.memory_space<hbm>>
    %dma_start3A_50 = arith.constant 0 : i32
    %dma_start3A_51 = tpu.memref_slice %arg7[%dma_start3A_44, %dma_start3A_45, %dma_start3A_50] : memref<4x2x96xi32, #tpu.memory_space<vmem>> -> memref<1x1x96xi32, #tpu.memory_space<vmem>>
    %dma_start3A_52 = tpu.memref_squeeze %dma_start3A_51 : memref<1x1x96xi32, #tpu.memory_space<vmem>> -> memref<96xi32, #tpu.memory_space<vmem>>
    %dma_start3A_53 = tpu.memref_slice %arg4[%add3A_33] : memref<320000xi32, #tpu.memory_space<hbm>> -> memref<96xi32, #tpu.memory_space<hbm>>
    tpu.enqueue_dma source(%dma_start3A_53 : memref<96xi32, #tpu.memory_space<hbm>>) target(%dma_start3A_52 : memref<96xi32, #tpu.memory_space<vmem>>) target_semaphore(%arg11 : memref<!tpu.dma_semaphore, #tpu.memory_space<semaphore_mem>>)
    %dma_wait3A = arith.constant 0 : i32
    %dma_wait3A_54 = arith.constant 0 : i32
    %dma_wait3A_55 = arith.constant 0 : i32
    %dma_wait3A_56 = tpu.memref_slice %arg7[%dma_wait3A, %dma_wait3A_54, %dma_wait3A_55] : memref<4x2x96xi32, #tpu.memory_space<vmem>> -> memref<1x1x96xi32, #tpu.memory_space<vmem>>
    %dma_wait3A_57 = tpu.memref_squeeze %dma_wait3A_56 : memref<1x1x96xi32, #tpu.memory_space<vmem>> -> memref<96xi32, #tpu.memory_space<vmem>>
    %dma_wait3A_58 = tpu.memref_slice %arg3[%mul3A_2] : memref<320000xi32, #tpu.memory_space<hbm>> -> memref<96xi32, #tpu.memory_space<hbm>>
    %dma_wait3A_59 = arith.constant 0 : i32
    %dma_wait3A_60 = tpu.memref_slice %arg7[%dma_wait3A, %dma_wait3A_54, %dma_wait3A_59] : memref<4x2x96xi32, #tpu.memory_space<vmem>> -> memref<1x1x96xi32, #tpu.memory_space<vmem>>
    %dma_wait3A_61 = tpu.memref_squeeze %dma_wait3A_60 : memref<1x1x96xi32, #tpu.memory_space<vmem>> -> memref<96xi32, #tpu.memory_space<vmem>>
    %dma_wait3A_62 = tpu.memref_slice %arg3[%mul3A_2] : memref<320000xi32, #tpu.memory_space<hbm>> -> memref<96xi32, #tpu.memory_space<hbm>>
    tpu.wait_dma2 semaphore(%arg11 : memref<!tpu.dma_semaphore, #tpu.memory_space<semaphore_mem>>) src(%dma_wait3A_62 : memref<96xi32, #tpu.memory_space<hbm>>) dst(%dma_wait3A_61 : memref<96xi32, #tpu.memory_space<vmem>>)
    %dma_wait3A_63 = arith.constant 0 : i32
    %dma_wait3A_64 = arith.constant 1 : i32
    %dma_wait3A_65 = arith.constant 0 : i32
    %dma_wait3A_66 = tpu.memref_slice %arg7[%dma_wait3A_63, %dma_wait3A_64, %dma_wait3A_65] : memref<4x2x96xi32, #tpu.memory_space<vmem>> -> memref<1x1x96xi32, #tpu.memory_space<vmem>>
    %dma_wait3A_67 = tpu.memref_squeeze %dma_wait3A_66 : memref<1x1x96xi32, #tpu.memory_space<vmem>> -> memref<96xi32, #tpu.memory_space<vmem>>
    %dma_wait3A_68 = tpu.memref_slice %arg4[%mul3A_2] : memref<320000xi32, #tpu.memory_space<hbm>> -> memref<96xi32, #tpu.memory_space<hbm>>
    %dma_wait3A_69 = arith.constant 0 : i32
    %dma_wait3A_70 = tpu.memref_slice %arg7[%dma_wait3A_63, %dma_wait3A_64, %dma_wait3A_69] : memref<4x2x96xi32, #tpu.memory_space<vmem>> -> memref<1x1x96xi32, #tpu.memory_space<vmem>>
    %dma_wait3A_71 = tpu.memref_squeeze %dma_wait3A_70 : memref<1x1x96xi32, #tpu.memory_space<vmem>> -> memref<96xi32, #tpu.memory_space<vmem>>
    %dma_wait3A_72 = tpu.memref_slice %arg4[%mul3A_2] : memref<320000xi32, #tpu.memory_space<hbm>> -> memref<96xi32, #tpu.memory_space<hbm>>
    tpu.wait_dma2 semaphore(%arg11 : memref<!tpu.dma_semaphore, #tpu.memory_space<semaphore_mem>>) src(%dma_wait3A_72 : memref<96xi32, #tpu.memory_space<hbm>>) dst(%dma_wait3A_71 : memref<96xi32, #tpu.memory_space<vmem>>)
    %dma_wait3A_73 = arith.constant 1 : i32
    %dma_wait3A_74 = arith.constant 0 : i32
    %dma_wait3A_75 = arith.constant 0 : i32
    %dma_wait3A_76 = tpu.memref_slice %arg7[%dma_wait3A_73, %dma_wait3A_74, %dma_wait3A_75] : memref<4x2x96xi32, #tpu.memory_space<vmem>> -> memref<1x1x96xi32, #tpu.memory_space<vmem>>
    %dma_wait3A_77 = tpu.memref_squeeze %dma_wait3A_76 : memref<1x1x96xi32, #tpu.memory_space<vmem>> -> memref<96xi32, #tpu.memory_space<vmem>>
    %dma_wait3A_78 = tpu.memref_slice %arg3[%mul3A_2] : memref<320000xi32, #tpu.memory_space<hbm>> -> memref<96xi32, #tpu.memory_space<hbm>>
    %dma_wait3A_79 = arith.constant 0 : i32
    %dma_wait3A_80 = tpu.memref_slice %arg7[%dma_wait3A_73, %dma_wait3A_74, %dma_wait3A_79] : memref<4x2x96xi32, #tpu.memory_space<vmem>> -> memref<1x1x96xi32, #tpu.memory_space<vmem>>
    %dma_wait3A_81 = tpu.memref_squeeze %dma_wait3A_80 : memref<1x1x96xi32, #tpu.memory_space<vmem>> -> memref<96xi32, #tpu.memory_space<vmem>>
    %dma_wait3A_82 = tpu.memref_slice %arg3[%mul3A_2] : memref<320000xi32, #tpu.memory_space<hbm>> -> memref<96xi32, #tpu.memory_space<hbm>>
    tpu.wait_dma2 semaphore(%arg11 : memref<!tpu.dma_semaphore, #tpu.memory_space<semaphore_mem>>) src(%dma_wait3A_82 : memref<96xi32, #tpu.memory_space<hbm>>) dst(%dma_wait3A_81 : memref<96xi32, #tpu.memory_space<vmem>>)
    %dma_wait3A_83 = arith.constant 1 : i32
    %dma_wait3A_84 = arith.constant 1 : i32
    %dma_wait3A_85 = arith.constant 0 : i32
    %dma_wait3A_86 = tpu.memref_slice %arg7[%dma_wait3A_83, %dma_wait3A_84, %dma_wait3A_85] : memref<4x2x96xi32, #tpu.memory_space<vmem>> -> memref<1x1x96xi32, #tpu.memory_space<vmem>>
    %dma_wait3A_87 = tpu.memref_squeeze %dma_wait3A_86 : memref<1x1x96xi32, #tpu.memory_space<vmem>> -> memref<96xi32, #tpu.memory_space<vmem>>
    %dma_wait3A_88 = tpu.memref_slice %arg4[%mul3A_2] : memref<320000xi32, #tpu.memory_space<hbm>> -> memref<96xi32, #tpu.memory_space<hbm>>
    %dma_wait3A_89 = arith.constant 0 : i32
    %dma_wait3A_90 = tpu.memref_slice %arg7[%dma_wait3A_83, %dma_wait3A_84, %dma_wait3A_89] : memref<4x2x96xi32, #tpu.memory_space<vmem>> -> memref<1x1x96xi32, #tpu.memory_space<vmem>>
    %dma_wait3A_91 = tpu.memref_squeeze %dma_wait3A_90 : memref<1x1x96xi32, #tpu.memory_space<vmem>> -> memref<96xi32, #tpu.memory_space<vmem>>
    %dma_wait3A_92 = tpu.memref_slice %arg4[%mul3A_2] : memref<320000xi32, #tpu.memory_space<hbm>> -> memref<96xi32, #tpu.memory_space<hbm>>
    tpu.wait_dma2 semaphore(%arg11 : memref<!tpu.dma_semaphore, #tpu.memory_space<semaphore_mem>>) src(%dma_wait3A_92 : memref<96xi32, #tpu.memory_space<hbm>>) dst(%dma_wait3A_91 : memref<96xi32, #tpu.memory_space<vmem>>)
    %dma_start3A_93 = arith.constant 0 : i32
    %dma_start3A_94 = arith.constant 0 : i32
    %dma_start3A_95 = arith.constant 0 : i32
    %dma_start3A_96 = arith.constant 0 : i32
    %dma_start3A_97 = arith.constant 0 : i32
    %dma_start3A_98 = tpu.memref_slice %arg9[%dma_start3A_95, %dma_start3A_96, %dma_start3A_97] : memref<4x96x128xf32, #tpu.memory_space<vmem>> -> memref<1x96x128xf32, #tpu.memory_space<vmem>>
    %dma_start3A_99 = tpu.memref_squeeze %dma_start3A_98 : memref<1x96x128xf32, #tpu.memory_space<vmem>> -> memref<96x128xf32, #tpu.memory_space<vmem>>
    %dma_start3A_100 = arith.constant 0 : i32
    %dma_start3A_101 = tpu.memref_slice %arg7[%dma_start3A_93, %dma_start3A_94, %dma_start3A_100] : memref<4x2x96xi32, #tpu.memory_space<vmem>> -> memref<1x1x96xi32, #tpu.memory_space<vmem>>
    %dma_start3A_102 = tpu.memref_squeeze %dma_start3A_101 : memref<1x1x96xi32, #tpu.memory_space<vmem>> -> memref<96xi32, #tpu.memory_space<vmem>>
    %dma_start3A_103 = arith.constant 0 : i32
    %dma_start3A_104 = arith.constant 0 : i32
    %dma_start3A_105 = tpu.memref_slice %arg2[%dma_start3A_103, %dma_start3A_104] : memref<10000x128xf32, #tpu.memory_space<hbm>> -> memref<10000x128xf32, #tpu.memory_space<hbm>>
    tpu.enqueue_indirect_dma source(%dma_start3A_105 : memref<10000x128xf32, #tpu.memory_space<hbm>>) target(%dma_start3A_99 : memref<96x128xf32, #tpu.memory_space<vmem>>) offsets(%dma_start3A_102 : memref<96xi32, #tpu.memory_space<vmem>>) semaphore(%arg12 : memref<!tpu.dma_semaphore, #tpu.memory_space<semaphore_mem>>)
    %dma_start3A_106 = arith.constant 1 : i32
    %dma_start3A_107 = arith.constant 0 : i32
    %dma_start3A_108 = arith.constant 1 : i32
    %dma_start3A_109 = arith.constant 0 : i32
    %dma_start3A_110 = arith.constant 0 : i32
    %dma_start3A_111 = tpu.memref_slice %arg9[%dma_start3A_108, %dma_start3A_109, %dma_start3A_110] : memref<4x96x128xf32, #tpu.memory_space<vmem>> -> memref<1x96x128xf32, #tpu.memory_space<vmem>>
    %dma_start3A_112 = tpu.memref_squeeze %dma_start3A_111 : memref<1x96x128xf32, #tpu.memory_space<vmem>> -> memref<96x128xf32, #tpu.memory_space<vmem>>
    %dma_start3A_113 = arith.constant 0 : i32
    %dma_start3A_114 = tpu.memref_slice %arg7[%dma_start3A_106, %dma_start3A_107, %dma_start3A_113] : memref<4x2x96xi32, #tpu.memory_space<vmem>> -> memref<1x1x96xi32, #tpu.memory_space<vmem>>
    %dma_start3A_115 = tpu.memref_squeeze %dma_start3A_114 : memref<1x1x96xi32, #tpu.memory_space<vmem>> -> memref<96xi32, #tpu.memory_space<vmem>>
    %dma_start3A_116 = arith.constant 0 : i32
    %dma_start3A_117 = arith.constant 0 : i32
    %dma_start3A_118 = tpu.memref_slice %arg2[%dma_start3A_116, %dma_start3A_117] : memref<10000x128xf32, #tpu.memory_space<hbm>> -> memref<10000x128xf32, #tpu.memory_space<hbm>>
    tpu.enqueue_indirect_dma source(%dma_start3A_118 : memref<10000x128xf32, #tpu.memory_space<hbm>>) target(%dma_start3A_112 : memref<96x128xf32, #tpu.memory_space<vmem>>) offsets(%dma_start3A_115 : memref<96xi32, #tpu.memory_space<vmem>>) semaphore(%arg12 : memref<!tpu.dma_semaphore, #tpu.memory_space<semaphore_mem>>)
    %dma_wait3A_119 = arith.constant 0 : i32
    %dma_wait3A_120 = arith.constant 0 : i32
    %dma_wait3A_121 = arith.constant 0 : i32
    %dma_wait3A_122 = arith.constant 0 : i32
    %dma_wait3A_123 = arith.constant 0 : i32
    %dma_wait3A_124 = tpu.memref_slice %arg9[%dma_wait3A_121, %dma_wait3A_122, %dma_wait3A_123] : memref<4x96x128xf32, #tpu.memory_space<vmem>> -> memref<1x96x128xf32, #tpu.memory_space<vmem>>
    %dma_wait3A_125 = tpu.memref_squeeze %dma_wait3A_124 : memref<1x96x128xf32, #tpu.memory_space<vmem>> -> memref<96x128xf32, #tpu.memory_space<vmem>>
    %dma_wait3A_126 = arith.constant 0 : i32
    %dma_wait3A_127 = tpu.memref_slice %arg7[%dma_wait3A_119, %dma_wait3A_120, %dma_wait3A_126] : memref<4x2x96xi32, #tpu.memory_space<vmem>> -> memref<1x1x96xi32, #tpu.memory_space<vmem>>
    %dma_wait3A_128 = tpu.memref_squeeze %dma_wait3A_127 : memref<1x1x96xi32, #tpu.memory_space<vmem>> -> memref<96xi32, #tpu.memory_space<vmem>>
    %dma_wait3A_129 = arith.constant 0 : i32
    %dma_wait3A_130 = arith.constant 0 : i32
    %dma_wait3A_131 = tpu.memref_slice %arg2[%dma_wait3A_129, %dma_wait3A_130] : memref<10000x128xf32, #tpu.memory_space<hbm>> -> memref<10000x128xf32, #tpu.memory_space<hbm>>
    tpu.wait_indirect_dma semaphore(%arg12 : memref<!tpu.dma_semaphore, #tpu.memory_space<semaphore_mem>>) src(%dma_wait3A_131 : memref<10000x128xf32, #tpu.memory_space<hbm>>) dst(%dma_wait3A_125 : memref<96x128xf32, #tpu.memory_space<vmem>>)
    %dma_wait3A_132 = arith.constant 1 : i32
    %dma_wait3A_133 = arith.constant 0 : i32
    %dma_wait3A_134 = arith.constant 1 : i32
    %dma_wait3A_135 = arith.constant 0 : i32
    %dma_wait3A_136 = arith.constant 0 : i32
    %dma_wait3A_137 = tpu.memref_slice %arg9[%dma_wait3A_134, %dma_wait3A_135, %dma_wait3A_136] : memref<4x96x128xf32, #tpu.memory_space<vmem>> -> memref<1x96x128xf32, #tpu.memory_space<vmem>>
    %dma_wait3A_138 = tpu.memref_squeeze %dma_wait3A_137 : memref<1x96x128xf32, #tpu.memory_space<vmem>> -> memref<96x128xf32, #tpu.memory_space<vmem>>
    %dma_wait3A_139 = arith.constant 0 : i32
    %dma_wait3A_140 = tpu.memref_slice %arg7[%dma_wait3A_132, %dma_wait3A_133, %dma_wait3A_139] : memref<4x2x96xi32, #tpu.memory_space<vmem>> -> memref<1x1x96xi32, #tpu.memory_space<vmem>>
    %dma_wait3A_141 = tpu.memref_squeeze %dma_wait3A_140 : memref<1x1x96xi32, #tpu.memory_space<vmem>> -> memref<96xi32, #tpu.memory_space<vmem>>
    %dma_wait3A_142 = arith.constant 0 : i32
    %dma_wait3A_143 = arith.constant 0 : i32
    %dma_wait3A_144 = tpu.memref_slice %arg2[%dma_wait3A_142, %dma_wait3A_143] : memref<10000x128xf32, #tpu.memory_space<hbm>> -> memref<10000x128xf32, #tpu.memory_space<hbm>>
    tpu.wait_indirect_dma semaphore(%arg12 : memref<!tpu.dma_semaphore, #tpu.memory_space<semaphore_mem>>) src(%dma_wait3A_144 : memref<10000x128xf32, #tpu.memory_space<hbm>>) dst(%dma_wait3A_138 : memref<96x128xf32, #tpu.memory_space<vmem>>)
    %add3A_145 = arith.constant 192 : i32
    %add3A_146 = arith.addi %mul3A_2, %add3A_145 : i32
    %dma_start3A_147 = arith.constant 2 : i32
    %dma_start3A_148 = arith.constant 0 : i32
    %dma_start3A_149 = arith.constant 0 : i32
    %dma_start3A_150 = tpu.memref_slice %arg7[%dma_start3A_147, %dma_start3A_148, %dma_start3A_149] : memref<4x2x96xi32, #tpu.memory_space<vmem>> -> memref<1x1x96xi32, #tpu.memory_space<vmem>>
    %dma_start3A_151 = tpu.memref_squeeze %dma_start3A_150 : memref<1x1x96xi32, #tpu.memory_space<vmem>> -> memref<96xi32, #tpu.memory_space<vmem>>
    %dma_start3A_152 = tpu.memref_slice %arg3[%add3A_146] : memref<320000xi32, #tpu.memory_space<hbm>> -> memref<96xi32, #tpu.memory_space<hbm>>
    %dma_start3A_153 = arith.constant 0 : i32
    %dma_start3A_154 = tpu.memref_slice %arg7[%dma_start3A_147, %dma_start3A_148, %dma_start3A_153] : memref<4x2x96xi32, #tpu.memory_space<vmem>> -> memref<1x1x96xi32, #tpu.memory_space<vmem>>
    %dma_start3A_155 = tpu.memref_squeeze %dma_start3A_154 : memref<1x1x96xi32, #tpu.memory_space<vmem>> -> memref<96xi32, #tpu.memory_space<vmem>>
    %dma_start3A_156 = tpu.memref_slice %arg3[%add3A_146] : memref<320000xi32, #tpu.memory_space<hbm>> -> memref<96xi32, #tpu.memory_space<hbm>>
    tpu.enqueue_dma source(%dma_start3A_156 : memref<96xi32, #tpu.memory_space<hbm>>) target(%dma_start3A_155 : memref<96xi32, #tpu.memory_space<vmem>>) target_semaphore(%arg11 : memref<!tpu.dma_semaphore, #tpu.memory_space<semaphore_mem>>)
    %dma_start3A_157 = arith.constant 2 : i32
    %dma_start3A_158 = arith.constant 1 : i32
    %dma_start3A_159 = arith.constant 0 : i32
    %dma_start3A_160 = tpu.memref_slice %arg7[%dma_start3A_157, %dma_start3A_158, %dma_start3A_159] : memref<4x2x96xi32, #tpu.memory_space<vmem>> -> memref<1x1x96xi32, #tpu.memory_space<vmem>>
    %dma_start3A_161 = tpu.memref_squeeze %dma_start3A_160 : memref<1x1x96xi32, #tpu.memory_space<vmem>> -> memref<96xi32, #tpu.memory_space<vmem>>
    %dma_start3A_162 = tpu.memref_slice %arg4[%add3A_146] : memref<320000xi32, #tpu.memory_space<hbm>> -> memref<96xi32, #tpu.memory_space<hbm>>
    %dma_start3A_163 = arith.constant 0 : i32
    %dma_start3A_164 = tpu.memref_slice %arg7[%dma_start3A_157, %dma_start3A_158, %dma_start3A_163] : memref<4x2x96xi32, #tpu.memory_space<vmem>> -> memref<1x1x96xi32, #tpu.memory_space<vmem>>
    %dma_start3A_165 = tpu.memref_squeeze %dma_start3A_164 : memref<1x1x96xi32, #tpu.memory_space<vmem>> -> memref<96xi32, #tpu.memory_space<vmem>>
    %dma_start3A_166 = tpu.memref_slice %arg4[%add3A_146] : memref<320000xi32, #tpu.memory_space<hbm>> -> memref<96xi32, #tpu.memory_space<hbm>>
    tpu.enqueue_dma source(%dma_start3A_166 : memref<96xi32, #tpu.memory_space<hbm>>) target(%dma_start3A_165 : memref<96xi32, #tpu.memory_space<vmem>>) target_semaphore(%arg11 : memref<!tpu.dma_semaphore, #tpu.memory_space<semaphore_mem>>)
    %add3A_167 = arith.constant 288 : i32
    %add3A_168 = arith.addi %mul3A_2, %add3A_167 : i32
    %dma_start3A_169 = arith.constant 3 : i32
    %dma_start3A_170 = arith.constant 0 : i32
    %dma_start3A_171 = arith.constant 0 : i32
    %dma_start3A_172 = tpu.memref_slice %arg7[%dma_start3A_169, %dma_start3A_170, %dma_start3A_171] : memref<4x2x96xi32, #tpu.memory_space<vmem>> -> memref<1x1x96xi32, #tpu.memory_space<vmem>>
    %dma_start3A_173 = tpu.memref_squeeze %dma_start3A_172 : memref<1x1x96xi32, #tpu.memory_space<vmem>> -> memref<96xi32, #tpu.memory_space<vmem>>
    %dma_start3A_174 = tpu.memref_slice %arg3[%add3A_168] : memref<320000xi32, #tpu.memory_space<hbm>> -> memref<96xi32, #tpu.memory_space<hbm>>
    %dma_start3A_175 = arith.constant 0 : i32
    %dma_start3A_176 = tpu.memref_slice %arg7[%dma_start3A_169, %dma_start3A_170, %dma_start3A_175] : memref<4x2x96xi32, #tpu.memory_space<vmem>> -> memref<1x1x96xi32, #tpu.memory_space<vmem>>
    %dma_start3A_177 = tpu.memref_squeeze %dma_start3A_176 : memref<1x1x96xi32, #tpu.memory_space<vmem>> -> memref<96xi32, #tpu.memory_space<vmem>>
    %dma_start3A_178 = tpu.memref_slice %arg3[%add3A_168] : memref<320000xi32, #tpu.memory_space<hbm>> -> memref<96xi32, #tpu.memory_space<hbm>>
    tpu.enqueue_dma source(%dma_start3A_178 : memref<96xi32, #tpu.memory_space<hbm>>) target(%dma_start3A_177 : memref<96xi32, #tpu.memory_space<vmem>>) target_semaphore(%arg11 : memref<!tpu.dma_semaphore, #tpu.memory_space<semaphore_mem>>)
    %dma_start3A_179 = arith.constant 3 : i32
    %dma_start3A_180 = arith.constant 1 : i32
    %dma_start3A_181 = arith.constant 0 : i32
    %dma_start3A_182 = tpu.memref_slice %arg7[%dma_start3A_179, %dma_start3A_180, %dma_start3A_181] : memref<4x2x96xi32, #tpu.memory_space<vmem>> -> memref<1x1x96xi32, #tpu.memory_space<vmem>>
    %dma_start3A_183 = tpu.memref_squeeze %dma_start3A_182 : memref<1x1x96xi32, #tpu.memory_space<vmem>> -> memref<96xi32, #tpu.memory_space<vmem>>
    %dma_start3A_184 = tpu.memref_slice %arg4[%add3A_168] : memref<320000xi32, #tpu.memory_space<hbm>> -> memref<96xi32, #tpu.memory_space<hbm>>
    %dma_start3A_185 = arith.constant 0 : i32
    %dma_start3A_186 = tpu.memref_slice %arg7[%dma_start3A_179, %dma_start3A_180, %dma_start3A_185] : memref<4x2x96xi32, #tpu.memory_space<vmem>> -> memref<1x1x96xi32, #tpu.memory_space<vmem>>
    %dma_start3A_187 = tpu.memref_squeeze %dma_start3A_186 : memref<1x1x96xi32, #tpu.memory_space<vmem>> -> memref<96xi32, #tpu.memory_space<vmem>>
    %dma_start3A_188 = tpu.memref_slice %arg4[%add3A_168] : memref<320000xi32, #tpu.memory_space<hbm>> -> memref<96xi32, #tpu.memory_space<hbm>>
    tpu.enqueue_dma source(%dma_start3A_188 : memref<96xi32, #tpu.memory_space<hbm>>) target(%dma_start3A_187 : memref<96xi32, #tpu.memory_space<vmem>>) target_semaphore(%arg11 : memref<!tpu.dma_semaphore, #tpu.memory_space<semaphore_mem>>)
    %dma_wait3A_189 = arith.constant 2 : i32
    %dma_wait3A_190 = arith.constant 0 : i32
    %dma_wait3A_191 = arith.constant 0 : i32
    %dma_wait3A_192 = tpu.memref_slice %arg7[%dma_wait3A_189, %dma_wait3A_190, %dma_wait3A_191] : memref<4x2x96xi32, #tpu.memory_space<vmem>> -> memref<1x1x96xi32, #tpu.memory_space<vmem>>
    %dma_wait3A_193 = tpu.memref_squeeze %dma_wait3A_192 : memref<1x1x96xi32, #tpu.memory_space<vmem>> -> memref<96xi32, #tpu.memory_space<vmem>>
    %dma_wait3A_194 = tpu.memref_slice %arg3[%mul3A_2] : memref<320000xi32, #tpu.memory_space<hbm>> -> memref<96xi32, #tpu.memory_space<hbm>>
    %dma_wait3A_195 = arith.constant 0 : i32
    %dma_wait3A_196 = tpu.memref_slice %arg7[%dma_wait3A_189, %dma_wait3A_190, %dma_wait3A_195] : memref<4x2x96xi32, #tpu.memory_space<vmem>> -> memref<1x1x96xi32, #tpu.memory_space<vmem>>
    %dma_wait3A_197 = tpu.memref_squeeze %dma_wait3A_196 : memref<1x1x96xi32, #tpu.memory_space<vmem>> -> memref<96xi32, #tpu.memory_space<vmem>>
    %dma_wait3A_198 = tpu.memref_slice %arg3[%mul3A_2] : memref<320000xi32, #tpu.memory_space<hbm>> -> memref<96xi32, #tpu.memory_space<hbm>>
    tpu.wait_dma2 semaphore(%arg11 : memref<!tpu.dma_semaphore, #tpu.memory_space<semaphore_mem>>) src(%dma_wait3A_198 : memref<96xi32, #tpu.memory_space<hbm>>) dst(%dma_wait3A_197 : memref<96xi32, #tpu.memory_space<vmem>>)
    %dma_wait3A_199 = arith.constant 2 : i32
    %dma_wait3A_200 = arith.constant 1 : i32
    %dma_wait3A_201 = arith.constant 0 : i32
    %dma_wait3A_202 = tpu.memref_slice %arg7[%dma_wait3A_199, %dma_wait3A_200, %dma_wait3A_201] : memref<4x2x96xi32, #tpu.memory_space<vmem>> -> memref<1x1x96xi32, #tpu.memory_space<vmem>>
    %dma_wait3A_203 = tpu.memref_squeeze %dma_wait3A_202 : memref<1x1x96xi32, #tpu.memory_space<vmem>> -> memref<96xi32, #tpu.memory_space<vmem>>
    %dma_wait3A_204 = tpu.memref_slice %arg4[%mul3A_2] : memref<320000xi32, #tpu.memory_space<hbm>> -> memref<96xi32, #tpu.memory_space<hbm>>
    %dma_wait3A_205 = arith.constant 0 : i32
    %dma_wait3A_206 = tpu.memref_slice %arg7[%dma_wait3A_199, %dma_wait3A_200, %dma_wait3A_205] : memref<4x2x96xi32, #tpu.memory_space<vmem>> -> memref<1x1x96xi32, #tpu.memory_space<vmem>>
    %dma_wait3A_207 = tpu.memref_squeeze %dma_wait3A_206 : memref<1x1x96xi32, #tpu.memory_space<vmem>> -> memref<96xi32, #tpu.memory_space<vmem>>
    %dma_wait3A_208 = tpu.memref_slice %arg4[%mul3A_2] : memref<320000xi32, #tpu.memory_space<hbm>> -> memref<96xi32, #tpu.memory_space<hbm>>
    tpu.wait_dma2 semaphore(%arg11 : memref<!tpu.dma_semaphore, #tpu.memory_space<semaphore_mem>>) src(%dma_wait3A_208 : memref<96xi32, #tpu.memory_space<hbm>>) dst(%dma_wait3A_207 : memref<96xi32, #tpu.memory_space<vmem>>)
    %dma_wait3A_209 = arith.constant 3 : i32
    %dma_wait3A_210 = arith.constant 0 : i32
    %dma_wait3A_211 = arith.constant 0 : i32
    %dma_wait3A_212 = tpu.memref_slice %arg7[%dma_wait3A_209, %dma_wait3A_210, %dma_wait3A_211] : memref<4x2x96xi32, #tpu.memory_space<vmem>> -> memref<1x1x96xi32, #tpu.memory_space<vmem>>
    %dma_wait3A_213 = tpu.memref_squeeze %dma_wait3A_212 : memref<1x1x96xi32, #tpu.memory_space<vmem>> -> memref<96xi32, #tpu.memory_space<vmem>>
    %dma_wait3A_214 = tpu.memref_slice %arg3[%mul3A_2] : memref<320000xi32, #tpu.memory_space<hbm>> -> memref<96xi32, #tpu.memory_space<hbm>>
    %dma_wait3A_215 = arith.constant 0 : i32
    %dma_wait3A_216 = tpu.memref_slice %arg7[%dma_wait3A_209, %dma_wait3A_210, %dma_wait3A_215] : memref<4x2x96xi32, #tpu.memory_space<vmem>> -> memref<1x1x96xi32, #tpu.memory_space<vmem>>
    %dma_wait3A_217 = tpu.memref_squeeze %dma_wait3A_216 : memref<1x1x96xi32, #tpu.memory_space<vmem>> -> memref<96xi32, #tpu.memory_space<vmem>>
    %dma_wait3A_218 = tpu.memref_slice %arg3[%mul3A_2] : memref<320000xi32, #tpu.memory_space<hbm>> -> memref<96xi32, #tpu.memory_space<hbm>>
    tpu.wait_dma2 semaphore(%arg11 : memref<!tpu.dma_semaphore, #tpu.memory_space<semaphore_mem>>) src(%dma_wait3A_218 : memref<96xi32, #tpu.memory_space<hbm>>) dst(%dma_wait3A_217 : memref<96xi32, #tpu.memory_space<vmem>>)
    %dma_wait3A_219 = arith.constant 3 : i32
    %dma_wait3A_220 = arith.constant 1 : i32
    %dma_wait3A_221 = arith.constant 0 : i32
    %dma_wait3A_222 = tpu.memref_slice %arg7[%dma_wait3A_219, %dma_wait3A_220, %dma_wait3A_221] : memref<4x2x96xi32, #tpu.memory_space<vmem>> -> memref<1x1x96xi32, #tpu.memory_space<vmem>>
    %dma_wait3A_223 = tpu.memref_squeeze %dma_wait3A_222 : memref<1x1x96xi32, #tpu.memory_space<vmem>> -> memref<96xi32, #tpu.memory_space<vmem>>
    %dma_wait3A_224 = tpu.memref_slice %arg4[%mul3A_2] : memref<320000xi32, #tpu.memory_space<hbm>> -> memref<96xi32, #tpu.memory_space<hbm>>
    %dma_wait3A_225 = arith.constant 0 : i32
    %dma_wait3A_226 = tpu.memref_slice %arg7[%dma_wait3A_219, %dma_wait3A_220, %dma_wait3A_225] : memref<4x2x96xi32, #tpu.memory_space<vmem>> -> memref<1x1x96xi32, #tpu.memory_space<vmem>>
    %dma_wait3A_227 = tpu.memref_squeeze %dma_wait3A_226 : memref<1x1x96xi32, #tpu.memory_space<vmem>> -> memref<96xi32, #tpu.memory_space<vmem>>
    %dma_wait3A_228 = tpu.memref_slice %arg4[%mul3A_2] : memref<320000xi32, #tpu.memory_space<hbm>> -> memref<96xi32, #tpu.memory_space<hbm>>
    tpu.wait_dma2 semaphore(%arg11 : memref<!tpu.dma_semaphore, #tpu.memory_space<semaphore_mem>>) src(%dma_wait3A_228 : memref<96xi32, #tpu.memory_space<hbm>>) dst(%dma_wait3A_227 : memref<96xi32, #tpu.memory_space<vmem>>)
    %dma_start3A_229 = arith.constant 2 : i32
    %dma_start3A_230 = arith.constant 0 : i32
    %dma_start3A_231 = arith.constant 2 : i32
    %dma_start3A_232 = arith.constant 0 : i32
    %dma_start3A_233 = arith.constant 0 : i32
    %dma_start3A_234 = tpu.memref_slice %arg9[%dma_start3A_231, %dma_start3A_232, %dma_start3A_233] : memref<4x96x128xf32, #tpu.memory_space<vmem>> -> memref<1x96x128xf32, #tpu.memory_space<vmem>>
    %dma_start3A_235 = tpu.memref_squeeze %dma_start3A_234 : memref<1x96x128xf32, #tpu.memory_space<vmem>> -> memref<96x128xf32, #tpu.memory_space<vmem>>
    %dma_start3A_236 = arith.constant 0 : i32
    %dma_start3A_237 = tpu.memref_slice %arg7[%dma_start3A_229, %dma_start3A_230, %dma_start3A_236] : memref<4x2x96xi32, #tpu.memory_space<vmem>> -> memref<1x1x96xi32, #tpu.memory_space<vmem>>
    %dma_start3A_238 = tpu.memref_squeeze %dma_start3A_237 : memref<1x1x96xi32, #tpu.memory_space<vmem>> -> memref<96xi32, #tpu.memory_space<vmem>>
    %dma_start3A_239 = arith.constant 0 : i32
    %dma_start3A_240 = arith.constant 0 : i32
    %dma_start3A_241 = tpu.memref_slice %arg2[%dma_start3A_239, %dma_start3A_240] : memref<10000x128xf32, #tpu.memory_space<hbm>> -> memref<10000x128xf32, #tpu.memory_space<hbm>>
    tpu.enqueue_indirect_dma source(%dma_start3A_241 : memref<10000x128xf32, #tpu.memory_space<hbm>>) target(%dma_start3A_235 : memref<96x128xf32, #tpu.memory_space<vmem>>) offsets(%dma_start3A_238 : memref<96xi32, #tpu.memory_space<vmem>>) semaphore(%arg12 : memref<!tpu.dma_semaphore, #tpu.memory_space<semaphore_mem>>)
    %dma_start3A_242 = arith.constant 3 : i32
    %dma_start3A_243 = arith.constant 0 : i32
    %dma_start3A_244 = arith.constant 3 : i32
    %dma_start3A_245 = arith.constant 0 : i32
    %dma_start3A_246 = arith.constant 0 : i32
    %dma_start3A_247 = tpu.memref_slice %arg9[%dma_start3A_244, %dma_start3A_245, %dma_start3A_246] : memref<4x96x128xf32, #tpu.memory_space<vmem>> -> memref<1x96x128xf32, #tpu.memory_space<vmem>>
    %dma_start3A_248 = tpu.memref_squeeze %dma_start3A_247 : memref<1x96x128xf32, #tpu.memory_space<vmem>> -> memref<96x128xf32, #tpu.memory_space<vmem>>
    %dma_start3A_249 = arith.constant 0 : i32
    %dma_start3A_250 = tpu.memref_slice %arg7[%dma_start3A_242, %dma_start3A_243, %dma_start3A_249] : memref<4x2x96xi32, #tpu.memory_space<vmem>> -> memref<1x1x96xi32, #tpu.memory_space<vmem>>
    %dma_start3A_251 = tpu.memref_squeeze %dma_start3A_250 : memref<1x1x96xi32, #tpu.memory_space<vmem>> -> memref<96xi32, #tpu.memory_space<vmem>>
    %dma_start3A_252 = arith.constant 0 : i32
    %dma_start3A_253 = arith.constant 0 : i32
    %dma_start3A_254 = tpu.memref_slice %arg2[%dma_start3A_252, %dma_start3A_253] : memref<10000x128xf32, #tpu.memory_space<hbm>> -> memref<10000x128xf32, #tpu.memory_space<hbm>>
    tpu.enqueue_indirect_dma source(%dma_start3A_254 : memref<10000x128xf32, #tpu.memory_space<hbm>>) target(%dma_start3A_248 : memref<96x128xf32, #tpu.memory_space<vmem>>) offsets(%dma_start3A_251 : memref<96xi32, #tpu.memory_space<vmem>>) semaphore(%arg12 : memref<!tpu.dma_semaphore, #tpu.memory_space<semaphore_mem>>)
    %dma_wait3A_255 = arith.constant 2 : i32
    %dma_wait3A_256 = arith.constant 0 : i32
    %dma_wait3A_257 = arith.constant 2 : i32
    %dma_wait3A_258 = arith.constant 0 : i32
    %dma_wait3A_259 = arith.constant 0 : i32
    %dma_wait3A_260 = tpu.memref_slice %arg9[%dma_wait3A_257, %dma_wait3A_258, %dma_wait3A_259] : memref<4x96x128xf32, #tpu.memory_space<vmem>> -> memref<1x96x128xf32, #tpu.memory_space<vmem>>
    %dma_wait3A_261 = tpu.memref_squeeze %dma_wait3A_260 : memref<1x96x128xf32, #tpu.memory_space<vmem>> -> memref<96x128xf32, #tpu.memory_space<vmem>>
    %dma_wait3A_262 = arith.constant 0 : i32
    %dma_wait3A_263 = tpu.memref_slice %arg7[%dma_wait3A_255, %dma_wait3A_256, %dma_wait3A_262] : memref<4x2x96xi32, #tpu.memory_space<vmem>> -> memref<1x1x96xi32, #tpu.memory_space<vmem>>
    %dma_wait3A_264 = tpu.memref_squeeze %dma_wait3A_263 : memref<1x1x96xi32, #tpu.memory_space<vmem>> -> memref<96xi32, #tpu.memory_space<vmem>>
    %dma_wait3A_265 = arith.constant 0 : i32
    %dma_wait3A_266 = arith.constant 0 : i32
    %dma_wait3A_267 = tpu.memref_slice %arg2[%dma_wait3A_265, %dma_wait3A_266] : memref<10000x128xf32, #tpu.memory_space<hbm>> -> memref<10000x128xf32, #tpu.memory_space<hbm>>
    tpu.wait_indirect_dma semaphore(%arg12 : memref<!tpu.dma_semaphore, #tpu.memory_space<semaphore_mem>>) src(%dma_wait3A_267 : memref<10000x128xf32, #tpu.memory_space<hbm>>) dst(%dma_wait3A_261 : memref<96x128xf32, #tpu.memory_space<vmem>>)
    %dma_wait3A_268 = arith.constant 3 : i32
    %dma_wait3A_269 = arith.constant 0 : i32
    %dma_wait3A_270 = arith.constant 3 : i32
    %dma_wait3A_271 = arith.constant 0 : i32
    %dma_wait3A_272 = arith.constant 0 : i32
    %dma_wait3A_273 = tpu.memref_slice %arg9[%dma_wait3A_270, %dma_wait3A_271, %dma_wait3A_272] : memref<4x96x128xf32, #tpu.memory_space<vmem>> -> memref<1x96x128xf32, #tpu.memory_space<vmem>>
    %dma_wait3A_274 = tpu.memref_squeeze %dma_wait3A_273 : memref<1x96x128xf32, #tpu.memory_space<vmem>> -> memref<96x128xf32, #tpu.memory_space<vmem>>
    %dma_wait3A_275 = arith.constant 0 : i32
    %dma_wait3A_276 = tpu.memref_slice %arg7[%dma_wait3A_268, %dma_wait3A_269, %dma_wait3A_275] : memref<4x2x96xi32, #tpu.memory_space<vmem>> -> memref<1x1x96xi32, #tpu.memory_space<vmem>>
    %dma_wait3A_277 = tpu.memref_squeeze %dma_wait3A_276 : memref<1x1x96xi32, #tpu.memory_space<vmem>> -> memref<96xi32, #tpu.memory_space<vmem>>
    %dma_wait3A_278 = arith.constant 0 : i32
    %dma_wait3A_279 = arith.constant 0 : i32
    %dma_wait3A_280 = tpu.memref_slice %arg2[%dma_wait3A_278, %dma_wait3A_279] : memref<10000x128xf32, #tpu.memory_space<hbm>> -> memref<10000x128xf32, #tpu.memory_space<hbm>>
    tpu.wait_indirect_dma semaphore(%arg12 : memref<!tpu.dma_semaphore, #tpu.memory_space<semaphore_mem>>) src(%dma_wait3A_280 : memref<10000x128xf32, #tpu.memory_space<hbm>>) dst(%dma_wait3A_274 : memref<96x128xf32, #tpu.memory_space<vmem>>)
    %dma_wait3A_281 = arith.constant 0 : i32
    %dma_wait3A_282 = tpu.memref_slice %arg10[%mul3A_4, %dma_wait3A_281] : memref<10000x128xf32, #tpu.memory_space<vmem_shared>> -> memref<624x128xf32, #tpu.memory_space<vmem_shared>>
    %dma_wait3A_283 = arith.constant 0 : i32
    %dma_wait3A_284 = tpu.memref_slice %arg5[%mul3A_4, %dma_wait3A_283] : memref<10000x128xf32, #tpu.memory_space<hbm>> -> memref<624x128xf32, #tpu.memory_space<hbm>>
    tpu.wait_dma2 semaphore(%arg14 : memref<!tpu.dma_semaphore, #tpu.memory_space<semaphore_mem>>) src(%dma_wait3A_284 : memref<624x128xf32, #tpu.memory_space<hbm>>) dst(%dma_wait3A_282 : memref<624x128xf32, #tpu.memory_space<vmem_shared>>)
    %eq3A_285 = arith.constant 0 : i32
    %eq3A_286 = arith.cmpi eq, %arg1, %eq3A_285 : i32
    %convert_element_type3A_287 = arith.extui %eq3A_286 : i1 to i32
    %cond3A_288 = arith.constant 0 : i32
    %cond3A_289 = arith.cmpi ne, %convert_element_type3A_287, %cond3A_288 : i32
    scf.if %cond3A_289 {
      %dma_wait3A_503 = arith.constant 9984 : i32
      %dma_wait3A_504 = arith.constant 0 : i32
      %dma_wait3A_505 = tpu.memref_slice %arg10[%dma_wait3A_503, %dma_wait3A_504] : memref<10000x128xf32, #tpu.memory_space<vmem_shared>> -> memref<16x128xf32, #tpu.memory_space<vmem_shared>>
      %dma_wait3A_506 = arith.constant 9984 : i32
      %dma_wait3A_507 = arith.constant 0 : i32
      %dma_wait3A_508 = tpu.memref_slice %arg5[%dma_wait3A_506, %dma_wait3A_507] : memref<10000x128xf32, #tpu.memory_space<hbm>> -> memref<16x128xf32, #tpu.memory_space<hbm>>
      tpu.wait_dma2 semaphore(%arg14 : memref<!tpu.dma_semaphore, #tpu.memory_space<semaphore_mem>>) src(%dma_wait3A_508 : memref<16x128xf32, #tpu.memory_space<hbm>>) dst(%dma_wait3A_505 : memref<16x128xf32, #tpu.memory_space<vmem_shared>>)
    } else {
    }
    %barrier3A = arith.constant 0 : index
    tpu.barrier barrier_id(%barrier3A)
    %dma_start3A_290 = arith.constant 0 : i32
    %dma_start3A_291 = arith.constant 0 : i32
    %dma_start3A_292 = arith.constant 1 : i32
    %dma_start3A_293 = arith.constant 0 : i32
    %dma_start3A_294 = arith.constant 0 : i32
    %dma_start3A_295 = tpu.memref_slice %arg9[%dma_start3A_290, %dma_start3A_293, %dma_start3A_294] : memref<4x96x128xf32, #tpu.memory_space<vmem>> -> memref<1x96x128xf32, #tpu.memory_space<vmem>>
    %dma_start3A_296 = tpu.memref_squeeze %dma_start3A_295 : memref<1x96x128xf32, #tpu.memory_space<vmem>> -> memref<96x128xf32, #tpu.memory_space<vmem>>
    %dma_start3A_297 = arith.constant 0 : i32
    %dma_start3A_298 = tpu.memref_slice %arg7[%dma_start3A_291, %dma_start3A_292, %dma_start3A_297] : memref<4x2x96xi32, #tpu.memory_space<vmem>> -> memref<1x1x96xi32, #tpu.memory_space<vmem>>
    %dma_start3A_299 = tpu.memref_squeeze %dma_start3A_298 : memref<1x1x96xi32, #tpu.memory_space<vmem>> -> memref<96xi32, #tpu.memory_space<vmem>>
    %dma_start3A_300 = arith.constant 0 : i32
    %dma_start3A_301 = arith.constant 0 : i32
    %dma_start3A_302 = tpu.memref_slice %arg10[%dma_start3A_300, %dma_start3A_301] : memref<10000x128xf32, #tpu.memory_space<vmem_shared>> -> memref<10000x128xf32, #tpu.memory_space<vmem_shared>>
    tpu.enqueue_indirect_dma source(%dma_start3A_296 : memref<96x128xf32, #tpu.memory_space<vmem>>) target(%dma_start3A_302 : memref<10000x128xf32, #tpu.memory_space<vmem_shared>>) offsets(%dma_start3A_299 : memref<96xi32, #tpu.memory_space<vmem>>) semaphore(%arg13 : memref<!tpu.dma_semaphore, #tpu.memory_space<semaphore_mem>>) {add = true}
    %dma_start3A_303 = arith.constant 1 : i32
    %dma_start3A_304 = arith.constant 1 : i32
    %dma_start3A_305 = arith.constant 1 : i32
    %dma_start3A_306 = arith.constant 0 : i32
    %dma_start3A_307 = arith.constant 0 : i32
    %dma_start3A_308 = tpu.memref_slice %arg9[%dma_start3A_303, %dma_start3A_306, %dma_start3A_307] : memref<4x96x128xf32, #tpu.memory_space<vmem>> -> memref<1x96x128xf32, #tpu.memory_space<vmem>>
    %dma_start3A_309 = tpu.memref_squeeze %dma_start3A_308 : memref<1x96x128xf32, #tpu.memory_space<vmem>> -> memref<96x128xf32, #tpu.memory_space<vmem>>
    %dma_start3A_310 = arith.constant 0 : i32
    %dma_start3A_311 = tpu.memref_slice %arg7[%dma_start3A_304, %dma_start3A_305, %dma_start3A_310] : memref<4x2x96xi32, #tpu.memory_space<vmem>> -> memref<1x1x96xi32, #tpu.memory_space<vmem>>
    %dma_start3A_312 = tpu.memref_squeeze %dma_start3A_311 : memref<1x1x96xi32, #tpu.memory_space<vmem>> -> memref<96xi32, #tpu.memory_space<vmem>>
    %dma_start3A_313 = arith.constant 0 : i32
    %dma_start3A_314 = arith.constant 0 : i32
    %dma_start3A_315 = tpu.memref_slice %arg10[%dma_start3A_313, %dma_start3A_314] : memref<10000x128xf32, #tpu.memory_space<vmem_shared>> -> memref<10000x128xf32, #tpu.memory_space<vmem_shared>>
    tpu.enqueue_indirect_dma source(%dma_start3A_309 : memref<96x128xf32, #tpu.memory_space<vmem>>) target(%dma_start3A_315 : memref<10000x128xf32, #tpu.memory_space<vmem_shared>>) offsets(%dma_start3A_312 : memref<96xi32, #tpu.memory_space<vmem>>) semaphore(%arg13 : memref<!tpu.dma_semaphore, #tpu.memory_space<semaphore_mem>>) {add = true}
    %dma_start3A_316 = arith.constant 2 : i32
    %dma_start3A_317 = arith.constant 2 : i32
    %dma_start3A_318 = arith.constant 1 : i32
    %dma_start3A_319 = arith.constant 0 : i32
    %dma_start3A_320 = arith.constant 0 : i32
    %dma_start3A_321 = tpu.memref_slice %arg9[%dma_start3A_316, %dma_start3A_319, %dma_start3A_320] : memref<4x96x128xf32, #tpu.memory_space<vmem>> -> memref<1x96x128xf32, #tpu.memory_space<vmem>>
    %dma_start3A_322 = tpu.memref_squeeze %dma_start3A_321 : memref<1x96x128xf32, #tpu.memory_space<vmem>> -> memref<96x128xf32, #tpu.memory_space<vmem>>
    %dma_start3A_323 = arith.constant 0 : i32
    %dma_start3A_324 = tpu.memref_slice %arg7[%dma_start3A_317, %dma_start3A_318, %dma_start3A_323] : memref<4x2x96xi32, #tpu.memory_space<vmem>> -> memref<1x1x96xi32, #tpu.memory_space<vmem>>
    %dma_start3A_325 = tpu.memref_squeeze %dma_start3A_324 : memref<1x1x96xi32, #tpu.memory_space<vmem>> -> memref<96xi32, #tpu.memory_space<vmem>>
    %dma_start3A_326 = arith.constant 0 : i32
    %dma_start3A_327 = arith.constant 0 : i32
    %dma_start3A_328 = tpu.memref_slice %arg10[%dma_start3A_326, %dma_start3A_327] : memref<10000x128xf32, #tpu.memory_space<vmem_shared>> -> memref<10000x128xf32, #tpu.memory_space<vmem_shared>>
    tpu.enqueue_indirect_dma source(%dma_start3A_322 : memref<96x128xf32, #tpu.memory_space<vmem>>) target(%dma_start3A_328 : memref<10000x128xf32, #tpu.memory_space<vmem_shared>>) offsets(%dma_start3A_325 : memref<96xi32, #tpu.memory_space<vmem>>) semaphore(%arg13 : memref<!tpu.dma_semaphore, #tpu.memory_space<semaphore_mem>>) {add = true}
    %dma_start3A_329 = arith.constant 3 : i32
    %dma_start3A_330 = arith.constant 3 : i32
    %dma_start3A_331 = arith.constant 1 : i32
    %dma_start3A_332 = arith.constant 0 : i32
    %dma_start3A_333 = arith.constant 0 : i32
    %dma_start3A_334 = tpu.memref_slice %arg9[%dma_start3A_329, %dma_start3A_332, %dma_start3A_333] : memref<4x96x128xf32, #tpu.memory_space<vmem>> -> memref<1x96x128xf32, #tpu.memory_space<vmem>>
    %dma_start3A_335 = tpu.memref_squeeze %dma_start3A_334 : memref<1x96x128xf32, #tpu.memory_space<vmem>> -> memref<96x128xf32, #tpu.memory_space<vmem>>
    %dma_start3A_336 = arith.constant 0 : i32
    %dma_start3A_337 = tpu.memref_slice %arg7[%dma_start3A_330, %dma_start3A_331, %dma_start3A_336] : memref<4x2x96xi32, #tpu.memory_space<vmem>> -> memref<1x1x96xi32, #tpu.memory_space<vmem>>
    %dma_start3A_338 = tpu.memref_squeeze %dma_start3A_337 : memref<1x1x96xi32, #tpu.memory_space<vmem>> -> memref<96xi32, #tpu.memory_space<vmem>>
    %dma_start3A_339 = arith.constant 0 : i32
    %dma_start3A_340 = arith.constant 0 : i32
    %dma_start3A_341 = tpu.memref_slice %arg10[%dma_start3A_339, %dma_start3A_340] : memref<10000x128xf32, #tpu.memory_space<vmem_shared>> -> memref<10000x128xf32, #tpu.memory_space<vmem_shared>>
    tpu.enqueue_indirect_dma source(%dma_start3A_335 : memref<96x128xf32, #tpu.memory_space<vmem>>) target(%dma_start3A_341 : memref<10000x128xf32, #tpu.memory_space<vmem_shared>>) offsets(%dma_start3A_338 : memref<96xi32, #tpu.memory_space<vmem>>) semaphore(%arg13 : memref<!tpu.dma_semaphore, #tpu.memory_space<semaphore_mem>>) {add = true}
    %scan3A = arith.constant 0 : i32
    %scan3A_342 = arith.constant 0 : i32
    %scan3A_343 = arith.constant 25 : i32
    %scan3A_344 = arith.addi %scan3A_342, %scan3A_343 : i32
    %scan3A_345 = arith.constant 1 : i32
    scf.for %scan3A_503 = %scan3A_342 to %scan3A_344 step %scan3A_345  : i32 {
      %mul3A_504 = arith.constant 2 : i32
      %mul3A_505 = arith.muli %mul3A_504, %scan3A_503 : i32
      %add3A_506 = arith.constant 2 : i32
      %add3A_507 = arith.addi %mul3A_505, %add3A_506 : i32
      %dma_wait3A_508 = arith.constant 0 : i32
      %dma_wait3A_509 = arith.constant 0 : i32
      %dma_wait3A_510 = arith.constant 1 : i32
      %dma_wait3A_511 = arith.constant 0 : i32
      %dma_wait3A_512 = arith.constant 0 : i32
      %dma_wait3A_513 = tpu.memref_slice %arg9[%dma_wait3A_508, %dma_wait3A_511, %dma_wait3A_512] : memref<4x96x128xf32, #tpu.memory_space<vmem>> -> memref<1x96x128xf32, #tpu.memory_space<vmem>>
      %dma_wait3A_514 = tpu.memref_squeeze %dma_wait3A_513 : memref<1x96x128xf32, #tpu.memory_space<vmem>> -> memref<96x128xf32, #tpu.memory_space<vmem>>
      %dma_wait3A_515 = arith.constant 0 : i32
      %dma_wait3A_516 = tpu.memref_slice %arg7[%dma_wait3A_509, %dma_wait3A_510, %dma_wait3A_515] : memref<4x2x96xi32, #tpu.memory_space<vmem>> -> memref<1x1x96xi32, #tpu.memory_space<vmem>>
      %dma_wait3A_517 = tpu.memref_squeeze %dma_wait3A_516 : memref<1x1x96xi32, #tpu.memory_space<vmem>> -> memref<96xi32, #tpu.memory_space<vmem>>
      %dma_wait3A_518 = arith.constant 0 : i32
      %dma_wait3A_519 = arith.constant 0 : i32
      %dma_wait3A_520 = tpu.memref_slice %arg10[%dma_wait3A_518, %dma_wait3A_519] : memref<10000x128xf32, #tpu.memory_space<vmem_shared>> -> memref<10000x128xf32, #tpu.memory_space<vmem_shared>>
      tpu.wait_indirect_dma semaphore(%arg13 : memref<!tpu.dma_semaphore, #tpu.memory_space<semaphore_mem>>) src(%dma_wait3A_514 : memref<96x128xf32, #tpu.memory_space<vmem>>) dst(%dma_wait3A_520 : memref<10000x128xf32, #tpu.memory_space<vmem_shared>>)
      %dma_wait3A_521 = arith.constant 1 : i32
      %dma_wait3A_522 = arith.constant 1 : i32
      %dma_wait3A_523 = arith.constant 1 : i32
      %dma_wait3A_524 = arith.constant 0 : i32
      %dma_wait3A_525 = arith.constant 0 : i32
      %dma_wait3A_526 = tpu.memref_slice %arg9[%dma_wait3A_521, %dma_wait3A_524, %dma_wait3A_525] : memref<4x96x128xf32, #tpu.memory_space<vmem>> -> memref<1x96x128xf32, #tpu.memory_space<vmem>>
      %dma_wait3A_527 = tpu.memref_squeeze %dma_wait3A_526 : memref<1x96x128xf32, #tpu.memory_space<vmem>> -> memref<96x128xf32, #tpu.memory_space<vmem>>
      %dma_wait3A_528 = arith.constant 0 : i32
      %dma_wait3A_529 = tpu.memref_slice %arg7[%dma_wait3A_522, %dma_wait3A_523, %dma_wait3A_528] : memref<4x2x96xi32, #tpu.memory_space<vmem>> -> memref<1x1x96xi32, #tpu.memory_space<vmem>>
      %dma_wait3A_530 = tpu.memref_squeeze %dma_wait3A_529 : memref<1x1x96xi32, #tpu.memory_space<vmem>> -> memref<96xi32, #tpu.memory_space<vmem>>
      %dma_wait3A_531 = arith.constant 0 : i32
      %dma_wait3A_532 = arith.constant 0 : i32
      %dma_wait3A_533 = tpu.memref_slice %arg10[%dma_wait3A_531, %dma_wait3A_532] : memref<10000x128xf32, #tpu.memory_space<vmem_shared>> -> memref<10000x128xf32, #tpu.memory_space<vmem_shared>>
      tpu.wait_indirect_dma semaphore(%arg13 : memref<!tpu.dma_semaphore, #tpu.memory_space<semaphore_mem>>) src(%dma_wait3A_527 : memref<96x128xf32, #tpu.memory_space<vmem>>) dst(%dma_wait3A_533 : memref<10000x128xf32, #tpu.memory_space<vmem_shared>>)
      %mul3A_534 = arith.constant 2 : i32
      %mul3A_535 = arith.muli %add3A_507, %mul3A_534 : i32
      %add3A_536 = arith.constant 0 : i32
      %add3A_537 = arith.addi %mul3A_535, %add3A_536 : i32
      %mul3A_538 = arith.constant 96 : i32
      %mul3A_539 = arith.muli %add3A_537, %mul3A_538 : i32
      %add3A_540 = arith.addi %mul3A_2, %mul3A_539 : i32
      %dma_start3A_541 = arith.constant 0 : i32
      %dma_start3A_542 = arith.constant 0 : i32
      %dma_start3A_543 = arith.constant 0 : i32
      %dma_start3A_544 = tpu.memref_slice %arg7[%dma_start3A_541, %dma_start3A_542, %dma_start3A_543] : memref<4x2x96xi32, #tpu.memory_space<vmem>> -> memref<1x1x96xi32, #tpu.memory_space<vmem>>
      %dma_start3A_545 = tpu.memref_squeeze %dma_start3A_544 : memref<1x1x96xi32, #tpu.memory_space<vmem>> -> memref<96xi32, #tpu.memory_space<vmem>>
      %dma_start3A_546 = tpu.memref_slice %arg3[%add3A_540] : memref<320000xi32, #tpu.memory_space<hbm>> -> memref<96xi32, #tpu.memory_space<hbm>>
      %dma_start3A_547 = arith.constant 0 : i32
      %dma_start3A_548 = tpu.memref_slice %arg7[%dma_start3A_541, %dma_start3A_542, %dma_start3A_547] : memref<4x2x96xi32, #tpu.memory_space<vmem>> -> memref<1x1x96xi32, #tpu.memory_space<vmem>>
      %dma_start3A_549 = tpu.memref_squeeze %dma_start3A_548 : memref<1x1x96xi32, #tpu.memory_space<vmem>> -> memref<96xi32, #tpu.memory_space<vmem>>
      %dma_start3A_550 = tpu.memref_slice %arg3[%add3A_540] : memref<320000xi32, #tpu.memory_space<hbm>> -> memref<96xi32, #tpu.memory_space<hbm>>
      tpu.enqueue_dma source(%dma_start3A_550 : memref<96xi32, #tpu.memory_space<hbm>>) target(%dma_start3A_549 : memref<96xi32, #tpu.memory_space<vmem>>) target_semaphore(%arg11 : memref<!tpu.dma_semaphore, #tpu.memory_space<semaphore_mem>>)
      %dma_start3A_551 = arith.constant 0 : i32
      %dma_start3A_552 = arith.constant 1 : i32
      %dma_start3A_553 = arith.constant 0 : i32
      %dma_start3A_554 = tpu.memref_slice %arg7[%dma_start3A_551, %dma_start3A_552, %dma_start3A_553] : memref<4x2x96xi32, #tpu.memory_space<vmem>> -> memref<1x1x96xi32, #tpu.memory_space<vmem>>
      %dma_start3A_555 = tpu.memref_squeeze %dma_start3A_554 : memref<1x1x96xi32, #tpu.memory_space<vmem>> -> memref<96xi32, #tpu.memory_space<vmem>>
      %dma_start3A_556 = tpu.memref_slice %arg4[%add3A_540] : memref<320000xi32, #tpu.memory_space<hbm>> -> memref<96xi32, #tpu.memory_space<hbm>>
      %dma_start3A_557 = arith.constant 0 : i32
      %dma_start3A_558 = tpu.memref_slice %arg7[%dma_start3A_551, %dma_start3A_552, %dma_start3A_557] : memref<4x2x96xi32, #tpu.memory_space<vmem>> -> memref<1x1x96xi32, #tpu.memory_space<vmem>>
      %dma_start3A_559 = tpu.memref_squeeze %dma_start3A_558 : memref<1x1x96xi32, #tpu.memory_space<vmem>> -> memref<96xi32, #tpu.memory_space<vmem>>
      %dma_start3A_560 = tpu.memref_slice %arg4[%add3A_540] : memref<320000xi32, #tpu.memory_space<hbm>> -> memref<96xi32, #tpu.memory_space<hbm>>
      tpu.enqueue_dma source(%dma_start3A_560 : memref<96xi32, #tpu.memory_space<hbm>>) target(%dma_start3A_559 : memref<96xi32, #tpu.memory_space<vmem>>) target_semaphore(%arg11 : memref<!tpu.dma_semaphore, #tpu.memory_space<semaphore_mem>>)
      %mul3A_561 = arith.constant 2 : i32
      %mul3A_562 = arith.muli %add3A_507, %mul3A_561 : i32
      %add3A_563 = arith.constant 1 : i32
      %add3A_564 = arith.addi %mul3A_562, %add3A_563 : i32
      %mul3A_565 = arith.constant 96 : i32
      %mul3A_566 = arith.muli %add3A_564, %mul3A_565 : i32
      %add3A_567 = arith.addi %mul3A_2, %mul3A_566 : i32
      %dma_start3A_568 = arith.constant 1 : i32
      %dma_start3A_569 = arith.constant 0 : i32
      %dma_start3A_570 = arith.constant 0 : i32
      %dma_start3A_571 = tpu.memref_slice %arg7[%dma_start3A_568, %dma_start3A_569, %dma_start3A_570] : memref<4x2x96xi32, #tpu.memory_space<vmem>> -> memref<1x1x96xi32, #tpu.memory_space<vmem>>
      %dma_start3A_572 = tpu.memref_squeeze %dma_start3A_571 : memref<1x1x96xi32, #tpu.memory_space<vmem>> -> memref<96xi32, #tpu.memory_space<vmem>>
      %dma_start3A_573 = tpu.memref_slice %arg3[%add3A_567] : memref<320000xi32, #tpu.memory_space<hbm>> -> memref<96xi32, #tpu.memory_space<hbm>>
      %dma_start3A_574 = arith.constant 0 : i32
      %dma_start3A_575 = tpu.memref_slice %arg7[%dma_start3A_568, %dma_start3A_569, %dma_start3A_574] : memref<4x2x96xi32, #tpu.memory_space<vmem>> -> memref<1x1x96xi32, #tpu.memory_space<vmem>>
      %dma_start3A_576 = tpu.memref_squeeze %dma_start3A_575 : memref<1x1x96xi32, #tpu.memory_space<vmem>> -> memref<96xi32, #tpu.memory_space<vmem>>
      %dma_start3A_577 = tpu.memref_slice %arg3[%add3A_567] : memref<320000xi32, #tpu.memory_space<hbm>> -> memref<96xi32, #tpu.memory_space<hbm>>
      tpu.enqueue_dma source(%dma_start3A_577 : memref<96xi32, #tpu.memory_space<hbm>>) target(%dma_start3A_576 : memref<96xi32, #tpu.memory_space<vmem>>) target_semaphore(%arg11 : memref<!tpu.dma_semaphore, #tpu.memory_space<semaphore_mem>>)
      %dma_start3A_578 = arith.constant 1 : i32
      %dma_start3A_579 = arith.constant 1 : i32
      %dma_start3A_580 = arith.constant 0 : i32
      %dma_start3A_581 = tpu.memref_slice %arg7[%dma_start3A_578, %dma_start3A_579, %dma_start3A_580] : memref<4x2x96xi32, #tpu.memory_space<vmem>> -> memref<1x1x96xi32, #tpu.memory_space<vmem>>
      %dma_start3A_582 = tpu.memref_squeeze %dma_start3A_581 : memref<1x1x96xi32, #tpu.memory_space<vmem>> -> memref<96xi32, #tpu.memory_space<vmem>>
      %dma_start3A_583 = tpu.memref_slice %arg4[%add3A_567] : memref<320000xi32, #tpu.memory_space<hbm>> -> memref<96xi32, #tpu.memory_space<hbm>>
      %dma_start3A_584 = arith.constant 0 : i32
      %dma_start3A_585 = tpu.memref_slice %arg7[%dma_start3A_578, %dma_start3A_579, %dma_start3A_584] : memref<4x2x96xi32, #tpu.memory_space<vmem>> -> memref<1x1x96xi32, #tpu.memory_space<vmem>>
      %dma_start3A_586 = tpu.memref_squeeze %dma_start3A_585 : memref<1x1x96xi32, #tpu.memory_space<vmem>> -> memref<96xi32, #tpu.memory_space<vmem>>
      %dma_start3A_587 = tpu.memref_slice %arg4[%add3A_567] : memref<320000xi32, #tpu.memory_space<hbm>> -> memref<96xi32, #tpu.memory_space<hbm>>
      tpu.enqueue_dma source(%dma_start3A_587 : memref<96xi32, #tpu.memory_space<hbm>>) target(%dma_start3A_586 : memref<96xi32, #tpu.memory_space<vmem>>) target_semaphore(%arg11 : memref<!tpu.dma_semaphore, #tpu.memory_space<semaphore_mem>>)
      %dma_wait3A_588 = arith.constant 0 : i32
      %dma_wait3A_589 = arith.constant 0 : i32
      %dma_wait3A_590 = arith.constant 0 : i32
      %dma_wait3A_591 = tpu.memref_slice %arg7[%dma_wait3A_588, %dma_wait3A_589, %dma_wait3A_590] : memref<4x2x96xi32, #tpu.memory_space<vmem>> -> memref<1x1x96xi32, #tpu.memory_space<vmem>>
      %dma_wait3A_592 = tpu.memref_squeeze %dma_wait3A_591 : memref<1x1x96xi32, #tpu.memory_space<vmem>> -> memref<96xi32, #tpu.memory_space<vmem>>
      %dma_wait3A_593 = tpu.memref_slice %arg3[%mul3A_2] : memref<320000xi32, #tpu.memory_space<hbm>> -> memref<96xi32, #tpu.memory_space<hbm>>
      %dma_wait3A_594 = arith.constant 0 : i32
      %dma_wait3A_595 = tpu.memref_slice %arg7[%dma_wait3A_588, %dma_wait3A_589, %dma_wait3A_594] : memref<4x2x96xi32, #tpu.memory_space<vmem>> -> memref<1x1x96xi32, #tpu.memory_space<vmem>>
      %dma_wait3A_596 = tpu.memref_squeeze %dma_wait3A_595 : memref<1x1x96xi32, #tpu.memory_space<vmem>> -> memref<96xi32, #tpu.memory_space<vmem>>
      %dma_wait3A_597 = tpu.memref_slice %arg3[%mul3A_2] : memref<320000xi32, #tpu.memory_space<hbm>> -> memref<96xi32, #tpu.memory_space<hbm>>
      tpu.wait_dma2 semaphore(%arg11 : memref<!tpu.dma_semaphore, #tpu.memory_space<semaphore_mem>>) src(%dma_wait3A_597 : memref<96xi32, #tpu.memory_space<hbm>>) dst(%dma_wait3A_596 : memref<96xi32, #tpu.memory_space<vmem>>)
      %dma_wait3A_598 = arith.constant 0 : i32
      %dma_wait3A_599 = arith.constant 1 : i32
      %dma_wait3A_600 = arith.constant 0 : i32
      %dma_wait3A_601 = tpu.memref_slice %arg7[%dma_wait3A_598, %dma_wait3A_599, %dma_wait3A_600] : memref<4x2x96xi32, #tpu.memory_space<vmem>> -> memref<1x1x96xi32, #tpu.memory_space<vmem>>
      %dma_wait3A_602 = tpu.memref_squeeze %dma_wait3A_601 : memref<1x1x96xi32, #tpu.memory_space<vmem>> -> memref<96xi32, #tpu.memory_space<vmem>>
      %dma_wait3A_603 = tpu.memref_slice %arg4[%mul3A_2] : memref<320000xi32, #tpu.memory_space<hbm>> -> memref<96xi32, #tpu.memory_space<hbm>>
      %dma_wait3A_604 = arith.constant 0 : i32
      %dma_wait3A_605 = tpu.memref_slice %arg7[%dma_wait3A_598, %dma_wait3A_599, %dma_wait3A_604] : memref<4x2x96xi32, #tpu.memory_space<vmem>> -> memref<1x1x96xi32, #tpu.memory_space<vmem>>
      %dma_wait3A_606 = tpu.memref_squeeze %dma_wait3A_605 : memref<1x1x96xi32, #tpu.memory_space<vmem>> -> memref<96xi32, #tpu.memory_space<vmem>>
      %dma_wait3A_607 = tpu.memref_slice %arg4[%mul3A_2] : memref<320000xi32, #tpu.memory_space<hbm>> -> memref<96xi32, #tpu.memory_space<hbm>>
      tpu.wait_dma2 semaphore(%arg11 : memref<!tpu.dma_semaphore, #tpu.memory_space<semaphore_mem>>) src(%dma_wait3A_607 : memref<96xi32, #tpu.memory_space<hbm>>) dst(%dma_wait3A_606 : memref<96xi32, #tpu.memory_space<vmem>>)
      %dma_wait3A_608 = arith.constant 1 : i32
      %dma_wait3A_609 = arith.constant 0 : i32
      %dma_wait3A_610 = arith.constant 0 : i32
      %dma_wait3A_611 = tpu.memref_slice %arg7[%dma_wait3A_608, %dma_wait3A_609, %dma_wait3A_610] : memref<4x2x96xi32, #tpu.memory_space<vmem>> -> memref<1x1x96xi32, #tpu.memory_space<vmem>>
      %dma_wait3A_612 = tpu.memref_squeeze %dma_wait3A_611 : memref<1x1x96xi32, #tpu.memory_space<vmem>> -> memref<96xi32, #tpu.memory_space<vmem>>
      %dma_wait3A_613 = tpu.memref_slice %arg3[%mul3A_2] : memref<320000xi32, #tpu.memory_space<hbm>> -> memref<96xi32, #tpu.memory_space<hbm>>
      %dma_wait3A_614 = arith.constant 0 : i32
      %dma_wait3A_615 = tpu.memref_slice %arg7[%dma_wait3A_608, %dma_wait3A_609, %dma_wait3A_614] : memref<4x2x96xi32, #tpu.memory_space<vmem>> -> memref<1x1x96xi32, #tpu.memory_space<vmem>>
      %dma_wait3A_616 = tpu.memref_squeeze %dma_wait3A_615 : memref<1x1x96xi32, #tpu.memory_space<vmem>> -> memref<96xi32, #tpu.memory_space<vmem>>
      %dma_wait3A_617 = tpu.memref_slice %arg3[%mul3A_2] : memref<320000xi32, #tpu.memory_space<hbm>> -> memref<96xi32, #tpu.memory_space<hbm>>
      tpu.wait_dma2 semaphore(%arg11 : memref<!tpu.dma_semaphore, #tpu.memory_space<semaphore_mem>>) src(%dma_wait3A_617 : memref<96xi32, #tpu.memory_space<hbm>>) dst(%dma_wait3A_616 : memref<96xi32, #tpu.memory_space<vmem>>)
      %dma_wait3A_618 = arith.constant 1 : i32
      %dma_wait3A_619 = arith.constant 1 : i32
      %dma_wait3A_620 = arith.constant 0 : i32
      %dma_wait3A_621 = tpu.memref_slice %arg7[%dma_wait3A_618, %dma_wait3A_619, %dma_wait3A_620] : memref<4x2x96xi32, #tpu.memory_space<vmem>> -> memref<1x1x96xi32, #tpu.memory_space<vmem>>
      %dma_wait3A_622 = tpu.memref_squeeze %dma_wait3A_621 : memref<1x1x96xi32, #tpu.memory_space<vmem>> -> memref<96xi32, #tpu.memory_space<vmem>>
      %dma_wait3A_623 = tpu.memref_slice %arg4[%mul3A_2] : memref<320000xi32, #tpu.memory_space<hbm>> -> memref<96xi32, #tpu.memory_space<hbm>>
      %dma_wait3A_624 = arith.constant 0 : i32
      %dma_wait3A_625 = tpu.memref_slice %arg7[%dma_wait3A_618, %dma_wait3A_619, %dma_wait3A_624] : memref<4x2x96xi32, #tpu.memory_space<vmem>> -> memref<1x1x96xi32, #tpu.memory_space<vmem>>
      %dma_wait3A_626 = tpu.memref_squeeze %dma_wait3A_625 : memref<1x1x96xi32, #tpu.memory_space<vmem>> -> memref<96xi32, #tpu.memory_space<vmem>>
      %dma_wait3A_627 = tpu.memref_slice %arg4[%mul3A_2] : memref<320000xi32, #tpu.memory_space<hbm>> -> memref<96xi32, #tpu.memory_space<hbm>>
      tpu.wait_dma2 semaphore(%arg11 : memref<!tpu.dma_semaphore, #tpu.memory_space<semaphore_mem>>) src(%dma_wait3A_627 : memref<96xi32, #tpu.memory_space<hbm>>) dst(%dma_wait3A_626 : memref<96xi32, #tpu.memory_space<vmem>>)
      %dma_start3A_628 = arith.constant 0 : i32
      %dma_start3A_629 = arith.constant 0 : i32
      %dma_start3A_630 = arith.constant 0 : i32
      %dma_start3A_631 = arith.constant 0 : i32
      %dma_start3A_632 = arith.constant 0 : i32
      %dma_start3A_633 = tpu.memref_slice %arg9[%dma_start3A_630, %dma_start3A_631, %dma_start3A_632] : memref<4x96x128xf32, #tpu.memory_space<vmem>> -> memref<1x96x128xf32, #tpu.memory_space<vmem>>
      %dma_start3A_634 = tpu.memref_squeeze %dma_start3A_633 : memref<1x96x128xf32, #tpu.memory_space<vmem>> -> memref<96x128xf32, #tpu.memory_space<vmem>>
      %dma_start3A_635 = arith.constant 0 : i32
      %dma_start3A_636 = tpu.memref_slice %arg7[%dma_start3A_628, %dma_start3A_629, %dma_start3A_635] : memref<4x2x96xi32, #tpu.memory_space<vmem>> -> memref<1x1x96xi32, #tpu.memory_space<vmem>>
      %dma_start3A_637 = tpu.memref_squeeze %dma_start3A_636 : memref<1x1x96xi32, #tpu.memory_space<vmem>> -> memref<96xi32, #tpu.memory_space<vmem>>
      %dma_start3A_638 = arith.constant 0 : i32
      %dma_start3A_639 = arith.constant 0 : i32
      %dma_start3A_640 = tpu.memref_slice %arg2[%dma_start3A_638, %dma_start3A_639] : memref<10000x128xf32, #tpu.memory_space<hbm>> -> memref<10000x128xf32, #tpu.memory_space<hbm>>
      tpu.enqueue_indirect_dma source(%dma_start3A_640 : memref<10000x128xf32, #tpu.memory_space<hbm>>) target(%dma_start3A_634 : memref<96x128xf32, #tpu.memory_space<vmem>>) offsets(%dma_start3A_637 : memref<96xi32, #tpu.memory_space<vmem>>) semaphore(%arg12 : memref<!tpu.dma_semaphore, #tpu.memory_space<semaphore_mem>>)
      %dma_start3A_641 = arith.constant 1 : i32
      %dma_start3A_642 = arith.constant 0 : i32
      %dma_start3A_643 = arith.constant 1 : i32
      %dma_start3A_644 = arith.constant 0 : i32
      %dma_start3A_645 = arith.constant 0 : i32
      %dma_start3A_646 = tpu.memref_slice %arg9[%dma_start3A_643, %dma_start3A_644, %dma_start3A_645] : memref<4x96x128xf32, #tpu.memory_space<vmem>> -> memref<1x96x128xf32, #tpu.memory_space<vmem>>
      %dma_start3A_647 = tpu.memref_squeeze %dma_start3A_646 : memref<1x96x128xf32, #tpu.memory_space<vmem>> -> memref<96x128xf32, #tpu.memory_space<vmem>>
      %dma_start3A_648 = arith.constant 0 : i32
      %dma_start3A_649 = tpu.memref_slice %arg7[%dma_start3A_641, %dma_start3A_642, %dma_start3A_648] : memref<4x2x96xi32, #tpu.memory_space<vmem>> -> memref<1x1x96xi32, #tpu.memory_space<vmem>>
      %dma_start3A_650 = tpu.memref_squeeze %dma_start3A_649 : memref<1x1x96xi32, #tpu.memory_space<vmem>> -> memref<96xi32, #tpu.memory_space<vmem>>
      %dma_start3A_651 = arith.constant 0 : i32
      %dma_start3A_652 = arith.constant 0 : i32
      %dma_start3A_653 = tpu.memref_slice %arg2[%dma_start3A_651, %dma_start3A_652] : memref<10000x128xf32, #tpu.memory_space<hbm>> -> memref<10000x128xf32, #tpu.memory_space<hbm>>
      tpu.enqueue_indirect_dma source(%dma_start3A_653 : memref<10000x128xf32, #tpu.memory_space<hbm>>) target(%dma_start3A_647 : memref<96x128xf32, #tpu.memory_space<vmem>>) offsets(%dma_start3A_650 : memref<96xi32, #tpu.memory_space<vmem>>) semaphore(%arg12 : memref<!tpu.dma_semaphore, #tpu.memory_space<semaphore_mem>>)
      %dma_wait3A_654 = arith.constant 0 : i32
      %dma_wait3A_655 = arith.constant 0 : i32
      %dma_wait3A_656 = arith.constant 0 : i32
      %dma_wait3A_657 = arith.constant 0 : i32
      %dma_wait3A_658 = arith.constant 0 : i32
      %dma_wait3A_659 = tpu.memref_slice %arg9[%dma_wait3A_656, %dma_wait3A_657, %dma_wait3A_658] : memref<4x96x128xf32, #tpu.memory_space<vmem>> -> memref<1x96x128xf32, #tpu.memory_space<vmem>>
      %dma_wait3A_660 = tpu.memref_squeeze %dma_wait3A_659 : memref<1x96x128xf32, #tpu.memory_space<vmem>> -> memref<96x128xf32, #tpu.memory_space<vmem>>
      %dma_wait3A_661 = arith.constant 0 : i32
      %dma_wait3A_662 = tpu.memref_slice %arg7[%dma_wait3A_654, %dma_wait3A_655, %dma_wait3A_661] : memref<4x2x96xi32, #tpu.memory_space<vmem>> -> memref<1x1x96xi32, #tpu.memory_space<vmem>>
      %dma_wait3A_663 = tpu.memref_squeeze %dma_wait3A_662 : memref<1x1x96xi32, #tpu.memory_space<vmem>> -> memref<96xi32, #tpu.memory_space<vmem>>
      %dma_wait3A_664 = arith.constant 0 : i32
      %dma_wait3A_665 = arith.constant 0 : i32
      %dma_wait3A_666 = tpu.memref_slice %arg2[%dma_wait3A_664, %dma_wait3A_665] : memref<10000x128xf32, #tpu.memory_space<hbm>> -> memref<10000x128xf32, #tpu.memory_space<hbm>>
      tpu.wait_indirect_dma semaphore(%arg12 : memref<!tpu.dma_semaphore, #tpu.memory_space<semaphore_mem>>) src(%dma_wait3A_666 : memref<10000x128xf32, #tpu.memory_space<hbm>>) dst(%dma_wait3A_660 : memref<96x128xf32, #tpu.memory_space<vmem>>)
      %dma_wait3A_667 = arith.constant 1 : i32
      %dma_wait3A_668 = arith.constant 0 : i32
      %dma_wait3A_669 = arith.constant 1 : i32
      %dma_wait3A_670 = arith.constant 0 : i32
      %dma_wait3A_671 = arith.constant 0 : i32
      %dma_wait3A_672 = tpu.memref_slice %arg9[%dma_wait3A_669, %dma_wait3A_670, %dma_wait3A_671] : memref<4x96x128xf32, #tpu.memory_space<vmem>> -> memref<1x96x128xf32, #tpu.memory_space<vmem>>
      %dma_wait3A_673 = tpu.memref_squeeze %dma_wait3A_672 : memref<1x96x128xf32, #tpu.memory_space<vmem>> -> memref<96x128xf32, #tpu.memory_space<vmem>>
      %dma_wait3A_674 = arith.constant 0 : i32
      %dma_wait3A_675 = tpu.memref_slice %arg7[%dma_wait3A_667, %dma_wait3A_668, %dma_wait3A_674] : memref<4x2x96xi32, #tpu.memory_space<vmem>> -> memref<1x1x96xi32, #tpu.memory_space<vmem>>
      %dma_wait3A_676 = tpu.memref_squeeze %dma_wait3A_675 : memref<1x1x96xi32, #tpu.memory_space<vmem>> -> memref<96xi32, #tpu.memory_space<vmem>>
      %dma_wait3A_677 = arith.constant 0 : i32
      %dma_wait3A_678 = arith.constant 0 : i32
      %dma_wait3A_679 = tpu.memref_slice %arg2[%dma_wait3A_677, %dma_wait3A_678] : memref<10000x128xf32, #tpu.memory_space<hbm>> -> memref<10000x128xf32, #tpu.memory_space<hbm>>
      tpu.wait_indirect_dma semaphore(%arg12 : memref<!tpu.dma_semaphore, #tpu.memory_space<semaphore_mem>>) src(%dma_wait3A_679 : memref<10000x128xf32, #tpu.memory_space<hbm>>) dst(%dma_wait3A_673 : memref<96x128xf32, #tpu.memory_space<vmem>>)
      %dma_start3A_680 = arith.constant 0 : i32
      %dma_start3A_681 = arith.constant 0 : i32
      %dma_start3A_682 = arith.constant 1 : i32
      %dma_start3A_683 = arith.constant 0 : i32
      %dma_start3A_684 = arith.constant 0 : i32
      %dma_start3A_685 = tpu.memref_slice %arg9[%dma_start3A_680, %dma_start3A_683, %dma_start3A_684] : memref<4x96x128xf32, #tpu.memory_space<vmem>> -> memref<1x96x128xf32, #tpu.memory_space<vmem>>
      %dma_start3A_686 = tpu.memref_squeeze %dma_start3A_685 : memref<1x96x128xf32, #tpu.memory_space<vmem>> -> memref<96x128xf32, #tpu.memory_space<vmem>>
      %dma_start3A_687 = arith.constant 0 : i32
      %dma_start3A_688 = tpu.memref_slice %arg7[%dma_start3A_681, %dma_start3A_682, %dma_start3A_687] : memref<4x2x96xi32, #tpu.memory_space<vmem>> -> memref<1x1x96xi32, #tpu.memory_space<vmem>>
      %dma_start3A_689 = tpu.memref_squeeze %dma_start3A_688 : memref<1x1x96xi32, #tpu.memory_space<vmem>> -> memref<96xi32, #tpu.memory_space<vmem>>
      %dma_start3A_690 = arith.constant 0 : i32
      %dma_start3A_691 = arith.constant 0 : i32
      %dma_start3A_692 = tpu.memref_slice %arg10[%dma_start3A_690, %dma_start3A_691] : memref<10000x128xf32, #tpu.memory_space<vmem_shared>> -> memref<10000x128xf32, #tpu.memory_space<vmem_shared>>
      tpu.enqueue_indirect_dma source(%dma_start3A_686 : memref<96x128xf32, #tpu.memory_space<vmem>>) target(%dma_start3A_692 : memref<10000x128xf32, #tpu.memory_space<vmem_shared>>) offsets(%dma_start3A_689 : memref<96xi32, #tpu.memory_space<vmem>>) semaphore(%arg13 : memref<!tpu.dma_semaphore, #tpu.memory_space<semaphore_mem>>) {add = true}
      %dma_start3A_693 = arith.constant 1 : i32
      %dma_start3A_694 = arith.constant 1 : i32
      %dma_start3A_695 = arith.constant 1 : i32
      %dma_start3A_696 = arith.constant 0 : i32
      %dma_start3A_697 = arith.constant 0 : i32
      %dma_start3A_698 = tpu.memref_slice %arg9[%dma_start3A_693, %dma_start3A_696, %dma_start3A_697] : memref<4x96x128xf32, #tpu.memory_space<vmem>> -> memref<1x96x128xf32, #tpu.memory_space<vmem>>
      %dma_start3A_699 = tpu.memref_squeeze %dma_start3A_698 : memref<1x96x128xf32, #tpu.memory_space<vmem>> -> memref<96x128xf32, #tpu.memory_space<vmem>>
      %dma_start3A_700 = arith.constant 0 : i32
      %dma_start3A_701 = tpu.memref_slice %arg7[%dma_start3A_694, %dma_start3A_695, %dma_start3A_700] : memref<4x2x96xi32, #tpu.memory_space<vmem>> -> memref<1x1x96xi32, #tpu.memory_space<vmem>>
      %dma_start3A_702 = tpu.memref_squeeze %dma_start3A_701 : memref<1x1x96xi32, #tpu.memory_space<vmem>> -> memref<96xi32, #tpu.memory_space<vmem>>
      %dma_start3A_703 = arith.constant 0 : i32
      %dma_start3A_704 = arith.constant 0 : i32
      %dma_start3A_705 = tpu.memref_slice %arg10[%dma_start3A_703, %dma_start3A_704] : memref<10000x128xf32, #tpu.memory_space<vmem_shared>> -> memref<10000x128xf32, #tpu.memory_space<vmem_shared>>
      tpu.enqueue_indirect_dma source(%dma_start3A_699 : memref<96x128xf32, #tpu.memory_space<vmem>>) target(%dma_start3A_705 : memref<10000x128xf32, #tpu.memory_space<vmem_shared>>) offsets(%dma_start3A_702 : memref<96xi32, #tpu.memory_space<vmem>>) semaphore(%arg13 : memref<!tpu.dma_semaphore, #tpu.memory_space<semaphore_mem>>) {add = true}
      %dma_wait3A_706 = arith.constant 2 : i32
      %dma_wait3A_707 = arith.constant 2 : i32
      %dma_wait3A_708 = arith.constant 1 : i32
      %dma_wait3A_709 = arith.constant 0 : i32
      %dma_wait3A_710 = arith.constant 0 : i32
      %dma_wait3A_711 = tpu.memref_slice %arg9[%dma_wait3A_706, %dma_wait3A_709, %dma_wait3A_710] : memref<4x96x128xf32, #tpu.memory_space<vmem>> -> memref<1x96x128xf32, #tpu.memory_space<vmem>>
      %dma_wait3A_712 = tpu.memref_squeeze %dma_wait3A_711 : memref<1x96x128xf32, #tpu.memory_space<vmem>> -> memref<96x128xf32, #tpu.memory_space<vmem>>
      %dma_wait3A_713 = arith.constant 0 : i32
      %dma_wait3A_714 = tpu.memref_slice %arg7[%dma_wait3A_707, %dma_wait3A_708, %dma_wait3A_713] : memref<4x2x96xi32, #tpu.memory_space<vmem>> -> memref<1x1x96xi32, #tpu.memory_space<vmem>>
      %dma_wait3A_715 = tpu.memref_squeeze %dma_wait3A_714 : memref<1x1x96xi32, #tpu.memory_space<vmem>> -> memref<96xi32, #tpu.memory_space<vmem>>
      %dma_wait3A_716 = arith.constant 0 : i32
      %dma_wait3A_717 = arith.constant 0 : i32
      %dma_wait3A_718 = tpu.memref_slice %arg10[%dma_wait3A_716, %dma_wait3A_717] : memref<10000x128xf32, #tpu.memory_space<vmem_shared>> -> memref<10000x128xf32, #tpu.memory_space<vmem_shared>>
      tpu.wait_indirect_dma semaphore(%arg13 : memref<!tpu.dma_semaphore, #tpu.memory_space<semaphore_mem>>) src(%dma_wait3A_712 : memref<96x128xf32, #tpu.memory_space<vmem>>) dst(%dma_wait3A_718 : memref<10000x128xf32, #tpu.memory_space<vmem_shared>>)
      %dma_wait3A_719 = arith.constant 3 : i32
      %dma_wait3A_720 = arith.constant 3 : i32
      %dma_wait3A_721 = arith.constant 1 : i32
      %dma_wait3A_722 = arith.constant 0 : i32
      %dma_wait3A_723 = arith.constant 0 : i32
      %dma_wait3A_724 = tpu.memref_slice %arg9[%dma_wait3A_719, %dma_wait3A_722, %dma_wait3A_723] : memref<4x96x128xf32, #tpu.memory_space<vmem>> -> memref<1x96x128xf32, #tpu.memory_space<vmem>>
      %dma_wait3A_725 = tpu.memref_squeeze %dma_wait3A_724 : memref<1x96x128xf32, #tpu.memory_space<vmem>> -> memref<96x128xf32, #tpu.memory_space<vmem>>
      %dma_wait3A_726 = arith.constant 0 : i32
      %dma_wait3A_727 = tpu.memref_slice %arg7[%dma_wait3A_720, %dma_wait3A_721, %dma_wait3A_726] : memref<4x2x96xi32, #tpu.memory_space<vmem>> -> memref<1x1x96xi32, #tpu.memory_space<vmem>>
      %dma_wait3A_728 = tpu.memref_squeeze %dma_wait3A_727 : memref<1x1x96xi32, #tpu.memory_space<vmem>> -> memref<96xi32, #tpu.memory_space<vmem>>
      %dma_wait3A_729 = arith.constant 0 : i32
      %dma_wait3A_730 = arith.constant 0 : i32
      %dma_wait3A_731 = tpu.memref_slice %arg10[%dma_wait3A_729, %dma_wait3A_730] : memref<10000x128xf32, #tpu.memory_space<vmem_shared>> -> memref<10000x128xf32, #tpu.memory_space<vmem_shared>>
      tpu.wait_indirect_dma semaphore(%arg13 : memref<!tpu.dma_semaphore, #tpu.memory_space<semaphore_mem>>) src(%dma_wait3A_725 : memref<96x128xf32, #tpu.memory_space<vmem>>) dst(%dma_wait3A_731 : memref<10000x128xf32, #tpu.memory_space<vmem_shared>>)
      %add3A_732 = arith.constant 1 : i32
      %add3A_733 = arith.addi %add3A_507, %add3A_732 : i32
      %mul3A_734 = arith.constant 2 : i32
      %mul3A_735 = arith.muli %add3A_733, %mul3A_734 : i32
      %add3A_736 = arith.constant 0 : i32
      %add3A_737 = arith.addi %mul3A_735, %add3A_736 : i32
      %mul3A_738 = arith.constant 96 : i32
      %mul3A_739 = arith.muli %add3A_737, %mul3A_738 : i32
      %add3A_740 = arith.addi %mul3A_2, %mul3A_739 : i32
      %dma_start3A_741 = arith.constant 2 : i32
      %dma_start3A_742 = arith.constant 0 : i32
      %dma_start3A_743 = arith.constant 0 : i32
      %dma_start3A_744 = tpu.memref_slice %arg7[%dma_start3A_741, %dma_start3A_742, %dma_start3A_743] : memref<4x2x96xi32, #tpu.memory_space<vmem>> -> memref<1x1x96xi32, #tpu.memory_space<vmem>>
      %dma_start3A_745 = tpu.memref_squeeze %dma_start3A_744 : memref<1x1x96xi32, #tpu.memory_space<vmem>> -> memref<96xi32, #tpu.memory_space<vmem>>
      %dma_start3A_746 = tpu.memref_slice %arg3[%add3A_740] : memref<320000xi32, #tpu.memory_space<hbm>> -> memref<96xi32, #tpu.memory_space<hbm>>
      %dma_start3A_747 = arith.constant 0 : i32
      %dma_start3A_748 = tpu.memref_slice %arg7[%dma_start3A_741, %dma_start3A_742, %dma_start3A_747] : memref<4x2x96xi32, #tpu.memory_space<vmem>> -> memref<1x1x96xi32, #tpu.memory_space<vmem>>
      %dma_start3A_749 = tpu.memref_squeeze %dma_start3A_748 : memref<1x1x96xi32, #tpu.memory_space<vmem>> -> memref<96xi32, #tpu.memory_space<vmem>>
      %dma_start3A_750 = tpu.memref_slice %arg3[%add3A_740] : memref<320000xi32, #tpu.memory_space<hbm>> -> memref<96xi32, #tpu.memory_space<hbm>>
      tpu.enqueue_dma source(%dma_start3A_750 : memref<96xi32, #tpu.memory_space<hbm>>) target(%dma_start3A_749 : memref<96xi32, #tpu.memory_space<vmem>>) target_semaphore(%arg11 : memref<!tpu.dma_semaphore, #tpu.memory_space<semaphore_mem>>)
      %dma_start3A_751 = arith.constant 2 : i32
      %dma_start3A_752 = arith.constant 1 : i32
      %dma_start3A_753 = arith.constant 0 : i32
      %dma_start3A_754 = tpu.memref_slice %arg7[%dma_start3A_751, %dma_start3A_752, %dma_start3A_753] : memref<4x2x96xi32, #tpu.memory_space<vmem>> -> memref<1x1x96xi32, #tpu.memory_space<vmem>>
      %dma_start3A_755 = tpu.memref_squeeze %dma_start3A_754 : memref<1x1x96xi32, #tpu.memory_space<vmem>> -> memref<96xi32, #tpu.memory_space<vmem>>
      %dma_start3A_756 = tpu.memref_slice %arg4[%add3A_740] : memref<320000xi32, #tpu.memory_space<hbm>> -> memref<96xi32, #tpu.memory_space<hbm>>
      %dma_start3A_757 = arith.constant 0 : i32
      %dma_start3A_758 = tpu.memref_slice %arg7[%dma_start3A_751, %dma_start3A_752, %dma_start3A_757] : memref<4x2x96xi32, #tpu.memory_space<vmem>> -> memref<1x1x96xi32, #tpu.memory_space<vmem>>
      %dma_start3A_759 = tpu.memref_squeeze %dma_start3A_758 : memref<1x1x96xi32, #tpu.memory_space<vmem>> -> memref<96xi32, #tpu.memory_space<vmem>>
      %dma_start3A_760 = tpu.memref_slice %arg4[%add3A_740] : memref<320000xi32, #tpu.memory_space<hbm>> -> memref<96xi32, #tpu.memory_space<hbm>>
      tpu.enqueue_dma source(%dma_start3A_760 : memref<96xi32, #tpu.memory_space<hbm>>) target(%dma_start3A_759 : memref<96xi32, #tpu.memory_space<vmem>>) target_semaphore(%arg11 : memref<!tpu.dma_semaphore, #tpu.memory_space<semaphore_mem>>)
      %mul3A_761 = arith.constant 2 : i32
      %mul3A_762 = arith.muli %add3A_733, %mul3A_761 : i32
      %add3A_763 = arith.constant 1 : i32
      %add3A_764 = arith.addi %mul3A_762, %add3A_763 : i32
      %mul3A_765 = arith.constant 96 : i32
      %mul3A_766 = arith.muli %add3A_764, %mul3A_765 : i32
      %add3A_767 = arith.addi %mul3A_2, %mul3A_766 : i32
      %dma_start3A_768 = arith.constant 3 : i32
      %dma_start3A_769 = arith.constant 0 : i32
      %dma_start3A_770 = arith.constant 0 : i32
      %dma_start3A_771 = tpu.memref_slice %arg7[%dma_start3A_768, %dma_start3A_769, %dma_start3A_770] : memref<4x2x96xi32, #tpu.memory_space<vmem>> -> memref<1x1x96xi32, #tpu.memory_space<vmem>>
      %dma_start3A_772 = tpu.memref_squeeze %dma_start3A_771 : memref<1x1x96xi32, #tpu.memory_space<vmem>> -> memref<96xi32, #tpu.memory_space<vmem>>
      %dma_start3A_773 = tpu.memref_slice %arg3[%add3A_767] : memref<320000xi32, #tpu.memory_space<hbm>> -> memref<96xi32, #tpu.memory_space<hbm>>
      %dma_start3A_774 = arith.constant 0 : i32
      %dma_start3A_775 = tpu.memref_slice %arg7[%dma_start3A_768, %dma_start3A_769, %dma_start3A_774] : memref<4x2x96xi32, #tpu.memory_space<vmem>> -> memref<1x1x96xi32, #tpu.memory_space<vmem>>
      %dma_start3A_776 = tpu.memref_squeeze %dma_start3A_775 : memref<1x1x96xi32, #tpu.memory_space<vmem>> -> memref<96xi32, #tpu.memory_space<vmem>>
      %dma_start3A_777 = tpu.memref_slice %arg3[%add3A_767] : memref<320000xi32, #tpu.memory_space<hbm>> -> memref<96xi32, #tpu.memory_space<hbm>>
      tpu.enqueue_dma source(%dma_start3A_777 : memref<96xi32, #tpu.memory_space<hbm>>) target(%dma_start3A_776 : memref<96xi32, #tpu.memory_space<vmem>>) target_semaphore(%arg11 : memref<!tpu.dma_semaphore, #tpu.memory_space<semaphore_mem>>)
      %dma_start3A_778 = arith.constant 3 : i32
      %dma_start3A_779 = arith.constant 1 : i32
      %dma_start3A_780 = arith.constant 0 : i32
      %dma_start3A_781 = tpu.memref_slice %arg7[%dma_start3A_778, %dma_start3A_779, %dma_start3A_780] : memref<4x2x96xi32, #tpu.memory_space<vmem>> -> memref<1x1x96xi32, #tpu.memory_space<vmem>>
      %dma_start3A_782 = tpu.memref_squeeze %dma_start3A_781 : memref<1x1x96xi32, #tpu.memory_space<vmem>> -> memref<96xi32, #tpu.memory_space<vmem>>
      %dma_start3A_783 = tpu.memref_slice %arg4[%add3A_767] : memref<320000xi32, #tpu.memory_space<hbm>> -> memref<96xi32, #tpu.memory_space<hbm>>
      %dma_start3A_784 = arith.constant 0 : i32
      %dma_start3A_785 = tpu.memref_slice %arg7[%dma_start3A_778, %dma_start3A_779, %dma_start3A_784] : memref<4x2x96xi32, #tpu.memory_space<vmem>> -> memref<1x1x96xi32, #tpu.memory_space<vmem>>
      %dma_start3A_786 = tpu.memref_squeeze %dma_start3A_785 : memref<1x1x96xi32, #tpu.memory_space<vmem>> -> memref<96xi32, #tpu.memory_space<vmem>>
      %dma_start3A_787 = tpu.memref_slice %arg4[%add3A_767] : memref<320000xi32, #tpu.memory_space<hbm>> -> memref<96xi32, #tpu.memory_space<hbm>>
      tpu.enqueue_dma source(%dma_start3A_787 : memref<96xi32, #tpu.memory_space<hbm>>) target(%dma_start3A_786 : memref<96xi32, #tpu.memory_space<vmem>>) target_semaphore(%arg11 : memref<!tpu.dma_semaphore, #tpu.memory_space<semaphore_mem>>)
      %dma_wait3A_788 = arith.constant 2 : i32
      %dma_wait3A_789 = arith.constant 0 : i32
      %dma_wait3A_790 = arith.constant 0 : i32
      %dma_wait3A_791 = tpu.memref_slice %arg7[%dma_wait3A_788, %dma_wait3A_789, %dma_wait3A_790] : memref<4x2x96xi32, #tpu.memory_space<vmem>> -> memref<1x1x96xi32, #tpu.memory_space<vmem>>
      %dma_wait3A_792 = tpu.memref_squeeze %dma_wait3A_791 : memref<1x1x96xi32, #tpu.memory_space<vmem>> -> memref<96xi32, #tpu.memory_space<vmem>>
      %dma_wait3A_793 = tpu.memref_slice %arg3[%mul3A_2] : memref<320000xi32, #tpu.memory_space<hbm>> -> memref<96xi32, #tpu.memory_space<hbm>>
      %dma_wait3A_794 = arith.constant 0 : i32
      %dma_wait3A_795 = tpu.memref_slice %arg7[%dma_wait3A_788, %dma_wait3A_789, %dma_wait3A_794] : memref<4x2x96xi32, #tpu.memory_space<vmem>> -> memref<1x1x96xi32, #tpu.memory_space<vmem>>
      %dma_wait3A_796 = tpu.memref_squeeze %dma_wait3A_795 : memref<1x1x96xi32, #tpu.memory_space<vmem>> -> memref<96xi32, #tpu.memory_space<vmem>>
      %dma_wait3A_797 = tpu.memref_slice %arg3[%mul3A_2] : memref<320000xi32, #tpu.memory_space<hbm>> -> memref<96xi32, #tpu.memory_space<hbm>>
      tpu.wait_dma2 semaphore(%arg11 : memref<!tpu.dma_semaphore, #tpu.memory_space<semaphore_mem>>) src(%dma_wait3A_797 : memref<96xi32, #tpu.memory_space<hbm>>) dst(%dma_wait3A_796 : memref<96xi32, #tpu.memory_space<vmem>>)
      %dma_wait3A_798 = arith.constant 2 : i32
      %dma_wait3A_799 = arith.constant 1 : i32
      %dma_wait3A_800 = arith.constant 0 : i32
      %dma_wait3A_801 = tpu.memref_slice %arg7[%dma_wait3A_798, %dma_wait3A_799, %dma_wait3A_800] : memref<4x2x96xi32, #tpu.memory_space<vmem>> -> memref<1x1x96xi32, #tpu.memory_space<vmem>>
      %dma_wait3A_802 = tpu.memref_squeeze %dma_wait3A_801 : memref<1x1x96xi32, #tpu.memory_space<vmem>> -> memref<96xi32, #tpu.memory_space<vmem>>
      %dma_wait3A_803 = tpu.memref_slice %arg4[%mul3A_2] : memref<320000xi32, #tpu.memory_space<hbm>> -> memref<96xi32, #tpu.memory_space<hbm>>
      %dma_wait3A_804 = arith.constant 0 : i32
      %dma_wait3A_805 = tpu.memref_slice %arg7[%dma_wait3A_798, %dma_wait3A_799, %dma_wait3A_804] : memref<4x2x96xi32, #tpu.memory_space<vmem>> -> memref<1x1x96xi32, #tpu.memory_space<vmem>>
      %dma_wait3A_806 = tpu.memref_squeeze %dma_wait3A_805 : memref<1x1x96xi32, #tpu.memory_space<vmem>> -> memref<96xi32, #tpu.memory_space<vmem>>
      %dma_wait3A_807 = tpu.memref_slice %arg4[%mul3A_2] : memref<320000xi32, #tpu.memory_space<hbm>> -> memref<96xi32, #tpu.memory_space<hbm>>
      tpu.wait_dma2 semaphore(%arg11 : memref<!tpu.dma_semaphore, #tpu.memory_space<semaphore_mem>>) src(%dma_wait3A_807 : memref<96xi32, #tpu.memory_space<hbm>>) dst(%dma_wait3A_806 : memref<96xi32, #tpu.memory_space<vmem>>)
      %dma_wait3A_808 = arith.constant 3 : i32
      %dma_wait3A_809 = arith.constant 0 : i32
      %dma_wait3A_810 = arith.constant 0 : i32
      %dma_wait3A_811 = tpu.memref_slice %arg7[%dma_wait3A_808, %dma_wait3A_809, %dma_wait3A_810] : memref<4x2x96xi32, #tpu.memory_space<vmem>> -> memref<1x1x96xi32, #tpu.memory_space<vmem>>
      %dma_wait3A_812 = tpu.memref_squeeze %dma_wait3A_811 : memref<1x1x96xi32, #tpu.memory_space<vmem>> -> memref<96xi32, #tpu.memory_space<vmem>>
      %dma_wait3A_813 = tpu.memref_slice %arg3[%mul3A_2] : memref<320000xi32, #tpu.memory_space<hbm>> -> memref<96xi32, #tpu.memory_space<hbm>>
      %dma_wait3A_814 = arith.constant 0 : i32
      %dma_wait3A_815 = tpu.memref_slice %arg7[%dma_wait3A_808, %dma_wait3A_809, %dma_wait3A_814] : memref<4x2x96xi32, #tpu.memory_space<vmem>> -> memref<1x1x96xi32, #tpu.memory_space<vmem>>
      %dma_wait3A_816 = tpu.memref_squeeze %dma_wait3A_815 : memref<1x1x96xi32, #tpu.memory_space<vmem>> -> memref<96xi32, #tpu.memory_space<vmem>>
      %dma_wait3A_817 = tpu.memref_slice %arg3[%mul3A_2] : memref<320000xi32, #tpu.memory_space<hbm>> -> memref<96xi32, #tpu.memory_space<hbm>>
      tpu.wait_dma2 semaphore(%arg11 : memref<!tpu.dma_semaphore, #tpu.memory_space<semaphore_mem>>) src(%dma_wait3A_817 : memref<96xi32, #tpu.memory_space<hbm>>) dst(%dma_wait3A_816 : memref<96xi32, #tpu.memory_space<vmem>>)
      %dma_wait3A_818 = arith.constant 3 : i32
      %dma_wait3A_819 = arith.constant 1 : i32
      %dma_wait3A_820 = arith.constant 0 : i32
      %dma_wait3A_821 = tpu.memref_slice %arg7[%dma_wait3A_818, %dma_wait3A_819, %dma_wait3A_820] : memref<4x2x96xi32, #tpu.memory_space<vmem>> -> memref<1x1x96xi32, #tpu.memory_space<vmem>>
      %dma_wait3A_822 = tpu.memref_squeeze %dma_wait3A_821 : memref<1x1x96xi32, #tpu.memory_space<vmem>> -> memref<96xi32, #tpu.memory_space<vmem>>
      %dma_wait3A_823 = tpu.memref_slice %arg4[%mul3A_2] : memref<320000xi32, #tpu.memory_space<hbm>> -> memref<96xi32, #tpu.memory_space<hbm>>
      %dma_wait3A_824 = arith.constant 0 : i32
      %dma_wait3A_825 = tpu.memref_slice %arg7[%dma_wait3A_818, %dma_wait3A_819, %dma_wait3A_824] : memref<4x2x96xi32, #tpu.memory_space<vmem>> -> memref<1x1x96xi32, #tpu.memory_space<vmem>>
      %dma_wait3A_826 = tpu.memref_squeeze %dma_wait3A_825 : memref<1x1x96xi32, #tpu.memory_space<vmem>> -> memref<96xi32, #tpu.memory_space<vmem>>
      %dma_wait3A_827 = tpu.memref_slice %arg4[%mul3A_2] : memref<320000xi32, #tpu.memory_space<hbm>> -> memref<96xi32, #tpu.memory_space<hbm>>
      tpu.wait_dma2 semaphore(%arg11 : memref<!tpu.dma_semaphore, #tpu.memory_space<semaphore_mem>>) src(%dma_wait3A_827 : memref<96xi32, #tpu.memory_space<hbm>>) dst(%dma_wait3A_826 : memref<96xi32, #tpu.memory_space<vmem>>)
      %dma_start3A_828 = arith.constant 2 : i32
      %dma_start3A_829 = arith.constant 0 : i32
      %dma_start3A_830 = arith.constant 2 : i32
      %dma_start3A_831 = arith.constant 0 : i32
      %dma_start3A_832 = arith.constant 0 : i32
      %dma_start3A_833 = tpu.memref_slice %arg9[%dma_start3A_830, %dma_start3A_831, %dma_start3A_832] : memref<4x96x128xf32, #tpu.memory_space<vmem>> -> memref<1x96x128xf32, #tpu.memory_space<vmem>>
      %dma_start3A_834 = tpu.memref_squeeze %dma_start3A_833 : memref<1x96x128xf32, #tpu.memory_space<vmem>> -> memref<96x128xf32, #tpu.memory_space<vmem>>
      %dma_start3A_835 = arith.constant 0 : i32
      %dma_start3A_836 = tpu.memref_slice %arg7[%dma_start3A_828, %dma_start3A_829, %dma_start3A_835] : memref<4x2x96xi32, #tpu.memory_space<vmem>> -> memref<1x1x96xi32, #tpu.memory_space<vmem>>
      %dma_start3A_837 = tpu.memref_squeeze %dma_start3A_836 : memref<1x1x96xi32, #tpu.memory_space<vmem>> -> memref<96xi32, #tpu.memory_space<vmem>>
      %dma_start3A_838 = arith.constant 0 : i32
      %dma_start3A_839 = arith.constant 0 : i32
      %dma_start3A_840 = tpu.memref_slice %arg2[%dma_start3A_838, %dma_start3A_839] : memref<10000x128xf32, #tpu.memory_space<hbm>> -> memref<10000x128xf32, #tpu.memory_space<hbm>>
      tpu.enqueue_indirect_dma source(%dma_start3A_840 : memref<10000x128xf32, #tpu.memory_space<hbm>>) target(%dma_start3A_834 : memref<96x128xf32, #tpu.memory_space<vmem>>) offsets(%dma_start3A_837 : memref<96xi32, #tpu.memory_space<vmem>>) semaphore(%arg12 : memref<!tpu.dma_semaphore, #tpu.memory_space<semaphore_mem>>)
      %dma_start3A_841 = arith.constant 3 : i32
      %dma_start3A_842 = arith.constant 0 : i32
      %dma_start3A_843 = arith.constant 3 : i32
      %dma_start3A_844 = arith.constant 0 : i32
      %dma_start3A_845 = arith.constant 0 : i32
      %dma_start3A_846 = tpu.memref_slice %arg9[%dma_start3A_843, %dma_start3A_844, %dma_start3A_845] : memref<4x96x128xf32, #tpu.memory_space<vmem>> -> memref<1x96x128xf32, #tpu.memory_space<vmem>>
      %dma_start3A_847 = tpu.memref_squeeze %dma_start3A_846 : memref<1x96x128xf32, #tpu.memory_space<vmem>> -> memref<96x128xf32, #tpu.memory_space<vmem>>
      %dma_start3A_848 = arith.constant 0 : i32
      %dma_start3A_849 = tpu.memref_slice %arg7[%dma_start3A_841, %dma_start3A_842, %dma_start3A_848] : memref<4x2x96xi32, #tpu.memory_space<vmem>> -> memref<1x1x96xi32, #tpu.memory_space<vmem>>
      %dma_start3A_850 = tpu.memref_squeeze %dma_start3A_849 : memref<1x1x96xi32, #tpu.memory_space<vmem>> -> memref<96xi32, #tpu.memory_space<vmem>>
      %dma_start3A_851 = arith.constant 0 : i32
      %dma_start3A_852 = arith.constant 0 : i32
      %dma_start3A_853 = tpu.memref_slice %arg2[%dma_start3A_851, %dma_start3A_852] : memref<10000x128xf32, #tpu.memory_space<hbm>> -> memref<10000x128xf32, #tpu.memory_space<hbm>>
      tpu.enqueue_indirect_dma source(%dma_start3A_853 : memref<10000x128xf32, #tpu.memory_space<hbm>>) target(%dma_start3A_847 : memref<96x128xf32, #tpu.memory_space<vmem>>) offsets(%dma_start3A_850 : memref<96xi32, #tpu.memory_space<vmem>>) semaphore(%arg12 : memref<!tpu.dma_semaphore, #tpu.memory_space<semaphore_mem>>)
      %dma_wait3A_854 = arith.constant 2 : i32
      %dma_wait3A_855 = arith.constant 0 : i32
      %dma_wait3A_856 = arith.constant 2 : i32
      %dma_wait3A_857 = arith.constant 0 : i32
      %dma_wait3A_858 = arith.constant 0 : i32
      %dma_wait3A_859 = tpu.memref_slice %arg9[%dma_wait3A_856, %dma_wait3A_857, %dma_wait3A_858] : memref<4x96x128xf32, #tpu.memory_space<vmem>> -> memref<1x96x128xf32, #tpu.memory_space<vmem>>
      %dma_wait3A_860 = tpu.memref_squeeze %dma_wait3A_859 : memref<1x96x128xf32, #tpu.memory_space<vmem>> -> memref<96x128xf32, #tpu.memory_space<vmem>>
      %dma_wait3A_861 = arith.constant 0 : i32
      %dma_wait3A_862 = tpu.memref_slice %arg7[%dma_wait3A_854, %dma_wait3A_855, %dma_wait3A_861] : memref<4x2x96xi32, #tpu.memory_space<vmem>> -> memref<1x1x96xi32, #tpu.memory_space<vmem>>
      %dma_wait3A_863 = tpu.memref_squeeze %dma_wait3A_862 : memref<1x1x96xi32, #tpu.memory_space<vmem>> -> memref<96xi32, #tpu.memory_space<vmem>>
      %dma_wait3A_864 = arith.constant 0 : i32
      %dma_wait3A_865 = arith.constant 0 : i32
      %dma_wait3A_866 = tpu.memref_slice %arg2[%dma_wait3A_864, %dma_wait3A_865] : memref<10000x128xf32, #tpu.memory_space<hbm>> -> memref<10000x128xf32, #tpu.memory_space<hbm>>
      tpu.wait_indirect_dma semaphore(%arg12 : memref<!tpu.dma_semaphore, #tpu.memory_space<semaphore_mem>>) src(%dma_wait3A_866 : memref<10000x128xf32, #tpu.memory_space<hbm>>) dst(%dma_wait3A_860 : memref<96x128xf32, #tpu.memory_space<vmem>>)
      %dma_wait3A_867 = arith.constant 3 : i32
      %dma_wait3A_868 = arith.constant 0 : i32
      %dma_wait3A_869 = arith.constant 3 : i32
      %dma_wait3A_870 = arith.constant 0 : i32
      %dma_wait3A_871 = arith.constant 0 : i32
      %dma_wait3A_872 = tpu.memref_slice %arg9[%dma_wait3A_869, %dma_wait3A_870, %dma_wait3A_871] : memref<4x96x128xf32, #tpu.memory_space<vmem>> -> memref<1x96x128xf32, #tpu.memory_space<vmem>>
      %dma_wait3A_873 = tpu.memref_squeeze %dma_wait3A_872 : memref<1x96x128xf32, #tpu.memory_space<vmem>> -> memref<96x128xf32, #tpu.memory_space<vmem>>
      %dma_wait3A_874 = arith.constant 0 : i32
      %dma_wait3A_875 = tpu.memref_slice %arg7[%dma_wait3A_867, %dma_wait3A_868, %dma_wait3A_874] : memref<4x2x96xi32, #tpu.memory_space<vmem>> -> memref<1x1x96xi32, #tpu.memory_space<vmem>>
      %dma_wait3A_876 = tpu.memref_squeeze %dma_wait3A_875 : memref<1x1x96xi32, #tpu.memory_space<vmem>> -> memref<96xi32, #tpu.memory_space<vmem>>
      %dma_wait3A_877 = arith.constant 0 : i32
      %dma_wait3A_878 = arith.constant 0 : i32
      %dma_wait3A_879 = tpu.memref_slice %arg2[%dma_wait3A_877, %dma_wait3A_878] : memref<10000x128xf32, #tpu.memory_space<hbm>> -> memref<10000x128xf32, #tpu.memory_space<hbm>>
      tpu.wait_indirect_dma semaphore(%arg12 : memref<!tpu.dma_semaphore, #tpu.memory_space<semaphore_mem>>) src(%dma_wait3A_879 : memref<10000x128xf32, #tpu.memory_space<hbm>>) dst(%dma_wait3A_873 : memref<96x128xf32, #tpu.memory_space<vmem>>)
      %dma_start3A_880 = arith.constant 2 : i32
      %dma_start3A_881 = arith.constant 2 : i32
      %dma_start3A_882 = arith.constant 1 : i32
      %dma_start3A_883 = arith.constant 0 : i32
      %dma_start3A_884 = arith.constant 0 : i32
      %dma_start3A_885 = tpu.memref_slice %arg9[%dma_start3A_880, %dma_start3A_883, %dma_start3A_884] : memref<4x96x128xf32, #tpu.memory_space<vmem>> -> memref<1x96x128xf32, #tpu.memory_space<vmem>>
      %dma_start3A_886 = tpu.memref_squeeze %dma_start3A_885 : memref<1x96x128xf32, #tpu.memory_space<vmem>> -> memref<96x128xf32, #tpu.memory_space<vmem>>
      %dma_start3A_887 = arith.constant 0 : i32
      %dma_start3A_888 = tpu.memref_slice %arg7[%dma_start3A_881, %dma_start3A_882, %dma_start3A_887] : memref<4x2x96xi32, #tpu.memory_space<vmem>> -> memref<1x1x96xi32, #tpu.memory_space<vmem>>
      %dma_start3A_889 = tpu.memref_squeeze %dma_start3A_888 : memref<1x1x96xi32, #tpu.memory_space<vmem>> -> memref<96xi32, #tpu.memory_space<vmem>>
      %dma_start3A_890 = arith.constant 0 : i32
      %dma_start3A_891 = arith.constant 0 : i32
      %dma_start3A_892 = tpu.memref_slice %arg10[%dma_start3A_890, %dma_start3A_891] : memref<10000x128xf32, #tpu.memory_space<vmem_shared>> -> memref<10000x128xf32, #tpu.memory_space<vmem_shared>>
      tpu.enqueue_indirect_dma source(%dma_start3A_886 : memref<96x128xf32, #tpu.memory_space<vmem>>) target(%dma_start3A_892 : memref<10000x128xf32, #tpu.memory_space<vmem_shared>>) offsets(%dma_start3A_889 : memref<96xi32, #tpu.memory_space<vmem>>) semaphore(%arg13 : memref<!tpu.dma_semaphore, #tpu.memory_space<semaphore_mem>>) {add = true}
      %dma_start3A_893 = arith.constant 3 : i32
      %dma_start3A_894 = arith.constant 3 : i32
      %dma_start3A_895 = arith.constant 1 : i32
      %dma_start3A_896 = arith.constant 0 : i32
      %dma_start3A_897 = arith.constant 0 : i32
      %dma_start3A_898 = tpu.memref_slice %arg9[%dma_start3A_893, %dma_start3A_896, %dma_start3A_897] : memref<4x96x128xf32, #tpu.memory_space<vmem>> -> memref<1x96x128xf32, #tpu.memory_space<vmem>>
      %dma_start3A_899 = tpu.memref_squeeze %dma_start3A_898 : memref<1x96x128xf32, #tpu.memory_space<vmem>> -> memref<96x128xf32, #tpu.memory_space<vmem>>
      %dma_start3A_900 = arith.constant 0 : i32
      %dma_start3A_901 = tpu.memref_slice %arg7[%dma_start3A_894, %dma_start3A_895, %dma_start3A_900] : memref<4x2x96xi32, #tpu.memory_space<vmem>> -> memref<1x1x96xi32, #tpu.memory_space<vmem>>
      %dma_start3A_902 = tpu.memref_squeeze %dma_start3A_901 : memref<1x1x96xi32, #tpu.memory_space<vmem>> -> memref<96xi32, #tpu.memory_space<vmem>>
      %dma_start3A_903 = arith.constant 0 : i32
      %dma_start3A_904 = arith.constant 0 : i32
      %dma_start3A_905 = tpu.memref_slice %arg10[%dma_start3A_903, %dma_start3A_904] : memref<10000x128xf32, #tpu.memory_space<vmem_shared>> -> memref<10000x128xf32, #tpu.memory_space<vmem_shared>>
      tpu.enqueue_indirect_dma source(%dma_start3A_899 : memref<96x128xf32, #tpu.memory_space<vmem>>) target(%dma_start3A_905 : memref<10000x128xf32, #tpu.memory_space<vmem_shared>>) offsets(%dma_start3A_902 : memref<96xi32, #tpu.memory_space<vmem>>) semaphore(%arg13 : memref<!tpu.dma_semaphore, #tpu.memory_space<semaphore_mem>>) {add = true}
    }
    %scan3A_346 = arith.constant 25 : i32
    %dma_wait3A_347 = arith.constant 0 : i32
    %dma_wait3A_348 = arith.constant 0 : i32
    %dma_wait3A_349 = arith.constant 1 : i32
    %dma_wait3A_350 = arith.constant 0 : i32
    %dma_wait3A_351 = arith.constant 0 : i32
    %dma_wait3A_352 = tpu.memref_slice %arg9[%dma_wait3A_347, %dma_wait3A_350, %dma_wait3A_351] : memref<4x96x128xf32, #tpu.memory_space<vmem>> -> memref<1x96x128xf32, #tpu.memory_space<vmem>>
    %dma_wait3A_353 = tpu.memref_squeeze %dma_wait3A_352 : memref<1x96x128xf32, #tpu.memory_space<vmem>> -> memref<96x128xf32, #tpu.memory_space<vmem>>
    %dma_wait3A_354 = arith.constant 0 : i32
    %dma_wait3A_355 = tpu.memref_slice %arg7[%dma_wait3A_348, %dma_wait3A_349, %dma_wait3A_354] : memref<4x2x96xi32, #tpu.memory_space<vmem>> -> memref<1x1x96xi32, #tpu.memory_space<vmem>>
    %dma_wait3A_356 = tpu.memref_squeeze %dma_wait3A_355 : memref<1x1x96xi32, #tpu.memory_space<vmem>> -> memref<96xi32, #tpu.memory_space<vmem>>
    %dma_wait3A_357 = arith.constant 0 : i32
    %dma_wait3A_358 = arith.constant 0 : i32
    %dma_wait3A_359 = tpu.memref_slice %arg10[%dma_wait3A_357, %dma_wait3A_358] : memref<10000x128xf32, #tpu.memory_space<vmem_shared>> -> memref<10000x128xf32, #tpu.memory_space<vmem_shared>>
    tpu.wait_indirect_dma semaphore(%arg13 : memref<!tpu.dma_semaphore, #tpu.memory_space<semaphore_mem>>) src(%dma_wait3A_353 : memref<96x128xf32, #tpu.memory_space<vmem>>) dst(%dma_wait3A_359 : memref<10000x128xf32, #tpu.memory_space<vmem_shared>>)
    %dma_wait3A_360 = arith.constant 1 : i32
    %dma_wait3A_361 = arith.constant 1 : i32
    %dma_wait3A_362 = arith.constant 1 : i32
    %dma_wait3A_363 = arith.constant 0 : i32
    %dma_wait3A_364 = arith.constant 0 : i32
    %dma_wait3A_365 = tpu.memref_slice %arg9[%dma_wait3A_360, %dma_wait3A_363, %dma_wait3A_364] : memref<4x96x128xf32, #tpu.memory_space<vmem>> -> memref<1x96x128xf32, #tpu.memory_space<vmem>>
    %dma_wait3A_366 = tpu.memref_squeeze %dma_wait3A_365 : memref<1x96x128xf32, #tpu.memory_space<vmem>> -> memref<96x128xf32, #tpu.memory_space<vmem>>
    %dma_wait3A_367 = arith.constant 0 : i32
    %dma_wait3A_368 = tpu.memref_slice %arg7[%dma_wait3A_361, %dma_wait3A_362, %dma_wait3A_367] : memref<4x2x96xi32, #tpu.memory_space<vmem>> -> memref<1x1x96xi32, #tpu.memory_space<vmem>>
    %dma_wait3A_369 = tpu.memref_squeeze %dma_wait3A_368 : memref<1x1x96xi32, #tpu.memory_space<vmem>> -> memref<96xi32, #tpu.memory_space<vmem>>
    %dma_wait3A_370 = arith.constant 0 : i32
    %dma_wait3A_371 = arith.constant 0 : i32
    %dma_wait3A_372 = tpu.memref_slice %arg10[%dma_wait3A_370, %dma_wait3A_371] : memref<10000x128xf32, #tpu.memory_space<vmem_shared>> -> memref<10000x128xf32, #tpu.memory_space<vmem_shared>>
    tpu.wait_indirect_dma semaphore(%arg13 : memref<!tpu.dma_semaphore, #tpu.memory_space<semaphore_mem>>) src(%dma_wait3A_366 : memref<96x128xf32, #tpu.memory_space<vmem>>) dst(%dma_wait3A_372 : memref<10000x128xf32, #tpu.memory_space<vmem_shared>>)
    %dma_wait3A_373 = arith.constant 2 : i32
    %dma_wait3A_374 = arith.constant 2 : i32
    %dma_wait3A_375 = arith.constant 1 : i32
    %dma_wait3A_376 = arith.constant 0 : i32
    %dma_wait3A_377 = arith.constant 0 : i32
    %dma_wait3A_378 = tpu.memref_slice %arg9[%dma_wait3A_373, %dma_wait3A_376, %dma_wait3A_377] : memref<4x96x128xf32, #tpu.memory_space<vmem>> -> memref<1x96x128xf32, #tpu.memory_space<vmem>>
    %dma_wait3A_379 = tpu.memref_squeeze %dma_wait3A_378 : memref<1x96x128xf32, #tpu.memory_space<vmem>> -> memref<96x128xf32, #tpu.memory_space<vmem>>
    %dma_wait3A_380 = arith.constant 0 : i32
    %dma_wait3A_381 = tpu.memref_slice %arg7[%dma_wait3A_374, %dma_wait3A_375, %dma_wait3A_380] : memref<4x2x96xi32, #tpu.memory_space<vmem>> -> memref<1x1x96xi32, #tpu.memory_space<vmem>>
    %dma_wait3A_382 = tpu.memref_squeeze %dma_wait3A_381 : memref<1x1x96xi32, #tpu.memory_space<vmem>> -> memref<96xi32, #tpu.memory_space<vmem>>
    %dma_wait3A_383 = arith.constant 0 : i32
    %dma_wait3A_384 = arith.constant 0 : i32
    %dma_wait3A_385 = tpu.memref_slice %arg10[%dma_wait3A_383, %dma_wait3A_384] : memref<10000x128xf32, #tpu.memory_space<vmem_shared>> -> memref<10000x128xf32, #tpu.memory_space<vmem_shared>>
    tpu.wait_indirect_dma semaphore(%arg13 : memref<!tpu.dma_semaphore, #tpu.memory_space<semaphore_mem>>) src(%dma_wait3A_379 : memref<96x128xf32, #tpu.memory_space<vmem>>) dst(%dma_wait3A_385 : memref<10000x128xf32, #tpu.memory_space<vmem_shared>>)
    %dma_wait3A_386 = arith.constant 3 : i32
    %dma_wait3A_387 = arith.constant 3 : i32
    %dma_wait3A_388 = arith.constant 1 : i32
    %dma_wait3A_389 = arith.constant 0 : i32
    %dma_wait3A_390 = arith.constant 0 : i32
    %dma_wait3A_391 = tpu.memref_slice %arg9[%dma_wait3A_386, %dma_wait3A_389, %dma_wait3A_390] : memref<4x96x128xf32, #tpu.memory_space<vmem>> -> memref<1x96x128xf32, #tpu.memory_space<vmem>>
    %dma_wait3A_392 = tpu.memref_squeeze %dma_wait3A_391 : memref<1x96x128xf32, #tpu.memory_space<vmem>> -> memref<96x128xf32, #tpu.memory_space<vmem>>
    %dma_wait3A_393 = arith.constant 0 : i32
    %dma_wait3A_394 = tpu.memref_slice %arg7[%dma_wait3A_387, %dma_wait3A_388, %dma_wait3A_393] : memref<4x2x96xi32, #tpu.memory_space<vmem>> -> memref<1x1x96xi32, #tpu.memory_space<vmem>>
    %dma_wait3A_395 = tpu.memref_squeeze %dma_wait3A_394 : memref<1x1x96xi32, #tpu.memory_space<vmem>> -> memref<96xi32, #tpu.memory_space<vmem>>
    %dma_wait3A_396 = arith.constant 0 : i32
    %dma_wait3A_397 = arith.constant 0 : i32
    %dma_wait3A_398 = tpu.memref_slice %arg10[%dma_wait3A_396, %dma_wait3A_397] : memref<10000x128xf32, #tpu.memory_space<vmem_shared>> -> memref<10000x128xf32, #tpu.memory_space<vmem_shared>>
    tpu.wait_indirect_dma semaphore(%arg13 : memref<!tpu.dma_semaphore, #tpu.memory_space<semaphore_mem>>) src(%dma_wait3A_392 : memref<96x128xf32, #tpu.memory_space<vmem>>) dst(%dma_wait3A_398 : memref<10000x128xf32, #tpu.memory_space<vmem_shared>>)
    %add3A_399 = arith.constant 9984 : i32
    %add3A_400 = arith.addi %mul3A_2, %add3A_399 : i32
    %add3A_401 = arith.constant 0 : i32
    %add3A_402 = arith.addi %add3A_400, %add3A_401 : i32
    %dma_start3A_403 = arith.constant 0 : i32
    %dma_start3A_404 = arith.constant 0 : i32
    %dma_start3A_405 = arith.constant 0 : i32
    %dma_start3A_406 = tpu.memref_slice %arg8[%dma_start3A_403, %dma_start3A_404, %dma_start3A_405] : memref<2x2x16xi32, #tpu.memory_space<vmem>> -> memref<1x1x16xi32, #tpu.memory_space<vmem>>
    %dma_start3A_407 = tpu.memref_squeeze %dma_start3A_406 : memref<1x1x16xi32, #tpu.memory_space<vmem>> -> memref<16xi32, #tpu.memory_space<vmem>>
    %dma_start3A_408 = tpu.memref_slice %arg3[%add3A_402] : memref<320000xi32, #tpu.memory_space<hbm>> -> memref<16xi32, #tpu.memory_space<hbm>>
    %dma_start3A_409 = arith.constant 0 : i32
    %dma_start3A_410 = tpu.memref_slice %arg8[%dma_start3A_403, %dma_start3A_404, %dma_start3A_409] : memref<2x2x16xi32, #tpu.memory_space<vmem>> -> memref<1x1x16xi32, #tpu.memory_space<vmem>>
    %dma_start3A_411 = tpu.memref_squeeze %dma_start3A_410 : memref<1x1x16xi32, #tpu.memory_space<vmem>> -> memref<16xi32, #tpu.memory_space<vmem>>
    %dma_start3A_412 = tpu.memref_slice %arg3[%add3A_402] : memref<320000xi32, #tpu.memory_space<hbm>> -> memref<16xi32, #tpu.memory_space<hbm>>
    tpu.enqueue_dma source(%dma_start3A_412 : memref<16xi32, #tpu.memory_space<hbm>>) target(%dma_start3A_411 : memref<16xi32, #tpu.memory_space<vmem>>) target_semaphore(%arg11 : memref<!tpu.dma_semaphore, #tpu.memory_space<semaphore_mem>>)
    %add3A_413 = arith.constant 0 : i32
    %add3A_414 = arith.addi %add3A_400, %add3A_413 : i32
    %dma_start3A_415 = arith.constant 0 : i32
    %dma_start3A_416 = arith.constant 1 : i32
    %dma_start3A_417 = arith.constant 0 : i32
    %dma_start3A_418 = tpu.memref_slice %arg8[%dma_start3A_415, %dma_start3A_416, %dma_start3A_417] : memref<2x2x16xi32, #tpu.memory_space<vmem>> -> memref<1x1x16xi32, #tpu.memory_space<vmem>>
    %dma_start3A_419 = tpu.memref_squeeze %dma_start3A_418 : memref<1x1x16xi32, #tpu.memory_space<vmem>> -> memref<16xi32, #tpu.memory_space<vmem>>
    %dma_start3A_420 = tpu.memref_slice %arg4[%add3A_414] : memref<320000xi32, #tpu.memory_space<hbm>> -> memref<16xi32, #tpu.memory_space<hbm>>
    %dma_start3A_421 = arith.constant 0 : i32
    %dma_start3A_422 = tpu.memref_slice %arg8[%dma_start3A_415, %dma_start3A_416, %dma_start3A_421] : memref<2x2x16xi32, #tpu.memory_space<vmem>> -> memref<1x1x16xi32, #tpu.memory_space<vmem>>
    %dma_start3A_423 = tpu.memref_squeeze %dma_start3A_422 : memref<1x1x16xi32, #tpu.memory_space<vmem>> -> memref<16xi32, #tpu.memory_space<vmem>>
    %dma_start3A_424 = tpu.memref_slice %arg4[%add3A_414] : memref<320000xi32, #tpu.memory_space<hbm>> -> memref<16xi32, #tpu.memory_space<hbm>>
    tpu.enqueue_dma source(%dma_start3A_424 : memref<16xi32, #tpu.memory_space<hbm>>) target(%dma_start3A_423 : memref<16xi32, #tpu.memory_space<vmem>>) target_semaphore(%arg11 : memref<!tpu.dma_semaphore, #tpu.memory_space<semaphore_mem>>)
    %dma_wait3A_425 = arith.constant 0 : i32
    %dma_wait3A_426 = arith.constant 0 : i32
    %dma_wait3A_427 = arith.constant 0 : i32
    %dma_wait3A_428 = tpu.memref_slice %arg8[%dma_wait3A_425, %dma_wait3A_426, %dma_wait3A_427] : memref<2x2x16xi32, #tpu.memory_space<vmem>> -> memref<1x1x16xi32, #tpu.memory_space<vmem>>
    %dma_wait3A_429 = tpu.memref_squeeze %dma_wait3A_428 : memref<1x1x16xi32, #tpu.memory_space<vmem>> -> memref<16xi32, #tpu.memory_space<vmem>>
    %dma_wait3A_430 = tpu.memref_slice %arg3[%mul3A_2] : memref<320000xi32, #tpu.memory_space<hbm>> -> memref<16xi32, #tpu.memory_space<hbm>>
    %dma_wait3A_431 = arith.constant 0 : i32
    %dma_wait3A_432 = tpu.memref_slice %arg8[%dma_wait3A_425, %dma_wait3A_426, %dma_wait3A_431] : memref<2x2x16xi32, #tpu.memory_space<vmem>> -> memref<1x1x16xi32, #tpu.memory_space<vmem>>
    %dma_wait3A_433 = tpu.memref_squeeze %dma_wait3A_432 : memref<1x1x16xi32, #tpu.memory_space<vmem>> -> memref<16xi32, #tpu.memory_space<vmem>>
    %dma_wait3A_434 = tpu.memref_slice %arg3[%mul3A_2] : memref<320000xi32, #tpu.memory_space<hbm>> -> memref<16xi32, #tpu.memory_space<hbm>>
    tpu.wait_dma2 semaphore(%arg11 : memref<!tpu.dma_semaphore, #tpu.memory_space<semaphore_mem>>) src(%dma_wait3A_434 : memref<16xi32, #tpu.memory_space<hbm>>) dst(%dma_wait3A_433 : memref<16xi32, #tpu.memory_space<vmem>>)
    %dma_wait3A_435 = arith.constant 0 : i32
    %dma_wait3A_436 = arith.constant 1 : i32
    %dma_wait3A_437 = arith.constant 0 : i32
    %dma_wait3A_438 = tpu.memref_slice %arg8[%dma_wait3A_435, %dma_wait3A_436, %dma_wait3A_437] : memref<2x2x16xi32, #tpu.memory_space<vmem>> -> memref<1x1x16xi32, #tpu.memory_space<vmem>>
    %dma_wait3A_439 = tpu.memref_squeeze %dma_wait3A_438 : memref<1x1x16xi32, #tpu.memory_space<vmem>> -> memref<16xi32, #tpu.memory_space<vmem>>
    %dma_wait3A_440 = tpu.memref_slice %arg4[%mul3A_2] : memref<320000xi32, #tpu.memory_space<hbm>> -> memref<16xi32, #tpu.memory_space<hbm>>
    %dma_wait3A_441 = arith.constant 0 : i32
    %dma_wait3A_442 = tpu.memref_slice %arg8[%dma_wait3A_435, %dma_wait3A_436, %dma_wait3A_441] : memref<2x2x16xi32, #tpu.memory_space<vmem>> -> memref<1x1x16xi32, #tpu.memory_space<vmem>>
    %dma_wait3A_443 = tpu.memref_squeeze %dma_wait3A_442 : memref<1x1x16xi32, #tpu.memory_space<vmem>> -> memref<16xi32, #tpu.memory_space<vmem>>
    %dma_wait3A_444 = tpu.memref_slice %arg4[%mul3A_2] : memref<320000xi32, #tpu.memory_space<hbm>> -> memref<16xi32, #tpu.memory_space<hbm>>
    tpu.wait_dma2 semaphore(%arg11 : memref<!tpu.dma_semaphore, #tpu.memory_space<semaphore_mem>>) src(%dma_wait3A_444 : memref<16xi32, #tpu.memory_space<hbm>>) dst(%dma_wait3A_443 : memref<16xi32, #tpu.memory_space<vmem>>)
    %dma_start3A_445 = arith.constant 0 : i32
    %dma_start3A_446 = arith.constant 0 : i32
    %dma_start3A_447 = arith.constant 0 : i32
    %dma_start3A_448 = arith.constant 0 : i32
    %dma_start3A_449 = arith.constant 0 : i32
    %dma_start3A_450 = tpu.memref_slice %arg9[%dma_start3A_447, %dma_start3A_448, %dma_start3A_449] : memref<4x96x128xf32, #tpu.memory_space<vmem>> -> memref<1x16x128xf32, #tpu.memory_space<vmem>>
    %dma_start3A_451 = tpu.memref_squeeze %dma_start3A_450 : memref<1x16x128xf32, #tpu.memory_space<vmem>> -> memref<16x128xf32, #tpu.memory_space<vmem>>
    %dma_start3A_452 = arith.constant 0 : i32
    %dma_start3A_453 = tpu.memref_slice %arg8[%dma_start3A_445, %dma_start3A_446, %dma_start3A_452] : memref<2x2x16xi32, #tpu.memory_space<vmem>> -> memref<1x1x16xi32, #tpu.memory_space<vmem>>
    %dma_start3A_454 = tpu.memref_squeeze %dma_start3A_453 : memref<1x1x16xi32, #tpu.memory_space<vmem>> -> memref<16xi32, #tpu.memory_space<vmem>>
    %dma_start3A_455 = arith.constant 0 : i32
    %dma_start3A_456 = arith.constant 0 : i32
    %dma_start3A_457 = tpu.memref_slice %arg2[%dma_start3A_455, %dma_start3A_456] : memref<10000x128xf32, #tpu.memory_space<hbm>> -> memref<10000x128xf32, #tpu.memory_space<hbm>>
    tpu.enqueue_indirect_dma source(%dma_start3A_457 : memref<10000x128xf32, #tpu.memory_space<hbm>>) target(%dma_start3A_451 : memref<16x128xf32, #tpu.memory_space<vmem>>) offsets(%dma_start3A_454 : memref<16xi32, #tpu.memory_space<vmem>>) semaphore(%arg12 : memref<!tpu.dma_semaphore, #tpu.memory_space<semaphore_mem>>)
    %dma_wait3A_458 = arith.constant 0 : i32
    %dma_wait3A_459 = arith.constant 0 : i32
    %dma_wait3A_460 = arith.constant 0 : i32
    %dma_wait3A_461 = arith.constant 0 : i32
    %dma_wait3A_462 = arith.constant 0 : i32
    %dma_wait3A_463 = tpu.memref_slice %arg9[%dma_wait3A_460, %dma_wait3A_461, %dma_wait3A_462] : memref<4x96x128xf32, #tpu.memory_space<vmem>> -> memref<1x16x128xf32, #tpu.memory_space<vmem>>
    %dma_wait3A_464 = tpu.memref_squeeze %dma_wait3A_463 : memref<1x16x128xf32, #tpu.memory_space<vmem>> -> memref<16x128xf32, #tpu.memory_space<vmem>>
    %dma_wait3A_465 = arith.constant 0 : i32
    %dma_wait3A_466 = tpu.memref_slice %arg8[%dma_wait3A_458, %dma_wait3A_459, %dma_wait3A_465] : memref<2x2x16xi32, #tpu.memory_space<vmem>> -> memref<1x1x16xi32, #tpu.memory_space<vmem>>
    %dma_wait3A_467 = tpu.memref_squeeze %dma_wait3A_466 : memref<1x1x16xi32, #tpu.memory_space<vmem>> -> memref<16xi32, #tpu.memory_space<vmem>>
    %dma_wait3A_468 = arith.constant 0 : i32
    %dma_wait3A_469 = arith.constant 0 : i32
    %dma_wait3A_470 = tpu.memref_slice %arg2[%dma_wait3A_468, %dma_wait3A_469] : memref<10000x128xf32, #tpu.memory_space<hbm>> -> memref<10000x128xf32, #tpu.memory_space<hbm>>
    tpu.wait_indirect_dma semaphore(%arg12 : memref<!tpu.dma_semaphore, #tpu.memory_space<semaphore_mem>>) src(%dma_wait3A_470 : memref<10000x128xf32, #tpu.memory_space<hbm>>) dst(%dma_wait3A_464 : memref<16x128xf32, #tpu.memory_space<vmem>>)
    %dma_start3A_471 = arith.constant 0 : i32
    %dma_start3A_472 = arith.constant 0 : i32
    %dma_start3A_473 = arith.constant 1 : i32
    %dma_start3A_474 = arith.constant 0 : i32
    %dma_start3A_475 = arith.constant 0 : i32
    %dma_start3A_476 = tpu.memref_slice %arg9[%dma_start3A_471, %dma_start3A_474, %dma_start3A_475] : memref<4x96x128xf32, #tpu.memory_space<vmem>> -> memref<1x16x128xf32, #tpu.memory_space<vmem>>
    %dma_start3A_477 = tpu.memref_squeeze %dma_start3A_476 : memref<1x16x128xf32, #tpu.memory_space<vmem>> -> memref<16x128xf32, #tpu.memory_space<vmem>>
    %dma_start3A_478 = arith.constant 0 : i32
    %dma_start3A_479 = tpu.memref_slice %arg8[%dma_start3A_472, %dma_start3A_473, %dma_start3A_478] : memref<2x2x16xi32, #tpu.memory_space<vmem>> -> memref<1x1x16xi32, #tpu.memory_space<vmem>>
    %dma_start3A_480 = tpu.memref_squeeze %dma_start3A_479 : memref<1x1x16xi32, #tpu.memory_space<vmem>> -> memref<16xi32, #tpu.memory_space<vmem>>
    %dma_start3A_481 = arith.constant 0 : i32
    %dma_start3A_482 = arith.constant 0 : i32
    %dma_start3A_483 = tpu.memref_slice %arg10[%dma_start3A_481, %dma_start3A_482] : memref<10000x128xf32, #tpu.memory_space<vmem_shared>> -> memref<10000x128xf32, #tpu.memory_space<vmem_shared>>
    tpu.enqueue_indirect_dma source(%dma_start3A_477 : memref<16x128xf32, #tpu.memory_space<vmem>>) target(%dma_start3A_483 : memref<10000x128xf32, #tpu.memory_space<vmem_shared>>) offsets(%dma_start3A_480 : memref<16xi32, #tpu.memory_space<vmem>>) semaphore(%arg13 : memref<!tpu.dma_semaphore, #tpu.memory_space<semaphore_mem>>) {add = true}
    %dma_wait3A_484 = arith.constant 0 : i32
    %dma_wait3A_485 = arith.constant 0 : i32
    %dma_wait3A_486 = arith.constant 1 : i32
    %dma_wait3A_487 = arith.constant 0 : i32
    %dma_wait3A_488 = arith.constant 0 : i32
    %dma_wait3A_489 = tpu.memref_slice %arg9[%dma_wait3A_484, %dma_wait3A_487, %dma_wait3A_488] : memref<4x96x128xf32, #tpu.memory_space<vmem>> -> memref<1x16x128xf32, #tpu.memory_space<vmem>>
    %dma_wait3A_490 = tpu.memref_squeeze %dma_wait3A_489 : memref<1x16x128xf32, #tpu.memory_space<vmem>> -> memref<16x128xf32, #tpu.memory_space<vmem>>
    %dma_wait3A_491 = arith.constant 0 : i32
    %dma_wait3A_492 = tpu.memref_slice %arg8[%dma_wait3A_485, %dma_wait3A_486, %dma_wait3A_491] : memref<2x2x16xi32, #tpu.memory_space<vmem>> -> memref<1x1x16xi32, #tpu.memory_space<vmem>>
    %dma_wait3A_493 = tpu.memref_squeeze %dma_wait3A_492 : memref<1x1x16xi32, #tpu.memory_space<vmem>> -> memref<16xi32, #tpu.memory_space<vmem>>
    %dma_wait3A_494 = arith.constant 0 : i32
    %dma_wait3A_495 = arith.constant 0 : i32
    %dma_wait3A_496 = tpu.memref_slice %arg10[%dma_wait3A_494, %dma_wait3A_495] : memref<10000x128xf32, #tpu.memory_space<vmem_shared>> -> memref<10000x128xf32, #tpu.memory_space<vmem_shared>>
    tpu.wait_indirect_dma semaphore(%arg13 : memref<!tpu.dma_semaphore, #tpu.memory_space<semaphore_mem>>) src(%dma_wait3A_490 : memref<16x128xf32, #tpu.memory_space<vmem>>) dst(%dma_wait3A_496 : memref<10000x128xf32, #tpu.memory_space<vmem_shared>>)
    %barrier3A_497 = arith.constant 0 : index
    tpu.barrier barrier_id(%barrier3A_497)
    "tpu.region"() ({
      %run_scoped3A = tpu.sem_alloc : memref<!tpu.dma_semaphore, #tpu.memory_space<semaphore_mem>>
      %dma_start3A_503 = arith.constant 0 : i32
      %dma_start3A_504 = tpu.memref_slice %arg6[%arg0, %mul3A_4, %dma_start3A_503] : memref<2x10000x128xf32, #tpu.memory_space<hbm>> -> memref<1x624x128xf32, #tpu.memory_space<hbm>>
      %dma_start3A_505 = tpu.memref_squeeze %dma_start3A_504 : memref<1x624x128xf32, #tpu.memory_space<hbm>> -> memref<624x128xf32, #tpu.memory_space<hbm>>
      %dma_start3A_506 = arith.constant 0 : i32
      %dma_start3A_507 = tpu.memref_slice %arg10[%mul3A_4, %dma_start3A_506] : memref<10000x128xf32, #tpu.memory_space<vmem_shared>> -> memref<624x128xf32, #tpu.memory_space<vmem_shared>>
      tpu.enqueue_dma source(%dma_start3A_507 : memref<624x128xf32, #tpu.memory_space<vmem_shared>>) target(%dma_start3A_505 : memref<624x128xf32, #tpu.memory_space<hbm>>) target_semaphore(%run_scoped3A : memref<!tpu.dma_semaphore, #tpu.memory_space<semaphore_mem>>)
      %dma_wait3A_508 = arith.constant 0 : i32
      %dma_wait3A_509 = tpu.memref_slice %arg6[%arg0, %mul3A_4, %dma_wait3A_508] : memref<2x10000x128xf32, #tpu.memory_space<hbm>> -> memref<1x624x128xf32, #tpu.memory_space<hbm>>
      %dma_wait3A_510 = tpu.memref_squeeze %dma_wait3A_509 : memref<1x624x128xf32, #tpu.memory_space<hbm>> -> memref<624x128xf32, #tpu.memory_space<hbm>>
      %dma_wait3A_511 = arith.constant 0 : i32
      %dma_wait3A_512 = tpu.memref_slice %arg10[%mul3A_4, %dma_wait3A_511] : memref<10000x128xf32, #tpu.memory_space<vmem_shared>> -> memref<624x128xf32, #tpu.memory_space<vmem_shared>>
      tpu.wait_dma2 semaphore(%run_scoped3A : memref<!tpu.dma_semaphore, #tpu.memory_space<semaphore_mem>>) src(%dma_wait3A_512 : memref<624x128xf32, #tpu.memory_space<vmem_shared>>) dst(%dma_wait3A_510 : memref<624x128xf32, #tpu.memory_space<hbm>>)
      tpu.yield
    }) : () -> ()
    %eq3A_498 = arith.constant 0 : i32
    %eq3A_499 = arith.cmpi eq, %arg1, %eq3A_498 : i32
    %convert_element_type3A_500 = arith.extui %eq3A_499 : i1 to i32
    %cond3A_501 = arith.constant 0 : i32
    %cond3A_502 = arith.cmpi ne, %convert_element_type3A_500, %cond3A_501 : i32
    scf.if %cond3A_502 {
      "tpu.region"() ({
        %run_scoped3A = tpu.sem_alloc : memref<!tpu.dma_semaphore, #tpu.memory_space<semaphore_mem>>
        %dma_start3A_503 = arith.constant 9984 : i32
        %dma_start3A_504 = arith.constant 0 : i32
        %dma_start3A_505 = tpu.memref_slice %arg6[%arg0, %dma_start3A_503, %dma_start3A_504] : memref<2x10000x128xf32, #tpu.memory_space<hbm>> -> memref<1x16x128xf32, #tpu.memory_space<hbm>>
        %dma_start3A_506 = tpu.memref_squeeze %dma_start3A_505 : memref<1x16x128xf32, #tpu.memory_space<hbm>> -> memref<16x128xf32, #tpu.memory_space<hbm>>
        %dma_start3A_507 = arith.constant 9984 : i32
        %dma_start3A_508 = arith.constant 0 : i32
        %dma_start3A_509 = tpu.memref_slice %arg10[%dma_start3A_507, %dma_start3A_508] : memref<10000x128xf32, #tpu.memory_space<vmem_shared>> -> memref<16x128xf32, #tpu.memory_space<vmem_shared>>
        tpu.enqueue_dma source(%dma_start3A_509 : memref<16x128xf32, #tpu.memory_space<vmem_shared>>) target(%dma_start3A_506 : memref<16x128xf32, #tpu.memory_space<hbm>>) target_semaphore(%run_scoped3A : memref<!tpu.dma_semaphore, #tpu.memory_space<semaphore_mem>>)
        %dma_wait3A_510 = arith.constant 9984 : i32
        %dma_wait3A_511 = arith.constant 0 : i32
        %dma_wait3A_512 = tpu.memref_slice %arg6[%arg0, %dma_wait3A_510, %dma_wait3A_511] : memref<2x10000x128xf32, #tpu.memory_space<hbm>> -> memref<1x16x128xf32, #tpu.memory_space<hbm>>
        %dma_wait3A_513 = tpu.memref_squeeze %dma_wait3A_512 : memref<1x16x128xf32, #tpu.memory_space<hbm>> -> memref<16x128xf32, #tpu.memory_space<hbm>>
        %dma_wait3A_514 = arith.constant 9984 : i32
        %dma_wait3A_515 = arith.constant 0 : i32
        %dma_wait3A_516 = tpu.memref_slice %arg10[%dma_wait3A_514, %dma_wait3A_515] : memref<10000x128xf32, #tpu.memory_space<vmem_shared>> -> memref<16x128xf32, #tpu.memory_space<vmem_shared>>
        tpu.wait_dma2 semaphore(%run_scoped3A : memref<!tpu.dma_semaphore, #tpu.memory_space<semaphore_mem>>) src(%dma_wait3A_516 : memref<16x128xf32, #tpu.memory_space<vmem_shared>>) dst(%dma_wait3A_513 : memref<16x128xf32, #tpu.memory_space<hbm>>)
        tpu.yield
      }) : () -> ()
    } else {
    }
    return
  }
}

#map = affine_map<(d0, d1) -> (0, 0)>
#map1 = affine_map<(d0, d1) -> (0)>
#map2 = affine_map<(d0, d1) -> (0, 0, 0)>
module attributes {stable_mosaic.version = 14 : i64} {
  func.func @edge_agg(%arg0: i32, %arg1: i32, %arg2: memref<10000x128xf32, #tpu.memory_space<hbm>>, %arg3: memref<320000xi32, #tpu.memory_space<hbm>>, %arg4: memref<320000xi32, #tpu.memory_space<hbm>>, %arg5: memref<10000x128xf32, #tpu.memory_space<hbm>>, %arg6: memref<2x10000x128xf32, #tpu.memory_space<hbm>>, %arg7: memref<4x2x96xi32, #tpu.memory_space<vmem>>, %arg8: memref<2x2x16xi32, #tpu.memory_space<vmem>>, %arg9: memref<4x96x128xf32, #tpu.memory_space<vmem>>, %arg10: memref<10000x128xf32, #tpu.memory_space<vmem_shared>>, %arg11: memref<!tpu.dma_semaphore, #tpu.memory_space<semaphore_mem>>, %arg12: memref<!tpu.dma_semaphore, #tpu.memory_space<semaphore_mem>>, %arg13: memref<!tpu.dma_semaphore, #tpu.memory_space<semaphore_mem>>, %arg14: memref<!tpu.dma_semaphore, #tpu.memory_space<semaphore_mem>>) attributes {dimension_semantics = [#tpu.dimension_semantics<core_parallel>, #tpu.dimension_semantics<subcore_parallel>], iteration_bounds = array<i64: 2, 16>, scalar_prefetch = 0 : i64, scratch_operands = 8 : i64, tpu.core_type = #tpu.core_type<sc_vector_subcore>, window_params = [{transform_indices = #map}, {transform_indices = #map1}, {transform_indices = #map1}, {transform_indices = #map}, {transform_indices = #map2}]} {
    %mul3A = arith.constant 2 : i32
    %mul3A_0 = arith.muli %arg1, %mul3A : i32
    %add3A = arith.addi %mul3A_0, %arg0 : i32
    %mul3A_1 = arith.constant 10000 : i32
    %mul3A_2 = arith.muli %add3A, %mul3A_1 : i32
    %mul3A_3 = arith.constant 624 : i32
    %mul3A_4 = arith.muli %arg1, %mul3A_3 : i32
    %dma_start3A = arith.constant 0 : i32
    %dma_start3A_5 = tpu.memref_slice %arg10[%mul3A_4, %dma_start3A] : memref<10000x128xf32, #tpu.memory_space<vmem_shared>> -> memref<624x128xf32, #tpu.memory_space<vmem_shared>>
    %dma_start3A_6 = arith.constant 0 : i32
    %dma_start3A_7 = tpu.memref_slice %arg5[%mul3A_4, %dma_start3A_6] : memref<10000x128xf32, #tpu.memory_space<hbm>> -> memref<624x128xf32, #tpu.memory_space<hbm>>
    tpu.enqueue_dma source(%dma_start3A_7 : memref<624x128xf32, #tpu.memory_space<hbm>>) target(%dma_start3A_5 : memref<624x128xf32, #tpu.memory_space<vmem_shared>>) target_semaphore(%arg14 : memref<!tpu.dma_semaphore, #tpu.memory_space<semaphore_mem>>)
    %eq3A = arith.constant 0 : i32
    %eq3A_8 = arith.cmpi eq, %arg1, %eq3A : i32
    %convert_element_type3A = arith.extui %eq3A_8 : i1 to i32
    %cond3A = arith.constant 0 : i32
    %cond3A_9 = arith.cmpi ne, %convert_element_type3A, %cond3A : i32
    scf.if %cond3A_9 {
      %dma_start3A_503 = arith.constant 9984 : i32
      %dma_start3A_504 = arith.constant 0 : i32
      %dma_start3A_505 = tpu.memref_slice %arg10[%dma_start3A_503, %dma_start3A_504] : memref<10000x128xf32, #tpu.memory_space<vmem_shared>> -> memref<16x128xf32, #tpu.memory_space<vmem_shared>>
      %dma_start3A_506 = arith.constant 9984 : i32
      %dma_start3A_507 = arith.constant 0 : i32
      %dma_start3A_508 = tpu.memref_slice %arg5[%dma_start3A_506, %dma_start3A_507] : memref<10000x128xf32, #tpu.memory_space<hbm>> -> memref<16x128xf32, #tpu.memory_space<hbm>>
      tpu.enqueue_dma source(%dma_start3A_508 : memref<16x128xf32, #tpu.memory_space<hbm>>) target(%dma_start3A_505 : memref<16x128xf32, #tpu.memory_space<vmem_shared>>) target_semaphore(%arg14 : memref<!tpu.dma_semaphore, #tpu.memory_space<semaphore_mem>>)
    } else {
    }
    %add3A_10 = arith.constant 0 : i32
    %add3A_11 = arith.addi %mul3A_2, %add3A_10 : i32
    %dma_start3A_12 = arith.constant 0 : i32
    %dma_start3A_13 = arith.constant 0 : i32
    %dma_start3A_14 = arith.constant 0 : i32
    %dma_start3A_15 = tpu.memref_slice %arg7[%dma_start3A_12, %dma_start3A_13, %dma_start3A_14] : memref<4x2x96xi32, #tpu.memory_space<vmem>> -> memref<1x1x96xi32, #tpu.memory_space<vmem>>
    %dma_start3A_16 = tpu.memref_squeeze %dma_start3A_15 : memref<1x1x96xi32, #tpu.memory_space<vmem>> -> memref<96xi32, #tpu.memory_space<vmem>>
    %dma_start3A_17 = tpu.memref_slice %arg3[%add3A_11] : memref<320000xi32, #tpu.memory_space<hbm>> -> memref<96xi32, #tpu.memory_space<hbm>>
    %dma_start3A_18 = arith.constant 0 : i32
    %dma_start3A_19 = tpu.memref_slice %arg7[%dma_start3A_12, %dma_start3A_13, %dma_start3A_18] : memref<4x2x96xi32, #tpu.memory_space<vmem>> -> memref<1x1x96xi32, #tpu.memory_space<vmem>>
    %dma_start3A_20 = tpu.memref_squeeze %dma_start3A_19 : memref<1x1x96xi32, #tpu.memory_space<vmem>> -> memref<96xi32, #tpu.memory_space<vmem>>
    %dma_start3A_21 = tpu.memref_slice %arg3[%add3A_11] : memref<320000xi32, #tpu.memory_space<hbm>> -> memref<96xi32, #tpu.memory_space<hbm>>
    tpu.enqueue_dma source(%dma_start3A_21 : memref<96xi32, #tpu.memory_space<hbm>>) target(%dma_start3A_20 : memref<96xi32, #tpu.memory_space<vmem>>) target_semaphore(%arg11 : memref<!tpu.dma_semaphore, #tpu.memory_space<semaphore_mem>>)
    %dma_start3A_22 = arith.constant 0 : i32
    %dma_start3A_23 = arith.constant 1 : i32
    %dma_start3A_24 = arith.constant 0 : i32
    %dma_start3A_25 = tpu.memref_slice %arg7[%dma_start3A_22, %dma_start3A_23, %dma_start3A_24] : memref<4x2x96xi32, #tpu.memory_space<vmem>> -> memref<1x1x96xi32, #tpu.memory_space<vmem>>
    %dma_start3A_26 = tpu.memref_squeeze %dma_start3A_25 : memref<1x1x96xi32, #tpu.memory_space<vmem>> -> memref<96xi32, #tpu.memory_space<vmem>>
    %dma_start3A_27 = tpu.memref_slice %arg4[%add3A_11] : memref<320000xi32, #tpu.memory_space<hbm>> -> memref<96xi32, #tpu.memory_space<hbm>>
    %dma_start3A_28 = arith.constant 0 : i32
    %dma_start3A_29 = tpu.memref_slice %arg7[%dma_start3A_22, %dma_start3A_23, %dma_start3A_28] : memref<4x2x96xi32, #tpu.memory_space<vmem>> -> memref<1x1x96xi32, #tpu.memory_space<vmem>>
    %dma_start3A_30 = tpu.memref_squeeze %dma_start3A_29 : memref<1x1x96xi32, #tpu.memory_space<vmem>> -> memref<96xi32, #tpu.memory_space<vmem>>
    %dma_start3A_31 = tpu.memref_slice %arg4[%add3A_11] : memref<320000xi32, #tpu.memory_space<hbm>> -> memref<96xi32, #tpu.memory_space<hbm>>
    tpu.enqueue_dma source(%dma_start3A_31 : memref<96xi32, #tpu.memory_space<hbm>>) target(%dma_start3A_30 : memref<96xi32, #tpu.memory_space<vmem>>) target_semaphore(%arg11 : memref<!tpu.dma_semaphore, #tpu.memory_space<semaphore_mem>>)
    %add3A_32 = arith.constant 96 : i32
    %add3A_33 = arith.addi %mul3A_2, %add3A_32 : i32
    %dma_start3A_34 = arith.constant 1 : i32
    %dma_start3A_35 = arith.constant 0 : i32
    %dma_start3A_36 = arith.constant 0 : i32
    %dma_start3A_37 = tpu.memref_slice %arg7[%dma_start3A_34, %dma_start3A_35, %dma_start3A_36] : memref<4x2x96xi32, #tpu.memory_space<vmem>> -> memref<1x1x96xi32, #tpu.memory_space<vmem>>
    %dma_start3A_38 = tpu.memref_squeeze %dma_start3A_37 : memref<1x1x96xi32, #tpu.memory_space<vmem>> -> memref<96xi32, #tpu.memory_space<vmem>>
    %dma_start3A_39 = tpu.memref_slice %arg3[%add3A_33] : memref<320000xi32, #tpu.memory_space<hbm>> -> memref<96xi32, #tpu.memory_space<hbm>>
    %dma_start3A_40 = arith.constant 0 : i32
    %dma_start3A_41 = tpu.memref_slice %arg7[%dma_start3A_34, %dma_start3A_35, %dma_start3A_40] : memref<4x2x96xi32, #tpu.memory_space<vmem>> -> memref<1x1x96xi32, #tpu.memory_space<vmem>>
    %dma_start3A_42 = tpu.memref_squeeze %dma_start3A_41 : memref<1x1x96xi32, #tpu.memory_space<vmem>> -> memref<96xi32, #tpu.memory_space<vmem>>
    %dma_start3A_43 = tpu.memref_slice %arg3[%add3A_33] : memref<320000xi32, #tpu.memory_space<hbm>> -> memref<96xi32, #tpu.memory_space<hbm>>
    tpu.enqueue_dma source(%dma_start3A_43 : memref<96xi32, #tpu.memory_space<hbm>>) target(%dma_start3A_42 : memref<96xi32, #tpu.memory_space<vmem>>) target_semaphore(%arg11 : memref<!tpu.dma_semaphore, #tpu.memory_space<semaphore_mem>>)
    %dma_start3A_44 = arith.constant 1 : i32
    %dma_start3A_45 = arith.constant 1 : i32
    %dma_start3A_46 = arith.constant 0 : i32
    %dma_start3A_47 = tpu.memref_slice %arg7[%dma_start3A_44, %dma_start3A_45, %dma_start3A_46] : memref<4x2x96xi32, #tpu.memory_space<vmem>> -> memref<1x1x96xi32, #tpu.memory_space<vmem>>
    %dma_start3A_48 = tpu.memref_squeeze %dma_start3A_47 : memref<1x1x96xi32, #tpu.memory_space<vmem>> -> memref<96xi32, #tpu.memory_space<vmem>>
    %dma_start3A_49 = tpu.memref_slice %arg4[%add3A_33] : memref<320000xi32, #tpu.memory_space<hbm>> -> memref<96xi32, #tpu.memory_space<hbm>>
    %dma_start3A_50 = arith.constant 0 : i32
    %dma_start3A_51 = tpu.memref_slice %arg7[%dma_start3A_44, %dma_start3A_45, %dma_start3A_50] : memref<4x2x96xi32, #tpu.memory_space<vmem>> -> memref<1x1x96xi32, #tpu.memory_space<vmem>>
    %dma_start3A_52 = tpu.memref_squeeze %dma_start3A_51 : memref<1x1x96xi32, #tpu.memory_space<vmem>> -> memref<96xi32, #tpu.memory_space<vmem>>
    %dma_start3A_53 = tpu.memref_slice %arg4[%add3A_33] : memref<320000xi32, #tpu.memory_space<hbm>> -> memref<96xi32, #tpu.memory_space<hbm>>
    tpu.enqueue_dma source(%dma_start3A_53 : memref<96xi32, #tpu.memory_space<hbm>>) target(%dma_start3A_52 : memref<96xi32, #tpu.memory_space<vmem>>) target_semaphore(%arg11 : memref<!tpu.dma_semaphore, #tpu.memory_space<semaphore_mem>>)
    %dma_wait3A = arith.constant 0 : i32
    %dma_wait3A_54 = arith.constant 0 : i32
    %dma_wait3A_55 = arith.constant 0 : i32
    %dma_wait3A_56 = tpu.memref_slice %arg7[%dma_wait3A, %dma_wait3A_54, %dma_wait3A_55] : memref<4x2x96xi32, #tpu.memory_space<vmem>> -> memref<1x1x96xi32, #tpu.memory_space<vmem>>
    %dma_wait3A_57 = tpu.memref_squeeze %dma_wait3A_56 : memref<1x1x96xi32, #tpu.memory_space<vmem>> -> memref<96xi32, #tpu.memory_space<vmem>>
    %dma_wait3A_58 = tpu.memref_slice %arg3[%mul3A_2] : memref<320000xi32, #tpu.memory_space<hbm>> -> memref<96xi32, #tpu.memory_space<hbm>>
    %dma_wait3A_59 = arith.constant 0 : i32
    %dma_wait3A_60 = tpu.memref_slice %arg7[%dma_wait3A, %dma_wait3A_54, %dma_wait3A_59] : memref<4x2x96xi32, #tpu.memory_space<vmem>> -> memref<1x1x96xi32, #tpu.memory_space<vmem>>
    %dma_wait3A_61 = tpu.memref_squeeze %dma_wait3A_60 : memref<1x1x96xi32, #tpu.memory_space<vmem>> -> memref<96xi32, #tpu.memory_space<vmem>>
    %dma_wait3A_62 = tpu.memref_slice %arg3[%mul3A_2] : memref<320000xi32, #tpu.memory_space<hbm>> -> memref<96xi32, #tpu.memory_space<hbm>>
    tpu.wait_dma2 semaphore(%arg11 : memref<!tpu.dma_semaphore, #tpu.memory_space<semaphore_mem>>) src(%dma_wait3A_62 : memref<96xi32, #tpu.memory_space<hbm>>) dst(%dma_wait3A_61 : memref<96xi32, #tpu.memory_space<vmem>>)
    %dma_wait3A_63 = arith.constant 0 : i32
    %dma_wait3A_64 = arith.constant 1 : i32
    %dma_wait3A_65 = arith.constant 0 : i32
    %dma_wait3A_66 = tpu.memref_slice %arg7[%dma_wait3A_63, %dma_wait3A_64, %dma_wait3A_65] : memref<4x2x96xi32, #tpu.memory_space<vmem>> -> memref<1x1x96xi32, #tpu.memory_space<vmem>>
    %dma_wait3A_67 = tpu.memref_squeeze %dma_wait3A_66 : memref<1x1x96xi32, #tpu.memory_space<vmem>> -> memref<96xi32, #tpu.memory_space<vmem>>
    %dma_wait3A_68 = tpu.memref_slice %arg4[%mul3A_2] : memref<320000xi32, #tpu.memory_space<hbm>> -> memref<96xi32, #tpu.memory_space<hbm>>
    %dma_wait3A_69 = arith.constant 0 : i32
    %dma_wait3A_70 = tpu.memref_slice %arg7[%dma_wait3A_63, %dma_wait3A_64, %dma_wait3A_69] : memref<4x2x96xi32, #tpu.memory_space<vmem>> -> memref<1x1x96xi32, #tpu.memory_space<vmem>>
    %dma_wait3A_71 = tpu.memref_squeeze %dma_wait3A_70 : memref<1x1x96xi32, #tpu.memory_space<vmem>> -> memref<96xi32, #tpu.memory_space<vmem>>
    %dma_wait3A_72 = tpu.memref_slice %arg4[%mul3A_2] : memref<320000xi32, #tpu.memory_space<hbm>> -> memref<96xi32, #tpu.memory_space<hbm>>
    tpu.wait_dma2 semaphore(%arg11 : memref<!tpu.dma_semaphore, #tpu.memory_space<semaphore_mem>>) src(%dma_wait3A_72 : memref<96xi32, #tpu.memory_space<hbm>>) dst(%dma_wait3A_71 : memref<96xi32, #tpu.memory_space<vmem>>)
    %dma_wait3A_73 = arith.constant 1 : i32
    %dma_wait3A_74 = arith.constant 0 : i32
    %dma_wait3A_75 = arith.constant 0 : i32
    %dma_wait3A_76 = tpu.memref_slice %arg7[%dma_wait3A_73, %dma_wait3A_74, %dma_wait3A_75] : memref<4x2x96xi32, #tpu.memory_space<vmem>> -> memref<1x1x96xi32, #tpu.memory_space<vmem>>
    %dma_wait3A_77 = tpu.memref_squeeze %dma_wait3A_76 : memref<1x1x96xi32, #tpu.memory_space<vmem>> -> memref<96xi32, #tpu.memory_space<vmem>>
    %dma_wait3A_78 = tpu.memref_slice %arg3[%mul3A_2] : memref<320000xi32, #tpu.memory_space<hbm>> -> memref<96xi32, #tpu.memory_space<hbm>>
    %dma_wait3A_79 = arith.constant 0 : i32
    %dma_wait3A_80 = tpu.memref_slice %arg7[%dma_wait3A_73, %dma_wait3A_74, %dma_wait3A_79] : memref<4x2x96xi32, #tpu.memory_space<vmem>> -> memref<1x1x96xi32, #tpu.memory_space<vmem>>
    %dma_wait3A_81 = tpu.memref_squeeze %dma_wait3A_80 : memref<1x1x96xi32, #tpu.memory_space<vmem>> -> memref<96xi32, #tpu.memory_space<vmem>>
    %dma_wait3A_82 = tpu.memref_slice %arg3[%mul3A_2] : memref<320000xi32, #tpu.memory_space<hbm>> -> memref<96xi32, #tpu.memory_space<hbm>>
    tpu.wait_dma2 semaphore(%arg11 : memref<!tpu.dma_semaphore, #tpu.memory_space<semaphore_mem>>) src(%dma_wait3A_82 : memref<96xi32, #tpu.memory_space<hbm>>) dst(%dma_wait3A_81 : memref<96xi32, #tpu.memory_space<vmem>>)
    %dma_wait3A_83 = arith.constant 1 : i32
    %dma_wait3A_84 = arith.constant 1 : i32
    %dma_wait3A_85 = arith.constant 0 : i32
    %dma_wait3A_86 = tpu.memref_slice %arg7[%dma_wait3A_83, %dma_wait3A_84, %dma_wait3A_85] : memref<4x2x96xi32, #tpu.memory_space<vmem>> -> memref<1x1x96xi32, #tpu.memory_space<vmem>>
    %dma_wait3A_87 = tpu.memref_squeeze %dma_wait3A_86 : memref<1x1x96xi32, #tpu.memory_space<vmem>> -> memref<96xi32, #tpu.memory_space<vmem>>
    %dma_wait3A_88 = tpu.memref_slice %arg4[%mul3A_2] : memref<320000xi32, #tpu.memory_space<hbm>> -> memref<96xi32, #tpu.memory_space<hbm>>
    %dma_wait3A_89 = arith.constant 0 : i32
    %dma_wait3A_90 = tpu.memref_slice %arg7[%dma_wait3A_83, %dma_wait3A_84, %dma_wait3A_89] : memref<4x2x96xi32, #tpu.memory_space<vmem>> -> memref<1x1x96xi32, #tpu.memory_space<vmem>>
    %dma_wait3A_91 = tpu.memref_squeeze %dma_wait3A_90 : memref<1x1x96xi32, #tpu.memory_space<vmem>> -> memref<96xi32, #tpu.memory_space<vmem>>
    %dma_wait3A_92 = tpu.memref_slice %arg4[%mul3A_2] : memref<320000xi32, #tpu.memory_space<hbm>> -> memref<96xi32, #tpu.memory_space<hbm>>
    tpu.wait_dma2 semaphore(%arg11 : memref<!tpu.dma_semaphore, #tpu.memory_space<semaphore_mem>>) src(%dma_wait3A_92 : memref<96xi32, #tpu.memory_space<hbm>>) dst(%dma_wait3A_91 : memref<96xi32, #tpu.memory_space<vmem>>)
    %dma_start3A_93 = arith.constant 0 : i32
    %dma_start3A_94 = arith.constant 0 : i32
    %dma_start3A_95 = arith.constant 0 : i32
    %dma_start3A_96 = arith.constant 0 : i32
    %dma_start3A_97 = arith.constant 0 : i32
    %dma_start3A_98 = tpu.memref_slice %arg9[%dma_start3A_95, %dma_start3A_96, %dma_start3A_97] : memref<4x96x128xf32, #tpu.memory_space<vmem>> -> memref<1x96x128xf32, #tpu.memory_space<vmem>>
    %dma_start3A_99 = tpu.memref_squeeze %dma_start3A_98 : memref<1x96x128xf32, #tpu.memory_space<vmem>> -> memref<96x128xf32, #tpu.memory_space<vmem>>
    %dma_start3A_100 = arith.constant 0 : i32
    %dma_start3A_101 = tpu.memref_slice %arg7[%dma_start3A_93, %dma_start3A_94, %dma_start3A_100] : memref<4x2x96xi32, #tpu.memory_space<vmem>> -> memref<1x1x96xi32, #tpu.memory_space<vmem>>
    %dma_start3A_102 = tpu.memref_squeeze %dma_start3A_101 : memref<1x1x96xi32, #tpu.memory_space<vmem>> -> memref<96xi32, #tpu.memory_space<vmem>>
    %dma_start3A_103 = arith.constant 0 : i32
    %dma_start3A_104 = arith.constant 0 : i32
    %dma_start3A_105 = tpu.memref_slice %arg2[%dma_start3A_103, %dma_start3A_104] : memref<10000x128xf32, #tpu.memory_space<hbm>> -> memref<10000x128xf32, #tpu.memory_space<hbm>>
    tpu.enqueue_indirect_dma source(%dma_start3A_105 : memref<10000x128xf32, #tpu.memory_space<hbm>>) target(%dma_start3A_99 : memref<96x128xf32, #tpu.memory_space<vmem>>) offsets(%dma_start3A_102 : memref<96xi32, #tpu.memory_space<vmem>>) semaphore(%arg12 : memref<!tpu.dma_semaphore, #tpu.memory_space<semaphore_mem>>)
    %dma_start3A_106 = arith.constant 1 : i32
    %dma_start3A_107 = arith.constant 0 : i32
    %dma_start3A_108 = arith.constant 1 : i32
    %dma_start3A_109 = arith.constant 0 : i32
    %dma_start3A_110 = arith.constant 0 : i32
    %dma_start3A_111 = tpu.memref_slice %arg9[%dma_start3A_108, %dma_start3A_109, %dma_start3A_110] : memref<4x96x128xf32, #tpu.memory_space<vmem>> -> memref<1x96x128xf32, #tpu.memory_space<vmem>>
    %dma_start3A_112 = tpu.memref_squeeze %dma_start3A_111 : memref<1x96x128xf32, #tpu.memory_space<vmem>> -> memref<96x128xf32, #tpu.memory_space<vmem>>
    %dma_start3A_113 = arith.constant 0 : i32
    %dma_start3A_114 = tpu.memref_slice %arg7[%dma_start3A_106, %dma_start3A_107, %dma_start3A_113] : memref<4x2x96xi32, #tpu.memory_space<vmem>> -> memref<1x1x96xi32, #tpu.memory_space<vmem>>
    %dma_start3A_115 = tpu.memref_squeeze %dma_start3A_114 : memref<1x1x96xi32, #tpu.memory_space<vmem>> -> memref<96xi32, #tpu.memory_space<vmem>>
    %dma_start3A_116 = arith.constant 0 : i32
    %dma_start3A_117 = arith.constant 0 : i32
    %dma_start3A_118 = tpu.memref_slice %arg2[%dma_start3A_116, %dma_start3A_117] : memref<10000x128xf32, #tpu.memory_space<hbm>> -> memref<10000x128xf32, #tpu.memory_space<hbm>>
    tpu.enqueue_indirect_dma source(%dma_start3A_118 : memref<10000x128xf32, #tpu.memory_space<hbm>>) target(%dma_start3A_112 : memref<96x128xf32, #tpu.memory_space<vmem>>) offsets(%dma_start3A_115 : memref<96xi32, #tpu.memory_space<vmem>>) semaphore(%arg12 : memref<!tpu.dma_semaphore, #tpu.memory_space<semaphore_mem>>)
    %dma_wait3A_119 = arith.constant 0 : i32
    %dma_wait3A_120 = arith.constant 0 : i32
    %dma_wait3A_121 = arith.constant 0 : i32
    %dma_wait3A_122 = arith.constant 0 : i32
    %dma_wait3A_123 = arith.constant 0 : i32
    %dma_wait3A_124 = tpu.memref_slice %arg9[%dma_wait3A_121, %dma_wait3A_122, %dma_wait3A_123] : memref<4x96x128xf32, #tpu.memory_space<vmem>> -> memref<1x96x128xf32, #tpu.memory_space<vmem>>
    %dma_wait3A_125 = tpu.memref_squeeze %dma_wait3A_124 : memref<1x96x128xf32, #tpu.memory_space<vmem>> -> memref<96x128xf32, #tpu.memory_space<vmem>>
    %dma_wait3A_126 = arith.constant 0 : i32
    %dma_wait3A_127 = tpu.memref_slice %arg7[%dma_wait3A_119, %dma_wait3A_120, %dma_wait3A_126] : memref<4x2x96xi32, #tpu.memory_space<vmem>> -> memref<1x1x96xi32, #tpu.memory_space<vmem>>
    %dma_wait3A_128 = tpu.memref_squeeze %dma_wait3A_127 : memref<1x1x96xi32, #tpu.memory_space<vmem>> -> memref<96xi32, #tpu.memory_space<vmem>>
    %dma_wait3A_129 = arith.constant 0 : i32
    %dma_wait3A_130 = arith.constant 0 : i32
    %dma_wait3A_131 = tpu.memref_slice %arg2[%dma_wait3A_129, %dma_wait3A_130] : memref<10000x128xf32, #tpu.memory_space<hbm>> -> memref<10000x128xf32, #tpu.memory_space<hbm>>
    tpu.wait_indirect_dma semaphore(%arg12 : memref<!tpu.dma_semaphore, #tpu.memory_space<semaphore_mem>>) src(%dma_wait3A_131 : memref<10000x128xf32, #tpu.memory_space<hbm>>) dst(%dma_wait3A_125 : memref<96x128xf32, #tpu.memory_space<vmem>>)
    %dma_wait3A_132 = arith.constant 1 : i32
    %dma_wait3A_133 = arith.constant 0 : i32
    %dma_wait3A_134 = arith.constant 1 : i32
    %dma_wait3A_135 = arith.constant 0 : i32
    %dma_wait3A_136 = arith.constant 0 : i32
    %dma_wait3A_137 = tpu.memref_slice %arg9[%dma_wait3A_134, %dma_wait3A_135, %dma_wait3A_136] : memref<4x96x128xf32, #tpu.memory_space<vmem>> -> memref<1x96x128xf32, #tpu.memory_space<vmem>>
    %dma_wait3A_138 = tpu.memref_squeeze %dma_wait3A_137 : memref<1x96x128xf32, #tpu.memory_space<vmem>> -> memref<96x128xf32, #tpu.memory_space<vmem>>
    %dma_wait3A_139 = arith.constant 0 : i32
    %dma_wait3A_140 = tpu.memref_slice %arg7[%dma_wait3A_132, %dma_wait3A_133, %dma_wait3A_139] : memref<4x2x96xi32, #tpu.memory_space<vmem>> -> memref<1x1x96xi32, #tpu.memory_space<vmem>>
    %dma_wait3A_141 = tpu.memref_squeeze %dma_wait3A_140 : memref<1x1x96xi32, #tpu.memory_space<vmem>> -> memref<96xi32, #tpu.memory_space<vmem>>
    %dma_wait3A_142 = arith.constant 0 : i32
    %dma_wait3A_143 = arith.constant 0 : i32
    %dma_wait3A_144 = tpu.memref_slice %arg2[%dma_wait3A_142, %dma_wait3A_143] : memref<10000x128xf32, #tpu.memory_space<hbm>> -> memref<10000x128xf32, #tpu.memory_space<hbm>>
    tpu.wait_indirect_dma semaphore(%arg12 : memref<!tpu.dma_semaphore, #tpu.memory_space<semaphore_mem>>) src(%dma_wait3A_144 : memref<10000x128xf32, #tpu.memory_space<hbm>>) dst(%dma_wait3A_138 : memref<96x128xf32, #tpu.memory_space<vmem>>)
    %add3A_145 = arith.constant 192 : i32
    %add3A_146 = arith.addi %mul3A_2, %add3A_145 : i32
    %dma_start3A_147 = arith.constant 2 : i32
    %dma_start3A_148 = arith.constant 0 : i32
    %dma_start3A_149 = arith.constant 0 : i32
    %dma_start3A_150 = tpu.memref_slice %arg7[%dma_start3A_147, %dma_start3A_148, %dma_start3A_149] : memref<4x2x96xi32, #tpu.memory_space<vmem>> -> memref<1x1x96xi32, #tpu.memory_space<vmem>>
    %dma_start3A_151 = tpu.memref_squeeze %dma_start3A_150 : memref<1x1x96xi32, #tpu.memory_space<vmem>> -> memref<96xi32, #tpu.memory_space<vmem>>
    %dma_start3A_152 = tpu.memref_slice %arg3[%add3A_146] : memref<320000xi32, #tpu.memory_space<hbm>> -> memref<96xi32, #tpu.memory_space<hbm>>
    %dma_start3A_153 = arith.constant 0 : i32
    %dma_start3A_154 = tpu.memref_slice %arg7[%dma_start3A_147, %dma_start3A_148, %dma_start3A_153] : memref<4x2x96xi32, #tpu.memory_space<vmem>> -> memref<1x1x96xi32, #tpu.memory_space<vmem>>
    %dma_start3A_155 = tpu.memref_squeeze %dma_start3A_154 : memref<1x1x96xi32, #tpu.memory_space<vmem>> -> memref<96xi32, #tpu.memory_space<vmem>>
    %dma_start3A_156 = tpu.memref_slice %arg3[%add3A_146] : memref<320000xi32, #tpu.memory_space<hbm>> -> memref<96xi32, #tpu.memory_space<hbm>>
    tpu.enqueue_dma source(%dma_start3A_156 : memref<96xi32, #tpu.memory_space<hbm>>) target(%dma_start3A_155 : memref<96xi32, #tpu.memory_space<vmem>>) target_semaphore(%arg11 : memref<!tpu.dma_semaphore, #tpu.memory_space<semaphore_mem>>)
    %dma_start3A_157 = arith.constant 2 : i32
    %dma_start3A_158 = arith.constant 1 : i32
    %dma_start3A_159 = arith.constant 0 : i32
    %dma_start3A_160 = tpu.memref_slice %arg7[%dma_start3A_157, %dma_start3A_158, %dma_start3A_159] : memref<4x2x96xi32, #tpu.memory_space<vmem>> -> memref<1x1x96xi32, #tpu.memory_space<vmem>>
    %dma_start3A_161 = tpu.memref_squeeze %dma_start3A_160 : memref<1x1x96xi32, #tpu.memory_space<vmem>> -> memref<96xi32, #tpu.memory_space<vmem>>
    %dma_start3A_162 = tpu.memref_slice %arg4[%add3A_146] : memref<320000xi32, #tpu.memory_space<hbm>> -> memref<96xi32, #tpu.memory_space<hbm>>
    %dma_start3A_163 = arith.constant 0 : i32
    %dma_start3A_164 = tpu.memref_slice %arg7[%dma_start3A_157, %dma_start3A_158, %dma_start3A_163] : memref<4x2x96xi32, #tpu.memory_space<vmem>> -> memref<1x1x96xi32, #tpu.memory_space<vmem>>
    %dma_start3A_165 = tpu.memref_squeeze %dma_start3A_164 : memref<1x1x96xi32, #tpu.memory_space<vmem>> -> memref<96xi32, #tpu.memory_space<vmem>>
    %dma_start3A_166 = tpu.memref_slice %arg4[%add3A_146] : memref<320000xi32, #tpu.memory_space<hbm>> -> memref<96xi32, #tpu.memory_space<hbm>>
    tpu.enqueue_dma source(%dma_start3A_166 : memref<96xi32, #tpu.memory_space<hbm>>) target(%dma_start3A_165 : memref<96xi32, #tpu.memory_space<vmem>>) target_semaphore(%arg11 : memref<!tpu.dma_semaphore, #tpu.memory_space<semaphore_mem>>)
    %add3A_167 = arith.constant 288 : i32
    %add3A_168 = arith.addi %mul3A_2, %add3A_167 : i32
    %dma_start3A_169 = arith.constant 3 : i32
    %dma_start3A_170 = arith.constant 0 : i32
    %dma_start3A_171 = arith.constant 0 : i32
    %dma_start3A_172 = tpu.memref_slice %arg7[%dma_start3A_169, %dma_start3A_170, %dma_start3A_171] : memref<4x2x96xi32, #tpu.memory_space<vmem>> -> memref<1x1x96xi32, #tpu.memory_space<vmem>>
    %dma_start3A_173 = tpu.memref_squeeze %dma_start3A_172 : memref<1x1x96xi32, #tpu.memory_space<vmem>> -> memref<96xi32, #tpu.memory_space<vmem>>
    %dma_start3A_174 = tpu.memref_slice %arg3[%add3A_168] : memref<320000xi32, #tpu.memory_space<hbm>> -> memref<96xi32, #tpu.memory_space<hbm>>
    %dma_start3A_175 = arith.constant 0 : i32
    %dma_start3A_176 = tpu.memref_slice %arg7[%dma_start3A_169, %dma_start3A_170, %dma_start3A_175] : memref<4x2x96xi32, #tpu.memory_space<vmem>> -> memref<1x1x96xi32, #tpu.memory_space<vmem>>
    %dma_start3A_177 = tpu.memref_squeeze %dma_start3A_176 : memref<1x1x96xi32, #tpu.memory_space<vmem>> -> memref<96xi32, #tpu.memory_space<vmem>>
    %dma_start3A_178 = tpu.memref_slice %arg3[%add3A_168] : memref<320000xi32, #tpu.memory_space<hbm>> -> memref<96xi32, #tpu.memory_space<hbm>>
    tpu.enqueue_dma source(%dma_start3A_178 : memref<96xi32, #tpu.memory_space<hbm>>) target(%dma_start3A_177 : memref<96xi32, #tpu.memory_space<vmem>>) target_semaphore(%arg11 : memref<!tpu.dma_semaphore, #tpu.memory_space<semaphore_mem>>)
    %dma_start3A_179 = arith.constant 3 : i32
    %dma_start3A_180 = arith.constant 1 : i32
    %dma_start3A_181 = arith.constant 0 : i32
    %dma_start3A_182 = tpu.memref_slice %arg7[%dma_start3A_179, %dma_start3A_180, %dma_start3A_181] : memref<4x2x96xi32, #tpu.memory_space<vmem>> -> memref<1x1x96xi32, #tpu.memory_space<vmem>>
    %dma_start3A_183 = tpu.memref_squeeze %dma_start3A_182 : memref<1x1x96xi32, #tpu.memory_space<vmem>> -> memref<96xi32, #tpu.memory_space<vmem>>
    %dma_start3A_184 = tpu.memref_slice %arg4[%add3A_168] : memref<320000xi32, #tpu.memory_space<hbm>> -> memref<96xi32, #tpu.memory_space<hbm>>
    %dma_start3A_185 = arith.constant 0 : i32
    %dma_start3A_186 = tpu.memref_slice %arg7[%dma_start3A_179, %dma_start3A_180, %dma_start3A_185] : memref<4x2x96xi32, #tpu.memory_space<vmem>> -> memref<1x1x96xi32, #tpu.memory_space<vmem>>
    %dma_start3A_187 = tpu.memref_squeeze %dma_start3A_186 : memref<1x1x96xi32, #tpu.memory_space<vmem>> -> memref<96xi32, #tpu.memory_space<vmem>>
    %dma_start3A_188 = tpu.memref_slice %arg4[%add3A_168] : memref<320000xi32, #tpu.memory_space<hbm>> -> memref<96xi32, #tpu.memory_space<hbm>>
    tpu.enqueue_dma source(%dma_start3A_188 : memref<96xi32, #tpu.memory_space<hbm>>) target(%dma_start3A_187 : memref<96xi32, #tpu.memory_space<vmem>>) target_semaphore(%arg11 : memref<!tpu.dma_semaphore, #tpu.memory_space<semaphore_mem>>)
    %dma_wait3A_189 = arith.constant 2 : i32
    %dma_wait3A_190 = arith.constant 0 : i32
    %dma_wait3A_191 = arith.constant 0 : i32
    %dma_wait3A_192 = tpu.memref_slice %arg7[%dma_wait3A_189, %dma_wait3A_190, %dma_wait3A_191] : memref<4x2x96xi32, #tpu.memory_space<vmem>> -> memref<1x1x96xi32, #tpu.memory_space<vmem>>
    %dma_wait3A_193 = tpu.memref_squeeze %dma_wait3A_192 : memref<1x1x96xi32, #tpu.memory_space<vmem>> -> memref<96xi32, #tpu.memory_space<vmem>>
    %dma_wait3A_194 = tpu.memref_slice %arg3[%mul3A_2] : memref<320000xi32, #tpu.memory_space<hbm>> -> memref<96xi32, #tpu.memory_space<hbm>>
    %dma_wait3A_195 = arith.constant 0 : i32
    %dma_wait3A_196 = tpu.memref_slice %arg7[%dma_wait3A_189, %dma_wait3A_190, %dma_wait3A_195] : memref<4x2x96xi32, #tpu.memory_space<vmem>> -> memref<1x1x96xi32, #tpu.memory_space<vmem>>
    %dma_wait3A_197 = tpu.memref_squeeze %dma_wait3A_196 : memref<1x1x96xi32, #tpu.memory_space<vmem>> -> memref<96xi32, #tpu.memory_space<vmem>>
    %dma_wait3A_198 = tpu.memref_slice %arg3[%mul3A_2] : memref<320000xi32, #tpu.memory_space<hbm>> -> memref<96xi32, #tpu.memory_space<hbm>>
    tpu.wait_dma2 semaphore(%arg11 : memref<!tpu.dma_semaphore, #tpu.memory_space<semaphore_mem>>) src(%dma_wait3A_198 : memref<96xi32, #tpu.memory_space<hbm>>) dst(%dma_wait3A_197 : memref<96xi32, #tpu.memory_space<vmem>>)
    %dma_wait3A_199 = arith.constant 2 : i32
    %dma_wait3A_200 = arith.constant 1 : i32
    %dma_wait3A_201 = arith.constant 0 : i32
    %dma_wait3A_202 = tpu.memref_slice %arg7[%dma_wait3A_199, %dma_wait3A_200, %dma_wait3A_201] : memref<4x2x96xi32, #tpu.memory_space<vmem>> -> memref<1x1x96xi32, #tpu.memory_space<vmem>>
    %dma_wait3A_203 = tpu.memref_squeeze %dma_wait3A_202 : memref<1x1x96xi32, #tpu.memory_space<vmem>> -> memref<96xi32, #tpu.memory_space<vmem>>
    %dma_wait3A_204 = tpu.memref_slice %arg4[%mul3A_2] : memref<320000xi32, #tpu.memory_space<hbm>> -> memref<96xi32, #tpu.memory_space<hbm>>
    %dma_wait3A_205 = arith.constant 0 : i32
    %dma_wait3A_206 = tpu.memref_slice %arg7[%dma_wait3A_199, %dma_wait3A_200, %dma_wait3A_205] : memref<4x2x96xi32, #tpu.memory_space<vmem>> -> memref<1x1x96xi32, #tpu.memory_space<vmem>>
    %dma_wait3A_207 = tpu.memref_squeeze %dma_wait3A_206 : memref<1x1x96xi32, #tpu.memory_space<vmem>> -> memref<96xi32, #tpu.memory_space<vmem>>
    %dma_wait3A_208 = tpu.memref_slice %arg4[%mul3A_2] : memref<320000xi32, #tpu.memory_space<hbm>> -> memref<96xi32, #tpu.memory_space<hbm>>
    tpu.wait_dma2 semaphore(%arg11 : memref<!tpu.dma_semaphore, #tpu.memory_space<semaphore_mem>>) src(%dma_wait3A_208 : memref<96xi32, #tpu.memory_space<hbm>>) dst(%dma_wait3A_207 : memref<96xi32, #tpu.memory_space<vmem>>)
    %dma_wait3A_209 = arith.constant 3 : i32
    %dma_wait3A_210 = arith.constant 0 : i32
    %dma_wait3A_211 = arith.constant 0 : i32
    %dma_wait3A_212 = tpu.memref_slice %arg7[%dma_wait3A_209, %dma_wait3A_210, %dma_wait3A_211] : memref<4x2x96xi32, #tpu.memory_space<vmem>> -> memref<1x1x96xi32, #tpu.memory_space<vmem>>
    %dma_wait3A_213 = tpu.memref_squeeze %dma_wait3A_212 : memref<1x1x96xi32, #tpu.memory_space<vmem>> -> memref<96xi32, #tpu.memory_space<vmem>>
    %dma_wait3A_214 = tpu.memref_slice %arg3[%mul3A_2] : memref<320000xi32, #tpu.memory_space<hbm>> -> memref<96xi32, #tpu.memory_space<hbm>>
    %dma_wait3A_215 = arith.constant 0 : i32
    %dma_wait3A_216 = tpu.memref_slice %arg7[%dma_wait3A_209, %dma_wait3A_210, %dma_wait3A_215] : memref<4x2x96xi32, #tpu.memory_space<vmem>> -> memref<1x1x96xi32, #tpu.memory_space<vmem>>
    %dma_wait3A_217 = tpu.memref_squeeze %dma_wait3A_216 : memref<1x1x96xi32, #tpu.memory_space<vmem>> -> memref<96xi32, #tpu.memory_space<vmem>>
    %dma_wait3A_218 = tpu.memref_slice %arg3[%mul3A_2] : memref<320000xi32, #tpu.memory_space<hbm>> -> memref<96xi32, #tpu.memory_space<hbm>>
    tpu.wait_dma2 semaphore(%arg11 : memref<!tpu.dma_semaphore, #tpu.memory_space<semaphore_mem>>) src(%dma_wait3A_218 : memref<96xi32, #tpu.memory_space<hbm>>) dst(%dma_wait3A_217 : memref<96xi32, #tpu.memory_space<vmem>>)
    %dma_wait3A_219 = arith.constant 3 : i32
    %dma_wait3A_220 = arith.constant 1 : i32
    %dma_wait3A_221 = arith.constant 0 : i32
    %dma_wait3A_222 = tpu.memref_slice %arg7[%dma_wait3A_219, %dma_wait3A_220, %dma_wait3A_221] : memref<4x2x96xi32, #tpu.memory_space<vmem>> -> memref<1x1x96xi32, #tpu.memory_space<vmem>>
    %dma_wait3A_223 = tpu.memref_squeeze %dma_wait3A_222 : memref<1x1x96xi32, #tpu.memory_space<vmem>> -> memref<96xi32, #tpu.memory_space<vmem>>
    %dma_wait3A_224 = tpu.memref_slice %arg4[%mul3A_2] : memref<320000xi32, #tpu.memory_space<hbm>> -> memref<96xi32, #tpu.memory_space<hbm>>
    %dma_wait3A_225 = arith.constant 0 : i32
    %dma_wait3A_226 = tpu.memref_slice %arg7[%dma_wait3A_219, %dma_wait3A_220, %dma_wait3A_225] : memref<4x2x96xi32, #tpu.memory_space<vmem>> -> memref<1x1x96xi32, #tpu.memory_space<vmem>>
    %dma_wait3A_227 = tpu.memref_squeeze %dma_wait3A_226 : memref<1x1x96xi32, #tpu.memory_space<vmem>> -> memref<96xi32, #tpu.memory_space<vmem>>
    %dma_wait3A_228 = tpu.memref_slice %arg4[%mul3A_2] : memref<320000xi32, #tpu.memory_space<hbm>> -> memref<96xi32, #tpu.memory_space<hbm>>
    tpu.wait_dma2 semaphore(%arg11 : memref<!tpu.dma_semaphore, #tpu.memory_space<semaphore_mem>>) src(%dma_wait3A_228 : memref<96xi32, #tpu.memory_space<hbm>>) dst(%dma_wait3A_227 : memref<96xi32, #tpu.memory_space<vmem>>)
    %dma_start3A_229 = arith.constant 2 : i32
    %dma_start3A_230 = arith.constant 0 : i32
    %dma_start3A_231 = arith.constant 2 : i32
    %dma_start3A_232 = arith.constant 0 : i32
    %dma_start3A_233 = arith.constant 0 : i32
    %dma_start3A_234 = tpu.memref_slice %arg9[%dma_start3A_231, %dma_start3A_232, %dma_start3A_233] : memref<4x96x128xf32, #tpu.memory_space<vmem>> -> memref<1x96x128xf32, #tpu.memory_space<vmem>>
    %dma_start3A_235 = tpu.memref_squeeze %dma_start3A_234 : memref<1x96x128xf32, #tpu.memory_space<vmem>> -> memref<96x128xf32, #tpu.memory_space<vmem>>
    %dma_start3A_236 = arith.constant 0 : i32
    %dma_start3A_237 = tpu.memref_slice %arg7[%dma_start3A_229, %dma_start3A_230, %dma_start3A_236] : memref<4x2x96xi32, #tpu.memory_space<vmem>> -> memref<1x1x96xi32, #tpu.memory_space<vmem>>
    %dma_start3A_238 = tpu.memref_squeeze %dma_start3A_237 : memref<1x1x96xi32, #tpu.memory_space<vmem>> -> memref<96xi32, #tpu.memory_space<vmem>>
    %dma_start3A_239 = arith.constant 0 : i32
    %dma_start3A_240 = arith.constant 0 : i32
    %dma_start3A_241 = tpu.memref_slice %arg2[%dma_start3A_239, %dma_start3A_240] : memref<10000x128xf32, #tpu.memory_space<hbm>> -> memref<10000x128xf32, #tpu.memory_space<hbm>>
    tpu.enqueue_indirect_dma source(%dma_start3A_241 : memref<10000x128xf32, #tpu.memory_space<hbm>>) target(%dma_start3A_235 : memref<96x128xf32, #tpu.memory_space<vmem>>) offsets(%dma_start3A_238 : memref<96xi32, #tpu.memory_space<vmem>>) semaphore(%arg12 : memref<!tpu.dma_semaphore, #tpu.memory_space<semaphore_mem>>)
    %dma_start3A_242 = arith.constant 3 : i32
    %dma_start3A_243 = arith.constant 0 : i32
    %dma_start3A_244 = arith.constant 3 : i32
    %dma_start3A_245 = arith.constant 0 : i32
    %dma_start3A_246 = arith.constant 0 : i32
    %dma_start3A_247 = tpu.memref_slice %arg9[%dma_start3A_244, %dma_start3A_245, %dma_start3A_246] : memref<4x96x128xf32, #tpu.memory_space<vmem>> -> memref<1x96x128xf32, #tpu.memory_space<vmem>>
    %dma_start3A_248 = tpu.memref_squeeze %dma_start3A_247 : memref<1x96x128xf32, #tpu.memory_space<vmem>> -> memref<96x128xf32, #tpu.memory_space<vmem>>
    %dma_start3A_249 = arith.constant 0 : i32
    %dma_start3A_250 = tpu.memref_slice %arg7[%dma_start3A_242, %dma_start3A_243, %dma_start3A_249] : memref<4x2x96xi32, #tpu.memory_space<vmem>> -> memref<1x1x96xi32, #tpu.memory_space<vmem>>
    %dma_start3A_251 = tpu.memref_squeeze %dma_start3A_250 : memref<1x1x96xi32, #tpu.memory_space<vmem>> -> memref<96xi32, #tpu.memory_space<vmem>>
    %dma_start3A_252 = arith.constant 0 : i32
    %dma_start3A_253 = arith.constant 0 : i32
    %dma_start3A_254 = tpu.memref_slice %arg2[%dma_start3A_252, %dma_start3A_253] : memref<10000x128xf32, #tpu.memory_space<hbm>> -> memref<10000x128xf32, #tpu.memory_space<hbm>>
    tpu.enqueue_indirect_dma source(%dma_start3A_254 : memref<10000x128xf32, #tpu.memory_space<hbm>>) target(%dma_start3A_248 : memref<96x128xf32, #tpu.memory_space<vmem>>) offsets(%dma_start3A_251 : memref<96xi32, #tpu.memory_space<vmem>>) semaphore(%arg12 : memref<!tpu.dma_semaphore, #tpu.memory_space<semaphore_mem>>)
    %dma_wait3A_255 = arith.constant 2 : i32
    %dma_wait3A_256 = arith.constant 0 : i32
    %dma_wait3A_257 = arith.constant 2 : i32
    %dma_wait3A_258 = arith.constant 0 : i32
    %dma_wait3A_259 = arith.constant 0 : i32
    %dma_wait3A_260 = tpu.memref_slice %arg9[%dma_wait3A_257, %dma_wait3A_258, %dma_wait3A_259] : memref<4x96x128xf32, #tpu.memory_space<vmem>> -> memref<1x96x128xf32, #tpu.memory_space<vmem>>
    %dma_wait3A_261 = tpu.memref_squeeze %dma_wait3A_260 : memref<1x96x128xf32, #tpu.memory_space<vmem>> -> memref<96x128xf32, #tpu.memory_space<vmem>>
    %dma_wait3A_262 = arith.constant 0 : i32
    %dma_wait3A_263 = tpu.memref_slice %arg7[%dma_wait3A_255, %dma_wait3A_256, %dma_wait3A_262] : memref<4x2x96xi32, #tpu.memory_space<vmem>> -> memref<1x1x96xi32, #tpu.memory_space<vmem>>
    %dma_wait3A_264 = tpu.memref_squeeze %dma_wait3A_263 : memref<1x1x96xi32, #tpu.memory_space<vmem>> -> memref<96xi32, #tpu.memory_space<vmem>>
    %dma_wait3A_265 = arith.constant 0 : i32
    %dma_wait3A_266 = arith.constant 0 : i32
    %dma_wait3A_267 = tpu.memref_slice %arg2[%dma_wait3A_265, %dma_wait3A_266] : memref<10000x128xf32, #tpu.memory_space<hbm>> -> memref<10000x128xf32, #tpu.memory_space<hbm>>
    tpu.wait_indirect_dma semaphore(%arg12 : memref<!tpu.dma_semaphore, #tpu.memory_space<semaphore_mem>>) src(%dma_wait3A_267 : memref<10000x128xf32, #tpu.memory_space<hbm>>) dst(%dma_wait3A_261 : memref<96x128xf32, #tpu.memory_space<vmem>>)
    %dma_wait3A_268 = arith.constant 3 : i32
    %dma_wait3A_269 = arith.constant 0 : i32
    %dma_wait3A_270 = arith.constant 3 : i32
    %dma_wait3A_271 = arith.constant 0 : i32
    %dma_wait3A_272 = arith.constant 0 : i32
    %dma_wait3A_273 = tpu.memref_slice %arg9[%dma_wait3A_270, %dma_wait3A_271, %dma_wait3A_272] : memref<4x96x128xf32, #tpu.memory_space<vmem>> -> memref<1x96x128xf32, #tpu.memory_space<vmem>>
    %dma_wait3A_274 = tpu.memref_squeeze %dma_wait3A_273 : memref<1x96x128xf32, #tpu.memory_space<vmem>> -> memref<96x128xf32, #tpu.memory_space<vmem>>
    %dma_wait3A_275 = arith.constant 0 : i32
    %dma_wait3A_276 = tpu.memref_slice %arg7[%dma_wait3A_268, %dma_wait3A_269, %dma_wait3A_275] : memref<4x2x96xi32, #tpu.memory_space<vmem>> -> memref<1x1x96xi32, #tpu.memory_space<vmem>>
    %dma_wait3A_277 = tpu.memref_squeeze %dma_wait3A_276 : memref<1x1x96xi32, #tpu.memory_space<vmem>> -> memref<96xi32, #tpu.memory_space<vmem>>
    %dma_wait3A_278 = arith.constant 0 : i32
    %dma_wait3A_279 = arith.constant 0 : i32
    %dma_wait3A_280 = tpu.memref_slice %arg2[%dma_wait3A_278, %dma_wait3A_279] : memref<10000x128xf32, #tpu.memory_space<hbm>> -> memref<10000x128xf32, #tpu.memory_space<hbm>>
    tpu.wait_indirect_dma semaphore(%arg12 : memref<!tpu.dma_semaphore, #tpu.memory_space<semaphore_mem>>) src(%dma_wait3A_280 : memref<10000x128xf32, #tpu.memory_space<hbm>>) dst(%dma_wait3A_274 : memref<96x128xf32, #tpu.memory_space<vmem>>)
    %dma_wait3A_281 = arith.constant 0 : i32
    %dma_wait3A_282 = tpu.memref_slice %arg10[%mul3A_4, %dma_wait3A_281] : memref<10000x128xf32, #tpu.memory_space<vmem_shared>> -> memref<624x128xf32, #tpu.memory_space<vmem_shared>>
    %dma_wait3A_283 = arith.constant 0 : i32
    %dma_wait3A_284 = tpu.memref_slice %arg5[%mul3A_4, %dma_wait3A_283] : memref<10000x128xf32, #tpu.memory_space<hbm>> -> memref<624x128xf32, #tpu.memory_space<hbm>>
    tpu.wait_dma2 semaphore(%arg14 : memref<!tpu.dma_semaphore, #tpu.memory_space<semaphore_mem>>) src(%dma_wait3A_284 : memref<624x128xf32, #tpu.memory_space<hbm>>) dst(%dma_wait3A_282 : memref<624x128xf32, #tpu.memory_space<vmem_shared>>)
    %eq3A_285 = arith.constant 0 : i32
    %eq3A_286 = arith.cmpi eq, %arg1, %eq3A_285 : i32
    %convert_element_type3A_287 = arith.extui %eq3A_286 : i1 to i32
    %cond3A_288 = arith.constant 0 : i32
    %cond3A_289 = arith.cmpi ne, %convert_element_type3A_287, %cond3A_288 : i32
    scf.if %cond3A_289 {
      %dma_wait3A_503 = arith.constant 9984 : i32
      %dma_wait3A_504 = arith.constant 0 : i32
      %dma_wait3A_505 = tpu.memref_slice %arg10[%dma_wait3A_503, %dma_wait3A_504] : memref<10000x128xf32, #tpu.memory_space<vmem_shared>> -> memref<16x128xf32, #tpu.memory_space<vmem_shared>>
      %dma_wait3A_506 = arith.constant 9984 : i32
      %dma_wait3A_507 = arith.constant 0 : i32
      %dma_wait3A_508 = tpu.memref_slice %arg5[%dma_wait3A_506, %dma_wait3A_507] : memref<10000x128xf32, #tpu.memory_space<hbm>> -> memref<16x128xf32, #tpu.memory_space<hbm>>
      tpu.wait_dma2 semaphore(%arg14 : memref<!tpu.dma_semaphore, #tpu.memory_space<semaphore_mem>>) src(%dma_wait3A_508 : memref<16x128xf32, #tpu.memory_space<hbm>>) dst(%dma_wait3A_505 : memref<16x128xf32, #tpu.memory_space<vmem_shared>>)
    } else {
    }
    %barrier3A = arith.constant 0 : index
    tpu.barrier barrier_id(%barrier3A)
    %dma_start3A_290 = arith.constant 0 : i32
    %dma_start3A_291 = arith.constant 0 : i32
    %dma_start3A_292 = arith.constant 1 : i32
    %dma_start3A_293 = arith.constant 0 : i32
    %dma_start3A_294 = arith.constant 0 : i32
    %dma_start3A_295 = tpu.memref_slice %arg9[%dma_start3A_290, %dma_start3A_293, %dma_start3A_294] : memref<4x96x128xf32, #tpu.memory_space<vmem>> -> memref<1x96x128xf32, #tpu.memory_space<vmem>>
    %dma_start3A_296 = tpu.memref_squeeze %dma_start3A_295 : memref<1x96x128xf32, #tpu.memory_space<vmem>> -> memref<96x128xf32, #tpu.memory_space<vmem>>
    %dma_start3A_297 = arith.constant 0 : i32
    %dma_start3A_298 = tpu.memref_slice %arg7[%dma_start3A_291, %dma_start3A_292, %dma_start3A_297] : memref<4x2x96xi32, #tpu.memory_space<vmem>> -> memref<1x1x96xi32, #tpu.memory_space<vmem>>
    %dma_start3A_299 = tpu.memref_squeeze %dma_start3A_298 : memref<1x1x96xi32, #tpu.memory_space<vmem>> -> memref<96xi32, #tpu.memory_space<vmem>>
    %dma_start3A_300 = arith.constant 0 : i32
    %dma_start3A_301 = arith.constant 0 : i32
    %dma_start3A_302 = tpu.memref_slice %arg10[%dma_start3A_300, %dma_start3A_301] : memref<10000x128xf32, #tpu.memory_space<vmem_shared>> -> memref<10000x128xf32, #tpu.memory_space<vmem_shared>>
    tpu.enqueue_indirect_dma source(%dma_start3A_296 : memref<96x128xf32, #tpu.memory_space<vmem>>) target(%dma_start3A_302 : memref<10000x128xf32, #tpu.memory_space<vmem_shared>>) offsets(%dma_start3A_299 : memref<96xi32, #tpu.memory_space<vmem>>) semaphore(%arg13 : memref<!tpu.dma_semaphore, #tpu.memory_space<semaphore_mem>>) {add = true}
    %dma_start3A_303 = arith.constant 1 : i32
    %dma_start3A_304 = arith.constant 1 : i32
    %dma_start3A_305 = arith.constant 1 : i32
    %dma_start3A_306 = arith.constant 0 : i32
    %dma_start3A_307 = arith.constant 0 : i32
    %dma_start3A_308 = tpu.memref_slice %arg9[%dma_start3A_303, %dma_start3A_306, %dma_start3A_307] : memref<4x96x128xf32, #tpu.memory_space<vmem>> -> memref<1x96x128xf32, #tpu.memory_space<vmem>>
    %dma_start3A_309 = tpu.memref_squeeze %dma_start3A_308 : memref<1x96x128xf32, #tpu.memory_space<vmem>> -> memref<96x128xf32, #tpu.memory_space<vmem>>
    %dma_start3A_310 = arith.constant 0 : i32
    %dma_start3A_311 = tpu.memref_slice %arg7[%dma_start3A_304, %dma_start3A_305, %dma_start3A_310] : memref<4x2x96xi32, #tpu.memory_space<vmem>> -> memref<1x1x96xi32, #tpu.memory_space<vmem>>
    %dma_start3A_312 = tpu.memref_squeeze %dma_start3A_311 : memref<1x1x96xi32, #tpu.memory_space<vmem>> -> memref<96xi32, #tpu.memory_space<vmem>>
    %dma_start3A_313 = arith.constant 0 : i32
    %dma_start3A_314 = arith.constant 0 : i32
    %dma_start3A_315 = tpu.memref_slice %arg10[%dma_start3A_313, %dma_start3A_314] : memref<10000x128xf32, #tpu.memory_space<vmem_shared>> -> memref<10000x128xf32, #tpu.memory_space<vmem_shared>>
    tpu.enqueue_indirect_dma source(%dma_start3A_309 : memref<96x128xf32, #tpu.memory_space<vmem>>) target(%dma_start3A_315 : memref<10000x128xf32, #tpu.memory_space<vmem_shared>>) offsets(%dma_start3A_312 : memref<96xi32, #tpu.memory_space<vmem>>) semaphore(%arg13 : memref<!tpu.dma_semaphore, #tpu.memory_space<semaphore_mem>>) {add = true}
    %dma_start3A_316 = arith.constant 2 : i32
    %dma_start3A_317 = arith.constant 2 : i32
    %dma_start3A_318 = arith.constant 1 : i32
    %dma_start3A_319 = arith.constant 0 : i32
    %dma_start3A_320 = arith.constant 0 : i32
    %dma_start3A_321 = tpu.memref_slice %arg9[%dma_start3A_316, %dma_start3A_319, %dma_start3A_320] : memref<4x96x128xf32, #tpu.memory_space<vmem>> -> memref<1x96x128xf32, #tpu.memory_space<vmem>>
    %dma_start3A_322 = tpu.memref_squeeze %dma_start3A_321 : memref<1x96x128xf32, #tpu.memory_space<vmem>> -> memref<96x128xf32, #tpu.memory_space<vmem>>
    %dma_start3A_323 = arith.constant 0 : i32
    %dma_start3A_324 = tpu.memref_slice %arg7[%dma_start3A_317, %dma_start3A_318, %dma_start3A_323] : memref<4x2x96xi32, #tpu.memory_space<vmem>> -> memref<1x1x96xi32, #tpu.memory_space<vmem>>
    %dma_start3A_325 = tpu.memref_squeeze %dma_start3A_324 : memref<1x1x96xi32, #tpu.memory_space<vmem>> -> memref<96xi32, #tpu.memory_space<vmem>>
    %dma_start3A_326 = arith.constant 0 : i32
    %dma_start3A_327 = arith.constant 0 : i32
    %dma_start3A_328 = tpu.memref_slice %arg10[%dma_start3A_326, %dma_start3A_327] : memref<10000x128xf32, #tpu.memory_space<vmem_shared>> -> memref<10000x128xf32, #tpu.memory_space<vmem_shared>>
    tpu.enqueue_indirect_dma source(%dma_start3A_322 : memref<96x128xf32, #tpu.memory_space<vmem>>) target(%dma_start3A_328 : memref<10000x128xf32, #tpu.memory_space<vmem_shared>>) offsets(%dma_start3A_325 : memref<96xi32, #tpu.memory_space<vmem>>) semaphore(%arg13 : memref<!tpu.dma_semaphore, #tpu.memory_space<semaphore_mem>>) {add = true}
    %dma_start3A_329 = arith.constant 3 : i32
    %dma_start3A_330 = arith.constant 3 : i32
    %dma_start3A_331 = arith.constant 1 : i32
    %dma_start3A_332 = arith.constant 0 : i32
    %dma_start3A_333 = arith.constant 0 : i32
    %dma_start3A_334 = tpu.memref_slice %arg9[%dma_start3A_329, %dma_start3A_332, %dma_start3A_333] : memref<4x96x128xf32, #tpu.memory_space<vmem>> -> memref<1x96x128xf32, #tpu.memory_space<vmem>>
    %dma_start3A_335 = tpu.memref_squeeze %dma_start3A_334 : memref<1x96x128xf32, #tpu.memory_space<vmem>> -> memref<96x128xf32, #tpu.memory_space<vmem>>
    %dma_start3A_336 = arith.constant 0 : i32
    %dma_start3A_337 = tpu.memref_slice %arg7[%dma_start3A_330, %dma_start3A_331, %dma_start3A_336] : memref<4x2x96xi32, #tpu.memory_space<vmem>> -> memref<1x1x96xi32, #tpu.memory_space<vmem>>
    %dma_start3A_338 = tpu.memref_squeeze %dma_start3A_337 : memref<1x1x96xi32, #tpu.memory_space<vmem>> -> memref<96xi32, #tpu.memory_space<vmem>>
    %dma_start3A_339 = arith.constant 0 : i32
    %dma_start3A_340 = arith.constant 0 : i32
    %dma_start3A_341 = tpu.memref_slice %arg10[%dma_start3A_339, %dma_start3A_340] : memref<10000x128xf32, #tpu.memory_space<vmem_shared>> -> memref<10000x128xf32, #tpu.memory_space<vmem_shared>>
    tpu.enqueue_indirect_dma source(%dma_start3A_335 : memref<96x128xf32, #tpu.memory_space<vmem>>) target(%dma_start3A_341 : memref<10000x128xf32, #tpu.memory_space<vmem_shared>>) offsets(%dma_start3A_338 : memref<96xi32, #tpu.memory_space<vmem>>) semaphore(%arg13 : memref<!tpu.dma_semaphore, #tpu.memory_space<semaphore_mem>>) {add = true}
    %scan3A = arith.constant 0 : i32
    %scan3A_342 = arith.constant 0 : i32
    %scan3A_343 = arith.constant 25 : i32
    %scan3A_344 = arith.addi %scan3A_342, %scan3A_343 : i32
    %scan3A_345 = arith.constant 1 : i32
    scf.for %scan3A_503 = %scan3A_342 to %scan3A_344 step %scan3A_345  : i32 {
      %mul3A_504 = arith.constant 2 : i32
      %mul3A_505 = arith.muli %mul3A_504, %scan3A_503 : i32
      %add3A_506 = arith.constant 2 : i32
      %add3A_507 = arith.addi %mul3A_505, %add3A_506 : i32
      %dma_wait3A_508 = arith.constant 0 : i32
      %dma_wait3A_509 = arith.constant 0 : i32
      %dma_wait3A_510 = arith.constant 1 : i32
      %dma_wait3A_511 = arith.constant 0 : i32
      %dma_wait3A_512 = arith.constant 0 : i32
      %dma_wait3A_513 = tpu.memref_slice %arg9[%dma_wait3A_508, %dma_wait3A_511, %dma_wait3A_512] : memref<4x96x128xf32, #tpu.memory_space<vmem>> -> memref<1x96x128xf32, #tpu.memory_space<vmem>>
      %dma_wait3A_514 = tpu.memref_squeeze %dma_wait3A_513 : memref<1x96x128xf32, #tpu.memory_space<vmem>> -> memref<96x128xf32, #tpu.memory_space<vmem>>
      %dma_wait3A_515 = arith.constant 0 : i32
      %dma_wait3A_516 = tpu.memref_slice %arg7[%dma_wait3A_509, %dma_wait3A_510, %dma_wait3A_515] : memref<4x2x96xi32, #tpu.memory_space<vmem>> -> memref<1x1x96xi32, #tpu.memory_space<vmem>>
      %dma_wait3A_517 = tpu.memref_squeeze %dma_wait3A_516 : memref<1x1x96xi32, #tpu.memory_space<vmem>> -> memref<96xi32, #tpu.memory_space<vmem>>
      %dma_wait3A_518 = arith.constant 0 : i32
      %dma_wait3A_519 = arith.constant 0 : i32
      %dma_wait3A_520 = tpu.memref_slice %arg10[%dma_wait3A_518, %dma_wait3A_519] : memref<10000x128xf32, #tpu.memory_space<vmem_shared>> -> memref<10000x128xf32, #tpu.memory_space<vmem_shared>>
      tpu.wait_indirect_dma semaphore(%arg13 : memref<!tpu.dma_semaphore, #tpu.memory_space<semaphore_mem>>) src(%dma_wait3A_514 : memref<96x128xf32, #tpu.memory_space<vmem>>) dst(%dma_wait3A_520 : memref<10000x128xf32, #tpu.memory_space<vmem_shared>>)
      %dma_wait3A_521 = arith.constant 1 : i32
      %dma_wait3A_522 = arith.constant 1 : i32
      %dma_wait3A_523 = arith.constant 1 : i32
      %dma_wait3A_524 = arith.constant 0 : i32
      %dma_wait3A_525 = arith.constant 0 : i32
      %dma_wait3A_526 = tpu.memref_slice %arg9[%dma_wait3A_521, %dma_wait3A_524, %dma_wait3A_525] : memref<4x96x128xf32, #tpu.memory_space<vmem>> -> memref<1x96x128xf32, #tpu.memory_space<vmem>>
      %dma_wait3A_527 = tpu.memref_squeeze %dma_wait3A_526 : memref<1x96x128xf32, #tpu.memory_space<vmem>> -> memref<96x128xf32, #tpu.memory_space<vmem>>
      %dma_wait3A_528 = arith.constant 0 : i32
      %dma_wait3A_529 = tpu.memref_slice %arg7[%dma_wait3A_522, %dma_wait3A_523, %dma_wait3A_528] : memref<4x2x96xi32, #tpu.memory_space<vmem>> -> memref<1x1x96xi32, #tpu.memory_space<vmem>>
      %dma_wait3A_530 = tpu.memref_squeeze %dma_wait3A_529 : memref<1x1x96xi32, #tpu.memory_space<vmem>> -> memref<96xi32, #tpu.memory_space<vmem>>
      %dma_wait3A_531 = arith.constant 0 : i32
      %dma_wait3A_532 = arith.constant 0 : i32
      %dma_wait3A_533 = tpu.memref_slice %arg10[%dma_wait3A_531, %dma_wait3A_532] : memref<10000x128xf32, #tpu.memory_space<vmem_shared>> -> memref<10000x128xf32, #tpu.memory_space<vmem_shared>>
      tpu.wait_indirect_dma semaphore(%arg13 : memref<!tpu.dma_semaphore, #tpu.memory_space<semaphore_mem>>) src(%dma_wait3A_527 : memref<96x128xf32, #tpu.memory_space<vmem>>) dst(%dma_wait3A_533 : memref<10000x128xf32, #tpu.memory_space<vmem_shared>>)
      %mul3A_534 = arith.constant 2 : i32
      %mul3A_535 = arith.muli %add3A_507, %mul3A_534 : i32
      %add3A_536 = arith.constant 0 : i32
      %add3A_537 = arith.addi %mul3A_535, %add3A_536 : i32
      %mul3A_538 = arith.constant 96 : i32
      %mul3A_539 = arith.muli %add3A_537, %mul3A_538 : i32
      %add3A_540 = arith.addi %mul3A_2, %mul3A_539 : i32
      %dma_start3A_541 = arith.constant 0 : i32
      %dma_start3A_542 = arith.constant 0 : i32
      %dma_start3A_543 = arith.constant 0 : i32
      %dma_start3A_544 = tpu.memref_slice %arg7[%dma_start3A_541, %dma_start3A_542, %dma_start3A_543] : memref<4x2x96xi32, #tpu.memory_space<vmem>> -> memref<1x1x96xi32, #tpu.memory_space<vmem>>
      %dma_start3A_545 = tpu.memref_squeeze %dma_start3A_544 : memref<1x1x96xi32, #tpu.memory_space<vmem>> -> memref<96xi32, #tpu.memory_space<vmem>>
      %dma_start3A_546 = tpu.memref_slice %arg3[%add3A_540] : memref<320000xi32, #tpu.memory_space<hbm>> -> memref<96xi32, #tpu.memory_space<hbm>>
      %dma_start3A_547 = arith.constant 0 : i32
      %dma_start3A_548 = tpu.memref_slice %arg7[%dma_start3A_541, %dma_start3A_542, %dma_start3A_547] : memref<4x2x96xi32, #tpu.memory_space<vmem>> -> memref<1x1x96xi32, #tpu.memory_space<vmem>>
      %dma_start3A_549 = tpu.memref_squeeze %dma_start3A_548 : memref<1x1x96xi32, #tpu.memory_space<vmem>> -> memref<96xi32, #tpu.memory_space<vmem>>
      %dma_start3A_550 = tpu.memref_slice %arg3[%add3A_540] : memref<320000xi32, #tpu.memory_space<hbm>> -> memref<96xi32, #tpu.memory_space<hbm>>
      tpu.enqueue_dma source(%dma_start3A_550 : memref<96xi32, #tpu.memory_space<hbm>>) target(%dma_start3A_549 : memref<96xi32, #tpu.memory_space<vmem>>) target_semaphore(%arg11 : memref<!tpu.dma_semaphore, #tpu.memory_space<semaphore_mem>>)
      %dma_start3A_551 = arith.constant 0 : i32
      %dma_start3A_552 = arith.constant 1 : i32
      %dma_start3A_553 = arith.constant 0 : i32
      %dma_start3A_554 = tpu.memref_slice %arg7[%dma_start3A_551, %dma_start3A_552, %dma_start3A_553] : memref<4x2x96xi32, #tpu.memory_space<vmem>> -> memref<1x1x96xi32, #tpu.memory_space<vmem>>
      %dma_start3A_555 = tpu.memref_squeeze %dma_start3A_554 : memref<1x1x96xi32, #tpu.memory_space<vmem>> -> memref<96xi32, #tpu.memory_space<vmem>>
      %dma_start3A_556 = tpu.memref_slice %arg4[%add3A_540] : memref<320000xi32, #tpu.memory_space<hbm>> -> memref<96xi32, #tpu.memory_space<hbm>>
      %dma_start3A_557 = arith.constant 0 : i32
      %dma_start3A_558 = tpu.memref_slice %arg7[%dma_start3A_551, %dma_start3A_552, %dma_start3A_557] : memref<4x2x96xi32, #tpu.memory_space<vmem>> -> memref<1x1x96xi32, #tpu.memory_space<vmem>>
      %dma_start3A_559 = tpu.memref_squeeze %dma_start3A_558 : memref<1x1x96xi32, #tpu.memory_space<vmem>> -> memref<96xi32, #tpu.memory_space<vmem>>
      %dma_start3A_560 = tpu.memref_slice %arg4[%add3A_540] : memref<320000xi32, #tpu.memory_space<hbm>> -> memref<96xi32, #tpu.memory_space<hbm>>
      tpu.enqueue_dma source(%dma_start3A_560 : memref<96xi32, #tpu.memory_space<hbm>>) target(%dma_start3A_559 : memref<96xi32, #tpu.memory_space<vmem>>) target_semaphore(%arg11 : memref<!tpu.dma_semaphore, #tpu.memory_space<semaphore_mem>>)
      %mul3A_561 = arith.constant 2 : i32
      %mul3A_562 = arith.muli %add3A_507, %mul3A_561 : i32
      %add3A_563 = arith.constant 1 : i32
      %add3A_564 = arith.addi %mul3A_562, %add3A_563 : i32
      %mul3A_565 = arith.constant 96 : i32
      %mul3A_566 = arith.muli %add3A_564, %mul3A_565 : i32
      %add3A_567 = arith.addi %mul3A_2, %mul3A_566 : i32
      %dma_start3A_568 = arith.constant 1 : i32
      %dma_start3A_569 = arith.constant 0 : i32
      %dma_start3A_570 = arith.constant 0 : i32
      %dma_start3A_571 = tpu.memref_slice %arg7[%dma_start3A_568, %dma_start3A_569, %dma_start3A_570] : memref<4x2x96xi32, #tpu.memory_space<vmem>> -> memref<1x1x96xi32, #tpu.memory_space<vmem>>
      %dma_start3A_572 = tpu.memref_squeeze %dma_start3A_571 : memref<1x1x96xi32, #tpu.memory_space<vmem>> -> memref<96xi32, #tpu.memory_space<vmem>>
      %dma_start3A_573 = tpu.memref_slice %arg3[%add3A_567] : memref<320000xi32, #tpu.memory_space<hbm>> -> memref<96xi32, #tpu.memory_space<hbm>>
      %dma_start3A_574 = arith.constant 0 : i32
      %dma_start3A_575 = tpu.memref_slice %arg7[%dma_start3A_568, %dma_start3A_569, %dma_start3A_574] : memref<4x2x96xi32, #tpu.memory_space<vmem>> -> memref<1x1x96xi32, #tpu.memory_space<vmem>>
      %dma_start3A_576 = tpu.memref_squeeze %dma_start3A_575 : memref<1x1x96xi32, #tpu.memory_space<vmem>> -> memref<96xi32, #tpu.memory_space<vmem>>
      %dma_start3A_577 = tpu.memref_slice %arg3[%add3A_567] : memref<320000xi32, #tpu.memory_space<hbm>> -> memref<96xi32, #tpu.memory_space<hbm>>
      tpu.enqueue_dma source(%dma_start3A_577 : memref<96xi32, #tpu.memory_space<hbm>>) target(%dma_start3A_576 : memref<96xi32, #tpu.memory_space<vmem>>) target_semaphore(%arg11 : memref<!tpu.dma_semaphore, #tpu.memory_space<semaphore_mem>>)
      %dma_start3A_578 = arith.constant 1 : i32
      %dma_start3A_579 = arith.constant 1 : i32
      %dma_start3A_580 = arith.constant 0 : i32
      %dma_start3A_581 = tpu.memref_slice %arg7[%dma_start3A_578, %dma_start3A_579, %dma_start3A_580] : memref<4x2x96xi32, #tpu.memory_space<vmem>> -> memref<1x1x96xi32, #tpu.memory_space<vmem>>
      %dma_start3A_582 = tpu.memref_squeeze %dma_start3A_581 : memref<1x1x96xi32, #tpu.memory_space<vmem>> -> memref<96xi32, #tpu.memory_space<vmem>>
      %dma_start3A_583 = tpu.memref_slice %arg4[%add3A_567] : memref<320000xi32, #tpu.memory_space<hbm>> -> memref<96xi32, #tpu.memory_space<hbm>>
      %dma_start3A_584 = arith.constant 0 : i32
      %dma_start3A_585 = tpu.memref_slice %arg7[%dma_start3A_578, %dma_start3A_579, %dma_start3A_584] : memref<4x2x96xi32, #tpu.memory_space<vmem>> -> memref<1x1x96xi32, #tpu.memory_space<vmem>>
      %dma_start3A_586 = tpu.memref_squeeze %dma_start3A_585 : memref<1x1x96xi32, #tpu.memory_space<vmem>> -> memref<96xi32, #tpu.memory_space<vmem>>
      %dma_start3A_587 = tpu.memref_slice %arg4[%add3A_567] : memref<320000xi32, #tpu.memory_space<hbm>> -> memref<96xi32, #tpu.memory_space<hbm>>
      tpu.enqueue_dma source(%dma_start3A_587 : memref<96xi32, #tpu.memory_space<hbm>>) target(%dma_start3A_586 : memref<96xi32, #tpu.memory_space<vmem>>) target_semaphore(%arg11 : memref<!tpu.dma_semaphore, #tpu.memory_space<semaphore_mem>>)
      %dma_wait3A_588 = arith.constant 0 : i32
      %dma_wait3A_589 = arith.constant 0 : i32
      %dma_wait3A_590 = arith.constant 0 : i32
      %dma_wait3A_591 = tpu.memref_slice %arg7[%dma_wait3A_588, %dma_wait3A_589, %dma_wait3A_590] : memref<4x2x96xi32, #tpu.memory_space<vmem>> -> memref<1x1x96xi32, #tpu.memory_space<vmem>>
      %dma_wait3A_592 = tpu.memref_squeeze %dma_wait3A_591 : memref<1x1x96xi32, #tpu.memory_space<vmem>> -> memref<96xi32, #tpu.memory_space<vmem>>
      %dma_wait3A_593 = tpu.memref_slice %arg3[%mul3A_2] : memref<320000xi32, #tpu.memory_space<hbm>> -> memref<96xi32, #tpu.memory_space<hbm>>
      %dma_wait3A_594 = arith.constant 0 : i32
      %dma_wait3A_595 = tpu.memref_slice %arg7[%dma_wait3A_588, %dma_wait3A_589, %dma_wait3A_594] : memref<4x2x96xi32, #tpu.memory_space<vmem>> -> memref<1x1x96xi32, #tpu.memory_space<vmem>>
      %dma_wait3A_596 = tpu.memref_squeeze %dma_wait3A_595 : memref<1x1x96xi32, #tpu.memory_space<vmem>> -> memref<96xi32, #tpu.memory_space<vmem>>
      %dma_wait3A_597 = tpu.memref_slice %arg3[%mul3A_2] : memref<320000xi32, #tpu.memory_space<hbm>> -> memref<96xi32, #tpu.memory_space<hbm>>
      tpu.wait_dma2 semaphore(%arg11 : memref<!tpu.dma_semaphore, #tpu.memory_space<semaphore_mem>>) src(%dma_wait3A_597 : memref<96xi32, #tpu.memory_space<hbm>>) dst(%dma_wait3A_596 : memref<96xi32, #tpu.memory_space<vmem>>)
      %dma_wait3A_598 = arith.constant 0 : i32
      %dma_wait3A_599 = arith.constant 1 : i32
      %dma_wait3A_600 = arith.constant 0 : i32
      %dma_wait3A_601 = tpu.memref_slice %arg7[%dma_wait3A_598, %dma_wait3A_599, %dma_wait3A_600] : memref<4x2x96xi32, #tpu.memory_space<vmem>> -> memref<1x1x96xi32, #tpu.memory_space<vmem>>
      %dma_wait3A_602 = tpu.memref_squeeze %dma_wait3A_601 : memref<1x1x96xi32, #tpu.memory_space<vmem>> -> memref<96xi32, #tpu.memory_space<vmem>>
      %dma_wait3A_603 = tpu.memref_slice %arg4[%mul3A_2] : memref<320000xi32, #tpu.memory_space<hbm>> -> memref<96xi32, #tpu.memory_space<hbm>>
      %dma_wait3A_604 = arith.constant 0 : i32
      %dma_wait3A_605 = tpu.memref_slice %arg7[%dma_wait3A_598, %dma_wait3A_599, %dma_wait3A_604] : memref<4x2x96xi32, #tpu.memory_space<vmem>> -> memref<1x1x96xi32, #tpu.memory_space<vmem>>
      %dma_wait3A_606 = tpu.memref_squeeze %dma_wait3A_605 : memref<1x1x96xi32, #tpu.memory_space<vmem>> -> memref<96xi32, #tpu.memory_space<vmem>>
      %dma_wait3A_607 = tpu.memref_slice %arg4[%mul3A_2] : memref<320000xi32, #tpu.memory_space<hbm>> -> memref<96xi32, #tpu.memory_space<hbm>>
      tpu.wait_dma2 semaphore(%arg11 : memref<!tpu.dma_semaphore, #tpu.memory_space<semaphore_mem>>) src(%dma_wait3A_607 : memref<96xi32, #tpu.memory_space<hbm>>) dst(%dma_wait3A_606 : memref<96xi32, #tpu.memory_space<vmem>>)
      %dma_wait3A_608 = arith.constant 1 : i32
      %dma_wait3A_609 = arith.constant 0 : i32
      %dma_wait3A_610 = arith.constant 0 : i32
      %dma_wait3A_611 = tpu.memref_slice %arg7[%dma_wait3A_608, %dma_wait3A_609, %dma_wait3A_610] : memref<4x2x96xi32, #tpu.memory_space<vmem>> -> memref<1x1x96xi32, #tpu.memory_space<vmem>>
      %dma_wait3A_612 = tpu.memref_squeeze %dma_wait3A_611 : memref<1x1x96xi32, #tpu.memory_space<vmem>> -> memref<96xi32, #tpu.memory_space<vmem>>
      %dma_wait3A_613 = tpu.memref_slice %arg3[%mul3A_2] : memref<320000xi32, #tpu.memory_space<hbm>> -> memref<96xi32, #tpu.memory_space<hbm>>
      %dma_wait3A_614 = arith.constant 0 : i32
      %dma_wait3A_615 = tpu.memref_slice %arg7[%dma_wait3A_608, %dma_wait3A_609, %dma_wait3A_614] : memref<4x2x96xi32, #tpu.memory_space<vmem>> -> memref<1x1x96xi32, #tpu.memory_space<vmem>>
      %dma_wait3A_616 = tpu.memref_squeeze %dma_wait3A_615 : memref<1x1x96xi32, #tpu.memory_space<vmem>> -> memref<96xi32, #tpu.memory_space<vmem>>
      %dma_wait3A_617 = tpu.memref_slice %arg3[%mul3A_2] : memref<320000xi32, #tpu.memory_space<hbm>> -> memref<96xi32, #tpu.memory_space<hbm>>
      tpu.wait_dma2 semaphore(%arg11 : memref<!tpu.dma_semaphore, #tpu.memory_space<semaphore_mem>>) src(%dma_wait3A_617 : memref<96xi32, #tpu.memory_space<hbm>>) dst(%dma_wait3A_616 : memref<96xi32, #tpu.memory_space<vmem>>)
      %dma_wait3A_618 = arith.constant 1 : i32
      %dma_wait3A_619 = arith.constant 1 : i32
      %dma_wait3A_620 = arith.constant 0 : i32
      %dma_wait3A_621 = tpu.memref_slice %arg7[%dma_wait3A_618, %dma_wait3A_619, %dma_wait3A_620] : memref<4x2x96xi32, #tpu.memory_space<vmem>> -> memref<1x1x96xi32, #tpu.memory_space<vmem>>
      %dma_wait3A_622 = tpu.memref_squeeze %dma_wait3A_621 : memref<1x1x96xi32, #tpu.memory_space<vmem>> -> memref<96xi32, #tpu.memory_space<vmem>>
      %dma_wait3A_623 = tpu.memref_slice %arg4[%mul3A_2] : memref<320000xi32, #tpu.memory_space<hbm>> -> memref<96xi32, #tpu.memory_space<hbm>>
      %dma_wait3A_624 = arith.constant 0 : i32
      %dma_wait3A_625 = tpu.memref_slice %arg7[%dma_wait3A_618, %dma_wait3A_619, %dma_wait3A_624] : memref<4x2x96xi32, #tpu.memory_space<vmem>> -> memref<1x1x96xi32, #tpu.memory_space<vmem>>
      %dma_wait3A_626 = tpu.memref_squeeze %dma_wait3A_625 : memref<1x1x96xi32, #tpu.memory_space<vmem>> -> memref<96xi32, #tpu.memory_space<vmem>>
      %dma_wait3A_627 = tpu.memref_slice %arg4[%mul3A_2] : memref<320000xi32, #tpu.memory_space<hbm>> -> memref<96xi32, #tpu.memory_space<hbm>>
      tpu.wait_dma2 semaphore(%arg11 : memref<!tpu.dma_semaphore, #tpu.memory_space<semaphore_mem>>) src(%dma_wait3A_627 : memref<96xi32, #tpu.memory_space<hbm>>) dst(%dma_wait3A_626 : memref<96xi32, #tpu.memory_space<vmem>>)
      %dma_start3A_628 = arith.constant 0 : i32
      %dma_start3A_629 = arith.constant 0 : i32
      %dma_start3A_630 = arith.constant 0 : i32
      %dma_start3A_631 = arith.constant 0 : i32
      %dma_start3A_632 = arith.constant 0 : i32
      %dma_start3A_633 = tpu.memref_slice %arg9[%dma_start3A_630, %dma_start3A_631, %dma_start3A_632] : memref<4x96x128xf32, #tpu.memory_space<vmem>> -> memref<1x96x128xf32, #tpu.memory_space<vmem>>
      %dma_start3A_634 = tpu.memref_squeeze %dma_start3A_633 : memref<1x96x128xf32, #tpu.memory_space<vmem>> -> memref<96x128xf32, #tpu.memory_space<vmem>>
      %dma_start3A_635 = arith.constant 0 : i32
      %dma_start3A_636 = tpu.memref_slice %arg7[%dma_start3A_628, %dma_start3A_629, %dma_start3A_635] : memref<4x2x96xi32, #tpu.memory_space<vmem>> -> memref<1x1x96xi32, #tpu.memory_space<vmem>>
      %dma_start3A_637 = tpu.memref_squeeze %dma_start3A_636 : memref<1x1x96xi32, #tpu.memory_space<vmem>> -> memref<96xi32, #tpu.memory_space<vmem>>
      %dma_start3A_638 = arith.constant 0 : i32
      %dma_start3A_639 = arith.constant 0 : i32
      %dma_start3A_640 = tpu.memref_slice %arg2[%dma_start3A_638, %dma_start3A_639] : memref<10000x128xf32, #tpu.memory_space<hbm>> -> memref<10000x128xf32, #tpu.memory_space<hbm>>
      tpu.enqueue_indirect_dma source(%dma_start3A_640 : memref<10000x128xf32, #tpu.memory_space<hbm>>) target(%dma_start3A_634 : memref<96x128xf32, #tpu.memory_space<vmem>>) offsets(%dma_start3A_637 : memref<96xi32, #tpu.memory_space<vmem>>) semaphore(%arg12 : memref<!tpu.dma_semaphore, #tpu.memory_space<semaphore_mem>>)
      %dma_start3A_641 = arith.constant 1 : i32
      %dma_start3A_642 = arith.constant 0 : i32
      %dma_start3A_643 = arith.constant 1 : i32
      %dma_start3A_644 = arith.constant 0 : i32
      %dma_start3A_645 = arith.constant 0 : i32
      %dma_start3A_646 = tpu.memref_slice %arg9[%dma_start3A_643, %dma_start3A_644, %dma_start3A_645] : memref<4x96x128xf32, #tpu.memory_space<vmem>> -> memref<1x96x128xf32, #tpu.memory_space<vmem>>
      %dma_start3A_647 = tpu.memref_squeeze %dma_start3A_646 : memref<1x96x128xf32, #tpu.memory_space<vmem>> -> memref<96x128xf32, #tpu.memory_space<vmem>>
      %dma_start3A_648 = arith.constant 0 : i32
      %dma_start3A_649 = tpu.memref_slice %arg7[%dma_start3A_641, %dma_start3A_642, %dma_start3A_648] : memref<4x2x96xi32, #tpu.memory_space<vmem>> -> memref<1x1x96xi32, #tpu.memory_space<vmem>>
      %dma_start3A_650 = tpu.memref_squeeze %dma_start3A_649 : memref<1x1x96xi32, #tpu.memory_space<vmem>> -> memref<96xi32, #tpu.memory_space<vmem>>
      %dma_start3A_651 = arith.constant 0 : i32
      %dma_start3A_652 = arith.constant 0 : i32
      %dma_start3A_653 = tpu.memref_slice %arg2[%dma_start3A_651, %dma_start3A_652] : memref<10000x128xf32, #tpu.memory_space<hbm>> -> memref<10000x128xf32, #tpu.memory_space<hbm>>
      tpu.enqueue_indirect_dma source(%dma_start3A_653 : memref<10000x128xf32, #tpu.memory_space<hbm>>) target(%dma_start3A_647 : memref<96x128xf32, #tpu.memory_space<vmem>>) offsets(%dma_start3A_650 : memref<96xi32, #tpu.memory_space<vmem>>) semaphore(%arg12 : memref<!tpu.dma_semaphore, #tpu.memory_space<semaphore_mem>>)
      %dma_wait3A_654 = arith.constant 0 : i32
      %dma_wait3A_655 = arith.constant 0 : i32
      %dma_wait3A_656 = arith.constant 0 : i32
      %dma_wait3A_657 = arith.constant 0 : i32
      %dma_wait3A_658 = arith.constant 0 : i32
      %dma_wait3A_659 = tpu.memref_slice %arg9[%dma_wait3A_656, %dma_wait3A_657, %dma_wait3A_658] : memref<4x96x128xf32, #tpu.memory_space<vmem>> -> memref<1x96x128xf32, #tpu.memory_space<vmem>>
      %dma_wait3A_660 = tpu.memref_squeeze %dma_wait3A_659 : memref<1x96x128xf32, #tpu.memory_space<vmem>> -> memref<96x128xf32, #tpu.memory_space<vmem>>
      %dma_wait3A_661 = arith.constant 0 : i32
      %dma_wait3A_662 = tpu.memref_slice %arg7[%dma_wait3A_654, %dma_wait3A_655, %dma_wait3A_661] : memref<4x2x96xi32, #tpu.memory_space<vmem>> -> memref<1x1x96xi32, #tpu.memory_space<vmem>>
      %dma_wait3A_663 = tpu.memref_squeeze %dma_wait3A_662 : memref<1x1x96xi32, #tpu.memory_space<vmem>> -> memref<96xi32, #tpu.memory_space<vmem>>
      %dma_wait3A_664 = arith.constant 0 : i32
      %dma_wait3A_665 = arith.constant 0 : i32
      %dma_wait3A_666 = tpu.memref_slice %arg2[%dma_wait3A_664, %dma_wait3A_665] : memref<10000x128xf32, #tpu.memory_space<hbm>> -> memref<10000x128xf32, #tpu.memory_space<hbm>>
      tpu.wait_indirect_dma semaphore(%arg12 : memref<!tpu.dma_semaphore, #tpu.memory_space<semaphore_mem>>) src(%dma_wait3A_666 : memref<10000x128xf32, #tpu.memory_space<hbm>>) dst(%dma_wait3A_660 : memref<96x128xf32, #tpu.memory_space<vmem>>)
      %dma_wait3A_667 = arith.constant 1 : i32
      %dma_wait3A_668 = arith.constant 0 : i32
      %dma_wait3A_669 = arith.constant 1 : i32
      %dma_wait3A_670 = arith.constant 0 : i32
      %dma_wait3A_671 = arith.constant 0 : i32
      %dma_wait3A_672 = tpu.memref_slice %arg9[%dma_wait3A_669, %dma_wait3A_670, %dma_wait3A_671] : memref<4x96x128xf32, #tpu.memory_space<vmem>> -> memref<1x96x128xf32, #tpu.memory_space<vmem>>
      %dma_wait3A_673 = tpu.memref_squeeze %dma_wait3A_672 : memref<1x96x128xf32, #tpu.memory_space<vmem>> -> memref<96x128xf32, #tpu.memory_space<vmem>>
      %dma_wait3A_674 = arith.constant 0 : i32
      %dma_wait3A_675 = tpu.memref_slice %arg7[%dma_wait3A_667, %dma_wait3A_668, %dma_wait3A_674] : memref<4x2x96xi32, #tpu.memory_space<vmem>> -> memref<1x1x96xi32, #tpu.memory_space<vmem>>
      %dma_wait3A_676 = tpu.memref_squeeze %dma_wait3A_675 : memref<1x1x96xi32, #tpu.memory_space<vmem>> -> memref<96xi32, #tpu.memory_space<vmem>>
      %dma_wait3A_677 = arith.constant 0 : i32
      %dma_wait3A_678 = arith.constant 0 : i32
      %dma_wait3A_679 = tpu.memref_slice %arg2[%dma_wait3A_677, %dma_wait3A_678] : memref<10000x128xf32, #tpu.memory_space<hbm>> -> memref<10000x128xf32, #tpu.memory_space<hbm>>
      tpu.wait_indirect_dma semaphore(%arg12 : memref<!tpu.dma_semaphore, #tpu.memory_space<semaphore_mem>>) src(%dma_wait3A_679 : memref<10000x128xf32, #tpu.memory_space<hbm>>) dst(%dma_wait3A_673 : memref<96x128xf32, #tpu.memory_space<vmem>>)
      %dma_start3A_680 = arith.constant 0 : i32
      %dma_start3A_681 = arith.constant 0 : i32
      %dma_start3A_682 = arith.constant 1 : i32
      %dma_start3A_683 = arith.constant 0 : i32
      %dma_start3A_684 = arith.constant 0 : i32
      %dma_start3A_685 = tpu.memref_slice %arg9[%dma_start3A_680, %dma_start3A_683, %dma_start3A_684] : memref<4x96x128xf32, #tpu.memory_space<vmem>> -> memref<1x96x128xf32, #tpu.memory_space<vmem>>
      %dma_start3A_686 = tpu.memref_squeeze %dma_start3A_685 : memref<1x96x128xf32, #tpu.memory_space<vmem>> -> memref<96x128xf32, #tpu.memory_space<vmem>>
      %dma_start3A_687 = arith.constant 0 : i32
      %dma_start3A_688 = tpu.memref_slice %arg7[%dma_start3A_681, %dma_start3A_682, %dma_start3A_687] : memref<4x2x96xi32, #tpu.memory_space<vmem>> -> memref<1x1x96xi32, #tpu.memory_space<vmem>>
      %dma_start3A_689 = tpu.memref_squeeze %dma_start3A_688 : memref<1x1x96xi32, #tpu.memory_space<vmem>> -> memref<96xi32, #tpu.memory_space<vmem>>
      %dma_start3A_690 = arith.constant 0 : i32
      %dma_start3A_691 = arith.constant 0 : i32
      %dma_start3A_692 = tpu.memref_slice %arg10[%dma_start3A_690, %dma_start3A_691] : memref<10000x128xf32, #tpu.memory_space<vmem_shared>> -> memref<10000x128xf32, #tpu.memory_space<vmem_shared>>
      tpu.enqueue_indirect_dma source(%dma_start3A_686 : memref<96x128xf32, #tpu.memory_space<vmem>>) target(%dma_start3A_692 : memref<10000x128xf32, #tpu.memory_space<vmem_shared>>) offsets(%dma_start3A_689 : memref<96xi32, #tpu.memory_space<vmem>>) semaphore(%arg13 : memref<!tpu.dma_semaphore, #tpu.memory_space<semaphore_mem>>) {add = true}
      %dma_start3A_693 = arith.constant 1 : i32
      %dma_start3A_694 = arith.constant 1 : i32
      %dma_start3A_695 = arith.constant 1 : i32
      %dma_start3A_696 = arith.constant 0 : i32
      %dma_start3A_697 = arith.constant 0 : i32
      %dma_start3A_698 = tpu.memref_slice %arg9[%dma_start3A_693, %dma_start3A_696, %dma_start3A_697] : memref<4x96x128xf32, #tpu.memory_space<vmem>> -> memref<1x96x128xf32, #tpu.memory_space<vmem>>
      %dma_start3A_699 = tpu.memref_squeeze %dma_start3A_698 : memref<1x96x128xf32, #tpu.memory_space<vmem>> -> memref<96x128xf32, #tpu.memory_space<vmem>>
      %dma_start3A_700 = arith.constant 0 : i32
      %dma_start3A_701 = tpu.memref_slice %arg7[%dma_start3A_694, %dma_start3A_695, %dma_start3A_700] : memref<4x2x96xi32, #tpu.memory_space<vmem>> -> memref<1x1x96xi32, #tpu.memory_space<vmem>>
      %dma_start3A_702 = tpu.memref_squeeze %dma_start3A_701 : memref<1x1x96xi32, #tpu.memory_space<vmem>> -> memref<96xi32, #tpu.memory_space<vmem>>
      %dma_start3A_703 = arith.constant 0 : i32
      %dma_start3A_704 = arith.constant 0 : i32
      %dma_start3A_705 = tpu.memref_slice %arg10[%dma_start3A_703, %dma_start3A_704] : memref<10000x128xf32, #tpu.memory_space<vmem_shared>> -> memref<10000x128xf32, #tpu.memory_space<vmem_shared>>
      tpu.enqueue_indirect_dma source(%dma_start3A_699 : memref<96x128xf32, #tpu.memory_space<vmem>>) target(%dma_start3A_705 : memref<10000x128xf32, #tpu.memory_space<vmem_shared>>) offsets(%dma_start3A_702 : memref<96xi32, #tpu.memory_space<vmem>>) semaphore(%arg13 : memref<!tpu.dma_semaphore, #tpu.memory_space<semaphore_mem>>) {add = true}
      %dma_wait3A_706 = arith.constant 2 : i32
      %dma_wait3A_707 = arith.constant 2 : i32
      %dma_wait3A_708 = arith.constant 1 : i32
      %dma_wait3A_709 = arith.constant 0 : i32
      %dma_wait3A_710 = arith.constant 0 : i32
      %dma_wait3A_711 = tpu.memref_slice %arg9[%dma_wait3A_706, %dma_wait3A_709, %dma_wait3A_710] : memref<4x96x128xf32, #tpu.memory_space<vmem>> -> memref<1x96x128xf32, #tpu.memory_space<vmem>>
      %dma_wait3A_712 = tpu.memref_squeeze %dma_wait3A_711 : memref<1x96x128xf32, #tpu.memory_space<vmem>> -> memref<96x128xf32, #tpu.memory_space<vmem>>
      %dma_wait3A_713 = arith.constant 0 : i32
      %dma_wait3A_714 = tpu.memref_slice %arg7[%dma_wait3A_707, %dma_wait3A_708, %dma_wait3A_713] : memref<4x2x96xi32, #tpu.memory_space<vmem>> -> memref<1x1x96xi32, #tpu.memory_space<vmem>>
      %dma_wait3A_715 = tpu.memref_squeeze %dma_wait3A_714 : memref<1x1x96xi32, #tpu.memory_space<vmem>> -> memref<96xi32, #tpu.memory_space<vmem>>
      %dma_wait3A_716 = arith.constant 0 : i32
      %dma_wait3A_717 = arith.constant 0 : i32
      %dma_wait3A_718 = tpu.memref_slice %arg10[%dma_wait3A_716, %dma_wait3A_717] : memref<10000x128xf32, #tpu.memory_space<vmem_shared>> -> memref<10000x128xf32, #tpu.memory_space<vmem_shared>>
      tpu.wait_indirect_dma semaphore(%arg13 : memref<!tpu.dma_semaphore, #tpu.memory_space<semaphore_mem>>) src(%dma_wait3A_712 : memref<96x128xf32, #tpu.memory_space<vmem>>) dst(%dma_wait3A_718 : memref<10000x128xf32, #tpu.memory_space<vmem_shared>>)
      %dma_wait3A_719 = arith.constant 3 : i32
      %dma_wait3A_720 = arith.constant 3 : i32
      %dma_wait3A_721 = arith.constant 1 : i32
      %dma_wait3A_722 = arith.constant 0 : i32
      %dma_wait3A_723 = arith.constant 0 : i32
      %dma_wait3A_724 = tpu.memref_slice %arg9[%dma_wait3A_719, %dma_wait3A_722, %dma_wait3A_723] : memref<4x96x128xf32, #tpu.memory_space<vmem>> -> memref<1x96x128xf32, #tpu.memory_space<vmem>>
      %dma_wait3A_725 = tpu.memref_squeeze %dma_wait3A_724 : memref<1x96x128xf32, #tpu.memory_space<vmem>> -> memref<96x128xf32, #tpu.memory_space<vmem>>
      %dma_wait3A_726 = arith.constant 0 : i32
      %dma_wait3A_727 = tpu.memref_slice %arg7[%dma_wait3A_720, %dma_wait3A_721, %dma_wait3A_726] : memref<4x2x96xi32, #tpu.memory_space<vmem>> -> memref<1x1x96xi32, #tpu.memory_space<vmem>>
      %dma_wait3A_728 = tpu.memref_squeeze %dma_wait3A_727 : memref<1x1x96xi32, #tpu.memory_space<vmem>> -> memref<96xi32, #tpu.memory_space<vmem>>
      %dma_wait3A_729 = arith.constant 0 : i32
      %dma_wait3A_730 = arith.constant 0 : i32
      %dma_wait3A_731 = tpu.memref_slice %arg10[%dma_wait3A_729, %dma_wait3A_730] : memref<10000x128xf32, #tpu.memory_space<vmem_shared>> -> memref<10000x128xf32, #tpu.memory_space<vmem_shared>>
      tpu.wait_indirect_dma semaphore(%arg13 : memref<!tpu.dma_semaphore, #tpu.memory_space<semaphore_mem>>) src(%dma_wait3A_725 : memref<96x128xf32, #tpu.memory_space<vmem>>) dst(%dma_wait3A_731 : memref<10000x128xf32, #tpu.memory_space<vmem_shared>>)
      %add3A_732 = arith.constant 1 : i32
      %add3A_733 = arith.addi %add3A_507, %add3A_732 : i32
      %mul3A_734 = arith.constant 2 : i32
      %mul3A_735 = arith.muli %add3A_733, %mul3A_734 : i32
      %add3A_736 = arith.constant 0 : i32
      %add3A_737 = arith.addi %mul3A_735, %add3A_736 : i32
      %mul3A_738 = arith.constant 96 : i32
      %mul3A_739 = arith.muli %add3A_737, %mul3A_738 : i32
      %add3A_740 = arith.addi %mul3A_2, %mul3A_739 : i32
      %dma_start3A_741 = arith.constant 2 : i32
      %dma_start3A_742 = arith.constant 0 : i32
      %dma_start3A_743 = arith.constant 0 : i32
      %dma_start3A_744 = tpu.memref_slice %arg7[%dma_start3A_741, %dma_start3A_742, %dma_start3A_743] : memref<4x2x96xi32, #tpu.memory_space<vmem>> -> memref<1x1x96xi32, #tpu.memory_space<vmem>>
      %dma_start3A_745 = tpu.memref_squeeze %dma_start3A_744 : memref<1x1x96xi32, #tpu.memory_space<vmem>> -> memref<96xi32, #tpu.memory_space<vmem>>
      %dma_start3A_746 = tpu.memref_slice %arg3[%add3A_740] : memref<320000xi32, #tpu.memory_space<hbm>> -> memref<96xi32, #tpu.memory_space<hbm>>
      %dma_start3A_747 = arith.constant 0 : i32
      %dma_start3A_748 = tpu.memref_slice %arg7[%dma_start3A_741, %dma_start3A_742, %dma_start3A_747] : memref<4x2x96xi32, #tpu.memory_space<vmem>> -> memref<1x1x96xi32, #tpu.memory_space<vmem>>
      %dma_start3A_749 = tpu.memref_squeeze %dma_start3A_748 : memref<1x1x96xi32, #tpu.memory_space<vmem>> -> memref<96xi32, #tpu.memory_space<vmem>>
      %dma_start3A_750 = tpu.memref_slice %arg3[%add3A_740] : memref<320000xi32, #tpu.memory_space<hbm>> -> memref<96xi32, #tpu.memory_space<hbm>>
      tpu.enqueue_dma source(%dma_start3A_750 : memref<96xi32, #tpu.memory_space<hbm>>) target(%dma_start3A_749 : memref<96xi32, #tpu.memory_space<vmem>>) target_semaphore(%arg11 : memref<!tpu.dma_semaphore, #tpu.memory_space<semaphore_mem>>)
      %dma_start3A_751 = arith.constant 2 : i32
      %dma_start3A_752 = arith.constant 1 : i32
      %dma_start3A_753 = arith.constant 0 : i32
      %dma_start3A_754 = tpu.memref_slice %arg7[%dma_start3A_751, %dma_start3A_752, %dma_start3A_753] : memref<4x2x96xi32, #tpu.memory_space<vmem>> -> memref<1x1x96xi32, #tpu.memory_space<vmem>>
      %dma_start3A_755 = tpu.memref_squeeze %dma_start3A_754 : memref<1x1x96xi32, #tpu.memory_space<vmem>> -> memref<96xi32, #tpu.memory_space<vmem>>
      %dma_start3A_756 = tpu.memref_slice %arg4[%add3A_740] : memref<320000xi32, #tpu.memory_space<hbm>> -> memref<96xi32, #tpu.memory_space<hbm>>
      %dma_start3A_757 = arith.constant 0 : i32
      %dma_start3A_758 = tpu.memref_slice %arg7[%dma_start3A_751, %dma_start3A_752, %dma_start3A_757] : memref<4x2x96xi32, #tpu.memory_space<vmem>> -> memref<1x1x96xi32, #tpu.memory_space<vmem>>
      %dma_start3A_759 = tpu.memref_squeeze %dma_start3A_758 : memref<1x1x96xi32, #tpu.memory_space<vmem>> -> memref<96xi32, #tpu.memory_space<vmem>>
      %dma_start3A_760 = tpu.memref_slice %arg4[%add3A_740] : memref<320000xi32, #tpu.memory_space<hbm>> -> memref<96xi32, #tpu.memory_space<hbm>>
      tpu.enqueue_dma source(%dma_start3A_760 : memref<96xi32, #tpu.memory_space<hbm>>) target(%dma_start3A_759 : memref<96xi32, #tpu.memory_space<vmem>>) target_semaphore(%arg11 : memref<!tpu.dma_semaphore, #tpu.memory_space<semaphore_mem>>)
      %mul3A_761 = arith.constant 2 : i32
      %mul3A_762 = arith.muli %add3A_733, %mul3A_761 : i32
      %add3A_763 = arith.constant 1 : i32
      %add3A_764 = arith.addi %mul3A_762, %add3A_763 : i32
      %mul3A_765 = arith.constant 96 : i32
      %mul3A_766 = arith.muli %add3A_764, %mul3A_765 : i32
      %add3A_767 = arith.addi %mul3A_2, %mul3A_766 : i32
      %dma_start3A_768 = arith.constant 3 : i32
      %dma_start3A_769 = arith.constant 0 : i32
      %dma_start3A_770 = arith.constant 0 : i32
      %dma_start3A_771 = tpu.memref_slice %arg7[%dma_start3A_768, %dma_start3A_769, %dma_start3A_770] : memref<4x2x96xi32, #tpu.memory_space<vmem>> -> memref<1x1x96xi32, #tpu.memory_space<vmem>>
      %dma_start3A_772 = tpu.memref_squeeze %dma_start3A_771 : memref<1x1x96xi32, #tpu.memory_space<vmem>> -> memref<96xi32, #tpu.memory_space<vmem>>
      %dma_start3A_773 = tpu.memref_slice %arg3[%add3A_767] : memref<320000xi32, #tpu.memory_space<hbm>> -> memref<96xi32, #tpu.memory_space<hbm>>
      %dma_start3A_774 = arith.constant 0 : i32
      %dma_start3A_775 = tpu.memref_slice %arg7[%dma_start3A_768, %dma_start3A_769, %dma_start3A_774] : memref<4x2x96xi32, #tpu.memory_space<vmem>> -> memref<1x1x96xi32, #tpu.memory_space<vmem>>
      %dma_start3A_776 = tpu.memref_squeeze %dma_start3A_775 : memref<1x1x96xi32, #tpu.memory_space<vmem>> -> memref<96xi32, #tpu.memory_space<vmem>>
      %dma_start3A_777 = tpu.memref_slice %arg3[%add3A_767] : memref<320000xi32, #tpu.memory_space<hbm>> -> memref<96xi32, #tpu.memory_space<hbm>>
      tpu.enqueue_dma source(%dma_start3A_777 : memref<96xi32, #tpu.memory_space<hbm>>) target(%dma_start3A_776 : memref<96xi32, #tpu.memory_space<vmem>>) target_semaphore(%arg11 : memref<!tpu.dma_semaphore, #tpu.memory_space<semaphore_mem>>)
      %dma_start3A_778 = arith.constant 3 : i32
      %dma_start3A_779 = arith.constant 1 : i32
      %dma_start3A_780 = arith.constant 0 : i32
      %dma_start3A_781 = tpu.memref_slice %arg7[%dma_start3A_778, %dma_start3A_779, %dma_start3A_780] : memref<4x2x96xi32, #tpu.memory_space<vmem>> -> memref<1x1x96xi32, #tpu.memory_space<vmem>>
      %dma_start3A_782 = tpu.memref_squeeze %dma_start3A_781 : memref<1x1x96xi32, #tpu.memory_space<vmem>> -> memref<96xi32, #tpu.memory_space<vmem>>
      %dma_start3A_783 = tpu.memref_slice %arg4[%add3A_767] : memref<320000xi32, #tpu.memory_space<hbm>> -> memref<96xi32, #tpu.memory_space<hbm>>
      %dma_start3A_784 = arith.constant 0 : i32
      %dma_start3A_785 = tpu.memref_slice %arg7[%dma_start3A_778, %dma_start3A_779, %dma_start3A_784] : memref<4x2x96xi32, #tpu.memory_space<vmem>> -> memref<1x1x96xi32, #tpu.memory_space<vmem>>
      %dma_start3A_786 = tpu.memref_squeeze %dma_start3A_785 : memref<1x1x96xi32, #tpu.memory_space<vmem>> -> memref<96xi32, #tpu.memory_space<vmem>>
      %dma_start3A_787 = tpu.memref_slice %arg4[%add3A_767] : memref<320000xi32, #tpu.memory_space<hbm>> -> memref<96xi32, #tpu.memory_space<hbm>>
      tpu.enqueue_dma source(%dma_start3A_787 : memref<96xi32, #tpu.memory_space<hbm>>) target(%dma_start3A_786 : memref<96xi32, #tpu.memory_space<vmem>>) target_semaphore(%arg11 : memref<!tpu.dma_semaphore, #tpu.memory_space<semaphore_mem>>)
      %dma_wait3A_788 = arith.constant 2 : i32
      %dma_wait3A_789 = arith.constant 0 : i32
      %dma_wait3A_790 = arith.constant 0 : i32
      %dma_wait3A_791 = tpu.memref_slice %arg7[%dma_wait3A_788, %dma_wait3A_789, %dma_wait3A_790] : memref<4x2x96xi32, #tpu.memory_space<vmem>> -> memref<1x1x96xi32, #tpu.memory_space<vmem>>
      %dma_wait3A_792 = tpu.memref_squeeze %dma_wait3A_791 : memref<1x1x96xi32, #tpu.memory_space<vmem>> -> memref<96xi32, #tpu.memory_space<vmem>>
      %dma_wait3A_793 = tpu.memref_slice %arg3[%mul3A_2] : memref<320000xi32, #tpu.memory_space<hbm>> -> memref<96xi32, #tpu.memory_space<hbm>>
      %dma_wait3A_794 = arith.constant 0 : i32
      %dma_wait3A_795 = tpu.memref_slice %arg7[%dma_wait3A_788, %dma_wait3A_789, %dma_wait3A_794] : memref<4x2x96xi32, #tpu.memory_space<vmem>> -> memref<1x1x96xi32, #tpu.memory_space<vmem>>
      %dma_wait3A_796 = tpu.memref_squeeze %dma_wait3A_795 : memref<1x1x96xi32, #tpu.memory_space<vmem>> -> memref<96xi32, #tpu.memory_space<vmem>>
      %dma_wait3A_797 = tpu.memref_slice %arg3[%mul3A_2] : memref<320000xi32, #tpu.memory_space<hbm>> -> memref<96xi32, #tpu.memory_space<hbm>>
      tpu.wait_dma2 semaphore(%arg11 : memref<!tpu.dma_semaphore, #tpu.memory_space<semaphore_mem>>) src(%dma_wait3A_797 : memref<96xi32, #tpu.memory_space<hbm>>) dst(%dma_wait3A_796 : memref<96xi32, #tpu.memory_space<vmem>>)
      %dma_wait3A_798 = arith.constant 2 : i32
      %dma_wait3A_799 = arith.constant 1 : i32
      %dma_wait3A_800 = arith.constant 0 : i32
      %dma_wait3A_801 = tpu.memref_slice %arg7[%dma_wait3A_798, %dma_wait3A_799, %dma_wait3A_800] : memref<4x2x96xi32, #tpu.memory_space<vmem>> -> memref<1x1x96xi32, #tpu.memory_space<vmem>>
      %dma_wait3A_802 = tpu.memref_squeeze %dma_wait3A_801 : memref<1x1x96xi32, #tpu.memory_space<vmem>> -> memref<96xi32, #tpu.memory_space<vmem>>
      %dma_wait3A_803 = tpu.memref_slice %arg4[%mul3A_2] : memref<320000xi32, #tpu.memory_space<hbm>> -> memref<96xi32, #tpu.memory_space<hbm>>
      %dma_wait3A_804 = arith.constant 0 : i32
      %dma_wait3A_805 = tpu.memref_slice %arg7[%dma_wait3A_798, %dma_wait3A_799, %dma_wait3A_804] : memref<4x2x96xi32, #tpu.memory_space<vmem>> -> memref<1x1x96xi32, #tpu.memory_space<vmem>>
      %dma_wait3A_806 = tpu.memref_squeeze %dma_wait3A_805 : memref<1x1x96xi32, #tpu.memory_space<vmem>> -> memref<96xi32, #tpu.memory_space<vmem>>
      %dma_wait3A_807 = tpu.memref_slice %arg4[%mul3A_2] : memref<320000xi32, #tpu.memory_space<hbm>> -> memref<96xi32, #tpu.memory_space<hbm>>
      tpu.wait_dma2 semaphore(%arg11 : memref<!tpu.dma_semaphore, #tpu.memory_space<semaphore_mem>>) src(%dma_wait3A_807 : memref<96xi32, #tpu.memory_space<hbm>>) dst(%dma_wait3A_806 : memref<96xi32, #tpu.memory_space<vmem>>)
      %dma_wait3A_808 = arith.constant 3 : i32
      %dma_wait3A_809 = arith.constant 0 : i32
      %dma_wait3A_810 = arith.constant 0 : i32
      %dma_wait3A_811 = tpu.memref_slice %arg7[%dma_wait3A_808, %dma_wait3A_809, %dma_wait3A_810] : memref<4x2x96xi32, #tpu.memory_space<vmem>> -> memref<1x1x96xi32, #tpu.memory_space<vmem>>
      %dma_wait3A_812 = tpu.memref_squeeze %dma_wait3A_811 : memref<1x1x96xi32, #tpu.memory_space<vmem>> -> memref<96xi32, #tpu.memory_space<vmem>>
      %dma_wait3A_813 = tpu.memref_slice %arg3[%mul3A_2] : memref<320000xi32, #tpu.memory_space<hbm>> -> memref<96xi32, #tpu.memory_space<hbm>>
      %dma_wait3A_814 = arith.constant 0 : i32
      %dma_wait3A_815 = tpu.memref_slice %arg7[%dma_wait3A_808, %dma_wait3A_809, %dma_wait3A_814] : memref<4x2x96xi32, #tpu.memory_space<vmem>> -> memref<1x1x96xi32, #tpu.memory_space<vmem>>
      %dma_wait3A_816 = tpu.memref_squeeze %dma_wait3A_815 : memref<1x1x96xi32, #tpu.memory_space<vmem>> -> memref<96xi32, #tpu.memory_space<vmem>>
      %dma_wait3A_817 = tpu.memref_slice %arg3[%mul3A_2] : memref<320000xi32, #tpu.memory_space<hbm>> -> memref<96xi32, #tpu.memory_space<hbm>>
      tpu.wait_dma2 semaphore(%arg11 : memref<!tpu.dma_semaphore, #tpu.memory_space<semaphore_mem>>) src(%dma_wait3A_817 : memref<96xi32, #tpu.memory_space<hbm>>) dst(%dma_wait3A_816 : memref<96xi32, #tpu.memory_space<vmem>>)
      %dma_wait3A_818 = arith.constant 3 : i32
      %dma_wait3A_819 = arith.constant 1 : i32
      %dma_wait3A_820 = arith.constant 0 : i32
      %dma_wait3A_821 = tpu.memref_slice %arg7[%dma_wait3A_818, %dma_wait3A_819, %dma_wait3A_820] : memref<4x2x96xi32, #tpu.memory_space<vmem>> -> memref<1x1x96xi32, #tpu.memory_space<vmem>>
      %dma_wait3A_822 = tpu.memref_squeeze %dma_wait3A_821 : memref<1x1x96xi32, #tpu.memory_space<vmem>> -> memref<96xi32, #tpu.memory_space<vmem>>
      %dma_wait3A_823 = tpu.memref_slice %arg4[%mul3A_2] : memref<320000xi32, #tpu.memory_space<hbm>> -> memref<96xi32, #tpu.memory_space<hbm>>
      %dma_wait3A_824 = arith.constant 0 : i32
      %dma_wait3A_825 = tpu.memref_slice %arg7[%dma_wait3A_818, %dma_wait3A_819, %dma_wait3A_824] : memref<4x2x96xi32, #tpu.memory_space<vmem>> -> memref<1x1x96xi32, #tpu.memory_space<vmem>>
      %dma_wait3A_826 = tpu.memref_squeeze %dma_wait3A_825 : memref<1x1x96xi32, #tpu.memory_space<vmem>> -> memref<96xi32, #tpu.memory_space<vmem>>
      %dma_wait3A_827 = tpu.memref_slice %arg4[%mul3A_2] : memref<320000xi32, #tpu.memory_space<hbm>> -> memref<96xi32, #tpu.memory_space<hbm>>
      tpu.wait_dma2 semaphore(%arg11 : memref<!tpu.dma_semaphore, #tpu.memory_space<semaphore_mem>>) src(%dma_wait3A_827 : memref<96xi32, #tpu.memory_space<hbm>>) dst(%dma_wait3A_826 : memref<96xi32, #tpu.memory_space<vmem>>)
      %dma_start3A_828 = arith.constant 2 : i32
      %dma_start3A_829 = arith.constant 0 : i32
      %dma_start3A_830 = arith.constant 2 : i32
      %dma_start3A_831 = arith.constant 0 : i32
      %dma_start3A_832 = arith.constant 0 : i32
      %dma_start3A_833 = tpu.memref_slice %arg9[%dma_start3A_830, %dma_start3A_831, %dma_start3A_832] : memref<4x96x128xf32, #tpu.memory_space<vmem>> -> memref<1x96x128xf32, #tpu.memory_space<vmem>>
      %dma_start3A_834 = tpu.memref_squeeze %dma_start3A_833 : memref<1x96x128xf32, #tpu.memory_space<vmem>> -> memref<96x128xf32, #tpu.memory_space<vmem>>
      %dma_start3A_835 = arith.constant 0 : i32
      %dma_start3A_836 = tpu.memref_slice %arg7[%dma_start3A_828, %dma_start3A_829, %dma_start3A_835] : memref<4x2x96xi32, #tpu.memory_space<vmem>> -> memref<1x1x96xi32, #tpu.memory_space<vmem>>
      %dma_start3A_837 = tpu.memref_squeeze %dma_start3A_836 : memref<1x1x96xi32, #tpu.memory_space<vmem>> -> memref<96xi32, #tpu.memory_space<vmem>>
      %dma_start3A_838 = arith.constant 0 : i32
      %dma_start3A_839 = arith.constant 0 : i32
      %dma_start3A_840 = tpu.memref_slice %arg2[%dma_start3A_838, %dma_start3A_839] : memref<10000x128xf32, #tpu.memory_space<hbm>> -> memref<10000x128xf32, #tpu.memory_space<hbm>>
      tpu.enqueue_indirect_dma source(%dma_start3A_840 : memref<10000x128xf32, #tpu.memory_space<hbm>>) target(%dma_start3A_834 : memref<96x128xf32, #tpu.memory_space<vmem>>) offsets(%dma_start3A_837 : memref<96xi32, #tpu.memory_space<vmem>>) semaphore(%arg12 : memref<!tpu.dma_semaphore, #tpu.memory_space<semaphore_mem>>)
      %dma_start3A_841 = arith.constant 3 : i32
      %dma_start3A_842 = arith.constant 0 : i32
      %dma_start3A_843 = arith.constant 3 : i32
      %dma_start3A_844 = arith.constant 0 : i32
      %dma_start3A_845 = arith.constant 0 : i32
      %dma_start3A_846 = tpu.memref_slice %arg9[%dma_start3A_843, %dma_start3A_844, %dma_start3A_845] : memref<4x96x128xf32, #tpu.memory_space<vmem>> -> memref<1x96x128xf32, #tpu.memory_space<vmem>>
      %dma_start3A_847 = tpu.memref_squeeze %dma_start3A_846 : memref<1x96x128xf32, #tpu.memory_space<vmem>> -> memref<96x128xf32, #tpu.memory_space<vmem>>
      %dma_start3A_848 = arith.constant 0 : i32
      %dma_start3A_849 = tpu.memref_slice %arg7[%dma_start3A_841, %dma_start3A_842, %dma_start3A_848] : memref<4x2x96xi32, #tpu.memory_space<vmem>> -> memref<1x1x96xi32, #tpu.memory_space<vmem>>
      %dma_start3A_850 = tpu.memref_squeeze %dma_start3A_849 : memref<1x1x96xi32, #tpu.memory_space<vmem>> -> memref<96xi32, #tpu.memory_space<vmem>>
      %dma_start3A_851 = arith.constant 0 : i32
      %dma_start3A_852 = arith.constant 0 : i32
      %dma_start3A_853 = tpu.memref_slice %arg2[%dma_start3A_851, %dma_start3A_852] : memref<10000x128xf32, #tpu.memory_space<hbm>> -> memref<10000x128xf32, #tpu.memory_space<hbm>>
      tpu.enqueue_indirect_dma source(%dma_start3A_853 : memref<10000x128xf32, #tpu.memory_space<hbm>>) target(%dma_start3A_847 : memref<96x128xf32, #tpu.memory_space<vmem>>) offsets(%dma_start3A_850 : memref<96xi32, #tpu.memory_space<vmem>>) semaphore(%arg12 : memref<!tpu.dma_semaphore, #tpu.memory_space<semaphore_mem>>)
      %dma_wait3A_854 = arith.constant 2 : i32
      %dma_wait3A_855 = arith.constant 0 : i32
      %dma_wait3A_856 = arith.constant 2 : i32
      %dma_wait3A_857 = arith.constant 0 : i32
      %dma_wait3A_858 = arith.constant 0 : i32
      %dma_wait3A_859 = tpu.memref_slice %arg9[%dma_wait3A_856, %dma_wait3A_857, %dma_wait3A_858] : memref<4x96x128xf32, #tpu.memory_space<vmem>> -> memref<1x96x128xf32, #tpu.memory_space<vmem>>
      %dma_wait3A_860 = tpu.memref_squeeze %dma_wait3A_859 : memref<1x96x128xf32, #tpu.memory_space<vmem>> -> memref<96x128xf32, #tpu.memory_space<vmem>>
      %dma_wait3A_861 = arith.constant 0 : i32
      %dma_wait3A_862 = tpu.memref_slice %arg7[%dma_wait3A_854, %dma_wait3A_855, %dma_wait3A_861] : memref<4x2x96xi32, #tpu.memory_space<vmem>> -> memref<1x1x96xi32, #tpu.memory_space<vmem>>
      %dma_wait3A_863 = tpu.memref_squeeze %dma_wait3A_862 : memref<1x1x96xi32, #tpu.memory_space<vmem>> -> memref<96xi32, #tpu.memory_space<vmem>>
      %dma_wait3A_864 = arith.constant 0 : i32
      %dma_wait3A_865 = arith.constant 0 : i32
      %dma_wait3A_866 = tpu.memref_slice %arg2[%dma_wait3A_864, %dma_wait3A_865] : memref<10000x128xf32, #tpu.memory_space<hbm>> -> memref<10000x128xf32, #tpu.memory_space<hbm>>
      tpu.wait_indirect_dma semaphore(%arg12 : memref<!tpu.dma_semaphore, #tpu.memory_space<semaphore_mem>>) src(%dma_wait3A_866 : memref<10000x128xf32, #tpu.memory_space<hbm>>) dst(%dma_wait3A_860 : memref<96x128xf32, #tpu.memory_space<vmem>>)
      %dma_wait3A_867 = arith.constant 3 : i32
      %dma_wait3A_868 = arith.constant 0 : i32
      %dma_wait3A_869 = arith.constant 3 : i32
      %dma_wait3A_870 = arith.constant 0 : i32
      %dma_wait3A_871 = arith.constant 0 : i32
      %dma_wait3A_872 = tpu.memref_slice %arg9[%dma_wait3A_869, %dma_wait3A_870, %dma_wait3A_871] : memref<4x96x128xf32, #tpu.memory_space<vmem>> -> memref<1x96x128xf32, #tpu.memory_space<vmem>>
      %dma_wait3A_873 = tpu.memref_squeeze %dma_wait3A_872 : memref<1x96x128xf32, #tpu.memory_space<vmem>> -> memref<96x128xf32, #tpu.memory_space<vmem>>
      %dma_wait3A_874 = arith.constant 0 : i32
      %dma_wait3A_875 = tpu.memref_slice %arg7[%dma_wait3A_867, %dma_wait3A_868, %dma_wait3A_874] : memref<4x2x96xi32, #tpu.memory_space<vmem>> -> memref<1x1x96xi32, #tpu.memory_space<vmem>>
      %dma_wait3A_876 = tpu.memref_squeeze %dma_wait3A_875 : memref<1x1x96xi32, #tpu.memory_space<vmem>> -> memref<96xi32, #tpu.memory_space<vmem>>
      %dma_wait3A_877 = arith.constant 0 : i32
      %dma_wait3A_878 = arith.constant 0 : i32
      %dma_wait3A_879 = tpu.memref_slice %arg2[%dma_wait3A_877, %dma_wait3A_878] : memref<10000x128xf32, #tpu.memory_space<hbm>> -> memref<10000x128xf32, #tpu.memory_space<hbm>>
      tpu.wait_indirect_dma semaphore(%arg12 : memref<!tpu.dma_semaphore, #tpu.memory_space<semaphore_mem>>) src(%dma_wait3A_879 : memref<10000x128xf32, #tpu.memory_space<hbm>>) dst(%dma_wait3A_873 : memref<96x128xf32, #tpu.memory_space<vmem>>)
      %dma_start3A_880 = arith.constant 2 : i32
      %dma_start3A_881 = arith.constant 2 : i32
      %dma_start3A_882 = arith.constant 1 : i32
      %dma_start3A_883 = arith.constant 0 : i32
      %dma_start3A_884 = arith.constant 0 : i32
      %dma_start3A_885 = tpu.memref_slice %arg9[%dma_start3A_880, %dma_start3A_883, %dma_start3A_884] : memref<4x96x128xf32, #tpu.memory_space<vmem>> -> memref<1x96x128xf32, #tpu.memory_space<vmem>>
      %dma_start3A_886 = tpu.memref_squeeze %dma_start3A_885 : memref<1x96x128xf32, #tpu.memory_space<vmem>> -> memref<96x128xf32, #tpu.memory_space<vmem>>
      %dma_start3A_887 = arith.constant 0 : i32
      %dma_start3A_888 = tpu.memref_slice %arg7[%dma_start3A_881, %dma_start3A_882, %dma_start3A_887] : memref<4x2x96xi32, #tpu.memory_space<vmem>> -> memref<1x1x96xi32, #tpu.memory_space<vmem>>
      %dma_start3A_889 = tpu.memref_squeeze %dma_start3A_888 : memref<1x1x96xi32, #tpu.memory_space<vmem>> -> memref<96xi32, #tpu.memory_space<vmem>>
      %dma_start3A_890 = arith.constant 0 : i32
      %dma_start3A_891 = arith.constant 0 : i32
      %dma_start3A_892 = tpu.memref_slice %arg10[%dma_start3A_890, %dma_start3A_891] : memref<10000x128xf32, #tpu.memory_space<vmem_shared>> -> memref<10000x128xf32, #tpu.memory_space<vmem_shared>>
      tpu.enqueue_indirect_dma source(%dma_start3A_886 : memref<96x128xf32, #tpu.memory_space<vmem>>) target(%dma_start3A_892 : memref<10000x128xf32, #tpu.memory_space<vmem_shared>>) offsets(%dma_start3A_889 : memref<96xi32, #tpu.memory_space<vmem>>) semaphore(%arg13 : memref<!tpu.dma_semaphore, #tpu.memory_space<semaphore_mem>>) {add = true}
      %dma_start3A_893 = arith.constant 3 : i32
      %dma_start3A_894 = arith.constant 3 : i32
      %dma_start3A_895 = arith.constant 1 : i32
      %dma_start3A_896 = arith.constant 0 : i32
      %dma_start3A_897 = arith.constant 0 : i32
      %dma_start3A_898 = tpu.memref_slice %arg9[%dma_start3A_893, %dma_start3A_896, %dma_start3A_897] : memref<4x96x128xf32, #tpu.memory_space<vmem>> -> memref<1x96x128xf32, #tpu.memory_space<vmem>>
      %dma_start3A_899 = tpu.memref_squeeze %dma_start3A_898 : memref<1x96x128xf32, #tpu.memory_space<vmem>> -> memref<96x128xf32, #tpu.memory_space<vmem>>
      %dma_start3A_900 = arith.constant 0 : i32
      %dma_start3A_901 = tpu.memref_slice %arg7[%dma_start3A_894, %dma_start3A_895, %dma_start3A_900] : memref<4x2x96xi32, #tpu.memory_space<vmem>> -> memref<1x1x96xi32, #tpu.memory_space<vmem>>
      %dma_start3A_902 = tpu.memref_squeeze %dma_start3A_901 : memref<1x1x96xi32, #tpu.memory_space<vmem>> -> memref<96xi32, #tpu.memory_space<vmem>>
      %dma_start3A_903 = arith.constant 0 : i32
      %dma_start3A_904 = arith.constant 0 : i32
      %dma_start3A_905 = tpu.memref_slice %arg10[%dma_start3A_903, %dma_start3A_904] : memref<10000x128xf32, #tpu.memory_space<vmem_shared>> -> memref<10000x128xf32, #tpu.memory_space<vmem_shared>>
      tpu.enqueue_indirect_dma source(%dma_start3A_899 : memref<96x128xf32, #tpu.memory_space<vmem>>) target(%dma_start3A_905 : memref<10000x128xf32, #tpu.memory_space<vmem_shared>>) offsets(%dma_start3A_902 : memref<96xi32, #tpu.memory_space<vmem>>) semaphore(%arg13 : memref<!tpu.dma_semaphore, #tpu.memory_space<semaphore_mem>>) {add = true}
    }
    %scan3A_346 = arith.constant 25 : i32
    %dma_wait3A_347 = arith.constant 0 : i32
    %dma_wait3A_348 = arith.constant 0 : i32
    %dma_wait3A_349 = arith.constant 1 : i32
    %dma_wait3A_350 = arith.constant 0 : i32
    %dma_wait3A_351 = arith.constant 0 : i32
    %dma_wait3A_352 = tpu.memref_slice %arg9[%dma_wait3A_347, %dma_wait3A_350, %dma_wait3A_351] : memref<4x96x128xf32, #tpu.memory_space<vmem>> -> memref<1x96x128xf32, #tpu.memory_space<vmem>>
    %dma_wait3A_353 = tpu.memref_squeeze %dma_wait3A_352 : memref<1x96x128xf32, #tpu.memory_space<vmem>> -> memref<96x128xf32, #tpu.memory_space<vmem>>
    %dma_wait3A_354 = arith.constant 0 : i32
    %dma_wait3A_355 = tpu.memref_slice %arg7[%dma_wait3A_348, %dma_wait3A_349, %dma_wait3A_354] : memref<4x2x96xi32, #tpu.memory_space<vmem>> -> memref<1x1x96xi32, #tpu.memory_space<vmem>>
    %dma_wait3A_356 = tpu.memref_squeeze %dma_wait3A_355 : memref<1x1x96xi32, #tpu.memory_space<vmem>> -> memref<96xi32, #tpu.memory_space<vmem>>
    %dma_wait3A_357 = arith.constant 0 : i32
    %dma_wait3A_358 = arith.constant 0 : i32
    %dma_wait3A_359 = tpu.memref_slice %arg10[%dma_wait3A_357, %dma_wait3A_358] : memref<10000x128xf32, #tpu.memory_space<vmem_shared>> -> memref<10000x128xf32, #tpu.memory_space<vmem_shared>>
    tpu.wait_indirect_dma semaphore(%arg13 : memref<!tpu.dma_semaphore, #tpu.memory_space<semaphore_mem>>) src(%dma_wait3A_353 : memref<96x128xf32, #tpu.memory_space<vmem>>) dst(%dma_wait3A_359 : memref<10000x128xf32, #tpu.memory_space<vmem_shared>>)
    %dma_wait3A_360 = arith.constant 1 : i32
    %dma_wait3A_361 = arith.constant 1 : i32
    %dma_wait3A_362 = arith.constant 1 : i32
    %dma_wait3A_363 = arith.constant 0 : i32
    %dma_wait3A_364 = arith.constant 0 : i32
    %dma_wait3A_365 = tpu.memref_slice %arg9[%dma_wait3A_360, %dma_wait3A_363, %dma_wait3A_364] : memref<4x96x128xf32, #tpu.memory_space<vmem>> -> memref<1x96x128xf32, #tpu.memory_space<vmem>>
    %dma_wait3A_366 = tpu.memref_squeeze %dma_wait3A_365 : memref<1x96x128xf32, #tpu.memory_space<vmem>> -> memref<96x128xf32, #tpu.memory_space<vmem>>
    %dma_wait3A_367 = arith.constant 0 : i32
    %dma_wait3A_368 = tpu.memref_slice %arg7[%dma_wait3A_361, %dma_wait3A_362, %dma_wait3A_367] : memref<4x2x96xi32, #tpu.memory_space<vmem>> -> memref<1x1x96xi32, #tpu.memory_space<vmem>>
    %dma_wait3A_369 = tpu.memref_squeeze %dma_wait3A_368 : memref<1x1x96xi32, #tpu.memory_space<vmem>> -> memref<96xi32, #tpu.memory_space<vmem>>
    %dma_wait3A_370 = arith.constant 0 : i32
    %dma_wait3A_371 = arith.constant 0 : i32
    %dma_wait3A_372 = tpu.memref_slice %arg10[%dma_wait3A_370, %dma_wait3A_371] : memref<10000x128xf32, #tpu.memory_space<vmem_shared>> -> memref<10000x128xf32, #tpu.memory_space<vmem_shared>>
    tpu.wait_indirect_dma semaphore(%arg13 : memref<!tpu.dma_semaphore, #tpu.memory_space<semaphore_mem>>) src(%dma_wait3A_366 : memref<96x128xf32, #tpu.memory_space<vmem>>) dst(%dma_wait3A_372 : memref<10000x128xf32, #tpu.memory_space<vmem_shared>>)
    %dma_wait3A_373 = arith.constant 2 : i32
    %dma_wait3A_374 = arith.constant 2 : i32
    %dma_wait3A_375 = arith.constant 1 : i32
    %dma_wait3A_376 = arith.constant 0 : i32
    %dma_wait3A_377 = arith.constant 0 : i32
    %dma_wait3A_378 = tpu.memref_slice %arg9[%dma_wait3A_373, %dma_wait3A_376, %dma_wait3A_377] : memref<4x96x128xf32, #tpu.memory_space<vmem>> -> memref<1x96x128xf32, #tpu.memory_space<vmem>>
    %dma_wait3A_379 = tpu.memref_squeeze %dma_wait3A_378 : memref<1x96x128xf32, #tpu.memory_space<vmem>> -> memref<96x128xf32, #tpu.memory_space<vmem>>
    %dma_wait3A_380 = arith.constant 0 : i32
    %dma_wait3A_381 = tpu.memref_slice %arg7[%dma_wait3A_374, %dma_wait3A_375, %dma_wait3A_380] : memref<4x2x96xi32, #tpu.memory_space<vmem>> -> memref<1x1x96xi32, #tpu.memory_space<vmem>>
    %dma_wait3A_382 = tpu.memref_squeeze %dma_wait3A_381 : memref<1x1x96xi32, #tpu.memory_space<vmem>> -> memref<96xi32, #tpu.memory_space<vmem>>
    %dma_wait3A_383 = arith.constant 0 : i32
    %dma_wait3A_384 = arith.constant 0 : i32
    %dma_wait3A_385 = tpu.memref_slice %arg10[%dma_wait3A_383, %dma_wait3A_384] : memref<10000x128xf32, #tpu.memory_space<vmem_shared>> -> memref<10000x128xf32, #tpu.memory_space<vmem_shared>>
    tpu.wait_indirect_dma semaphore(%arg13 : memref<!tpu.dma_semaphore, #tpu.memory_space<semaphore_mem>>) src(%dma_wait3A_379 : memref<96x128xf32, #tpu.memory_space<vmem>>) dst(%dma_wait3A_385 : memref<10000x128xf32, #tpu.memory_space<vmem_shared>>)
    %dma_wait3A_386 = arith.constant 3 : i32
    %dma_wait3A_387 = arith.constant 3 : i32
    %dma_wait3A_388 = arith.constant 1 : i32
    %dma_wait3A_389 = arith.constant 0 : i32
    %dma_wait3A_390 = arith.constant 0 : i32
    %dma_wait3A_391 = tpu.memref_slice %arg9[%dma_wait3A_386, %dma_wait3A_389, %dma_wait3A_390] : memref<4x96x128xf32, #tpu.memory_space<vmem>> -> memref<1x96x128xf32, #tpu.memory_space<vmem>>
    %dma_wait3A_392 = tpu.memref_squeeze %dma_wait3A_391 : memref<1x96x128xf32, #tpu.memory_space<vmem>> -> memref<96x128xf32, #tpu.memory_space<vmem>>
    %dma_wait3A_393 = arith.constant 0 : i32
    %dma_wait3A_394 = tpu.memref_slice %arg7[%dma_wait3A_387, %dma_wait3A_388, %dma_wait3A_393] : memref<4x2x96xi32, #tpu.memory_space<vmem>> -> memref<1x1x96xi32, #tpu.memory_space<vmem>>
    %dma_wait3A_395 = tpu.memref_squeeze %dma_wait3A_394 : memref<1x1x96xi32, #tpu.memory_space<vmem>> -> memref<96xi32, #tpu.memory_space<vmem>>
    %dma_wait3A_396 = arith.constant 0 : i32
    %dma_wait3A_397 = arith.constant 0 : i32
    %dma_wait3A_398 = tpu.memref_slice %arg10[%dma_wait3A_396, %dma_wait3A_397] : memref<10000x128xf32, #tpu.memory_space<vmem_shared>> -> memref<10000x128xf32, #tpu.memory_space<vmem_shared>>
    tpu.wait_indirect_dma semaphore(%arg13 : memref<!tpu.dma_semaphore, #tpu.memory_space<semaphore_mem>>) src(%dma_wait3A_392 : memref<96x128xf32, #tpu.memory_space<vmem>>) dst(%dma_wait3A_398 : memref<10000x128xf32, #tpu.memory_space<vmem_shared>>)
    %add3A_399 = arith.constant 9984 : i32
    %add3A_400 = arith.addi %mul3A_2, %add3A_399 : i32
    %add3A_401 = arith.constant 0 : i32
    %add3A_402 = arith.addi %add3A_400, %add3A_401 : i32
    %dma_start3A_403 = arith.constant 0 : i32
    %dma_start3A_404 = arith.constant 0 : i32
    %dma_start3A_405 = arith.constant 0 : i32
    %dma_start3A_406 = tpu.memref_slice %arg8[%dma_start3A_403, %dma_start3A_404, %dma_start3A_405] : memref<2x2x16xi32, #tpu.memory_space<vmem>> -> memref<1x1x16xi32, #tpu.memory_space<vmem>>
    %dma_start3A_407 = tpu.memref_squeeze %dma_start3A_406 : memref<1x1x16xi32, #tpu.memory_space<vmem>> -> memref<16xi32, #tpu.memory_space<vmem>>
    %dma_start3A_408 = tpu.memref_slice %arg3[%add3A_402] : memref<320000xi32, #tpu.memory_space<hbm>> -> memref<16xi32, #tpu.memory_space<hbm>>
    %dma_start3A_409 = arith.constant 0 : i32
    %dma_start3A_410 = tpu.memref_slice %arg8[%dma_start3A_403, %dma_start3A_404, %dma_start3A_409] : memref<2x2x16xi32, #tpu.memory_space<vmem>> -> memref<1x1x16xi32, #tpu.memory_space<vmem>>
    %dma_start3A_411 = tpu.memref_squeeze %dma_start3A_410 : memref<1x1x16xi32, #tpu.memory_space<vmem>> -> memref<16xi32, #tpu.memory_space<vmem>>
    %dma_start3A_412 = tpu.memref_slice %arg3[%add3A_402] : memref<320000xi32, #tpu.memory_space<hbm>> -> memref<16xi32, #tpu.memory_space<hbm>>
    tpu.enqueue_dma source(%dma_start3A_412 : memref<16xi32, #tpu.memory_space<hbm>>) target(%dma_start3A_411 : memref<16xi32, #tpu.memory_space<vmem>>) target_semaphore(%arg11 : memref<!tpu.dma_semaphore, #tpu.memory_space<semaphore_mem>>)
    %add3A_413 = arith.constant 0 : i32
    %add3A_414 = arith.addi %add3A_400, %add3A_413 : i32
    %dma_start3A_415 = arith.constant 0 : i32
    %dma_start3A_416 = arith.constant 1 : i32
    %dma_start3A_417 = arith.constant 0 : i32
    %dma_start3A_418 = tpu.memref_slice %arg8[%dma_start3A_415, %dma_start3A_416, %dma_start3A_417] : memref<2x2x16xi32, #tpu.memory_space<vmem>> -> memref<1x1x16xi32, #tpu.memory_space<vmem>>
    %dma_start3A_419 = tpu.memref_squeeze %dma_start3A_418 : memref<1x1x16xi32, #tpu.memory_space<vmem>> -> memref<16xi32, #tpu.memory_space<vmem>>
    %dma_start3A_420 = tpu.memref_slice %arg4[%add3A_414] : memref<320000xi32, #tpu.memory_space<hbm>> -> memref<16xi32, #tpu.memory_space<hbm>>
    %dma_start3A_421 = arith.constant 0 : i32
    %dma_start3A_422 = tpu.memref_slice %arg8[%dma_start3A_415, %dma_start3A_416, %dma_start3A_421] : memref<2x2x16xi32, #tpu.memory_space<vmem>> -> memref<1x1x16xi32, #tpu.memory_space<vmem>>
    %dma_start3A_423 = tpu.memref_squeeze %dma_start3A_422 : memref<1x1x16xi32, #tpu.memory_space<vmem>> -> memref<16xi32, #tpu.memory_space<vmem>>
    %dma_start3A_424 = tpu.memref_slice %arg4[%add3A_414] : memref<320000xi32, #tpu.memory_space<hbm>> -> memref<16xi32, #tpu.memory_space<hbm>>
    tpu.enqueue_dma source(%dma_start3A_424 : memref<16xi32, #tpu.memory_space<hbm>>) target(%dma_start3A_423 : memref<16xi32, #tpu.memory_space<vmem>>) target_semaphore(%arg11 : memref<!tpu.dma_semaphore, #tpu.memory_space<semaphore_mem>>)
    %dma_wait3A_425 = arith.constant 0 : i32
    %dma_wait3A_426 = arith.constant 0 : i32
    %dma_wait3A_427 = arith.constant 0 : i32
    %dma_wait3A_428 = tpu.memref_slice %arg8[%dma_wait3A_425, %dma_wait3A_426, %dma_wait3A_427] : memref<2x2x16xi32, #tpu.memory_space<vmem>> -> memref<1x1x16xi32, #tpu.memory_space<vmem>>
    %dma_wait3A_429 = tpu.memref_squeeze %dma_wait3A_428 : memref<1x1x16xi32, #tpu.memory_space<vmem>> -> memref<16xi32, #tpu.memory_space<vmem>>
    %dma_wait3A_430 = tpu.memref_slice %arg3[%mul3A_2] : memref<320000xi32, #tpu.memory_space<hbm>> -> memref<16xi32, #tpu.memory_space<hbm>>
    %dma_wait3A_431 = arith.constant 0 : i32
    %dma_wait3A_432 = tpu.memref_slice %arg8[%dma_wait3A_425, %dma_wait3A_426, %dma_wait3A_431] : memref<2x2x16xi32, #tpu.memory_space<vmem>> -> memref<1x1x16xi32, #tpu.memory_space<vmem>>
    %dma_wait3A_433 = tpu.memref_squeeze %dma_wait3A_432 : memref<1x1x16xi32, #tpu.memory_space<vmem>> -> memref<16xi32, #tpu.memory_space<vmem>>
    %dma_wait3A_434 = tpu.memref_slice %arg3[%mul3A_2] : memref<320000xi32, #tpu.memory_space<hbm>> -> memref<16xi32, #tpu.memory_space<hbm>>
    tpu.wait_dma2 semaphore(%arg11 : memref<!tpu.dma_semaphore, #tpu.memory_space<semaphore_mem>>) src(%dma_wait3A_434 : memref<16xi32, #tpu.memory_space<hbm>>) dst(%dma_wait3A_433 : memref<16xi32, #tpu.memory_space<vmem>>)
    %dma_wait3A_435 = arith.constant 0 : i32
    %dma_wait3A_436 = arith.constant 1 : i32
    %dma_wait3A_437 = arith.constant 0 : i32
    %dma_wait3A_438 = tpu.memref_slice %arg8[%dma_wait3A_435, %dma_wait3A_436, %dma_wait3A_437] : memref<2x2x16xi32, #tpu.memory_space<vmem>> -> memref<1x1x16xi32, #tpu.memory_space<vmem>>
    %dma_wait3A_439 = tpu.memref_squeeze %dma_wait3A_438 : memref<1x1x16xi32, #tpu.memory_space<vmem>> -> memref<16xi32, #tpu.memory_space<vmem>>
    %dma_wait3A_440 = tpu.memref_slice %arg4[%mul3A_2] : memref<320000xi32, #tpu.memory_space<hbm>> -> memref<16xi32, #tpu.memory_space<hbm>>
    %dma_wait3A_441 = arith.constant 0 : i32
    %dma_wait3A_442 = tpu.memref_slice %arg8[%dma_wait3A_435, %dma_wait3A_436, %dma_wait3A_441] : memref<2x2x16xi32, #tpu.memory_space<vmem>> -> memref<1x1x16xi32, #tpu.memory_space<vmem>>
    %dma_wait3A_443 = tpu.memref_squeeze %dma_wait3A_442 : memref<1x1x16xi32, #tpu.memory_space<vmem>> -> memref<16xi32, #tpu.memory_space<vmem>>
    %dma_wait3A_444 = tpu.memref_slice %arg4[%mul3A_2] : memref<320000xi32, #tpu.memory_space<hbm>> -> memref<16xi32, #tpu.memory_space<hbm>>
    tpu.wait_dma2 semaphore(%arg11 : memref<!tpu.dma_semaphore, #tpu.memory_space<semaphore_mem>>) src(%dma_wait3A_444 : memref<16xi32, #tpu.memory_space<hbm>>) dst(%dma_wait3A_443 : memref<16xi32, #tpu.memory_space<vmem>>)
    %dma_start3A_445 = arith.constant 0 : i32
    %dma_start3A_446 = arith.constant 0 : i32
    %dma_start3A_447 = arith.constant 0 : i32
    %dma_start3A_448 = arith.constant 0 : i32
    %dma_start3A_449 = arith.constant 0 : i32
    %dma_start3A_450 = tpu.memref_slice %arg9[%dma_start3A_447, %dma_start3A_448, %dma_start3A_449] : memref<4x96x128xf32, #tpu.memory_space<vmem>> -> memref<1x16x128xf32, #tpu.memory_space<vmem>>
    %dma_start3A_451 = tpu.memref_squeeze %dma_start3A_450 : memref<1x16x128xf32, #tpu.memory_space<vmem>> -> memref<16x128xf32, #tpu.memory_space<vmem>>
    %dma_start3A_452 = arith.constant 0 : i32
    %dma_start3A_453 = tpu.memref_slice %arg8[%dma_start3A_445, %dma_start3A_446, %dma_start3A_452] : memref<2x2x16xi32, #tpu.memory_space<vmem>> -> memref<1x1x16xi32, #tpu.memory_space<vmem>>
    %dma_start3A_454 = tpu.memref_squeeze %dma_start3A_453 : memref<1x1x16xi32, #tpu.memory_space<vmem>> -> memref<16xi32, #tpu.memory_space<vmem>>
    %dma_start3A_455 = arith.constant 0 : i32
    %dma_start3A_456 = arith.constant 0 : i32
    %dma_start3A_457 = tpu.memref_slice %arg2[%dma_start3A_455, %dma_start3A_456] : memref<10000x128xf32, #tpu.memory_space<hbm>> -> memref<10000x128xf32, #tpu.memory_space<hbm>>
    tpu.enqueue_indirect_dma source(%dma_start3A_457 : memref<10000x128xf32, #tpu.memory_space<hbm>>) target(%dma_start3A_451 : memref<16x128xf32, #tpu.memory_space<vmem>>) offsets(%dma_start3A_454 : memref<16xi32, #tpu.memory_space<vmem>>) semaphore(%arg12 : memref<!tpu.dma_semaphore, #tpu.memory_space<semaphore_mem>>)
    %dma_wait3A_458 = arith.constant 0 : i32
    %dma_wait3A_459 = arith.constant 0 : i32
    %dma_wait3A_460 = arith.constant 0 : i32
    %dma_wait3A_461 = arith.constant 0 : i32
    %dma_wait3A_462 = arith.constant 0 : i32
    %dma_wait3A_463 = tpu.memref_slice %arg9[%dma_wait3A_460, %dma_wait3A_461, %dma_wait3A_462] : memref<4x96x128xf32, #tpu.memory_space<vmem>> -> memref<1x16x128xf32, #tpu.memory_space<vmem>>
    %dma_wait3A_464 = tpu.memref_squeeze %dma_wait3A_463 : memref<1x16x128xf32, #tpu.memory_space<vmem>> -> memref<16x128xf32, #tpu.memory_space<vmem>>
    %dma_wait3A_465 = arith.constant 0 : i32
    %dma_wait3A_466 = tpu.memref_slice %arg8[%dma_wait3A_458, %dma_wait3A_459, %dma_wait3A_465] : memref<2x2x16xi32, #tpu.memory_space<vmem>> -> memref<1x1x16xi32, #tpu.memory_space<vmem>>
    %dma_wait3A_467 = tpu.memref_squeeze %dma_wait3A_466 : memref<1x1x16xi32, #tpu.memory_space<vmem>> -> memref<16xi32, #tpu.memory_space<vmem>>
    %dma_wait3A_468 = arith.constant 0 : i32
    %dma_wait3A_469 = arith.constant 0 : i32
    %dma_wait3A_470 = tpu.memref_slice %arg2[%dma_wait3A_468, %dma_wait3A_469] : memref<10000x128xf32, #tpu.memory_space<hbm>> -> memref<10000x128xf32, #tpu.memory_space<hbm>>
    tpu.wait_indirect_dma semaphore(%arg12 : memref<!tpu.dma_semaphore, #tpu.memory_space<semaphore_mem>>) src(%dma_wait3A_470 : memref<10000x128xf32, #tpu.memory_space<hbm>>) dst(%dma_wait3A_464 : memref<16x128xf32, #tpu.memory_space<vmem>>)
    %dma_start3A_471 = arith.constant 0 : i32
    %dma_start3A_472 = arith.constant 0 : i32
    %dma_start3A_473 = arith.constant 1 : i32
    %dma_start3A_474 = arith.constant 0 : i32
    %dma_start3A_475 = arith.constant 0 : i32
    %dma_start3A_476 = tpu.memref_slice %arg9[%dma_start3A_471, %dma_start3A_474, %dma_start3A_475] : memref<4x96x128xf32, #tpu.memory_space<vmem>> -> memref<1x16x128xf32, #tpu.memory_space<vmem>>
    %dma_start3A_477 = tpu.memref_squeeze %dma_start3A_476 : memref<1x16x128xf32, #tpu.memory_space<vmem>> -> memref<16x128xf32, #tpu.memory_space<vmem>>
    %dma_start3A_478 = arith.constant 0 : i32
    %dma_start3A_479 = tpu.memref_slice %arg8[%dma_start3A_472, %dma_start3A_473, %dma_start3A_478] : memref<2x2x16xi32, #tpu.memory_space<vmem>> -> memref<1x1x16xi32, #tpu.memory_space<vmem>>
    %dma_start3A_480 = tpu.memref_squeeze %dma_start3A_479 : memref<1x1x16xi32, #tpu.memory_space<vmem>> -> memref<16xi32, #tpu.memory_space<vmem>>
    %dma_start3A_481 = arith.constant 0 : i32
    %dma_start3A_482 = arith.constant 0 : i32
    %dma_start3A_483 = tpu.memref_slice %arg10[%dma_start3A_481, %dma_start3A_482] : memref<10000x128xf32, #tpu.memory_space<vmem_shared>> -> memref<10000x128xf32, #tpu.memory_space<vmem_shared>>
    tpu.enqueue_indirect_dma source(%dma_start3A_477 : memref<16x128xf32, #tpu.memory_space<vmem>>) target(%dma_start3A_483 : memref<10000x128xf32, #tpu.memory_space<vmem_shared>>) offsets(%dma_start3A_480 : memref<16xi32, #tpu.memory_space<vmem>>) semaphore(%arg13 : memref<!tpu.dma_semaphore, #tpu.memory_space<semaphore_mem>>) {add = true}
    %dma_wait3A_484 = arith.constant 0 : i32
    %dma_wait3A_485 = arith.constant 0 : i32
    %dma_wait3A_486 = arith.constant 1 : i32
    %dma_wait3A_487 = arith.constant 0 : i32
    %dma_wait3A_488 = arith.constant 0 : i32
    %dma_wait3A_489 = tpu.memref_slice %arg9[%dma_wait3A_484, %dma_wait3A_487, %dma_wait3A_488] : memref<4x96x128xf32, #tpu.memory_space<vmem>> -> memref<1x16x128xf32, #tpu.memory_space<vmem>>
    %dma_wait3A_490 = tpu.memref_squeeze %dma_wait3A_489 : memref<1x16x128xf32, #tpu.memory_space<vmem>> -> memref<16x128xf32, #tpu.memory_space<vmem>>
    %dma_wait3A_491 = arith.constant 0 : i32
    %dma_wait3A_492 = tpu.memref_slice %arg8[%dma_wait3A_485, %dma_wait3A_486, %dma_wait3A_491] : memref<2x2x16xi32, #tpu.memory_space<vmem>> -> memref<1x1x16xi32, #tpu.memory_space<vmem>>
    %dma_wait3A_493 = tpu.memref_squeeze %dma_wait3A_492 : memref<1x1x16xi32, #tpu.memory_space<vmem>> -> memref<16xi32, #tpu.memory_space<vmem>>
    %dma_wait3A_494 = arith.constant 0 : i32
    %dma_wait3A_495 = arith.constant 0 : i32
    %dma_wait3A_496 = tpu.memref_slice %arg10[%dma_wait3A_494, %dma_wait3A_495] : memref<10000x128xf32, #tpu.memory_space<vmem_shared>> -> memref<10000x128xf32, #tpu.memory_space<vmem_shared>>
    tpu.wait_indirect_dma semaphore(%arg13 : memref<!tpu.dma_semaphore, #tpu.memory_space<semaphore_mem>>) src(%dma_wait3A_490 : memref<16x128xf32, #tpu.memory_space<vmem>>) dst(%dma_wait3A_496 : memref<10000x128xf32, #tpu.memory_space<vmem_shared>>)
    %barrier3A_497 = arith.constant 0 : index
    tpu.barrier barrier_id(%barrier3A_497)
    "tpu.region"() ({
      %run_scoped3A = tpu.sem_alloc : memref<!tpu.dma_semaphore, #tpu.memory_space<semaphore_mem>>
      %dma_start3A_503 = arith.constant 0 : i32
      %dma_start3A_504 = tpu.memref_slice %arg6[%arg0, %mul3A_4, %dma_start3A_503] : memref<2x10000x128xf32, #tpu.memory_space<hbm>> -> memref<1x624x128xf32, #tpu.memory_space<hbm>>
      %dma_start3A_505 = tpu.memref_squeeze %dma_start3A_504 : memref<1x624x128xf32, #tpu.memory_space<hbm>> -> memref<624x128xf32, #tpu.memory_space<hbm>>
      %dma_start3A_506 = arith.constant 0 : i32
      %dma_start3A_507 = tpu.memref_slice %arg10[%mul3A_4, %dma_start3A_506] : memref<10000x128xf32, #tpu.memory_space<vmem_shared>> -> memref<624x128xf32, #tpu.memory_space<vmem_shared>>
      tpu.enqueue_dma source(%dma_start3A_507 : memref<624x128xf32, #tpu.memory_space<vmem_shared>>) target(%dma_start3A_505 : memref<624x128xf32, #tpu.memory_space<hbm>>) target_semaphore(%run_scoped3A : memref<!tpu.dma_semaphore, #tpu.memory_space<semaphore_mem>>)
      %dma_wait3A_508 = arith.constant 0 : i32
      %dma_wait3A_509 = tpu.memref_slice %arg6[%arg0, %mul3A_4, %dma_wait3A_508] : memref<2x10000x128xf32, #tpu.memory_space<hbm>> -> memref<1x624x128xf32, #tpu.memory_space<hbm>>
      %dma_wait3A_510 = tpu.memref_squeeze %dma_wait3A_509 : memref<1x624x128xf32, #tpu.memory_space<hbm>> -> memref<624x128xf32, #tpu.memory_space<hbm>>
      %dma_wait3A_511 = arith.constant 0 : i32
      %dma_wait3A_512 = tpu.memref_slice %arg10[%mul3A_4, %dma_wait3A_511] : memref<10000x128xf32, #tpu.memory_space<vmem_shared>> -> memref<624x128xf32, #tpu.memory_space<vmem_shared>>
      tpu.wait_dma2 semaphore(%run_scoped3A : memref<!tpu.dma_semaphore, #tpu.memory_space<semaphore_mem>>) src(%dma_wait3A_512 : memref<624x128xf32, #tpu.memory_space<vmem_shared>>) dst(%dma_wait3A_510 : memref<624x128xf32, #tpu.memory_space<hbm>>)
      tpu.yield
    }) : () -> ()
    %eq3A_498 = arith.constant 0 : i32
    %eq3A_499 = arith.cmpi eq, %arg1, %eq3A_498 : i32
    %convert_element_type3A_500 = arith.extui %eq3A_499 : i1 to i32
    %cond3A_501 = arith.constant 0 : i32
    %cond3A_502 = arith.cmpi ne, %convert_element_type3A_500, %cond3A_501 : i32
    scf.if %cond3A_502 {
      "tpu.region"() ({
        %run_scoped3A = tpu.sem_alloc : memref<!tpu.dma_semaphore, #tpu.memory_space<semaphore_mem>>
        %dma_start3A_503 = arith.constant 9984 : i32
        %dma_start3A_504 = arith.constant 0 : i32
        %dma_start3A_505 = tpu.memref_slice %arg6[%arg0, %dma_start3A_503, %dma_start3A_504] : memref<2x10000x128xf32, #tpu.memory_space<hbm>> -> memref<1x16x128xf32, #tpu.memory_space<hbm>>
        %dma_start3A_506 = tpu.memref_squeeze %dma_start3A_505 : memref<1x16x128xf32, #tpu.memory_space<hbm>> -> memref<16x128xf32, #tpu.memory_space<hbm>>
        %dma_start3A_507 = arith.constant 9984 : i32
        %dma_start3A_508 = arith.constant 0 : i32
        %dma_start3A_509 = tpu.memref_slice %arg10[%dma_start3A_507, %dma_start3A_508] : memref<10000x128xf32, #tpu.memory_space<vmem_shared>> -> memref<16x128xf32, #tpu.memory_space<vmem_shared>>
        tpu.enqueue_dma source(%dma_start3A_509 : memref<16x128xf32, #tpu.memory_space<vmem_shared>>) target(%dma_start3A_506 : memref<16x128xf32, #tpu.memory_space<hbm>>) target_semaphore(%run_scoped3A : memref<!tpu.dma_semaphore, #tpu.memory_space<semaphore_mem>>)
        %dma_wait3A_510 = arith.constant 9984 : i32
        %dma_wait3A_511 = arith.constant 0 : i32
        %dma_wait3A_512 = tpu.memref_slice %arg6[%arg0, %dma_wait3A_510, %dma_wait3A_511] : memref<2x10000x128xf32, #tpu.memory_space<hbm>> -> memref<1x16x128xf32, #tpu.memory_space<hbm>>
        %dma_wait3A_513 = tpu.memref_squeeze %dma_wait3A_512 : memref<1x16x128xf32, #tpu.memory_space<hbm>> -> memref<16x128xf32, #tpu.memory_space<hbm>>
        %dma_wait3A_514 = arith.constant 9984 : i32
        %dma_wait3A_515 = arith.constant 0 : i32
        %dma_wait3A_516 = tpu.memref_slice %arg10[%dma_wait3A_514, %dma_wait3A_515] : memref<10000x128xf32, #tpu.memory_space<vmem_shared>> -> memref<16x128xf32, #tpu.memory_space<vmem_shared>>
        tpu.wait_dma2 semaphore(%run_scoped3A : memref<!tpu.dma_semaphore, #tpu.memory_space<semaphore_mem>>) src(%dma_wait3A_516 : memref<16x128xf32, #tpu.memory_space<vmem_shared>>) dst(%dma_wait3A_513 : memref<16x128xf32, #tpu.memory_space<hbm>>)
        tpu.yield
      }) : () -> ()
    } else {
    }
    return
  }
}

module attributes {stable_mosaic.version = 14 : i64} {
  func.func @_tc_mm(%arg0: i32, %arg1: memref<1000x128xf32, #tpu.memory_space<vmem>>, %arg2: memref<128x128xf32, #tpu.memory_space<vmem>>, %arg3: memref<1000x128xf32, #tpu.memory_space<vmem>>) attributes {dimension_semantics = [#tpu.dimension_semantics<arbitrary>], iteration_bounds = array<i64: 10>, scalar_prefetch = 0 : i64, scratch_operands = 0 : i64, tpu.core_type = #tpu.core_type<tc>, window_params = [{transform_indices = @transform_0, window_bounds = array<i64: 1000, 128>}, {pipeline_mode = #tpu.pipeline_mode<synchronous>, transform_indices = @transform_1, window_bounds = array<i64: 128, 128>}, {transform_indices = @transform_2, window_bounds = array<i64: 1000, 128>}]} {
    %get3A = arith.constant 0 : index
    %get3A_0 = arith.constant 0 : index
    %get3A_1 = vector.load %arg1[%get3A, %get3A_0] : memref<1000x128xf32, #tpu.memory_space<vmem>>, vector<1000x128xf32>
    %get3A_2 = arith.constant 0 : index
    %get3A_3 = arith.constant 0 : index
    %get3A_4 = vector.load %arg2[%get3A_2, %get3A_3] : memref<128x128xf32, #tpu.memory_space<vmem>>, vector<128x128xf32>
    %dot_general3A = arith.constant dense<0.000000e+00> : vector<1000x128xf32>
    %dot_general3A_5 = tpu.matmul %get3A_1, %get3A_4, %dot_general3A {dimension_numbers = #tpu.dot_dimension_numbers<[1], [0], [0], [1], [0, 0, 1, 1], [], []>, transpose_lhs_hint = false} : vector<1000x128xf32>, vector<128x128xf32>, vector<1000x128xf32> -> vector<1000x128xf32>
    %swap3A = arith.constant 0 : index
    %swap3A_6 = arith.constant 0 : index
    %swap3A_7 = vector.load %arg3[%swap3A, %swap3A_6] : memref<1000x128xf32, #tpu.memory_space<vmem>>, vector<1000x128xf32>
    tpu.vector_store %arg3[%swap3A, %swap3A_6], %dot_general3A_5 {strides = array<i32>} : memref<1000x128xf32, #tpu.memory_space<vmem>>, vector<1000x128xf32>,
    return
  }
  func.func @transform_0(%arg0: i32) -> (i32, i32) {
    %c0_i32 = arith.constant 0 : i32
    %c0_i32_0 = arith.constant 0 : i32
    return %arg0, %c0_i32 : i32, i32
  }
  func.func @transform_1(%arg0: i32) -> (i32, i32) {
    %c0_i32 = arith.constant 0 : i32
    %c0_i32_0 = arith.constant 0 : i32
    %c0_i32_1 = arith.constant 0 : i32
    return %c0_i32, %c0_i32_0 : i32, i32
  }
  func.func @transform_2(%arg0: i32) -> (i32, i32) {
    %c0_i32 = arith.constant 0 : i32
    %c0_i32_0 = arith.constant 0 : i32
    return %arg0, %c0_i32 : i32, i32
  }
}

module attributes {stable_mosaic.version = 14 : i64} {
  func.func @_tc_scale(%arg0: i32, %arg1: memref<1000x128xf32, #tpu.memory_space<vmem>>, %arg2: memref<1000x128xf32, #tpu.memory_space<vmem>>, %arg3: memref<1000x128xf32, #tpu.memory_space<vmem>>, %arg4: memref<1000x128xf32, #tpu.memory_space<vmem>>) attributes {dimension_semantics = [#tpu.dimension_semantics<arbitrary>], iteration_bounds = array<i64: 10>, scalar_prefetch = 0 : i64, scratch_operands = 0 : i64, tpu.core_type = #tpu.core_type<tc>, window_params = [{transform_indices = @transform_0, window_bounds = array<i64: 1000, 128>}, {transform_indices = @transform_1, window_bounds = array<i64: 1000, 128>}, {transform_indices = @transform_2, window_bounds = array<i64: 1000, 128>}, {transform_indices = @transform_3, window_bounds = array<i64: 1000, 128>}]} {
    %get3A = arith.constant 0 : index
    %get3A_0 = arith.constant 0 : index
    %get3A_1 = vector.load %arg2[%get3A, %get3A_0] : memref<1000x128xf32, #tpu.memory_space<vmem>>, vector<1000x128xf32>
    %get3A_2 = arith.constant 0 : index
    %get3A_3 = arith.constant 0 : index
    %get3A_4 = vector.load %arg3[%get3A_2, %get3A_3] : memref<1000x128xf32, #tpu.memory_space<vmem>>, vector<1000x128xf32>
    %slice3A = vector.extract_strided_slice %get3A_1 {offsets = [0, 0], sizes = [1000, 1], strides = [1, 1]} : vector<1000x128xf32> to vector<1000x1xf32>
    %slice3A_5 = vector.extract_strided_slice %get3A_4 {offsets = [0, 0], sizes = [1000, 1], strides = [1, 1]} : vector<1000x128xf32> to vector<1000x1xf32>
    %add3A = arith.addf %slice3A, %slice3A_5 : vector<1000x1xf32>
    %add3A_6 = arith.constant 1.000000e+00 : f32
    %add3A_7 = vector.broadcast %add3A_6 : f32 to vector<1000x1xf32>
    %add3A_8 = arith.addf %add3A, %add3A_7 : vector<1000x1xf32>
    %rsqrt3A = math.rsqrt %add3A_8 : vector<1000x1xf32>
    %get3A_9 = arith.constant 0 : index
    %get3A_10 = arith.constant 0 : index
    %get3A_11 = vector.load %arg1[%get3A_9, %get3A_10] : memref<1000x128xf32, #tpu.memory_space<vmem>>, vector<1000x128xf32>
    %mul3A = vector.broadcast %rsqrt3A : vector<1000x1xf32> to vector<1000x128xf32>
    %mul3A_12 = arith.mulf %get3A_11, %mul3A : vector<1000x128xf32>
    %swap3A = arith.constant 0 : index
    %swap3A_13 = arith.constant 0 : index
    %swap3A_14 = vector.load %arg4[%swap3A, %swap3A_13] : memref<1000x128xf32, #tpu.memory_space<vmem>>, vector<1000x128xf32>
    tpu.vector_store %arg4[%swap3A, %swap3A_13], %mul3A_12 {strides = array<i32>} : memref<1000x128xf32, #tpu.memory_space<vmem>>, vector<1000x128xf32>,
    return
  }
  func.func @transform_0(%arg0: i32) -> (i32, i32) {
    %c0_i32 = arith.constant 0 : i32
    %c0_i32_0 = arith.constant 0 : i32
    return %arg0, %c0_i32 : i32, i32
  }
  func.func @transform_1(%arg0: i32) -> (i32, i32) {
    %c0_i32 = arith.constant 0 : i32
    %c0_i32_0 = arith.constant 0 : i32
    return %arg0, %c0_i32 : i32, i32
  }
  func.func @transform_2(%arg0: i32) -> (i32, i32) {
    %c0_i32 = arith.constant 0 : i32
    %c0_i32_0 = arith.constant 0 : i32
    return %arg0, %c0_i32 : i32, i32
  }
  func.func @transform_3(%arg0: i32) -> (i32, i32) {
    %c0_i32 = arith.constant 0 : i32
    %c0_i32_0 = arith.constant 0 : i32
    return %arg0, %c0_i32 : i32, i32
  }
}

module attributes {stable_mosaic.version = 14 : i64} {
  func.func @_tc_mid(%arg0: i32, %arg1: memref<1000x128xf32, #tpu.memory_space<vmem>>, %arg2: memref<1000x128xf32, #tpu.memory_space<vmem>>, %arg3: memref<1000x128xf32, #tpu.memory_space<vmem>>, %arg4: memref<1000x128xf32, #tpu.memory_space<vmem>>, %arg5: memref<1000x128xf32, #tpu.memory_space<vmem>>, %arg6: memref<1x128xf32, #tpu.memory_space<vmem>>, %arg7: memref<1000x128xf32, #tpu.memory_space<vmem>>, %arg8: memref<128x128xf32, #tpu.memory_space<vmem>>, %arg9: memref<1000x128xf32, #tpu.memory_space<vmem>>) attributes {dimension_semantics = [#tpu.dimension_semantics<arbitrary>], iteration_bounds = array<i64: 10>, scalar_prefetch = 0 : i64, scratch_operands = 0 : i64, tpu.core_type = #tpu.core_type<tc>, window_params = [{transform_indices = @transform_0, window_bounds = array<i64: 1000, 128>}, {transform_indices = @transform_1, window_bounds = array<i64: 1000, 128>}, {transform_indices = @transform_2, window_bounds = array<i64: 1000, 128>}, {transform_indices = @transform_3, window_bounds = array<i64: 1000, 128>}, {transform_indices = @transform_4, window_bounds = array<i64: 1000, 128>}, {pipeline_mode = #tpu.pipeline_mode<synchronous>, transform_indices = @transform_5, window_bounds = array<i64: 1, 128>}, {transform_indices = @transform_6, window_bounds = array<i64: 1000, 128>}, {pipeline_mode = #tpu.pipeline_mode<synchronous>, transform_indices = @transform_7, window_bounds = array<i64: 128, 128>}, {transform_indices = @transform_8, window_bounds = array<i64: 1000, 128>}]} {
    %get3A = arith.constant 0 : index
    %get3A_0 = arith.constant 0 : index
    %get3A_1 = vector.load %arg4[%get3A, %get3A_0] : memref<1000x128xf32, #tpu.memory_space<vmem>>, vector<1000x128xf32>
    %get3A_2 = arith.constant 0 : index
    %get3A_3 = arith.constant 0 : index
    %get3A_4 = vector.load %arg5[%get3A_2, %get3A_3] : memref<1000x128xf32, #tpu.memory_space<vmem>>, vector<1000x128xf32>
    %slice3A = vector.extract_strided_slice %get3A_1 {offsets = [0, 0], sizes = [1000, 1], strides = [1, 1]} : vector<1000x128xf32> to vector<1000x1xf32>
    %slice3A_5 = vector.extract_strided_slice %get3A_4 {offsets = [0, 0], sizes = [1000, 1], strides = [1, 1]} : vector<1000x128xf32> to vector<1000x1xf32>
    %add3A = arith.addf %slice3A, %slice3A_5 : vector<1000x1xf32>
    %add3A_6 = arith.constant 1.000000e+00 : f32
    %add3A_7 = vector.broadcast %add3A_6 : f32 to vector<1000x1xf32>
    %add3A_8 = arith.addf %add3A, %add3A_7 : vector<1000x1xf32>
    %rsqrt3A = math.rsqrt %add3A_8 : vector<1000x1xf32>
    %get3A_9 = arith.constant 0 : index
    %get3A_10 = arith.constant 0 : index
    %get3A_11 = vector.load %arg1[%get3A_9, %get3A_10] : memref<1000x128xf32, #tpu.memory_space<vmem>>, vector<1000x128xf32>
    %get3A_12 = arith.constant 0 : index
    %get3A_13 = arith.constant 0 : index
    %get3A_14 = vector.load %arg2[%get3A_12, %get3A_13] : memref<1000x128xf32, #tpu.memory_space<vmem>>, vector<1000x128xf32>
    %add3A_15 = arith.addf %get3A_11, %get3A_14 : vector<1000x128xf32>
    %get3A_16 = arith.constant 0 : index
    %get3A_17 = arith.constant 0 : index
    %get3A_18 = vector.load %arg3[%get3A_16, %get3A_17] : memref<1000x128xf32, #tpu.memory_space<vmem>>, vector<1000x128xf32>
    %add3A_19 = arith.addf %add3A_15, %get3A_18 : vector<1000x128xf32>
    %mul3A = vector.broadcast %rsqrt3A : vector<1000x1xf32> to vector<1000x128xf32>
    %mul3A_20 = arith.mulf %mul3A, %add3A_19 : vector<1000x128xf32>
    %get3A_21 = arith.constant 0 : index
    %get3A_22 = arith.constant 0 : index
    %get3A_23 = vector.load %arg6[%get3A_21, %get3A_22] : memref<1x128xf32, #tpu.memory_space<vmem>>, vector<1x128xf32>
    %add3A_24 = vector.broadcast %get3A_23 : vector<1x128xf32> to vector<1000x128xf32>
    %add3A_25 = arith.addf %mul3A_20, %add3A_24 : vector<1000x128xf32>
    %get3A_26 = arith.constant 0 : index
    %get3A_27 = arith.constant 0 : index
    %get3A_28 = vector.load %arg7[%get3A_26, %get3A_27] : memref<1000x128xf32, #tpu.memory_space<vmem>>, vector<1000x128xf32>
    %add3A_29 = arith.addf %add3A_25, %get3A_28 : vector<1000x128xf32>
    %max3A = arith.constant 0.000000e+00 : f32
    %max3A_30 = vector.broadcast %max3A : f32 to vector<1000x128xf32>
    %max3A_31 = arith.maximumf %add3A_29, %max3A_30 : vector<1000x128xf32>
    %get3A_32 = arith.constant 0 : index
    %get3A_33 = arith.constant 0 : index
    %get3A_34 = vector.load %arg8[%get3A_32, %get3A_33] : memref<128x128xf32, #tpu.memory_space<vmem>>, vector<128x128xf32>
    %dot_general3A = arith.constant dense<0.000000e+00> : vector<1000x128xf32>
    %dot_general3A_35 = tpu.matmul %max3A_31, %get3A_34, %dot_general3A {dimension_numbers = #tpu.dot_dimension_numbers<[1], [0], [0], [1], [0, 0, 1, 1], [], []>, transpose_lhs_hint = false} : vector<1000x128xf32>, vector<128x128xf32>, vector<1000x128xf32> -> vector<1000x128xf32>
    %mul3A_36 = vector.broadcast %rsqrt3A : vector<1000x1xf32> to vector<1000x128xf32>
    %mul3A_37 = arith.mulf %dot_general3A_35, %mul3A_36 : vector<1000x128xf32>
    %swap3A = arith.constant 0 : index
    %swap3A_38 = arith.constant 0 : index
    %swap3A_39 = vector.load %arg9[%swap3A, %swap3A_38] : memref<1000x128xf32, #tpu.memory_space<vmem>>, vector<1000x128xf32>
    tpu.vector_store %arg9[%swap3A, %swap3A_38], %mul3A_37 {strides = array<i32>} : memref<1000x128xf32, #tpu.memory_space<vmem>>, vector<1000x128xf32>,
    return
  }
  func.func @transform_0(%arg0: i32) -> (i32, i32) {
    %c0_i32 = arith.constant 0 : i32
    %c0_i32_0 = arith.constant 0 : i32
    return %arg0, %c0_i32 : i32, i32
  }
  func.func @transform_1(%arg0: i32) -> (i32, i32) {
    %c0_i32 = arith.constant 0 : i32
    %c0_i32_0 = arith.constant 0 : i32
    return %arg0, %c0_i32 : i32, i32
  }
  func.func @transform_2(%arg0: i32) -> (i32, i32) {
    %c0_i32 = arith.constant 0 : i32
    %c0_i32_0 = arith.constant 0 : i32
    return %arg0, %c0_i32 : i32, i32
  }
  func.func @transform_3(%arg0: i32) -> (i32, i32) {
    %c0_i32 = arith.constant 0 : i32
    %c0_i32_0 = arith.constant 0 : i32
    return %arg0, %c0_i32 : i32, i32
  }
  func.func @transform_4(%arg0: i32) -> (i32, i32) {
    %c0_i32 = arith.constant 0 : i32
    %c0_i32_0 = arith.constant 0 : i32
    return %arg0, %c0_i32 : i32, i32
  }
  func.func @transform_5(%arg0: i32) -> (i32, i32) {
    %c0_i32 = arith.constant 0 : i32
    %c0_i32_0 = arith.constant 0 : i32
    %c0_i32_1 = arith.constant 0 : i32
    return %c0_i32, %c0_i32_0 : i32, i32
  }
  func.func @transform_6(%arg0: i32) -> (i32, i32) {
    %c0_i32 = arith.constant 0 : i32
    %c0_i32_0 = arith.constant 0 : i32
    return %arg0, %c0_i32 : i32, i32
  }
  func.func @transform_7(%arg0: i32) -> (i32, i32) {
    %c0_i32 = arith.constant 0 : i32
    %c0_i32_0 = arith.constant 0 : i32
    %c0_i32_1 = arith.constant 0 : i32
    return %c0_i32, %c0_i32_0 : i32, i32
  }
  func.func @transform_8(%arg0: i32) -> (i32, i32) {
    %c0_i32 = arith.constant 0 : i32
    %c0_i32_0 = arith.constant 0 : i32
    return %arg0, %c0_i32 : i32, i32
  }
}

module attributes {stable_mosaic.version = 14 : i64} {
  func.func @_tc_last(%arg0: i32, %arg1: memref<1000x128xf32, #tpu.memory_space<vmem>>, %arg2: memref<1000x128xf32, #tpu.memory_space<vmem>>, %arg3: memref<1000x128xf32, #tpu.memory_space<vmem>>, %arg4: memref<1000x128xf32, #tpu.memory_space<vmem>>, %arg5: memref<1000x128xf32, #tpu.memory_space<vmem>>, %arg6: memref<1x128xf32, #tpu.memory_space<vmem>>, %arg7: memref<1000x128xf32, #tpu.memory_space<vmem>>, %arg8: memref<1000x128xf32, #tpu.memory_space<vmem>>) attributes {dimension_semantics = [#tpu.dimension_semantics<arbitrary>], iteration_bounds = array<i64: 10>, scalar_prefetch = 0 : i64, scratch_operands = 0 : i64, tpu.core_type = #tpu.core_type<tc>, window_params = [{transform_indices = @transform_0, window_bounds = array<i64: 1000, 128>}, {transform_indices = @transform_1, window_bounds = array<i64: 1000, 128>}, {transform_indices = @transform_2, window_bounds = array<i64: 1000, 128>}, {transform_indices = @transform_3, window_bounds = array<i64: 1000, 128>}, {transform_indices = @transform_4, window_bounds = array<i64: 1000, 128>}, {pipeline_mode = #tpu.pipeline_mode<synchronous>, transform_indices = @transform_5, window_bounds = array<i64: 1, 128>}, {transform_indices = @transform_6, window_bounds = array<i64: 1000, 128>}, {transform_indices = @transform_7, window_bounds = array<i64: 1000, 128>}]} {
    %get3A = arith.constant 0 : index
    %get3A_0 = arith.constant 0 : index
    %get3A_1 = vector.load %arg4[%get3A, %get3A_0] : memref<1000x128xf32, #tpu.memory_space<vmem>>, vector<1000x128xf32>
    %get3A_2 = arith.constant 0 : index
    %get3A_3 = arith.constant 0 : index
    %get3A_4 = vector.load %arg5[%get3A_2, %get3A_3] : memref<1000x128xf32, #tpu.memory_space<vmem>>, vector<1000x128xf32>
    %slice3A = vector.extract_strided_slice %get3A_1 {offsets = [0, 0], sizes = [1000, 1], strides = [1, 1]} : vector<1000x128xf32> to vector<1000x1xf32>
    %slice3A_5 = vector.extract_strided_slice %get3A_4 {offsets = [0, 0], sizes = [1000, 1], strides = [1, 1]} : vector<1000x128xf32> to vector<1000x1xf32>
    %add3A = arith.addf %slice3A, %slice3A_5 : vector<1000x1xf32>
    %add3A_6 = arith.constant 1.000000e+00 : f32
    %add3A_7 = vector.broadcast %add3A_6 : f32 to vector<1000x1xf32>
    %add3A_8 = arith.addf %add3A, %add3A_7 : vector<1000x1xf32>
    %rsqrt3A = math.rsqrt %add3A_8 : vector<1000x1xf32>
    %get3A_9 = arith.constant 0 : index
    %get3A_10 = arith.constant 0 : index
    %get3A_11 = vector.load %arg1[%get3A_9, %get3A_10] : memref<1000x128xf32, #tpu.memory_space<vmem>>, vector<1000x128xf32>
    %get3A_12 = arith.constant 0 : index
    %get3A_13 = arith.constant 0 : index
    %get3A_14 = vector.load %arg2[%get3A_12, %get3A_13] : memref<1000x128xf32, #tpu.memory_space<vmem>>, vector<1000x128xf32>
    %add3A_15 = arith.addf %get3A_11, %get3A_14 : vector<1000x128xf32>
    %get3A_16 = arith.constant 0 : index
    %get3A_17 = arith.constant 0 : index
    %get3A_18 = vector.load %arg3[%get3A_16, %get3A_17] : memref<1000x128xf32, #tpu.memory_space<vmem>>, vector<1000x128xf32>
    %add3A_19 = arith.addf %add3A_15, %get3A_18 : vector<1000x128xf32>
    %mul3A = vector.broadcast %rsqrt3A : vector<1000x1xf32> to vector<1000x128xf32>
    %mul3A_20 = arith.mulf %mul3A, %add3A_19 : vector<1000x128xf32>
    %get3A_21 = arith.constant 0 : index
    %get3A_22 = arith.constant 0 : index
    %get3A_23 = vector.load %arg6[%get3A_21, %get3A_22] : memref<1x128xf32, #tpu.memory_space<vmem>>, vector<1x128xf32>
    %add3A_24 = vector.broadcast %get3A_23 : vector<1x128xf32> to vector<1000x128xf32>
    %add3A_25 = arith.addf %mul3A_20, %add3A_24 : vector<1000x128xf32>
    %get3A_26 = arith.constant 0 : index
    %get3A_27 = arith.constant 0 : index
    %get3A_28 = vector.load %arg7[%get3A_26, %get3A_27] : memref<1000x128xf32, #tpu.memory_space<vmem>>, vector<1000x128xf32>
    %add3A_29 = arith.addf %add3A_25, %get3A_28 : vector<1000x128xf32>
    %swap3A = arith.constant 0 : index
    %swap3A_30 = arith.constant 0 : index
    %swap3A_31 = vector.load %arg8[%swap3A, %swap3A_30] : memref<1000x128xf32, #tpu.memory_space<vmem>>, vector<1000x128xf32>
    tpu.vector_store %arg8[%swap3A, %swap3A_30], %add3A_29 {strides = array<i32>} : memref<1000x128xf32, #tpu.memory_space<vmem>>, vector<1000x128xf32>,
    return
  }
  func.func @transform_0(%arg0: i32) -> (i32, i32) {
    %c0_i32 = arith.constant 0 : i32
    %c0_i32_0 = arith.constant 0 : i32
    return %arg0, %c0_i32 : i32, i32
  }
  func.func @transform_1(%arg0: i32) -> (i32, i32) {
    %c0_i32 = arith.constant 0 : i32
    %c0_i32_0 = arith.constant 0 : i32
    return %arg0, %c0_i32 : i32, i32
  }
  func.func @transform_2(%arg0: i32) -> (i32, i32) {
    %c0_i32 = arith.constant 0 : i32
    %c0_i32_0 = arith.constant 0 : i32
    return %arg0, %c0_i32 : i32, i32
  }
  func.func @transform_3(%arg0: i32) -> (i32, i32) {
    %c0_i32 = arith.constant 0 : i32
    %c0_i32_0 = arith.constant 0 : i32
    return %arg0, %c0_i32 : i32, i32
  }
  func.func @transform_4(%arg0: i32) -> (i32, i32) {
    %c0_i32 = arith.constant 0 : i32
    %c0_i32_0 = arith.constant 0 : i32
    return %arg0, %c0_i32 : i32, i32
  }
  func.func @transform_5(%arg0: i32) -> (i32, i32) {
    %c0_i32 = arith.constant 0 : i32
    %c0_i32_0 = arith.constant 0 : i32
    %c0_i32_1 = arith.constant 0 : i32
    return %c0_i32, %c0_i32_0 : i32, i32
  }
  func.func @transform_6(%arg0: i32) -> (i32, i32) {
    %c0_i32 = arith.constant 0 : i32
    %c0_i32_0 = arith.constant 0 : i32
    return %arg0, %c0_i32 : i32, i32
  }
  func.func @transform_7(%arg0: i32) -> (i32, i32) {
    %c0_i32 = arith.constant 0 : i32
    %c0_i32_0 = arith.constant 0 : i32
    return %arg0, %c0_i32 : i32, i32
  }
}

</mosaic_0001>

<sc_bundles>
// kernel: kernel.12.cloned.1.call-start
scs
__scs_entry_jumppad:
0x0: {  	(pc) =	sbr.rel $0x88, $3  }
0x1: {  	(tag) =	ssettag $0x0;
	lr =	simm.s32 $0x1  }
0x2: {  	[smem:$0x3F99] =	sst lr;
	_ =	strace $0xD0000000  }
0x3: {  	_ = 	snop  }
0x4: {  	_ = 	snop  }
0x5: {  	_ = 	snop  }
0x6: {  	_ = 	snop  }
0x7: {  	_ = 	snop  }
__scs_overlays_trampoline_lowered:
0x8: {  	[smem:$0x3FA8] =	sst s0  }
0x9: {  	[smem:$0x3FA9] =	sst s1  }
0xa: {  	[smem:$0x3FAA] =	sst s2  }
0xb: {  	[smem:$0x3FAB] =	sst s3  }
0xc: {  	[smem:$0x3FAC] =	sst s4  }
0xd: {  	[smem:$0x3FAD] =	sst s5  }
0xe: {  	[smem:$0x3FAE] =	sst s6  }
0xf: {  	[smem:$0x3FAF] =	sst s7  }
0x10: {  	[smem:$0x3FB0] =	sst s8  }
0x11: {  	[smem:$0x3FB1] =	sst s9;
	s0 =	simm.s32 @!p0 $0x0  }
0x12: {  	s1 =	sld [smem:$0x3F97];
	s0 =	simm.s32 @p0 $0x1  }
0x13: {  	[smem:$0x3FB2] =	sst s0;
	s0 =	simm.s32 @!p1 $0x0  }
0x14: {  	s2 =	sld [smem:$0x3F96];
	s0 =	simm.s32 @p1 $0x1  }
0x15: {  	[smem:$0x3FB3] =	sst s0;
	s0 =	simm.s32 @!p2 $0x0  }
0x16: {  	s3 =	sld [smem:$0x3FDB];
	s0 =	simm.s32 @p2 $0x1  }
0x17: {  	s4 =	simm.s32 $0x1BF5;
	[smem:$0x3FB5] =	sst s0  }
0x18: {  	s0 =	sld [smem:$0x3F98];
	_ =	swait.ge [sflag:s4], $0x0  }
0x19: {  	s7 =	sld [smem:$0x3F99]  }
0x1a: {  	s8 =	sadd.s32 $0xFFFFE003, lr  }
0x1b: {  	s9 =	sadd.s32 $0xFFFFFEF7, lr;
	s5 =	simm.s32 $0xFFFFFFFF;
	p2 =	slt.u32 s8, $0xFFFFF086  }
0x1c: {  	p1 =	slt.u32 s9, $0xF7A;
	s5 =	simm.s32 @!p2 $0x0  }
0x1d: {  	s5 =	simm.s32 @p1 $0x1;
	p0 =	seq.s32 s7, s2  }
0x1e: {  	s7 =	smul.u32 @!p0 $0xF7A, s2;
	p2 =	seq.s32 @!p0 s5, $0x0  }
0x1f: {  	s9 =	smul.u32 $0xF7A, s1;
	s8 =	simm.s32 @!p0 $0x1BF5;
	p2 =	por !p2, p0  }
0x20: {  	[sflag:s8] =	ssyncset.s32 @!p0 $0xFFFFF086;
	s6 =	sadd.s32 @!p0 s3, s7;
	s7 =	simm.s32 @!p0 $0x108  }
0x21: {  	s3 =	sadd.s32 s3, s9;
	s6 =	sadd.s32 @!p0 $0x88, s6;
	s7 =	simm.s32 @p2 $0x1082  }
0x22: {  	[simem:s7], [sflag:s8] =	dma.local @!p0 [hbm:s6], $0xF7A  }
0x23: {  	s9 =	sor.u32 $0xD0000000, s2;
	s6 =	simm.s32 $0x108;
	_ =	swait.ge @!p0 [sflag:s8], $0x0  }
0x24: {  	s3 =	sadd.s32 $0x88, s3;
	s6 =	simm.s32 @!p1 $0x1082;
	[sflag:s4] =	ssyncset.s32 $0xFFFFF086  }
0x25: {  	[simem:s6], [sflag:s4] =	dma.local [hbm:s3], $0xF7A  }
0x26: {  	[smem:$0x3F99] =	sst s1;
	(tag) =	ssettag s2;
	_ =	strace s9  }
0x27: {  	s1 =	sld [smem:$0x3FA9]  }
0x28: {  	s2 =	sld [smem:$0x3FAA]  }
0x29: {  	s4 =	sld [smem:$0x3FAC]  }
0x2a: {  	p0 =	seq.s32 s5, $0x0;
	s5 =	sld [smem:$0x3FAD]  }
0x2b: {  	s6 =	sld [smem:$0x3FAE]  }
0x2c: {  	s7 =	sld [smem:$0x3FAF]  }
0x2d: {  	s3 =	simm.s32 $0x108;
	s8 =	sld [smem:$0x3FB0]  }
0x2e: {  	s3 =	simm.s32 @!p0 $0x1082;
	s9 =	sld [smem:$0x3FB1]  }
0x2f: {  	lr =	sadd.s32 s0, s3;
	s0 =	sld [smem:$0x3FA8]  }
0x30: {  	s3 =	sld [smem:$0x3FAB]  }
0x31: {  	[smem:$0x3FB4] =	sst s10  }
0x32: {  	s10 =	sld [smem:$0x3FB2];
	_ =	sdelay $0x3  }
0x33: {  	p0 =	seq.s32 s10, $0x1;
	s10 =	sld [smem:$0x3FB4];
	_ =	sdelay $0x3  }
0x34: {  	[smem:$0x3FB4] =	sst s10  }
0x35: {  	s10 =	sld [smem:$0x3FB3];
	_ =	sdelay $0x3  }
0x36: {  	p1 =	seq.s32 s10, $0x1;
	s10 =	sld [smem:$0x3FB4];
	_ =	sdelay $0x3  }
0x37: {  	[smem:$0x3FB4] =	sst s10  }
0x38: {  	s10 =	sld [smem:$0x3FB5]  }
0x39: {  	_ = 	snop;
	(pc) =	sbr.ind lr, $3  }
0x3a: {  	_ = 	snop  }
0x3b: {  	_ = 	snop  }
0x3c: {  	p2 =	seq.s32 s10, $0x1;
	s10 =	sld [smem:$0x3FB4]  }
0x3d: {  	_ =	shalt  }
0x3e: {  	_ =	shalt  }
0x3f: {  	_ =	shalt  }
0x40: {  	_ =	shalt  }
0x41: {  	_ =	shalt  }
0x42: {  	_ =	shalt  }
0x43: {  	_ =	shalt  }
0x44: {  	_ =	shalt  }
0x45: {  	_ =	shalt  }
0x46: {  	_ =	shalt  }
0x47: {  	_ =	shalt  }
0x48: {  	_ =	shalt  }
0x49: {  	_ =	shalt  }
0x4a: {  	_ =	shalt  }
0x4b: {  	_ =	shalt  }
0x4c: {  	_ =	shalt  }
0x4d: {  	_ =	shalt  }
0x4e: {  	_ =	shalt  }
0x4f: {  	_ =	shalt  }
0x50: {  	_ =	shalt  }
0x51: {  	_ =	shalt  }
0x52: {  	_ =	shalt  }
0x53: {  	_ =	shalt  }
0x54: {  	_ =	shalt  }
0x55: {  	_ =	shalt  }
0x56: {  	_ =	shalt  }
0x57: {  	_ =	shalt  }
0x58: {  	_ =	shalt  }
0x59: {  	_ =	shalt  }
0x5a: {  	_ =	shalt  }
0x5b: {  	_ =	shalt  }
0x5c: {  	_ =	shalt  }
0x5d: {  	_ =	shalt  }
0x5e: {  	_ =	shalt  }
0x5f: {  	_ =	shalt  }
0x60: {  	_ =	shalt  }
0x61: {  	_ =	shalt  }
0x62: {  	_ =	shalt  }
0x63: {  	_ =	shalt  }
0x64: {  	_ =	shalt  }
0x65: {  	_ =	shalt  }
0x66: {  	_ =	shalt  }
0x67: {  	_ =	shalt  }
0x68: {  	_ =	shalt  }
0x69: {  	_ =	shalt  }
0x6a: {  	_ =	shalt  }
0x6b: {  	_ =	shalt  }
0x6c: {  	_ =	shalt  }
0x6d: {  	_ =	shalt  }
0x6e: {  	_ =	shalt  }
0x6f: {  	_ =	shalt  }
0x70: {  	_ =	shalt  }
0x71: {  	_ =	shalt  }
0x72: {  	_ =	shalt  }
0x73: {  	_ =	shalt  }
0x74: {  	_ =	shalt  }
0x75: {  	_ =	shalt  }
0x76: {  	_ =	shalt  }
0x77: {  	_ =	shalt  }
0x78: {  	_ =	shalt  }
0x79: {  	_ =	shalt  }
0x7a: {  	_ =	shalt  }
0x7b: {  	_ =	shalt  }
0x7c: {  	_ =	shalt  }
0x7d: {  	_ =	shalt  }
0x7e: {  	_ =	shalt  }
0x7f: {  	_ =	shalt  }
0x80: {  	_ =	shalt  }
0x81: {  	_ =	shalt  }
0x82: {  	_ =	shalt  }
0x83: {  	_ =	shalt  }
0x84: {  	_ =	shalt  }
0x85: {  	_ =	shalt  }
0x86: {  	_ =	shalt  }
0x87: {  	_ =	shalt  }
.Lfunc_end0:
.L_simem_size_0:
called_computation.1_lowered:
.L_overlay_start_0:
0x88: {  	s2 =	sld [smem:$0x3FD9]  }
0x89: {  	s3 =	sld [smem:$0x3FFE];
	_ =	sdelay $0x1  }
0x8a: {  	s1 =	srdreg.scid  }
0x8b: {  	s0 =	sand.u32 $0x1, s1  }
0x8c: {  	s17 =	sshll.u32 s0, $0xA;
	s2 =	sadd.s32 s3, s2  }
0x8d: {  	s2 =	sadd.s32 s2, s17  }
0x8e: {  	[smem:$0x3FC0] =	sst s2  }
0x8f: {  	_ = 	snop  }
0x90: {  	s2 =	sld [smem:$0x3FD0];
	(tm) =	ssettm $0x1  }
0x91: {  	s18 =	sld [smem:$0x3FFB];
	_ =	sdelay $0x3  }
0x92: {  	_ =	strace s18  }
0x93: {  	s3 =	sld [smem:$0x3FFC];
	_ =	sdelay $0x3  }
0x94: {  	_ =	strace s3  }
0x95: {  	s3 =	sld [smem:$0x3FFD];
	_ =	sdelay $0x3  }
0x96: {  	_ =	strace s3  }
0x97: {  	_ =	strace $0x8FFFFFFF  }
0x98: {  	s19 =	sld [smem:$0x3FDB];
	_ =	sdelay $0x1  }
0x99: {  	s4 =	simm.s32 $_scs_section_size  }
0x9a: {  	s5 =	simm.s32 $_size__tile_overlayer_lowered;
	s6 =	simm.s32 $_tile_overlayer_lowered  }
0x9b: {  	s22 =	simm.s32 $0x1BFF;
	s21 =	sshll.u32 s6, $0x1;
	s3 =	sadd.s32 s4, s19  }
0x9c: {  	s7 =	simm.s32 $0x0;
	s20 =	sshll.u32 s5, $0x1;
	s5 =	sadd.s32 s21, s3  }
0x9d: {  	[timem:s7], [sflag:s22] =	dma.local [hbm:s5], s20  }
0x9e: {  	_ =	swait.ge [sflag:s22], s20  }
0x9f: {  	s4 =	ssub.s32 $0x0, s20;
	[sflag:s22] =	ssyncset.done $0x0  }
0xa0: {  	[sflag:s22] =	ssyncadd.s32 s4;
	_ =	sdelay $0x1  }
0xa1: {  	s23 =	simm.s32 $0x1B8B  }
0xa2: {  	_ =	swait.ge [sflag:s23], $0x1  }
0xa3: {  	[sflag:s23] =	ssyncset.done $0x0  }
0xa4: {  	s25 =	simm.s32 $0x1B8E;
	s24 =	sld [smem:$0x3FFE];
	[sflag:s23] =	ssyncadd.s32 $0xFFFFFFFF  }
0xa5: {  	s26 =	simm.s32 $execute0_lowered;
	[smem:$0x3FD2] =	sst s25  }
0xa6: {  	s5 =	sshll.u32 s26, $0x1;
	_ =	strace $0x80000049;
	[dreg:$0x1] =	wrdreg $0xFFFFFFFF  }
0xa7: {  	s28 =	simm.s32 $_size_execute0_lowered;
	s3 =	sadd.s32 s3, s5;
	[dreg:$0x0] =	wrdreg $0x0  }
0xa8: {  	s5 =	sshll.u32 s28, $0x1;
	[dreg:$0x2] =	wrdreg s3  }
0xa9: {  	[dreg:$0x3] =	wrdreg s5  }
0xaa: {  	[dreg:$0x4] =	wrdreg $0xC0  }
0xab: {  	_ =	task [dreg:s7], $0x5FFFF  }
0xac: {  	[dreg:$0x1] =	wrdreg $0xFFFFFFFF  }
0xad: {  	[dreg:$0x0] =	wrdreg $0x60  }
0xae: {  	[dreg:$0x2] =	wrdreg s24  }
0xaf: {  	[dreg:$0x3] =	wrdreg s2  }
0xb0: {  	[dreg:$0x4] =	wrdreg $0xC6000  }
0xb1: {  	[dreg:$0x5] =	wrdreg $0x9  }
0xb2: {  	_ =	task.clear_ibuf [dreg:s7], $0x6FFFF;
	_ =	strace $0x90000049  }
0xb3: {  	s29 =	simm.s32 $0x9;
	_ =	strace $0x8000004B  }
0xb4: {  	_ =	swait.ge [sflag:s29], $0x1  }
0xb5: {  	[sflag:s29] =	ssyncadd.s32 $0xFFFFFFFF  }
0xb6: {  	_ =	strace $0x9000004B  }
0xb7: {  	_ =	sfence  }
0xb8: {  	s30 =	sld [smem:$0x0];
	_ =	sdelay $0x2  }
0xb9: {  	s31 =	sshll.u32 s1, $0xD;
	s1 =	sshrl.u32 s1, $0x2  }
0xba: {  	s3 =	sand.u32 $0x4000, s31;
	s1 =	sadd.s32 s1, s30  }
0xbb: {  	s0 =	sor.u32 s3, s0;
	s1 =	sshll.u32 s1, $0x11  }
0xbc: {  	s0 =	sor.u32 s1, s0  }
0xbd: {  	s0 =	sadd.s32 $0x8F2B, s0  }
0xbe: {  	[sflag:s0] =	ssyncadd.remote.s32 $0x1  }
0xbf: {  	_ =	sfence.sel $0xFFFF  }
0xc0: {  	[dreg:$0x0] =	wrdreg $0xFFFFFFFF;
	(pc) =	sbr.abs _section_cstart, $3  }
0xc1: {  	[dreg:$0x1] =	wrdreg $0xFFFFFFFF  }
0xc2: {  	_ =	task.clear_ibuf [dreg:s7], $0x2FFFF;
	_ =	strace $0x9FFFFFFF  }
0xc3: {  	(tm) =	ssettm $0x7FFFFFFF  }
tec
execute0_lowered:
.L_overlay_start_1:
0x0: {  	(tag) =	ssettag $0x1  }
0x1: {  	s0 =	rddreg [dreg:$0x0]  }
0x2: {  	s6 =	rddreg [dreg:$0x1]  }
0x3: {  	s1 =	rddreg [dreg:$0x2];
	s2 =	simm.s32 $0x0  }
0x4: {  	s5 =	srdreg.scid;
	s7 =	stileid.u32;
	s28 =	simm.s32 $0x100  }
0x5: {  	s29 =	simm.s32 $0x180;
	s30 =	simm.s32 $0x1;
	s31 =	simm.s32 $0x60  }
0x6: {  	[smem:$0x7FF] =	sst s2;
	s3 =	sadd.s32 $0x65400, s0;
	s4 =	sadd.s32 $0x3400, s0  }
0x7: {  	s8 =	sand.u32 $0x1, s5;
	s9 =	sshll.u32 s7, $0x1;
	s10 =	smul.u32 $0x4E000, s7  }
0x8: {  	s5 =	sadd.s32 $0xD200, s0;
	s0 =	sadd.s32 $0x8C600, s0;
	s13 =	smul.u32 $0x13800, s7  }
0x9: {  	s17 =	smul.u32 $0x4E20, s7;
	s19 =	sadd.s32 $0x138000, s1;
	_ =	strace $0x8000004A  }
0xa: {  	s9 =	sor.u32 s8, s9;
	s11 =	ssub.s32 $0x2, s8;
	s14 =	smul.u32 $0x2710, s8  }
0xb: {  	[dreg:$0xd] =	wrdreg s19;
	s8 =	smul.u32 $0x138800, s8;
	s10 =	sshrl.u32 s10, $0x2  }
0xc: {  	s12 =	smul.u32 $0x2710, s9;
	s18 =	sshrl.u32 s13, $0x3;
	s16 =	sadd.s32 s10, s1  }
0xd: {  	s15 =	sshrl.u32 s11, $0x1;
	s9 =	sadd.s32 s6, s18;
	[dreg:$0xa] =	wrdreg s16  }
0xe: {  	s11 =	ssub.s32 s11, s15;
	s15 =	sshll.u32 s7, $0x6;
	[dreg:$0xc] =	wrdreg s9  }
0xf: {  	p0 =	sne.s32 s7, $0x0;
	s6 =	sadd.s32 $0x27000, s6;
	[dreg:$0xb] =	wrdreg s15  }
0x10: {  	s10 =	sadd.s32 s14, s17;
	s13 =	sadd.s32 s13, s8;
	[dreg:$0xe] =	wrdreg s6  }
0x11: {  	s6 =	sshrl.u32 s12, $0x3;
	s14 =	sadd.s32 $0x240, s10;
	s16 =	sadd.s32 $0x2A0, s10  }
0x12: {  	s26 =	sadd.s32 $0x1E0, s10;
	s12 =	sadd.s32 s4, s6;
	s20 =	sadd.s32 $0xC, s6  }
0x13: {  	s21 =	sadd.s32 s5, s6;
	s24 =	sshrl.u32 s16, $0x3;
	[dreg:$0xf] =	wrdreg s12  }
0x14: {  	s16 =	sshrl.u32 s26, $0x3;
	s26 =	smax.u32 s11, $0x1;
	[dreg:$0x10] =	wrdreg s21  }
0x15: {  	s14 =	sshrl.u32 s14, $0x3;
	s22 =	sadd.s32 s4, s20;
	[dreg:$0x1b] =	wrdreg s26  }
0x16: {  	s8 =	sshrl.u32 s8, $0x3;
	s23 =	sadd.s32 s14, s5;
	[dreg:$0x11] =	wrdreg s22  }
0x17: {  	s7 =	simm.s32 $0x9600;
	s14 =	sadd.s32 s14, s4;
	[dreg:$0x4] =	wrdreg s23  }
0x18: {  	s9 =	sor.u32 $0x1C04, s15;
	s25 =	sadd.s32 s24, s5;
	[dreg:$0x5] =	wrdreg s14  }
0x19: {  	s18 =	sadd.s32 $0x18, s6;
	s12 =	sadd.s32 s5, s20;
	[dreg:$0x6] =	wrdreg s25  }
0x1a: {  	s11 =	simm.s32 $0x280;
	s15 =	sadd.s32 s24, s4;
	[dreg:$0x12] =	wrdreg s12  }
0x1b: {  	s17 =	sadd.s32 s16, s5;
	s19 =	sadd.s32 s4, s18;
	[dreg:$0x7] =	wrdreg s15  }
0x1c: {  	s20 =	sadd.s32 s5, s18;
	s21 =	sshrl.u32 s13, $0x3;
	[dreg:$0x8] =	wrdreg s17  }
0x1d: {  	s26 =	simm.s32 $0x80;
	s13 =	simm.s32 $0x380;
	[dreg:$0x13] =	wrdreg s19  }
0x1e: {  	[dreg:$0x14] =	wrdreg s20;
	s12 =	sadd.s32 s0, s21;
	s22 =	sadd.s32 s16, s4  }
0x1f: {  	s0 =	sadd.s32 s0, s8;
	s23 =	sadd.s32 $0x24, s6;
	[dreg:$0x15] =	wrdreg s12  }
0x20: {  	s6 =	sadd.s32 $0x4E0, s6;
	[dreg:$0x9] =	wrdreg s22;
	s24 =	sadd.s32 s4, s23  }
0x21: {  	s14 =	simm.s32 $0x6600;
	s8 =	sadd.s32 s5, s23;
	[dreg:$0x16] =	wrdreg s24  }
0x22: {  	s16 =	simm.s32 $0x3;
	s25 =	sadd.s32 s4, s6;
	[dreg:$0x17] =	wrdreg s8  }
0x23: {  	s21 =	simm.s32 $0x0;
	s6 =	sadd.s32 s5, s6;
	[dreg:$0x18] =	wrdreg s25  }
0x24: {  	s0 =	sadd.s32 $0x27000, s0;
	s12 =	simm.s32 $0x300;
	[dreg:$0x19] =	wrdreg s6  }
0x25: {  	[dreg:$0x1a] =	wrdreg s0;
	s25 =	sadd.s32 $0x180, s10;
	s0 =	simm.s32 $0x600  }
0x26: {  	s6 =	simm.s32 $0x3600;
	s8 =	simm.s32 $0x2;
	s10 =	simm.s32 $0x200  }
.LBB2_1:
0x27: {  	s15 =	rddreg [dreg:$0xa]  }
0x28: {  	s18 =	rddreg [dreg:$0xc];
	s23 =	sshrl.u32 s15, $0x3  }
0x29: {  	[spmem:s23], [sflag:s9] =	dma.local [hbm:s18], $0x2700  }
0x2a: {  	s15 =	rddreg [dreg:$0xd]  }
0x2b: {  	s22 =	sshrl.u32 @!p0 s15, $0x3;
	s15 =	rddreg [dreg:$0xe]  }
0x2c: {  	[spmem:s22], [sflag:s9] =	dma.local @!p0 [hbm:s15], $0x100  }
0x2d: {  	s15 =	rddreg [dreg:$0xf]  }
0x2e: {  	[tilespmem:s2], [sflag:$0x1] =	stream.linear.gather [hbm4b:s15+s2], $0x60, $0x38;
	[tilespmem:$0x1FE80] =	vst v63  }
0x2f: {  	s19 =	rddreg [dreg:$0x10]  }
0x30: {  	[tilespmem:s26], [sflag:$0x1] =	stream.linear.gather [hbm4b:s19+s2], $0x60, $0x38;
	[tilespmem:$0x1FE80] =	vst v63  }
0x31: {  	s20 =	rddreg [dreg:$0x11]  }
0x32: {  	[tilespmem:s28], [sflag:$0x1] =	stream.linear.gather [hbm4b:s20+s2], $0x60, $0x38;
	[tilespmem:$0x1FE80] =	vst v63  }
0x33: {  	s24 =	rddreg [dreg:$0x12]  }
0x34: {  	[tilespmem:s29], [sflag:$0x1] =	stream.linear.gather [hbm4b:s24+s2], $0x60, $0x38;
	[tilespmem:$0x1FE80] =	vst v63  }
0x35: {  	_ =	swait.ge [sflag:s30], $0x60  }
0x36: {  	[sflag:s30] =	ssyncset.done $0x0  }
0x37: {  	[sflag:s30] =	ssyncadd.s32 $0xFFFFFFA0  }
0x38: {  	_ =	swait.ge [sflag:s30], $0x60  }
0x39: {  	[sflag:s30] =	ssyncset.done $0x0  }
0x3a: {  	[sflag:s30] =	ssyncadd.s32 $0xFFFFFFA0  }
0x3b: {  	_ =	swait.ge [sflag:s30], $0x60  }
0x3c: {  	[sflag:s30] =	ssyncset.done $0x0  }
0x3d: {  	[sflag:s30] =	ssyncadd.s32 $0xFFFFFFA0  }
0x3e: {  	_ =	swait.ge [sflag:s30], $0x60  }
0x3f: {  	[sflag:s30] =	ssyncset.done $0x0  }
0x40: {  	[sflag:s30] =	ssyncadd.s32 $0xFFFFFFA0  }
0x41: {  	[tilespmem:s0], [sflag:$0x2] =	stream.indirect.gather [hbm4b:s3+s31], $0x80, s2, s31, $0xb8;
	[tilespmem:$0x1FE80] =	vst v63  }
0x42: {  	_ = 	snop  }
0x43: {  	[tilespmem:s6], [sflag:$0x2] =	stream.indirect.gather [hbm4b:s3+s31], $0x80, s28, s31, $0xb8;
	[tilespmem:$0x1FE80] =	vst v63  }
0x44: {  	_ =	swait.ge [sflag:s8], $0x3000  }
0x45: {  	[sflag:s8] =	ssyncset.done $0x0  }
0x46: {  	[sflag:s8] =	ssyncadd.s32 $0xFFFFD000  }
0x47: {  	_ =	swait.ge [sflag:s8], $0x3000  }
0x48: {  	[sflag:s8] =	ssyncset.done $0x0  }
0x49: {  	s17 =	rddreg [dreg:$0x13];
	[sflag:s8] =	ssyncadd.s32 $0xFFFFD000  }
0x4a: {  	[tilespmem:s10], [sflag:$0x1] =	stream.linear.gather [hbm4b:s17+s2], $0x60, $0x38;
	[tilespmem:$0x1FE80] =	vst v63  }
0x4b: {  	s18 =	rddreg [dreg:$0x14]  }
0x4c: {  	[tilespmem:s11], [sflag:$0x1] =	stream.linear.gather [hbm4b:s18+s2], $0x60, $0x38;
	[tilespmem:$0x1FE80] =	vst v63  }
0x4d: {  	s19 =	rddreg [dreg:$0x16]  }
0x4e: {  	[tilespmem:s12], [sflag:$0x1] =	stream.linear.gather [hbm4b:s19+s2], $0x60, $0x38;
	[tilespmem:$0x1FE80] =	vst v63  }
0x4f: {  	s20 =	rddreg [dreg:$0x17]  }
0x50: {  	[tilespmem:s13], [sflag:$0x1] =	stream.linear.gather [hbm4b:s20+s2], $0x60, $0x38;
	[tilespmem:$0x1FE80] =	vst v63  }
0x51: {  	_ =	swait.ge [sflag:s30], $0x60  }
0x52: {  	[sflag:s30] =	ssyncset.done $0x0  }
0x53: {  	[sflag:s30] =	ssyncadd.s32 $0xFFFFFFA0  }
0x54: {  	_ =	swait.ge [sflag:s30], $0x60  }
0x55: {  	[sflag:s30] =	ssyncset.done $0x0  }
0x56: {  	[sflag:s30] =	ssyncadd.s32 $0xFFFFFFA0  }
0x57: {  	_ =	swait.ge [sflag:s30], $0x60  }
0x58: {  	[sflag:s30] =	ssyncset.done $0x0  }
0x59: {  	[sflag:s30] =	ssyncadd.s32 $0xFFFFFFA0  }
0x5a: {  	_ =	swait.ge [sflag:s30], $0x60  }
0x5b: {  	[sflag:s30] =	ssyncset.done $0x0  }
0x5c: {  	[sflag:s30] =	ssyncadd.s32 $0xFFFFFFA0  }
0x5d: {  	[tilespmem:s14], [sflag:$0x2] =	stream.indirect.gather [hbm4b:s3+s31], $0x80, s10, s31, $0xb8;
	[tilespmem:$0x1FE80] =	vst v63  }
0x5e: {  	_ = 	snop  }
0x5f: {  	[tilespmem:s7], [sflag:$0x2] =	stream.indirect.gather [hbm4b:s3+s31], $0x80, s12, s31, $0xb8;
	[tilespmem:$0x1FE80] =	vst v63  }
0x60: {  	_ =	swait.ge [sflag:s8], $0x3000  }
0x61: {  	[sflag:s8] =	ssyncset.done $0x0  }
0x62: {  	[sflag:s8] =	ssyncadd.s32 $0xFFFFD000  }
0x63: {  	_ =	swait.ge [sflag:s8], $0x3000  }
0x64: {  	[sflag:s8] =	ssyncset.done $0x0  }
0x65: {  	s24 =	simm.s32 $0x4;
	[sflag:s8] =	ssyncadd.s32 $0xFFFFD000  }
0x66: {  	_ =	swait.ge [sflag:s24], $0x2700  }
0x67: {  	[sflag:s24] =	ssyncset.done $0x0  }
0x68: {  	s17 =	simm.s32 @!p0 $0x4;
	[sflag:s24] =	ssyncadd.s32 $0xFFFFD900  }
0x69: {  	_ =	swait.ge @!p0 [sflag:s17], $0x100  }
0x6a: {  	[sflag:s17] =	ssyncset.done @!p0 $0x0  }
0x6b: {  	[sflag:s17] =	ssyncadd.s32 @!p0 $0xFFFFFF00  }
0x6c: {  	[bflag:$0x0] =	sbarrier.arrive $0xFFFF  }
0x6d: {  	[spmem:s1] =	stream.indirect.scatter.add.f32 [tilespmem:s0], [sflag:$0x3], $0x80, s26, s31, $0xb8;
	[tilespmem:$0x1FE80] =	vst v63  }
0x6e: {  	_ = 	snop  }
0x6f: {  	[spmem:s1] =	stream.indirect.scatter.add.f32 [tilespmem:s6], [sflag:$0x3], $0x80, s29, s31, $0xb8;
	[tilespmem:$0x1FE80] =	vst v63  }
0x70: {  	_ = 	snop  }
0x71: {  	[spmem:s1] =	stream.indirect.scatter.add.f32 [tilespmem:s14], [sflag:$0x3], $0x80, s11, s31, $0xb8;
	[tilespmem:$0x1FE80] =	vst v63  }
0x72: {  	_ = 	snop  }
0x73: {  	[spmem:s1] =	stream.indirect.scatter.add.f32 [tilespmem:s7], [sflag:$0x3], $0x80, s13, s31, $0xb8;
	[tilespmem:$0x1FE80] =	vst v63  }
0x74: {  	_ =	swait.ge [sflag:s16], $0x3000  }
0x75: {  	[sflag:s16] =	ssyncset.done $0x0  }
0x76: {  	[sflag:s16] =	ssyncadd.s32 $0xFFFFD000  }
0x77: {  	_ =	swait.ge [sflag:s16], $0x3000  }
0x78: {  	s15 =	sshrl.u32 s25, $0x3;
	[sflag:s16] =	ssyncset.done $0x0  }
0x79: {  	s18 =	sadd.s32 s4, s15;
	[sflag:s16] =	ssyncadd.s32 $0xFFFFD000  }
0x7a: {  	[tilespmem:s2], [sflag:$0x1] =	stream.linear.gather [hbm4b:s18+s2], $0x60, $0x38;
	[tilespmem:$0x1FE80] =	vst v63  }
0x7b: {  	s17 =	sadd.s32 s5, s15;
	s19 =	rddreg [dreg:$0x9]  }
0x7c: {  	[tilespmem:s26], [sflag:$0x1] =	stream.linear.gather [hbm4b:s17+s2], $0x60, $0x38;
	[tilespmem:$0x1FE80] =	vst v63  }
0x7d: {  	s20 =	rddreg [dreg:$0x8];
	s18 =	sadd.s32 $0x0, s19  }
0x7e: {  	[tilespmem:s28], [sflag:$0x1] =	stream.linear.gather [hbm4b:s18+s2], $0x60, $0x38;
	[tilespmem:$0x1FE80] =	vst v63  }
0x7f: {  	s17 =	sadd.s32 $0x0, s20  }
0x80: {  	[tilespmem:s29], [sflag:$0x1] =	stream.linear.gather [hbm4b:s17+s2], $0x60, $0x38;
	[tilespmem:$0x1FE80] =	vst v63  }
0x81: {  	_ =	swait.ge [sflag:s30], $0x60  }
0x82: {  	[sflag:s30] =	ssyncset.done $0x0  }
0x83: {  	[sflag:s30] =	ssyncadd.s32 $0xFFFFFFA0  }
0x84: {  	_ =	swait.ge [sflag:s30], $0x60  }
0x85: {  	[sflag:s30] =	ssyncset.done $0x0  }
0x86: {  	[sflag:s30] =	ssyncadd.s32 $0xFFFFFFA0  }
0x87: {  	_ =	swait.ge [sflag:s30], $0x60  }
0x88: {  	[sflag:s30] =	ssyncset.done $0x0  }
0x89: {  	[sflag:s30] =	ssyncadd.s32 $0xFFFFFFA0  }
0x8a: {  	_ =	swait.ge [sflag:s30], $0x60  }
0x8b: {  	[sflag:s30] =	ssyncset.done $0x0  }
0x8c: {  	[sflag:s30] =	ssyncadd.s32 $0xFFFFFFA0  }
0x8d: {  	[tilespmem:s0], [sflag:$0x2] =	stream.indirect.gather [hbm4b:s3+s31], $0x80, s2, s31, $0xb8;
	[tilespmem:$0x1FE80] =	vst v63  }
0x8e: {  	_ = 	snop  }
0x8f: {  	[tilespmem:s6], [sflag:$0x2] =	stream.indirect.gather [hbm4b:s3+s31], $0x80, s28, s31, $0xb8;
	[tilespmem:$0x1FE80] =	vst v63  }
0x90: {  	_ =	swait.ge [sflag:s8], $0x3000  }
0x91: {  	[sflag:s8] =	ssyncset.done $0x0  }
0x92: {  	[sflag:s8] =	ssyncadd.s32 $0xFFFFD000  }
0x93: {  	_ =	swait.ge [sflag:s8], $0x3000  }
0x94: {  	[sflag:s8] =	ssyncset.done $0x0  }
0x95: {  	[sflag:s8] =	ssyncadd.s32 $0xFFFFD000  }
0x96: {  	[spmem:s1] =	stream.indirect.scatter.add.f32 [tilespmem:s0], [sflag:$0x3], $0x80, s26, s31, $0xb8;
	[tilespmem:$0x1FE80] =	vst v63  }
0x97: {  	_ = 	snop  }
0x98: {  	[spmem:s1] =	stream.indirect.scatter.add.f32 [tilespmem:s6], [sflag:$0x3], $0x80, s29, s31, $0xb8;
	[tilespmem:$0x1FE80] =	vst v63  }
0x99: {  	_ =	swait.ge [sflag:s16], $0x3000  }
0x9a: {  	[sflag:s16] =	ssyncset.done $0x0  }
0x9b: {  	[sflag:s16] =	ssyncadd.s32 $0xFFFFD000  }
0x9c: {  	_ =	swait.ge [sflag:s16], $0x3000  }
0x9d: {  	s24 =	rddreg [dreg:$0x5];
	[sflag:s16] =	ssyncset.done $0x0  }
0x9e: {  	s15 =	rddreg [dreg:$0x4];
	[sflag:s16] =	ssyncadd.s32 $0xFFFFD000;
	s17 =	sadd.s32 $0x0, s24  }
0x9f: {  	[tilespmem:s10], [sflag:$0x1] =	stream.linear.gather [hbm4b:s17+s2], $0x60, $0x38;
	[tilespmem:$0x1FE80] =	vst v63  }
0xa0: {  	s19 =	rddreg [dreg:$0x7];
	s18 =	sadd.s32 $0x0, s15  }
0xa1: {  	[tilespmem:s11], [sflag:$0x1] =	stream.linear.gather [hbm4b:s18+s2], $0x60, $0x38;
	[tilespmem:$0x1FE80] =	vst v63  }
0xa2: {  	s20 =	rddreg [dreg:$0x6];
	s17 =	sadd.s32 $0x0, s19  }
0xa3: {  	[tilespmem:s12], [sflag:$0x1] =	stream.linear.gather [hbm4b:s17+s2], $0x60, $0x38;
	[tilespmem:$0x1FE80] =	vst v63  }
0xa4: {  	s24 =	sadd.s32 $0x0, s20  }
0xa5: {  	[tilespmem:s13], [sflag:$0x1] =	stream.linear.gather [hbm4b:s24+s2], $0x60, $0x38;
	[tilespmem:$0x1FE80] =	vst v63  }
0xa6: {  	_ =	swait.ge [sflag:s30], $0x60  }
0xa7: {  	[sflag:s30] =	ssyncset.done $0x0  }
0xa8: {  	[sflag:s30] =	ssyncadd.s32 $0xFFFFFFA0  }
0xa9: {  	_ =	swait.ge [sflag:s30], $0x60  }
0xaa: {  	[sflag:s30] =	ssyncset.done $0x0  }
0xab: {  	[sflag:s30] =	ssyncadd.s32 $0xFFFFFFA0  }
0xac: {  	_ =	swait.ge [sflag:s30], $0x60  }
0xad: {  	[sflag:s30] =	ssyncset.done $0x0  }
0xae: {  	[sflag:s30] =	ssyncadd.s32 $0xFFFFFFA0  }
0xaf: {  	_ =	swait.ge [sflag:s30], $0x60  }
0xb0: {  	[sflag:s30] =	ssyncset.done $0x0  }
0xb1: {  	[sflag:s30] =	ssyncadd.s32 $0xFFFFFFA0  }
0xb2: {  	[tilespmem:s14], [sflag:$0x2] =	stream.indirect.gather [hbm4b:s3+s31], $0x80, s10, s31, $0xb8;
	[tilespmem:$0x1FE80] =	vst v63  }
0xb3: {  	_ = 	snop  }
0xb4: {  	[tilespmem:s7], [sflag:$0x2] =	stream.indirect.gather [hbm4b:s3+s31], $0x80, s12, s31, $0xb8;
	[tilespmem:$0x1FE80] =	vst v63  }
0xb5: {  	_ =	swait.ge [sflag:s8], $0x3000  }
0xb6: {  	[sflag:s8] =	ssyncset.done $0x0  }
0xb7: {  	[sflag:s8] =	ssyncadd.s32 $0xFFFFD000  }
0xb8: {  	_ =	swait.ge [sflag:s8], $0x3000  }
0xb9: {  	[sflag:s8] =	ssyncset.done $0x0  }
0xba: {  	s17 =	sadd.s32 $0x180, s25;
	s24 =	simm.s32 $0x30;
	[sflag:s8] =	ssyncadd.s32 $0xFFFFD000  }
0xbb: {  	[spmem:s1] =	stream.indirect.scatter.add.f32 [tilespmem:s14], [sflag:$0x3], $0x80, s11, s31, $0xb8;
	[tilespmem:$0x1FE80] =	vst v63  }
.LBB2_2:
0xbc: {  	[spmem:s1] =	stream.indirect.scatter.add.f32 [tilespmem:s7], [sflag:$0x3], $0x80, s13, s31, $0xb8;
	[tilespmem:$0x1FE80] =	vst v63  }
0xbd: {  	_ =	swait.ge [sflag:s16], $0x3000  }
0xbe: {  	[sflag:s16] =	ssyncset.done $0x0  }
0xbf: {  	[sflag:s16] =	ssyncadd.s32 $0xFFFFD000  }
0xc0: {  	_ =	swait.ge [sflag:s16], $0x3000  }
0xc1: {  	s19 =	sshrl.u32 s17, $0x3;
	[sflag:s16] =	ssyncset.done $0x0  }
0xc2: {  	s15 =	sadd.s32 s4, s19;
	[sflag:s16] =	ssyncadd.s32 $0xFFFFD000  }
0xc3: {  	[tilespmem:s2], [sflag:$0x1] =	stream.linear.gather [hbm4b:s15+s2], $0x60, $0x38;
	[tilespmem:$0x1FE80] =	vst v63  }
0xc4: {  	s18 =	smov.u32 s24;
	s20 =	rddreg [dreg:$0x9];
	s15 =	sadd.s32 s5, s19  }
0xc5: {  	[tilespmem:s26], [sflag:$0x1] =	stream.linear.gather [hbm4b:s15+s2], $0x60, $0x38;
	[tilespmem:$0x1FE80] =	vst v63  }
0xc6: {  	s20 =	sadd.s32 s18, s20;
	s19 =	rddreg [dreg:$0x8]  }
0xc7: {  	[tilespmem:s28], [sflag:$0x1] =	stream.linear.gather [hbm4b:s20+s2], $0x60, $0x38;
	[tilespmem:$0x1FE80] =	vst v63  }
0xc8: {  	s19 =	sadd.s32 s18, s19  }
0xc9: {  	[tilespmem:s29], [sflag:$0x1] =	stream.linear.gather [hbm4b:s19+s2], $0x60, $0x38;
	[tilespmem:$0x1FE80] =	vst v63  }
0xca: {  	_ =	swait.ge [sflag:s30], $0x60  }
0xcb: {  	[sflag:s30] =	ssyncset.done $0x0  }
0xcc: {  	[sflag:s30] =	ssyncadd.s32 $0xFFFFFFA0  }
0xcd: {  	_ =	swait.ge [sflag:s30], $0x60  }
0xce: {  	[sflag:s30] =	ssyncset.done $0x0  }
0xcf: {  	[sflag:s30] =	ssyncadd.s32 $0xFFFFFFA0  }
0xd0: {  	_ =	swait.ge [sflag:s30], $0x60  }
0xd1: {  	[sflag:s30] =	ssyncset.done $0x0  }
0xd2: {  	[sflag:s30] =	ssyncadd.s32 $0xFFFFFFA0  }
0xd3: {  	_ =	swait.ge [sflag:s30], $0x60  }
0xd4: {  	[sflag:s30] =	ssyncset.done $0x0  }
0xd5: {  	[sflag:s30] =	ssyncadd.s32 $0xFFFFFFA0  }
0xd6: {  	[tilespmem:s0], [sflag:$0x2] =	stream.indirect.gather [hbm4b:s3+s31], $0x80, s2, s31, $0xb8;
	[tilespmem:$0x1FE80] =	vst v63  }
0xd7: {  	_ = 	snop  }
0xd8: {  	[tilespmem:s6], [sflag:$0x2] =	stream.indirect.gather [hbm4b:s3+s31], $0x80, s28, s31, $0xb8;
	[tilespmem:$0x1FE80] =	vst v63  }
0xd9: {  	_ =	swait.ge [sflag:s8], $0x3000  }
0xda: {  	[sflag:s8] =	ssyncset.done $0x0  }
0xdb: {  	[sflag:s8] =	ssyncadd.s32 $0xFFFFD000  }
0xdc: {  	_ =	swait.ge [sflag:s8], $0x3000  }
0xdd: {  	[sflag:s8] =	ssyncset.done $0x0  }
0xde: {  	[sflag:s8] =	ssyncadd.s32 $0xFFFFD000  }
0xdf: {  	[spmem:s1] =	stream.indirect.scatter.add.f32 [tilespmem:s0], [sflag:$0x3], $0x80, s26, s31, $0xb8;
	[tilespmem:$0x1FE80] =	vst v63  }
0xe0: {  	_ = 	snop  }
0xe1: {  	[spmem:s1] =	stream.indirect.scatter.add.f32 [tilespmem:s6], [sflag:$0x3], $0x80, s29, s31, $0xb8;
	[tilespmem:$0x1FE80] =	vst v63  }
0xe2: {  	_ =	swait.ge [sflag:s16], $0x3000  }
0xe3: {  	[sflag:s16] =	ssyncset.done $0x0  }
0xe4: {  	[sflag:s16] =	ssyncadd.s32 $0xFFFFD000  }
0xe5: {  	_ =	swait.ge [sflag:s16], $0x3000  }
0xe6: {  	s20 =	rddreg [dreg:$0x5];
	[sflag:s16] =	ssyncset.done $0x0  }
0xe7: {  	s19 =	rddreg [dreg:$0x4];
	[sflag:s16] =	ssyncadd.s32 $0xFFFFD000;
	s15 =	sadd.s32 s18, s20  }
0xe8: {  	[tilespmem:s10], [sflag:$0x1] =	stream.linear.gather [hbm4b:s15+s2], $0x60, $0x38;
	[tilespmem:$0x1FE80] =	vst v63  }
0xe9: {  	s20 =	rddreg [dreg:$0x7];
	s15 =	sadd.s32 s18, s19  }
0xea: {  	[tilespmem:s11], [sflag:$0x1] =	stream.linear.gather [hbm4b:s15+s2], $0x60, $0x38;
	[tilespmem:$0x1FE80] =	vst v63  }
0xeb: {  	s19 =	rddreg [dreg:$0x6];
	s20 =	sadd.s32 s18, s20  }
0xec: {  	[tilespmem:s12], [sflag:$0x1] =	stream.linear.gather [hbm4b:s20+s2], $0x60, $0x38;
	[tilespmem:$0x1FE80] =	vst v63  }
0xed: {  	s20 =	sadd.s32 s18, s19  }
0xee: {  	[tilespmem:s13], [sflag:$0x1] =	stream.linear.gather [hbm4b:s20+s2], $0x60, $0x38;
	[tilespmem:$0x1FE80] =	vst v63  }
0xef: {  	_ =	swait.ge [sflag:s30], $0x60  }
0xf0: {  	[sflag:s30] =	ssyncset.done $0x0  }
0xf1: {  	[sflag:s30] =	ssyncadd.s32 $0xFFFFFFA0  }
0xf2: {  	_ =	swait.ge [sflag:s30], $0x60  }
0xf3: {  	[sflag:s30] =	ssyncset.done $0x0  }
0xf4: {  	[sflag:s30] =	ssyncadd.s32 $0xFFFFFFA0  }
0xf5: {  	_ =	swait.ge [sflag:s30], $0x60  }
0xf6: {  	[sflag:s30] =	ssyncset.done $0x0  }
0xf7: {  	[sflag:s30] =	ssyncadd.s32 $0xFFFFFFA0  }
0xf8: {  	_ =	swait.ge [sflag:s30], $0x60  }
0xf9: {  	[sflag:s30] =	ssyncset.done $0x0  }
0xfa: {  	[sflag:s30] =	ssyncadd.s32 $0xFFFFFFA0  }
0xfb: {  	[tilespmem:s14], [sflag:$0x2] =	stream.indirect.gather [hbm4b:s3+s31], $0x80, s10, s31, $0xb8;
	[tilespmem:$0x1FE80] =	vst v63  }
0xfc: {  	_ = 	snop  }
0xfd: {  	[tilespmem:s7], [sflag:$0x2] =	stream.indirect.gather [hbm4b:s3+s31], $0x80, s12, s31, $0xb8;
	[tilespmem:$0x1FE80] =	vst v63  }
0xfe: {  	_ =	swait.ge [sflag:s8], $0x3000  }
0xff: {  	p1 =	sne.s32 s24, $0x480;
	[sflag:s8] =	ssyncset.done $0x0  }
.Ltmp0:
0x100: {  	[sflag:s8] =	ssyncadd.s32 $0xFFFFD000;
	(pc) =	sbr.rel @p1 .LBB2_2-.Ltmp0, $4  }
0x101: {  	_ =	swait.ge [sflag:s8], $0x3000  }
0x102: {  	[sflag:s8] =	ssyncset.done $0x0  }
0x103: {  	s24 =	sadd.s32 $0x30, s24;
	s17 =	sadd.s32 $0x180, s17;
	[sflag:s8] =	ssyncadd.s32 $0xFFFFD000  }
0x104: {  	[spmem:s1] =	stream.indirect.scatter.add.f32 [tilespmem:s14], [sflag:$0x3], $0x80, s11, s31, $0xb8;
	[tilespmem:$0x1FE80] =	vst v63  }
0x105: {  	[spmem:s1] =	stream.indirect.scatter.add.f32 [tilespmem:s7], [sflag:$0x3], $0x80, s13, s31, $0xb8;
	[tilespmem:$0x1FE80] =	vst v63  }
0x106: {  	_ =	swait.ge [sflag:s16], $0x3000  }
0x107: {  	[sflag:s16] =	ssyncset.done $0x0  }
0x108: {  	[sflag:s16] =	ssyncadd.s32 $0xFFFFD000  }
0x109: {  	_ =	swait.ge [sflag:s16], $0x3000  }
0x10a: {  	[sflag:s16] =	ssyncset.done $0x0  }
0x10b: {  	[sflag:s16] =	ssyncadd.s32 $0xFFFFD000  }
0x10c: {  	_ =	swait.ge [sflag:s16], $0x3000  }
0x10d: {  	[sflag:s16] =	ssyncset.done $0x0  }
0x10e: {  	[sflag:s16] =	ssyncadd.s32 $0xFFFFD000  }
0x10f: {  	_ =	swait.ge [sflag:s16], $0x3000  }
0x110: {  	[sflag:s16] =	ssyncset.done $0x0  }
0x111: {  	s17 =	simm.s32 $0x400;
	s15 =	rddreg [dreg:$0x18];
	[sflag:s16] =	ssyncadd.s32 $0xFFFFD000  }
0x112: {  	[tilespmem:s17], [sflag:$0x1] =	stream.linear.gather [hbm4b:s15+s2], $0x10, $0x38;
	[tilespmem:$0x1FE80] =	vst v63  }
0x113: {  	s18 =	simm.s32 $0x480;
	s20 =	rddreg [dreg:$0x19]  }
0x114: {  	[tilespmem:s18], [sflag:$0x1] =	stream.linear.gather [hbm4b:s20+s2], $0x10, $0x38;
	[tilespmem:$0x1FE80] =	vst v63  }
0x115: {  	_ =	swait.ge [sflag:s30], $0x10  }
0x116: {  	[sflag:s30] =	ssyncset.done $0x0  }
0x117: {  	[sflag:s30] =	ssyncadd.s32 $0xFFFFFFF0  }
0x118: {  	_ =	swait.ge [sflag:s30], $0x10  }
0x119: {  	[sflag:s30] =	ssyncset.done $0x0  }
0x11a: {  	s24 =	simm.s32 $0x10;
	[sflag:s30] =	ssyncadd.s32 $0xFFFFFFF0  }
0x11b: {  	[tilespmem:s0], [sflag:$0x2] =	stream.indirect.gather [hbm4b:s3+s24], $0x80, s17, s24, $0xb8;
	[tilespmem:$0x1FE80] =	vst v63  }
0x11c: {  	_ =	swait.ge [sflag:s8], $0x800  }
0x11d: {  	[sflag:s8] =	ssyncset.done $0x0  }
0x11e: {  	[sflag:s8] =	ssyncadd.s32 $0xFFFFF800  }
0x11f: {  	[spmem:s1] =	stream.indirect.scatter.add.f32 [tilespmem:s0], [sflag:$0x3], $0x80, s18, s24, $0xb8;
	[tilespmem:$0x1FE80] =	vst v63  }
0x120: {  	_ =	swait.ge [sflag:s16], $0x800  }
0x121: {  	[sflag:s16] =	ssyncset.done $0x0  }
0x122: {  	[sflag:s16] =	ssyncadd.s32 $0xFFFFF800  }
0x123: {  	[bflag:$0x0] =	sbarrier.arrive $0xFFFF  }
0x124: {  	s19 =	rddreg [dreg:$0xb]  }
0x125: {  	s20 =	rddreg [dreg:$0x15];
	s15 =	sor.u32 $0x1C05, s19  }
0x126: {  	[hbm:s20], [sflag:s15] =	dma.local [spmem:s23], $0x2700  }
0x127: {  	s23 =	simm.s32 $0x5  }
0x128: {  	_ =	swait.ge [sflag:s23], $0x2700  }
0x129: {  	[sflag:s23] =	ssyncset.done $0x0  }
0x12a: {  	s17 =	rddreg [dreg:$0x1a];
	[sflag:s23] =	ssyncadd.s32 $0xFFFFD900  }
0x12b: {  	[hbm:s17], [sflag:s15] =	dma.local @!p0 [spmem:s22], $0x100  }
0x12c: {  	s15 =	simm.s32 @!p0 $0x5  }
0x12d: {  	_ =	swait.ge @!p0 [sflag:s15], $0x100  }
0x12e: {  	s21 =	sadd.s32 $0x1, s21;
	s24 =	rddreg [dreg:$0x1b]  }
0x12f: {  	p1 =	sne.s32 s21, s24  }
.Ltmp1:
0x130: {  	_ = 	snop;
	(pc) =	sbr.rel @p1 .LBB2_1-.Ltmp1, $3  }
0x131: {  	_ =	sdelay $0x1  }
0x132: {  	[sflag:s15] =	ssyncset.done @!p0 $0x0  }
0x133: {  	[sflag:s15] =	ssyncadd.s32 @!p0 $0xFFFFFF00  }
0x134: {  	_ =	sfence.sel $0x180000  }
0x135: {  	[bflag:$0x0] =	sbarrier.arrive $0xFFFF  }
0x136: {  	_ =	strace $0x9000004A  }
0x137: {  	[bflag:$0x2] =	sbarrier.arrive $0xFFFF  }
0x138: {  	s0 =	rddreg [dreg:$0x3]  }
0x139: {  	s0 =	sadd.s32 @!p0 $0x100000, s0  }
0x13a: {  	[sflag:s0] =	ssyncadd.tile.s32 @!p0 $0x1;
	_ =	shalt  }
.Lfunc_end2:
_tile_overlayer_lowered:
.L_overlay_start_2:
0x13b: {  	(tag) =	ssettag $0x2  }
0x13c: {  	s0 =	rddreg [dreg:$0x0];
	s2 =	stileid.u32  }
0x13d: {  	s1 =	rddreg [dreg:$0x1];
	p0 =	sne.s32 s2, $0x0  }
0x13e: {  	s3 =	rddreg [dreg:$0x2];
	[bflag:$0x3] =	sbarrier.arrive $0xFFFF;
	s2 =	simm.s32 @!p0 $0x1C05  }
0x13f: {  	[timem:s3], [sflag:s2] =	dma.local @!p0 [hbm:s0], s1  }
0x140: {  	s0 =	simm.s32 @!p0 $0x5  }
0x141: {  	_ =	swait.ge @!p0 [sflag:s0], s1  }
0x142: {  	s1 =	ssub.s32 @!p0 $0x0, s1;
	[sflag:s0] =	ssyncset.done @!p0 $0x0  }
0x143: {  	[sflag:s0] =	ssyncadd.s32 @!p0 s1  }
0x144: {  	[bflag:$0x3] =	sbarrier.arrive $0xFFFF  }
0x145: {  	_ =	shalt  }

// kernel: kernel.15.cloned.1.call-start
scs
__scs_entry_jumppad:
0x0: {  	(pc) =	sbr.rel $0x88, $3  }
0x1: {  	(tag) =	ssettag $0x0;
	lr =	simm.s32 $0x1  }
0x2: {  	[smem:$0x3F99] =	sst lr;
	_ =	strace $0xD0000000  }
0x3: {  	_ = 	snop  }
0x4: {  	_ = 	snop  }
0x5: {  	_ = 	snop  }
0x6: {  	_ = 	snop  }
0x7: {  	_ = 	snop  }
__scs_overlays_trampoline_lowered:
0x8: {  	[smem:$0x3FA8] =	sst s0  }
0x9: {  	[smem:$0x3FA9] =	sst s1  }
0xa: {  	[smem:$0x3FAA] =	sst s2  }
0xb: {  	[smem:$0x3FAB] =	sst s3  }
0xc: {  	[smem:$0x3FAC] =	sst s4  }
0xd: {  	[smem:$0x3FAD] =	sst s5  }
0xe: {  	[smem:$0x3FAE] =	sst s6  }
0xf: {  	[smem:$0x3FAF] =	sst s7  }
0x10: {  	[smem:$0x3FB0] =	sst s8  }
0x11: {  	[smem:$0x3FB1] =	sst s9;
	s0 =	simm.s32 @!p0 $0x0  }
0x12: {  	s1 =	sld [smem:$0x3F97];
	s0 =	simm.s32 @p0 $0x1  }
0x13: {  	[smem:$0x3FB2] =	sst s0;
	s0 =	simm.s32 @!p1 $0x0  }
0x14: {  	s2 =	sld [smem:$0x3F96];
	s0 =	simm.s32 @p1 $0x1  }
0x15: {  	[smem:$0x3FB3] =	sst s0;
	s0 =	simm.s32 @!p2 $0x0  }
0x16: {  	s3 =	sld [smem:$0x3FDB];
	s0 =	simm.s32 @p2 $0x1  }
0x17: {  	s4 =	simm.s32 $0x1BF5;
	[smem:$0x3FB5] =	sst s0  }
0x18: {  	s0 =	sld [smem:$0x3F98];
	_ =	swait.ge [sflag:s4], $0x0  }
0x19: {  	s7 =	sld [smem:$0x3F99]  }
0x1a: {  	s8 =	sadd.s32 $0xFFFFE003, lr  }
0x1b: {  	s9 =	sadd.s32 $0xFFFFFEF7, lr;
	s5 =	simm.s32 $0xFFFFFFFF;
	p2 =	slt.u32 s8, $0xFFFFF086  }
0x1c: {  	p1 =	slt.u32 s9, $0xF7A;
	s5 =	simm.s32 @!p2 $0x0  }
0x1d: {  	s5 =	simm.s32 @p1 $0x1;
	p0 =	seq.s32 s7, s2  }
0x1e: {  	s7 =	smul.u32 @!p0 $0xF7A, s2;
	p2 =	seq.s32 @!p0 s5, $0x0  }
0x1f: {  	s9 =	smul.u32 $0xF7A, s1;
	s8 =	simm.s32 @!p0 $0x1BF5;
	p2 =	por !p2, p0  }
0x20: {  	[sflag:s8] =	ssyncset.s32 @!p0 $0xFFFFF086;
	s6 =	sadd.s32 @!p0 s3, s7;
	s7 =	simm.s32 @!p0 $0x108  }
0x21: {  	s3 =	sadd.s32 s3, s9;
	s6 =	sadd.s32 @!p0 $0x88, s6;
	s7 =	simm.s32 @p2 $0x1082  }
0x22: {  	[simem:s7], [sflag:s8] =	dma.local @!p0 [hbm:s6], $0xF7A  }
0x23: {  	s9 =	sor.u32 $0xD0000000, s2;
	s6 =	simm.s32 $0x108;
	_ =	swait.ge @!p0 [sflag:s8], $0x0  }
0x24: {  	s3 =	sadd.s32 $0x88, s3;
	s6 =	simm.s32 @!p1 $0x1082;
	[sflag:s4] =	ssyncset.s32 $0xFFFFF086  }
0x25: {  	[simem:s6], [sflag:s4] =	dma.local [hbm:s3], $0xF7A  }
0x26: {  	[smem:$0x3F99] =	sst s1;
	(tag) =	ssettag s2;
	_ =	strace s9  }
0x27: {  	s1 =	sld [smem:$0x3FA9]  }
0x28: {  	s2 =	sld [smem:$0x3FAA]  }
0x29: {  	s4 =	sld [smem:$0x3FAC]  }
0x2a: {  	p0 =	seq.s32 s5, $0x0;
	s5 =	sld [smem:$0x3FAD]  }
0x2b: {  	s6 =	sld [smem:$0x3FAE]  }
0x2c: {  	s7 =	sld [smem:$0x3FAF]  }
0x2d: {  	s3 =	simm.s32 $0x108;
	s8 =	sld [smem:$0x3FB0]  }
0x2e: {  	s3 =	simm.s32 @!p0 $0x1082;
	s9 =	sld [smem:$0x3FB1]  }
0x2f: {  	lr =	sadd.s32 s0, s3;
	s0 =	sld [smem:$0x3FA8]  }
0x30: {  	s3 =	sld [smem:$0x3FAB]  }
0x31: {  	[smem:$0x3FB4] =	sst s10  }
0x32: {  	s10 =	sld [smem:$0x3FB2];
	_ =	sdelay $0x3  }
0x33: {  	p0 =	seq.s32 s10, $0x1;
	s10 =	sld [smem:$0x3FB4];
	_ =	sdelay $0x3  }
0x34: {  	[smem:$0x3FB4] =	sst s10  }
0x35: {  	s10 =	sld [smem:$0x3FB3];
	_ =	sdelay $0x3  }
0x36: {  	p1 =	seq.s32 s10, $0x1;
	s10 =	sld [smem:$0x3FB4];
	_ =	sdelay $0x3  }
0x37: {  	[smem:$0x3FB4] =	sst s10  }
0x38: {  	s10 =	sld [smem:$0x3FB5]  }
0x39: {  	_ = 	snop;
	(pc) =	sbr.ind lr, $3  }
0x3a: {  	_ = 	snop  }
0x3b: {  	_ = 	snop  }
0x3c: {  	p2 =	seq.s32 s10, $0x1;
	s10 =	sld [smem:$0x3FB4]  }
0x3d: {  	_ =	shalt  }
0x3e: {  	_ =	shalt  }
0x3f: {  	_ =	shalt  }
0x40: {  	_ =	shalt  }
0x41: {  	_ =	shalt  }
0x42: {  	_ =	shalt  }
0x43: {  	_ =	shalt  }
0x44: {  	_ =	shalt  }
0x45: {  	_ =	shalt  }
0x46: {  	_ =	shalt  }
0x47: {  	_ =	shalt  }
0x48: {  	_ =	shalt  }
0x49: {  	_ =	shalt  }
0x4a: {  	_ =	shalt  }
0x4b: {  	_ =	shalt  }
0x4c: {  	_ =	shalt  }
0x4d: {  	_ =	shalt  }
0x4e: {  	_ =	shalt  }
0x4f: {  	_ =	shalt  }
0x50: {  	_ =	shalt  }
0x51: {  	_ =	shalt  }
0x52: {  	_ =	shalt  }
0x53: {  	_ =	shalt  }
0x54: {  	_ =	shalt  }
0x55: {  	_ =	shalt  }
0x56: {  	_ =	shalt  }
0x57: {  	_ =	shalt  }
0x58: {  	_ =	shalt  }
0x59: {  	_ =	shalt  }
0x5a: {  	_ =	shalt  }
0x5b: {  	_ =	shalt  }
0x5c: {  	_ =	shalt  }
0x5d: {  	_ =	shalt  }
0x5e: {  	_ =	shalt  }
0x5f: {  	_ =	shalt  }
0x60: {  	_ =	shalt  }
0x61: {  	_ =	shalt  }
0x62: {  	_ =	shalt  }
0x63: {  	_ =	shalt  }
0x64: {  	_ =	shalt  }
0x65: {  	_ =	shalt  }
0x66: {  	_ =	shalt  }
0x67: {  	_ =	shalt  }
0x68: {  	_ =	shalt  }
0x69: {  	_ =	shalt  }
0x6a: {  	_ =	shalt  }
0x6b: {  	_ =	shalt  }
0x6c: {  	_ =	shalt  }
0x6d: {  	_ =	shalt  }
0x6e: {  	_ =	shalt  }
0x6f: {  	_ =	shalt  }
0x70: {  	_ =	shalt  }
0x71: {  	_ =	shalt  }
0x72: {  	_ =	shalt  }
0x73: {  	_ =	shalt  }
0x74: {  	_ =	shalt  }
0x75: {  	_ =	shalt  }
0x76: {  	_ =	shalt  }
0x77: {  	_ =	shalt  }
0x78: {  	_ =	shalt  }
0x79: {  	_ =	shalt  }
0x7a: {  	_ =	shalt  }
0x7b: {  	_ =	shalt  }
0x7c: {  	_ =	shalt  }
0x7d: {  	_ =	shalt  }
0x7e: {  	_ =	shalt  }
0x7f: {  	_ =	shalt  }
0x80: {  	_ =	shalt  }
0x81: {  	_ =	shalt  }
0x82: {  	_ =	shalt  }
0x83: {  	_ =	shalt  }
0x84: {  	_ =	shalt  }
0x85: {  	_ =	shalt  }
0x86: {  	_ =	shalt  }
0x87: {  	_ =	shalt  }
.Lfunc_end0:
.L_simem_size_0:
called_computation.2_lowered:
.L_overlay_start_0:
0x88: {  	s2 =	sld [smem:$0x3FD9]  }
0x89: {  	s3 =	sld [smem:$0x3FFE];
	_ =	sdelay $0x1  }
0x8a: {  	s1 =	srdreg.scid  }
0x8b: {  	s0 =	sand.u32 $0x1, s1  }
0x8c: {  	s17 =	sshll.u32 s0, $0xA;
	s2 =	sadd.s32 s3, s2  }
0x8d: {  	s2 =	sadd.s32 s2, s17  }
0x8e: {  	[smem:$0x3FC0] =	sst s2  }
0x8f: {  	_ = 	snop  }
0x90: {  	s2 =	sld [smem:$0x3FD0];
	(tm) =	ssettm $0x1  }
0x91: {  	s18 =	sld [smem:$0x3FFB];
	_ =	sdelay $0x3  }
0x92: {  	_ =	strace s18  }
0x93: {  	s3 =	sld [smem:$0x3FFC];
	_ =	sdelay $0x3  }
0x94: {  	_ =	strace s3  }
0x95: {  	s3 =	sld [smem:$0x3FFD];
	_ =	sdelay $0x3  }
0x96: {  	_ =	strace s3  }
0x97: {  	_ =	strace $0x8FFFFFFF  }
0x98: {  	s19 =	sld [smem:$0x3FDB];
	_ =	sdelay $0x1  }
0x99: {  	s4 =	simm.s32 $_scs_section_size  }
0x9a: {  	s5 =	simm.s32 $_size__tile_overlayer_lowered;
	s6 =	simm.s32 $_tile_overlayer_lowered  }
0x9b: {  	s22 =	simm.s32 $0x1BFF;
	s21 =	sshll.u32 s6, $0x1;
	s3 =	sadd.s32 s4, s19  }
0x9c: {  	s7 =	simm.s32 $0x0;
	s20 =	sshll.u32 s5, $0x1;
	s5 =	sadd.s32 s21, s3  }
0x9d: {  	[timem:s7], [sflag:s22] =	dma.local [hbm:s5], s20  }
0x9e: {  	_ =	swait.ge [sflag:s22], s20  }
0x9f: {  	s4 =	ssub.s32 $0x0, s20;
	[sflag:s22] =	ssyncset.done $0x0  }
0xa0: {  	[sflag:s22] =	ssyncadd.s32 s4;
	_ =	sdelay $0x1  }
0xa1: {  	s23 =	simm.s32 $0x1B8B  }
0xa2: {  	_ =	swait.ge [sflag:s23], $0x1  }
0xa3: {  	[sflag:s23] =	ssyncset.done $0x0  }
0xa4: {  	s25 =	simm.s32 $0x1B8E;
	s24 =	sld [smem:$0x3FFE];
	[sflag:s23] =	ssyncadd.s32 $0xFFFFFFFF  }
0xa5: {  	s26 =	simm.s32 $execute0_lowered;
	[smem:$0x3FD2] =	sst s25  }
0xa6: {  	s5 =	sshll.u32 s26, $0x1;
	_ =	strace $0x8000004C;
	[dreg:$0x1] =	wrdreg $0xFFFFFFFF  }
0xa7: {  	s28 =	simm.s32 $_size_execute0_lowered;
	s3 =	sadd.s32 s3, s5;
	[dreg:$0x0] =	wrdreg $0x0  }
0xa8: {  	s5 =	sshll.u32 s28, $0x1;
	[dreg:$0x2] =	wrdreg s3  }
0xa9: {  	[dreg:$0x3] =	wrdreg s5  }
0xaa: {  	[dreg:$0x4] =	wrdreg $0xC0  }
0xab: {  	_ =	task [dreg:s7], $0x5FFFF  }
0xac: {  	[dreg:$0x1] =	wrdreg $0xFFFFFFFF  }
0xad: {  	[dreg:$0x0] =	wrdreg $0x60  }
0xae: {  	[dreg:$0x2] =	wrdreg s24  }
0xaf: {  	[dreg:$0x3] =	wrdreg s2  }
0xb0: {  	[dreg:$0x4] =	wrdreg $0xC6000  }
0xb1: {  	[dreg:$0x5] =	wrdreg $0x9  }
0xb2: {  	_ =	task.clear_ibuf [dreg:s7], $0x6FFFF;
	_ =	strace $0x9000004C  }
0xb3: {  	s29 =	simm.s32 $0x9;
	_ =	strace $0x8000004E  }
0xb4: {  	_ =	swait.ge [sflag:s29], $0x1  }
0xb5: {  	[sflag:s29] =	ssyncadd.s32 $0xFFFFFFFF  }
0xb6: {  	_ =	strace $0x9000004E  }
0xb7: {  	_ =	sfence  }
0xb8: {  	s30 =	sld [smem:$0x0];
	_ =	sdelay $0x2  }
0xb9: {  	s31 =	sshll.u32 s1, $0xD;
	s1 =	sshrl.u32 s1, $0x2  }
0xba: {  	s3 =	sand.u32 $0x4000, s31;
	s1 =	sadd.s32 s1, s30  }
0xbb: {  	s0 =	sor.u32 s3, s0;
	s1 =	sshll.u32 s1, $0x11  }
0xbc: {  	s0 =	sor.u32 s1, s0  }
0xbd: {  	s0 =	sadd.s32 $0x8F2B, s0  }
0xbe: {  	[sflag:s0] =	ssyncadd.remote.s32 $0x1  }
0xbf: {  	_ =	sfence.sel $0xFFFF  }
0xc0: {  	[dreg:$0x0] =	wrdreg $0xFFFFFFFF;
	(pc) =	sbr.abs _section_cstart, $3  }
0xc1: {  	[dreg:$0x1] =	wrdreg $0xFFFFFFFF  }
0xc2: {  	_ =	task.clear_ibuf [dreg:s7], $0x2FFFF;
	_ =	strace $0x9FFFFFFF  }
0xc3: {  	(tm) =	ssettm $0x7FFFFFFF  }
tec
execute0_lowered:
.L_overlay_start_1:
0x0: {  	(tag) =	ssettag $0x1  }
0x1: {  	s0 =	rddreg [dreg:$0x0]  }
0x2: {  	s6 =	rddreg [dreg:$0x1]  }
0x3: {  	s1 =	rddreg [dreg:$0x2];
	s2 =	simm.s32 $0x0  }
0x4: {  	s5 =	srdreg.scid;
	s7 =	stileid.u32;
	s28 =	simm.s32 $0x100  }
0x5: {  	s29 =	simm.s32 $0x180;
	s30 =	simm.s32 $0x1;
	s31 =	simm.s32 $0x60  }
0x6: {  	[smem:$0x7FF] =	sst s2;
	s3 =	sadd.s32 $0x65400, s0;
	s4 =	sadd.s32 $0x3400, s0  }
0x7: {  	s8 =	sand.u32 $0x1, s5;
	s9 =	sshll.u32 s7, $0x1;
	s10 =	smul.u32 $0x4E000, s7  }
0x8: {  	s5 =	sadd.s32 $0xD200, s0;
	s0 =	sadd.s32 $0x8C600, s0;
	s13 =	smul.u32 $0x13800, s7  }
0x9: {  	s17 =	smul.u32 $0x4E20, s7;
	s19 =	sadd.s32 $0x138000, s1;
	_ =	strace $0x8000004D  }
0xa: {  	s9 =	sor.u32 s8, s9;
	s11 =	ssub.s32 $0x2, s8;
	s14 =	smul.u32 $0x2710, s8  }
0xb: {  	[dreg:$0xd] =	wrdreg s19;
	s8 =	smul.u32 $0x138800, s8;
	s10 =	sshrl.u32 s10, $0x2  }
0xc: {  	s12 =	smul.u32 $0x2710, s9;
	s18 =	sshrl.u32 s13, $0x3;
	s16 =	sadd.s32 s10, s1  }
0xd: {  	s15 =	sshrl.u32 s11, $0x1;
	s9 =	sadd.s32 s6, s18;
	[dreg:$0xa] =	wrdreg s16  }
0xe: {  	s11 =	ssub.s32 s11, s15;
	s15 =	sshll.u32 s7, $0x6;
	[dreg:$0xc] =	wrdreg s9  }
0xf: {  	p0 =	sne.s32 s7, $0x0;
	s6 =	sadd.s32 $0x27000, s6;
	[dreg:$0xb] =	wrdreg s15  }
0x10: {  	s10 =	sadd.s32 s14, s17;
	s13 =	sadd.s32 s13, s8;
	[dreg:$0xe] =	wrdreg s6  }
0x11: {  	s6 =	sshrl.u32 s12, $0x3;
	s14 =	sadd.s32 $0x240, s10;
	s16 =	sadd.s32 $0x2A0, s10  }
0x12: {  	s26 =	sadd.s32 $0x1E0, s10;
	s12 =	sadd.s32 s4, s6;
	s20 =	sadd.s32 $0xC, s6  }
0x13: {  	s21 =	sadd.s32 s5, s6;
	s24 =	sshrl.u32 s16, $0x3;
	[dreg:$0xf] =	wrdreg s12  }
0x14: {  	s16 =	sshrl.u32 s26, $0x3;
	s26 =	smax.u32 s11, $0x1;
	[dreg:$0x10] =	wrdreg s21  }
0x15: {  	s14 =	sshrl.u32 s14, $0x3;
	s22 =	sadd.s32 s4, s20;
	[dreg:$0x1b] =	wrdreg s26  }
0x16: {  	s8 =	sshrl.u32 s8, $0x3;
	s23 =	sadd.s32 s14, s5;
	[dreg:$0x11] =	wrdreg s22  }
0x17: {  	s7 =	simm.s32 $0x9600;
	s14 =	sadd.s32 s14, s4;
	[dreg:$0x4] =	wrdreg s23  }
0x18: {  	s9 =	sor.u32 $0x1C04, s15;
	s25 =	sadd.s32 s24, s5;
	[dreg:$0x5] =	wrdreg s14  }
0x19: {  	s18 =	sadd.s32 $0x18, s6;
	s12 =	sadd.s32 s5, s20;
	[dreg:$0x6] =	wrdreg s25  }
0x1a: {  	s11 =	simm.s32 $0x280;
	s15 =	sadd.s32 s24, s4;
	[dreg:$0x12] =	wrdreg s12  }
0x1b: {  	s17 =	sadd.s32 s16, s5;
	s19 =	sadd.s32 s4, s18;
	[dreg:$0x7] =	wrdreg s15  }
0x1c: {  	s20 =	sadd.s32 s5, s18;
	s21 =	sshrl.u32 s13, $0x3;
	[dreg:$0x8] =	wrdreg s17  }
0x1d: {  	s26 =	simm.s32 $0x80;
	s13 =	simm.s32 $0x380;
	[dreg:$0x13] =	wrdreg s19  }
0x1e: {  	[dreg:$0x14] =	wrdreg s20;
	s12 =	sadd.s32 s0, s21;
	s22 =	sadd.s32 s16, s4  }
0x1f: {  	s0 =	sadd.s32 s0, s8;
	s23 =	sadd.s32 $0x24, s6;
	[dreg:$0x15] =	wrdreg s12  }
0x20: {  	s6 =	sadd.s32 $0x4E0, s6;
	[dreg:$0x9] =	wrdreg s22;
	s24 =	sadd.s32 s4, s23  }
0x21: {  	s14 =	simm.s32 $0x6600;
	s8 =	sadd.s32 s5, s23;
	[dreg:$0x16] =	wrdreg s24  }
0x22: {  	s16 =	simm.s32 $0x3;
	s25 =	sadd.s32 s4, s6;
	[dreg:$0x17] =	wrdreg s8  }
0x23: {  	s21 =	simm.s32 $0x0;
	s6 =	sadd.s32 s5, s6;
	[dreg:$0x18] =	wrdreg s25  }
0x24: {  	s0 =	sadd.s32 $0x27000, s0;
	s12 =	simm.s32 $0x300;
	[dreg:$0x19] =	wrdreg s6  }
0x25: {  	[dreg:$0x1a] =	wrdreg s0;
	s25 =	sadd.s32 $0x180, s10;
	s0 =	simm.s32 $0x600  }
0x26: {  	s6 =	simm.s32 $0x3600;
	s8 =	simm.s32 $0x2;
	s10 =	simm.s32 $0x200  }
.LBB2_1:
0x27: {  	s15 =	rddreg [dreg:$0xa]  }
0x28: {  	s18 =	rddreg [dreg:$0xc];
	s23 =	sshrl.u32 s15, $0x3  }
0x29: {  	[spmem:s23], [sflag:s9] =	dma.local [hbm:s18], $0x2700  }
0x2a: {  	s15 =	rddreg [dreg:$0xd]  }
0x2b: {  	s22 =	sshrl.u32 @!p0 s15, $0x3;
	s15 =	rddreg [dreg:$0xe]  }
0x2c: {  	[spmem:s22], [sflag:s9] =	dma.local @!p0 [hbm:s15], $0x100  }
0x2d: {  	s15 =	rddreg [dreg:$0xf]  }
0x2e: {  	[tilespmem:s2], [sflag:$0x1] =	stream.linear.gather [hbm4b:s15+s2], $0x60, $0x38;
	[tilespmem:$0x1FE80] =	vst v63  }
0x2f: {  	s19 =	rddreg [dreg:$0x10]  }
0x30: {  	[tilespmem:s26], [sflag:$0x1] =	stream.linear.gather [hbm4b:s19+s2], $0x60, $0x38;
	[tilespmem:$0x1FE80] =	vst v63  }
0x31: {  	s20 =	rddreg [dreg:$0x11]  }
0x32: {  	[tilespmem:s28], [sflag:$0x1] =	stream.linear.gather [hbm4b:s20+s2], $0x60, $0x38;
	[tilespmem:$0x1FE80] =	vst v63  }
0x33: {  	s24 =	rddreg [dreg:$0x12]  }
0x34: {  	[tilespmem:s29], [sflag:$0x1] =	stream.linear.gather [hbm4b:s24+s2], $0x60, $0x38;
	[tilespmem:$0x1FE80] =	vst v63  }
0x35: {  	_ =	swait.ge [sflag:s30], $0x60  }
0x36: {  	[sflag:s30] =	ssyncset.done $0x0  }
0x37: {  	[sflag:s30] =	ssyncadd.s32 $0xFFFFFFA0  }
0x38: {  	_ =	swait.ge [sflag:s30], $0x60  }
0x39: {  	[sflag:s30] =	ssyncset.done $0x0  }
0x3a: {  	[sflag:s30] =	ssyncadd.s32 $0xFFFFFFA0  }
0x3b: {  	_ =	swait.ge [sflag:s30], $0x60  }
0x3c: {  	[sflag:s30] =	ssyncset.done $0x0  }
0x3d: {  	[sflag:s30] =	ssyncadd.s32 $0xFFFFFFA0  }
0x3e: {  	_ =	swait.ge [sflag:s30], $0x60  }
0x3f: {  	[sflag:s30] =	ssyncset.done $0x0  }
0x40: {  	[sflag:s30] =	ssyncadd.s32 $0xFFFFFFA0  }
0x41: {  	[tilespmem:s0], [sflag:$0x2] =	stream.indirect.gather [hbm4b:s3+s31], $0x80, s2, s31, $0xb8;
	[tilespmem:$0x1FE80] =	vst v63  }
0x42: {  	_ = 	snop  }
0x43: {  	[tilespmem:s6], [sflag:$0x2] =	stream.indirect.gather [hbm4b:s3+s31], $0x80, s28, s31, $0xb8;
	[tilespmem:$0x1FE80] =	vst v63  }
0x44: {  	_ =	swait.ge [sflag:s8], $0x3000  }
0x45: {  	[sflag:s8] =	ssyncset.done $0x0  }
0x46: {  	[sflag:s8] =	ssyncadd.s32 $0xFFFFD000  }
0x47: {  	_ =	swait.ge [sflag:s8], $0x3000  }
0x48: {  	[sflag:s8] =	ssyncset.done $0x0  }
0x49: {  	s17 =	rddreg [dreg:$0x13];
	[sflag:s8] =	ssyncadd.s32 $0xFFFFD000  }
0x4a: {  	[tilespmem:s10], [sflag:$0x1] =	stream.linear.gather [hbm4b:s17+s2], $0x60, $0x38;
	[tilespmem:$0x1FE80] =	vst v63  }
0x4b: {  	s18 =	rddreg [dreg:$0x14]  }
0x4c: {  	[tilespmem:s11], [sflag:$0x1] =	stream.linear.gather [hbm4b:s18+s2], $0x60, $0x38;
	[tilespmem:$0x1FE80] =	vst v63  }
0x4d: {  	s19 =	rddreg [dreg:$0x16]  }
0x4e: {  	[tilespmem:s12], [sflag:$0x1] =	stream.linear.gather [hbm4b:s19+s2], $0x60, $0x38;
	[tilespmem:$0x1FE80] =	vst v63  }
0x4f: {  	s20 =	rddreg [dreg:$0x17]  }
0x50: {  	[tilespmem:s13], [sflag:$0x1] =	stream.linear.gather [hbm4b:s20+s2], $0x60, $0x38;
	[tilespmem:$0x1FE80] =	vst v63  }
0x51: {  	_ =	swait.ge [sflag:s30], $0x60  }
0x52: {  	[sflag:s30] =	ssyncset.done $0x0  }
0x53: {  	[sflag:s30] =	ssyncadd.s32 $0xFFFFFFA0  }
0x54: {  	_ =	swait.ge [sflag:s30], $0x60  }
0x55: {  	[sflag:s30] =	ssyncset.done $0x0  }
0x56: {  	[sflag:s30] =	ssyncadd.s32 $0xFFFFFFA0  }
0x57: {  	_ =	swait.ge [sflag:s30], $0x60  }
0x58: {  	[sflag:s30] =	ssyncset.done $0x0  }
0x59: {  	[sflag:s30] =	ssyncadd.s32 $0xFFFFFFA0  }
0x5a: {  	_ =	swait.ge [sflag:s30], $0x60  }
0x5b: {  	[sflag:s30] =	ssyncset.done $0x0  }
0x5c: {  	[sflag:s30] =	ssyncadd.s32 $0xFFFFFFA0  }
0x5d: {  	[tilespmem:s14], [sflag:$0x2] =	stream.indirect.gather [hbm4b:s3+s31], $0x80, s10, s31, $0xb8;
	[tilespmem:$0x1FE80] =	vst v63  }
0x5e: {  	_ = 	snop  }
0x5f: {  	[tilespmem:s7], [sflag:$0x2] =	stream.indirect.gather [hbm4b:s3+s31], $0x80, s12, s31, $0xb8;
	[tilespmem:$0x1FE80] =	vst v63  }
0x60: {  	_ =	swait.ge [sflag:s8], $0x3000  }
0x61: {  	[sflag:s8] =	ssyncset.done $0x0  }
0x62: {  	[sflag:s8] =	ssyncadd.s32 $0xFFFFD000  }
0x63: {  	_ =	swait.ge [sflag:s8], $0x3000  }
0x64: {  	[sflag:s8] =	ssyncset.done $0x0  }
0x65: {  	s24 =	simm.s32 $0x4;
	[sflag:s8] =	ssyncadd.s32 $0xFFFFD000  }
0x66: {  	_ =	swait.ge [sflag:s24], $0x2700  }
0x67: {  	[sflag:s24] =	ssyncset.done $0x0  }
0x68: {  	s17 =	simm.s32 @!p0 $0x4;
	[sflag:s24] =	ssyncadd.s32 $0xFFFFD900  }
0x69: {  	_ =	swait.ge @!p0 [sflag:s17], $0x100  }
0x6a: {  	[sflag:s17] =	ssyncset.done @!p0 $0x0  }
0x6b: {  	[sflag:s17] =	ssyncadd.s32 @!p0 $0xFFFFFF00  }
0x6c: {  	[bflag:$0x0] =	sbarrier.arrive $0xFFFF  }
0x6d: {  	[spmem:s1] =	stream.indirect.scatter.add.f32 [tilespmem:s0], [sflag:$0x3], $0x80, s26, s31, $0xb8;
	[tilespmem:$0x1FE80] =	vst v63  }
0x6e: {  	_ = 	snop  }
0x6f: {  	[spmem:s1] =	stream.indirect.scatter.add.f32 [tilespmem:s6], [sflag:$0x3], $0x80, s29, s31, $0xb8;
	[tilespmem:$0x1FE80] =	vst v63  }
0x70: {  	_ = 	snop  }
0x71: {  	[spmem:s1] =	stream.indirect.scatter.add.f32 [tilespmem:s14], [sflag:$0x3], $0x80, s11, s31, $0xb8;
	[tilespmem:$0x1FE80] =	vst v63  }
0x72: {  	_ = 	snop  }
0x73: {  	[spmem:s1] =	stream.indirect.scatter.add.f32 [tilespmem:s7], [sflag:$0x3], $0x80, s13, s31, $0xb8;
	[tilespmem:$0x1FE80] =	vst v63  }
0x74: {  	_ =	swait.ge [sflag:s16], $0x3000  }
0x75: {  	[sflag:s16] =	ssyncset.done $0x0  }
0x76: {  	[sflag:s16] =	ssyncadd.s32 $0xFFFFD000  }
0x77: {  	_ =	swait.ge [sflag:s16], $0x3000  }
0x78: {  	s15 =	sshrl.u32 s25, $0x3;
	[sflag:s16] =	ssyncset.done $0x0  }
0x79: {  	s18 =	sadd.s32 s4, s15;
	[sflag:s16] =	ssyncadd.s32 $0xFFFFD000  }
0x7a: {  	[tilespmem:s2], [sflag:$0x1] =	stream.linear.gather [hbm4b:s18+s2], $0x60, $0x38;
	[tilespmem:$0x1FE80] =	vst v63  }
0x7b: {  	s17 =	sadd.s32 s5, s15;
	s19 =	rddreg [dreg:$0x9]  }
0x7c: {  	[tilespmem:s26], [sflag:$0x1] =	stream.linear.gather [hbm4b:s17+s2], $0x60, $0x38;
	[tilespmem:$0x1FE80] =	vst v63  }
0x7d: {  	s20 =	rddreg [dreg:$0x8];
	s18 =	sadd.s32 $0x0, s19  }
0x7e: {  	[tilespmem:s28], [sflag:$0x1] =	stream.linear.gather [hbm4b:s18+s2], $0x60, $0x38;
	[tilespmem:$0x1FE80] =	vst v63  }
0x7f: {  	s17 =	sadd.s32 $0x0, s20  }
0x80: {  	[tilespmem:s29], [sflag:$0x1] =	stream.linear.gather [hbm4b:s17+s2], $0x60, $0x38;
	[tilespmem:$0x1FE80] =	vst v63  }
0x81: {  	_ =	swait.ge [sflag:s30], $0x60  }
0x82: {  	[sflag:s30] =	ssyncset.done $0x0  }
0x83: {  	[sflag:s30] =	ssyncadd.s32 $0xFFFFFFA0  }
0x84: {  	_ =	swait.ge [sflag:s30], $0x60  }
0x85: {  	[sflag:s30] =	ssyncset.done $0x0  }
0x86: {  	[sflag:s30] =	ssyncadd.s32 $0xFFFFFFA0  }
0x87: {  	_ =	swait.ge [sflag:s30], $0x60  }
0x88: {  	[sflag:s30] =	ssyncset.done $0x0  }
0x89: {  	[sflag:s30] =	ssyncadd.s32 $0xFFFFFFA0  }
0x8a: {  	_ =	swait.ge [sflag:s30], $0x60  }
0x8b: {  	[sflag:s30] =	ssyncset.done $0x0  }
0x8c: {  	[sflag:s30] =	ssyncadd.s32 $0xFFFFFFA0  }
0x8d: {  	[tilespmem:s0], [sflag:$0x2] =	stream.indirect.gather [hbm4b:s3+s31], $0x80, s2, s31, $0xb8;
	[tilespmem:$0x1FE80] =	vst v63  }
0x8e: {  	_ = 	snop  }
0x8f: {  	[tilespmem:s6], [sflag:$0x2] =	stream.indirect.gather [hbm4b:s3+s31], $0x80, s28, s31, $0xb8;
	[tilespmem:$0x1FE80] =	vst v63  }
0x90: {  	_ =	swait.ge [sflag:s8], $0x3000  }
0x91: {  	[sflag:s8] =	ssyncset.done $0x0  }
0x92: {  	[sflag:s8] =	ssyncadd.s32 $0xFFFFD000  }
0x93: {  	_ =	swait.ge [sflag:s8], $0x3000  }
0x94: {  	[sflag:s8] =	ssyncset.done $0x0  }
0x95: {  	[sflag:s8] =	ssyncadd.s32 $0xFFFFD000  }
0x96: {  	[spmem:s1] =	stream.indirect.scatter.add.f32 [tilespmem:s0], [sflag:$0x3], $0x80, s26, s31, $0xb8;
	[tilespmem:$0x1FE80] =	vst v63  }
0x97: {  	_ = 	snop  }
0x98: {  	[spmem:s1] =	stream.indirect.scatter.add.f32 [tilespmem:s6], [sflag:$0x3], $0x80, s29, s31, $0xb8;
	[tilespmem:$0x1FE80] =	vst v63  }
0x99: {  	_ =	swait.ge [sflag:s16], $0x3000  }
0x9a: {  	[sflag:s16] =	ssyncset.done $0x0  }
0x9b: {  	[sflag:s16] =	ssyncadd.s32 $0xFFFFD000  }
0x9c: {  	_ =	swait.ge [sflag:s16], $0x3000  }
0x9d: {  	s24 =	rddreg [dreg:$0x5];
	[sflag:s16] =	ssyncset.done $0x0  }
0x9e: {  	s15 =	rddreg [dreg:$0x4];
	[sflag:s16] =	ssyncadd.s32 $0xFFFFD000;
	s17 =	sadd.s32 $0x0, s24  }
0x9f: {  	[tilespmem:s10], [sflag:$0x1] =	stream.linear.gather [hbm4b:s17+s2], $0x60, $0x38;
	[tilespmem:$0x1FE80] =	vst v63  }
0xa0: {  	s19 =	rddreg [dreg:$0x7];
	s18 =	sadd.s32 $0x0, s15  }
0xa1: {  	[tilespmem:s11], [sflag:$0x1] =	stream.linear.gather [hbm4b:s18+s2], $0x60, $0x38;
	[tilespmem:$0x1FE80] =	vst v63  }
0xa2: {  	s20 =	rddreg [dreg:$0x6];
	s17 =	sadd.s32 $0x0, s19  }
0xa3: {  	[tilespmem:s12], [sflag:$0x1] =	stream.linear.gather [hbm4b:s17+s2], $0x60, $0x38;
	[tilespmem:$0x1FE80] =	vst v63  }
0xa4: {  	s24 =	sadd.s32 $0x0, s20  }
0xa5: {  	[tilespmem:s13], [sflag:$0x1] =	stream.linear.gather [hbm4b:s24+s2], $0x60, $0x38;
	[tilespmem:$0x1FE80] =	vst v63  }
0xa6: {  	_ =	swait.ge [sflag:s30], $0x60  }
0xa7: {  	[sflag:s30] =	ssyncset.done $0x0  }
0xa8: {  	[sflag:s30] =	ssyncadd.s32 $0xFFFFFFA0  }
0xa9: {  	_ =	swait.ge [sflag:s30], $0x60  }
0xaa: {  	[sflag:s30] =	ssyncset.done $0x0  }
0xab: {  	[sflag:s30] =	ssyncadd.s32 $0xFFFFFFA0  }
0xac: {  	_ =	swait.ge [sflag:s30], $0x60  }
0xad: {  	[sflag:s30] =	ssyncset.done $0x0  }
0xae: {  	[sflag:s30] =	ssyncadd.s32 $0xFFFFFFA0  }
0xaf: {  	_ =	swait.ge [sflag:s30], $0x60  }
0xb0: {  	[sflag:s30] =	ssyncset.done $0x0  }
0xb1: {  	[sflag:s30] =	ssyncadd.s32 $0xFFFFFFA0  }
0xb2: {  	[tilespmem:s14], [sflag:$0x2] =	stream.indirect.gather [hbm4b:s3+s31], $0x80, s10, s31, $0xb8;
	[tilespmem:$0x1FE80] =	vst v63  }
0xb3: {  	_ = 	snop  }
0xb4: {  	[tilespmem:s7], [sflag:$0x2] =	stream.indirect.gather [hbm4b:s3+s31], $0x80, s12, s31, $0xb8;
	[tilespmem:$0x1FE80] =	vst v63  }
0xb5: {  	_ =	swait.ge [sflag:s8], $0x3000  }
0xb6: {  	[sflag:s8] =	ssyncset.done $0x0  }
0xb7: {  	[sflag:s8] =	ssyncadd.s32 $0xFFFFD000  }
0xb8: {  	_ =	swait.ge [sflag:s8], $0x3000  }
0xb9: {  	[sflag:s8] =	ssyncset.done $0x0  }
0xba: {  	s17 =	sadd.s32 $0x180, s25;
	s24 =	simm.s32 $0x30;
	[sflag:s8] =	ssyncadd.s32 $0xFFFFD000  }
0xbb: {  	[spmem:s1] =	stream.indirect.scatter.add.f32 [tilespmem:s14], [sflag:$0x3], $0x80, s11, s31, $0xb8;
	[tilespmem:$0x1FE80] =	vst v63  }
.LBB2_2:
0xbc: {  	[spmem:s1] =	stream.indirect.scatter.add.f32 [tilespmem:s7], [sflag:$0x3], $0x80, s13, s31, $0xb8;
	[tilespmem:$0x1FE80] =	vst v63  }
0xbd: {  	_ =	swait.ge [sflag:s16], $0x3000  }
0xbe: {  	[sflag:s16] =	ssyncset.done $0x0  }
0xbf: {  	[sflag:s16] =	ssyncadd.s32 $0xFFFFD000  }
0xc0: {  	_ =	swait.ge [sflag:s16], $0x3000  }
0xc1: {  	s19 =	sshrl.u32 s17, $0x3;
	[sflag:s16] =	ssyncset.done $0x0  }
0xc2: {  	s15 =	sadd.s32 s4, s19;
	[sflag:s16] =	ssyncadd.s32 $0xFFFFD000  }
0xc3: {  	[tilespmem:s2], [sflag:$0x1] =	stream.linear.gather [hbm4b:s15+s2], $0x60, $0x38;
	[tilespmem:$0x1FE80] =	vst v63  }
0xc4: {  	s18 =	smov.u32 s24;
	s20 =	rddreg [dreg:$0x9];
	s15 =	sadd.s32 s5, s19  }
0xc5: {  	[tilespmem:s26], [sflag:$0x1] =	stream.linear.gather [hbm4b:s15+s2], $0x60, $0x38;
	[tilespmem:$0x1FE80] =	vst v63  }
0xc6: {  	s20 =	sadd.s32 s18, s20;
	s19 =	rddreg [dreg:$0x8]  }
0xc7: {  	[tilespmem:s28], [sflag:$0x1] =	stream.linear.gather [hbm4b:s20+s2], $0x60, $0x38;
	[tilespmem:$0x1FE80] =	vst v63  }
0xc8: {  	s19 =	sadd.s32 s18, s19  }
0xc9: {  	[tilespmem:s29], [sflag:$0x1] =	stream.linear.gather [hbm4b:s19+s2], $0x60, $0x38;
	[tilespmem:$0x1FE80] =	vst v63  }
0xca: {  	_ =	swait.ge [sflag:s30], $0x60  }
0xcb: {  	[sflag:s30] =	ssyncset.done $0x0  }
0xcc: {  	[sflag:s30] =	ssyncadd.s32 $0xFFFFFFA0  }
0xcd: {  	_ =	swait.ge [sflag:s30], $0x60  }
0xce: {  	[sflag:s30] =	ssyncset.done $0x0  }
0xcf: {  	[sflag:s30] =	ssyncadd.s32 $0xFFFFFFA0  }
0xd0: {  	_ =	swait.ge [sflag:s30], $0x60  }
0xd1: {  	[sflag:s30] =	ssyncset.done $0x0  }
0xd2: {  	[sflag:s30] =	ssyncadd.s32 $0xFFFFFFA0  }
0xd3: {  	_ =	swait.ge [sflag:s30], $0x60  }
0xd4: {  	[sflag:s30] =	ssyncset.done $0x0  }
0xd5: {  	[sflag:s30] =	ssyncadd.s32 $0xFFFFFFA0  }
0xd6: {  	[tilespmem:s0], [sflag:$0x2] =	stream.indirect.gather [hbm4b:s3+s31], $0x80, s2, s31, $0xb8;
	[tilespmem:$0x1FE80] =	vst v63  }
0xd7: {  	_ = 	snop  }
0xd8: {  	[tilespmem:s6], [sflag:$0x2] =	stream.indirect.gather [hbm4b:s3+s31], $0x80, s28, s31, $0xb8;
	[tilespmem:$0x1FE80] =	vst v63  }
0xd9: {  	_ =	swait.ge [sflag:s8], $0x3000  }
0xda: {  	[sflag:s8] =	ssyncset.done $0x0  }
0xdb: {  	[sflag:s8] =	ssyncadd.s32 $0xFFFFD000  }
0xdc: {  	_ =	swait.ge [sflag:s8], $0x3000  }
0xdd: {  	[sflag:s8] =	ssyncset.done $0x0  }
0xde: {  	[sflag:s8] =	ssyncadd.s32 $0xFFFFD000  }
0xdf: {  	[spmem:s1] =	stream.indirect.scatter.add.f32 [tilespmem:s0], [sflag:$0x3], $0x80, s26, s31, $0xb8;
	[tilespmem:$0x1FE80] =	vst v63  }
0xe0: {  	_ = 	snop  }
0xe1: {  	[spmem:s1] =	stream.indirect.scatter.add.f32 [tilespmem:s6], [sflag:$0x3], $0x80, s29, s31, $0xb8;
	[tilespmem:$0x1FE80] =	vst v63  }
0xe2: {  	_ =	swait.ge [sflag:s16], $0x3000  }
0xe3: {  	[sflag:s16] =	ssyncset.done $0x0  }
0xe4: {  	[sflag:s16] =	ssyncadd.s32 $0xFFFFD000  }
0xe5: {  	_ =	swait.ge [sflag:s16], $0x3000  }
0xe6: {  	s20 =	rddreg [dreg:$0x5];
	[sflag:s16] =	ssyncset.done $0x0  }
0xe7: {  	s19 =	rddreg [dreg:$0x4];
	[sflag:s16] =	ssyncadd.s32 $0xFFFFD000;
	s15 =	sadd.s32 s18, s20  }
0xe8: {  	[tilespmem:s10], [sflag:$0x1] =	stream.linear.gather [hbm4b:s15+s2], $0x60, $0x38;
	[tilespmem:$0x1FE80] =	vst v63  }
0xe9: {  	s20 =	rddreg [dreg:$0x7];
	s15 =	sadd.s32 s18, s19  }
0xea: {  	[tilespmem:s11], [sflag:$0x1] =	stream.linear.gather [hbm4b:s15+s2], $0x60, $0x38;
	[tilespmem:$0x1FE80] =	vst v63  }
0xeb: {  	s19 =	rddreg [dreg:$0x6];
	s20 =	sadd.s32 s18, s20  }
0xec: {  	[tilespmem:s12], [sflag:$0x1] =	stream.linear.gather [hbm4b:s20+s2], $0x60, $0x38;
	[tilespmem:$0x1FE80] =	vst v63  }
0xed: {  	s20 =	sadd.s32 s18, s19  }
0xee: {  	[tilespmem:s13], [sflag:$0x1] =	stream.linear.gather [hbm4b:s20+s2], $0x60, $0x38;
	[tilespmem:$0x1FE80] =	vst v63  }
0xef: {  	_ =	swait.ge [sflag:s30], $0x60  }
0xf0: {  	[sflag:s30] =	ssyncset.done $0x0  }
0xf1: {  	[sflag:s30] =	ssyncadd.s32 $0xFFFFFFA0  }
0xf2: {  	_ =	swait.ge [sflag:s30], $0x60  }
0xf3: {  	[sflag:s30] =	ssyncset.done $0x0  }
0xf4: {  	[sflag:s30] =	ssyncadd.s32 $0xFFFFFFA0  }
0xf5: {  	_ =	swait.ge [sflag:s30], $0x60  }
0xf6: {  	[sflag:s30] =	ssyncset.done $0x0  }
0xf7: {  	[sflag:s30] =	ssyncadd.s32 $0xFFFFFFA0  }
0xf8: {  	_ =	swait.ge [sflag:s30], $0x60  }
0xf9: {  	[sflag:s30] =	ssyncset.done $0x0  }
0xfa: {  	[sflag:s30] =	ssyncadd.s32 $0xFFFFFFA0  }
0xfb: {  	[tilespmem:s14], [sflag:$0x2] =	stream.indirect.gather [hbm4b:s3+s31], $0x80, s10, s31, $0xb8;
	[tilespmem:$0x1FE80] =	vst v63  }
0xfc: {  	_ = 	snop  }
0xfd: {  	[tilespmem:s7], [sflag:$0x2] =	stream.indirect.gather [hbm4b:s3+s31], $0x80, s12, s31, $0xb8;
	[tilespmem:$0x1FE80] =	vst v63  }
0xfe: {  	_ =	swait.ge [sflag:s8], $0x3000  }
0xff: {  	p1 =	sne.s32 s24, $0x480;
	[sflag:s8] =	ssyncset.done $0x0  }
.Ltmp0:
0x100: {  	[sflag:s8] =	ssyncadd.s32 $0xFFFFD000;
	(pc) =	sbr.rel @p1 .LBB2_2-.Ltmp0, $4  }
0x101: {  	_ =	swait.ge [sflag:s8], $0x3000  }
0x102: {  	[sflag:s8] =	ssyncset.done $0x0  }
0x103: {  	s24 =	sadd.s32 $0x30, s24;
	s17 =	sadd.s32 $0x180, s17;
	[sflag:s8] =	ssyncadd.s32 $0xFFFFD000  }
0x104: {  	[spmem:s1] =	stream.indirect.scatter.add.f32 [tilespmem:s14], [sflag:$0x3], $0x80, s11, s31, $0xb8;
	[tilespmem:$0x1FE80] =	vst v63  }
0x105: {  	[spmem:s1] =	stream.indirect.scatter.add.f32 [tilespmem:s7], [sflag:$0x3], $0x80, s13, s31, $0xb8;
	[tilespmem:$0x1FE80] =	vst v63  }
0x106: {  	_ =	swait.ge [sflag:s16], $0x3000  }
0x107: {  	[sflag:s16] =	ssyncset.done $0x0  }
0x108: {  	[sflag:s16] =	ssyncadd.s32 $0xFFFFD000  }
0x109: {  	_ =	swait.ge [sflag:s16], $0x3000  }
0x10a: {  	[sflag:s16] =	ssyncset.done $0x0  }
0x10b: {  	[sflag:s16] =	ssyncadd.s32 $0xFFFFD000  }
0x10c: {  	_ =	swait.ge [sflag:s16], $0x3000  }
0x10d: {  	[sflag:s16] =	ssyncset.done $0x0  }
0x10e: {  	[sflag:s16] =	ssyncadd.s32 $0xFFFFD000  }
0x10f: {  	_ =	swait.ge [sflag:s16], $0x3000  }
0x110: {  	[sflag:s16] =	ssyncset.done $0x0  }
0x111: {  	s17 =	simm.s32 $0x400;
	s15 =	rddreg [dreg:$0x18];
	[sflag:s16] =	ssyncadd.s32 $0xFFFFD000  }
0x112: {  	[tilespmem:s17], [sflag:$0x1] =	stream.linear.gather [hbm4b:s15+s2], $0x10, $0x38;
	[tilespmem:$0x1FE80] =	vst v63  }
0x113: {  	s18 =	simm.s32 $0x480;
	s20 =	rddreg [dreg:$0x19]  }
0x114: {  	[tilespmem:s18], [sflag:$0x1] =	stream.linear.gather [hbm4b:s20+s2], $0x10, $0x38;
	[tilespmem:$0x1FE80] =	vst v63  }
0x115: {  	_ =	swait.ge [sflag:s30], $0x10  }
0x116: {  	[sflag:s30] =	ssyncset.done $0x0  }
0x117: {  	[sflag:s30] =	ssyncadd.s32 $0xFFFFFFF0  }
0x118: {  	_ =	swait.ge [sflag:s30], $0x10  }
0x119: {  	[sflag:s30] =	ssyncset.done $0x0  }
0x11a: {  	s24 =	simm.s32 $0x10;
	[sflag:s30] =	ssyncadd.s32 $0xFFFFFFF0  }
0x11b: {  	[tilespmem:s0], [sflag:$0x2] =	stream.indirect.gather [hbm4b:s3+s24], $0x80, s17, s24, $0xb8;
	[tilespmem:$0x1FE80] =	vst v63  }
0x11c: {  	_ =	swait.ge [sflag:s8], $0x800  }
0x11d: {  	[sflag:s8] =	ssyncset.done $0x0  }
0x11e: {  	[sflag:s8] =	ssyncadd.s32 $0xFFFFF800  }
0x11f: {  	[spmem:s1] =	stream.indirect.scatter.add.f32 [tilespmem:s0], [sflag:$0x3], $0x80, s18, s24, $0xb8;
	[tilespmem:$0x1FE80] =	vst v63  }
0x120: {  	_ =	swait.ge [sflag:s16], $0x800  }
0x121: {  	[sflag:s16] =	ssyncset.done $0x0  }
0x122: {  	[sflag:s16] =	ssyncadd.s32 $0xFFFFF800  }
0x123: {  	[bflag:$0x0] =	sbarrier.arrive $0xFFFF  }
0x124: {  	s19 =	rddreg [dreg:$0xb]  }
0x125: {  	s20 =	rddreg [dreg:$0x15];
	s15 =	sor.u32 $0x1C05, s19  }
0x126: {  	[hbm:s20], [sflag:s15] =	dma.local [spmem:s23], $0x2700  }
0x127: {  	s23 =	simm.s32 $0x5  }
0x128: {  	_ =	swait.ge [sflag:s23], $0x2700  }
0x129: {  	[sflag:s23] =	ssyncset.done $0x0  }
0x12a: {  	s17 =	rddreg [dreg:$0x1a];
	[sflag:s23] =	ssyncadd.s32 $0xFFFFD900  }
0x12b: {  	[hbm:s17], [sflag:s15] =	dma.local @!p0 [spmem:s22], $0x100  }
0x12c: {  	s15 =	simm.s32 @!p0 $0x5  }
0x12d: {  	_ =	swait.ge @!p0 [sflag:s15], $0x100  }
0x12e: {  	s21 =	sadd.s32 $0x1, s21;
	s24 =	rddreg [dreg:$0x1b]  }
0x12f: {  	p1 =	sne.s32 s21, s24  }
.Ltmp1:
0x130: {  	_ = 	snop;
	(pc) =	sbr.rel @p1 .LBB2_1-.Ltmp1, $3  }
0x131: {  	_ =	sdelay $0x1  }
0x132: {  	[sflag:s15] =	ssyncset.done @!p0 $0x0  }
0x133: {  	[sflag:s15] =	ssyncadd.s32 @!p0 $0xFFFFFF00  }
0x134: {  	_ =	sfence.sel $0x180000  }
0x135: {  	[bflag:$0x0] =	sbarrier.arrive $0xFFFF  }
0x136: {  	_ =	strace $0x9000004D  }
0x137: {  	[bflag:$0x2] =	sbarrier.arrive $0xFFFF  }
0x138: {  	s0 =	rddreg [dreg:$0x3]  }
0x139: {  	s0 =	sadd.s32 @!p0 $0x100000, s0  }
0x13a: {  	[sflag:s0] =	ssyncadd.tile.s32 @!p0 $0x1;
	_ =	shalt  }
.Lfunc_end2:
_tile_overlayer_lowered:
.L_overlay_start_2:
0x13b: {  	(tag) =	ssettag $0x2  }
0x13c: {  	s0 =	rddreg [dreg:$0x0];
	s2 =	stileid.u32  }
0x13d: {  	s1 =	rddreg [dreg:$0x1];
	p0 =	sne.s32 s2, $0x0  }
0x13e: {  	s3 =	rddreg [dreg:$0x2];
	[bflag:$0x3] =	sbarrier.arrive $0xFFFF;
	s2 =	simm.s32 @!p0 $0x1C05  }
0x13f: {  	[timem:s3], [sflag:s2] =	dma.local @!p0 [hbm:s0], s1  }
0x140: {  	s0 =	simm.s32 @!p0 $0x5  }
0x141: {  	_ =	swait.ge @!p0 [sflag:s0], s1  }
0x142: {  	s1 =	ssub.s32 @!p0 $0x0, s1;
	[sflag:s0] =	ssyncset.done @!p0 $0x0  }
0x143: {  	[sflag:s0] =	ssyncadd.s32 @!p0 s1  }
0x144: {  	[bflag:$0x3] =	sbarrier.arrive $0xFFFF  }
0x145: {  	_ =	shalt  }

// kernel: kernel.9.cloned.1.call-start
scs
__scs_entry_jumppad:
0x0: {  	(pc) =	sbr.rel $0x88, $3  }
0x1: {  	(tag) =	ssettag $0x0;
	lr =	simm.s32 $0x1  }
0x2: {  	[smem:$0x3F99] =	sst lr;
	_ =	strace $0xD0000000  }
0x3: {  	_ = 	snop  }
0x4: {  	_ = 	snop  }
0x5: {  	_ = 	snop  }
0x6: {  	_ = 	snop  }
0x7: {  	_ = 	snop  }
__scs_overlays_trampoline_lowered:
0x8: {  	[smem:$0x3FA8] =	sst s0  }
0x9: {  	[smem:$0x3FA9] =	sst s1  }
0xa: {  	[smem:$0x3FAA] =	sst s2  }
0xb: {  	[smem:$0x3FAB] =	sst s3  }
0xc: {  	[smem:$0x3FAC] =	sst s4  }
0xd: {  	[smem:$0x3FAD] =	sst s5  }
0xe: {  	[smem:$0x3FAE] =	sst s6  }
0xf: {  	[smem:$0x3FAF] =	sst s7  }
0x10: {  	[smem:$0x3FB0] =	sst s8  }
0x11: {  	[smem:$0x3FB1] =	sst s9;
	s0 =	simm.s32 @!p0 $0x0  }
0x12: {  	s1 =	sld [smem:$0x3F97];
	s0 =	simm.s32 @p0 $0x1  }
0x13: {  	[smem:$0x3FB2] =	sst s0;
	s0 =	simm.s32 @!p1 $0x0  }
0x14: {  	s2 =	sld [smem:$0x3F96];
	s0 =	simm.s32 @p1 $0x1  }
0x15: {  	[smem:$0x3FB3] =	sst s0;
	s0 =	simm.s32 @!p2 $0x0  }
0x16: {  	s3 =	sld [smem:$0x3FDB];
	s0 =	simm.s32 @p2 $0x1  }
0x17: {  	s4 =	simm.s32 $0x1BF5;
	[smem:$0x3FB5] =	sst s0  }
0x18: {  	s0 =	sld [smem:$0x3F98];
	_ =	swait.ge [sflag:s4], $0x0  }
0x19: {  	s7 =	sld [smem:$0x3F99]  }
0x1a: {  	s8 =	sadd.s32 $0xFFFFE003, lr  }
0x1b: {  	s9 =	sadd.s32 $0xFFFFFEF7, lr;
	s5 =	simm.s32 $0xFFFFFFFF;
	p2 =	slt.u32 s8, $0xFFFFF086  }
0x1c: {  	p1 =	slt.u32 s9, $0xF7A;
	s5 =	simm.s32 @!p2 $0x0  }
0x1d: {  	s5 =	simm.s32 @p1 $0x1;
	p0 =	seq.s32 s7, s2  }
0x1e: {  	s7 =	smul.u32 @!p0 $0xF7A, s2;
	p2 =	seq.s32 @!p0 s5, $0x0  }
0x1f: {  	s9 =	smul.u32 $0xF7A, s1;
	s8 =	simm.s32 @!p0 $0x1BF5;
	p2 =	por !p2, p0  }
0x20: {  	[sflag:s8] =	ssyncset.s32 @!p0 $0xFFFFF086;
	s6 =	sadd.s32 @!p0 s3, s7;
	s7 =	simm.s32 @!p0 $0x108  }
0x21: {  	s3 =	sadd.s32 s3, s9;
	s6 =	sadd.s32 @!p0 $0x88, s6;
	s7 =	simm.s32 @p2 $0x1082  }
0x22: {  	[simem:s7], [sflag:s8] =	dma.local @!p0 [hbm:s6], $0xF7A  }
0x23: {  	s9 =	sor.u32 $0xD0000000, s2;
	s6 =	simm.s32 $0x108;
	_ =	swait.ge @!p0 [sflag:s8], $0x0  }
0x24: {  	s3 =	sadd.s32 $0x88, s3;
	s6 =	simm.s32 @!p1 $0x1082;
	[sflag:s4] =	ssyncset.s32 $0xFFFFF086  }
0x25: {  	[simem:s6], [sflag:s4] =	dma.local [hbm:s3], $0xF7A  }
0x26: {  	[smem:$0x3F99] =	sst s1;
	(tag) =	ssettag s2;
	_ =	strace s9  }
0x27: {  	s1 =	sld [smem:$0x3FA9]  }
0x28: {  	s2 =	sld [smem:$0x3FAA]  }
0x29: {  	s4 =	sld [smem:$0x3FAC]  }
0x2a: {  	p0 =	seq.s32 s5, $0x0;
	s5 =	sld [smem:$0x3FAD]  }
0x2b: {  	s6 =	sld [smem:$0x3FAE]  }
0x2c: {  	s7 =	sld [smem:$0x3FAF]  }
0x2d: {  	s3 =	simm.s32 $0x108;
	s8 =	sld [smem:$0x3FB0]  }
0x2e: {  	s3 =	simm.s32 @!p0 $0x1082;
	s9 =	sld [smem:$0x3FB1]  }
0x2f: {  	lr =	sadd.s32 s0, s3;
	s0 =	sld [smem:$0x3FA8]  }
0x30: {  	s3 =	sld [smem:$0x3FAB]  }
0x31: {  	[smem:$0x3FB4] =	sst s10  }
0x32: {  	s10 =	sld [smem:$0x3FB2];
	_ =	sdelay $0x3  }
0x33: {  	p0 =	seq.s32 s10, $0x1;
	s10 =	sld [smem:$0x3FB4];
	_ =	sdelay $0x3  }
0x34: {  	[smem:$0x3FB4] =	sst s10  }
0x35: {  	s10 =	sld [smem:$0x3FB3];
	_ =	sdelay $0x3  }
0x36: {  	p1 =	seq.s32 s10, $0x1;
	s10 =	sld [smem:$0x3FB4];
	_ =	sdelay $0x3  }
0x37: {  	[smem:$0x3FB4] =	sst s10  }
0x38: {  	s10 =	sld [smem:$0x3FB5]  }
0x39: {  	_ = 	snop;
	(pc) =	sbr.ind lr, $3  }
0x3a: {  	_ = 	snop  }
0x3b: {  	_ = 	snop  }
0x3c: {  	p2 =	seq.s32 s10, $0x1;
	s10 =	sld [smem:$0x3FB4]  }
0x3d: {  	_ =	shalt  }
0x3e: {  	_ =	shalt  }
0x3f: {  	_ =	shalt  }
0x40: {  	_ =	shalt  }
0x41: {  	_ =	shalt  }
0x42: {  	_ =	shalt  }
0x43: {  	_ =	shalt  }
0x44: {  	_ =	shalt  }
0x45: {  	_ =	shalt  }
0x46: {  	_ =	shalt  }
0x47: {  	_ =	shalt  }
0x48: {  	_ =	shalt  }
0x49: {  	_ =	shalt  }
0x4a: {  	_ =	shalt  }
0x4b: {  	_ =	shalt  }
0x4c: {  	_ =	shalt  }
0x4d: {  	_ =	shalt  }
0x4e: {  	_ =	shalt  }
0x4f: {  	_ =	shalt  }
0x50: {  	_ =	shalt  }
0x51: {  	_ =	shalt  }
0x52: {  	_ =	shalt  }
0x53: {  	_ =	shalt  }
0x54: {  	_ =	shalt  }
0x55: {  	_ =	shalt  }
0x56: {  	_ =	shalt  }
0x57: {  	_ =	shalt  }
0x58: {  	_ =	shalt  }
0x59: {  	_ =	shalt  }
0x5a: {  	_ =	shalt  }
0x5b: {  	_ =	shalt  }
0x5c: {  	_ =	shalt  }
0x5d: {  	_ =	shalt  }
0x5e: {  	_ =	shalt  }
0x5f: {  	_ =	shalt  }
0x60: {  	_ =	shalt  }
0x61: {  	_ =	shalt  }
0x62: {  	_ =	shalt  }
0x63: {  	_ =	shalt  }
0x64: {  	_ =	shalt  }
0x65: {  	_ =	shalt  }
0x66: {  	_ =	shalt  }
0x67: {  	_ =	shalt  }
0x68: {  	_ =	shalt  }
0x69: {  	_ =	shalt  }
0x6a: {  	_ =	shalt  }
0x6b: {  	_ =	shalt  }
0x6c: {  	_ =	shalt  }
0x6d: {  	_ =	shalt  }
0x6e: {  	_ =	shalt  }
0x6f: {  	_ =	shalt  }
0x70: {  	_ =	shalt  }
0x71: {  	_ =	shalt  }
0x72: {  	_ =	shalt  }
0x73: {  	_ =	shalt  }
0x74: {  	_ =	shalt  }
0x75: {  	_ =	shalt  }
0x76: {  	_ =	shalt  }
0x77: {  	_ =	shalt  }
0x78: {  	_ =	shalt  }
0x79: {  	_ =	shalt  }
0x7a: {  	_ =	shalt  }
0x7b: {  	_ =	shalt  }
0x7c: {  	_ =	shalt  }
0x7d: {  	_ =	shalt  }
0x7e: {  	_ =	shalt  }
0x7f: {  	_ =	shalt  }
0x80: {  	_ =	shalt  }
0x81: {  	_ =	shalt  }
0x82: {  	_ =	shalt  }
0x83: {  	_ =	shalt  }
0x84: {  	_ =	shalt  }
0x85: {  	_ =	shalt  }
0x86: {  	_ =	shalt  }
0x87: {  	_ =	shalt  }
.Lfunc_end0:
.L_simem_size_0:
called_computation_lowered:
.L_overlay_start_0:
0x88: {  	s2 =	sld [smem:$0x3FD9]  }
0x89: {  	s3 =	sld [smem:$0x3FFE];
	_ =	sdelay $0x1  }
0x8a: {  	s1 =	srdreg.scid  }
0x8b: {  	s0 =	sand.u32 $0x1, s1  }
0x8c: {  	s17 =	sshll.u32 s0, $0xA;
	s2 =	sadd.s32 s3, s2  }
0x8d: {  	s2 =	sadd.s32 s2, s17  }
0x8e: {  	[smem:$0x3FC0] =	sst s2  }
0x8f: {  	_ = 	snop  }
0x90: {  	s2 =	sld [smem:$0x3FD0];
	(tm) =	ssettm $0x1  }
0x91: {  	s18 =	sld [smem:$0x3FFB];
	_ =	sdelay $0x3  }
0x92: {  	_ =	strace s18  }
0x93: {  	s3 =	sld [smem:$0x3FFC];
	_ =	sdelay $0x3  }
0x94: {  	_ =	strace s3  }
0x95: {  	s3 =	sld [smem:$0x3FFD];
	_ =	sdelay $0x3  }
0x96: {  	_ =	strace s3  }
0x97: {  	_ =	strace $0x8FFFFFFF  }
0x98: {  	s19 =	sld [smem:$0x3FDB];
	_ =	sdelay $0x1  }
0x99: {  	s4 =	simm.s32 $_scs_section_size  }
0x9a: {  	s5 =	simm.s32 $_size__tile_overlayer_lowered;
	s6 =	simm.s32 $_tile_overlayer_lowered  }
0x9b: {  	s22 =	simm.s32 $0x1BFF;
	s21 =	sshll.u32 s6, $0x1;
	s3 =	sadd.s32 s4, s19  }
0x9c: {  	s7 =	simm.s32 $0x0;
	s20 =	sshll.u32 s5, $0x1;
	s5 =	sadd.s32 s21, s3  }
0x9d: {  	[timem:s7], [sflag:s22] =	dma.local [hbm:s5], s20  }
0x9e: {  	_ =	swait.ge [sflag:s22], s20  }
0x9f: {  	s4 =	ssub.s32 $0x0, s20;
	[sflag:s22] =	ssyncset.done $0x0  }
0xa0: {  	[sflag:s22] =	ssyncadd.s32 s4;
	_ =	sdelay $0x1  }
0xa1: {  	s23 =	simm.s32 $0x1B8B  }
0xa2: {  	_ =	swait.ge [sflag:s23], $0x1  }
0xa3: {  	[sflag:s23] =	ssyncset.done $0x0  }
0xa4: {  	s25 =	simm.s32 $0x1B8E;
	s24 =	sld [smem:$0x3FFE];
	[sflag:s23] =	ssyncadd.s32 $0xFFFFFFFF  }
0xa5: {  	s26 =	simm.s32 $execute0_lowered;
	[smem:$0x3FD2] =	sst s25  }
0xa6: {  	s5 =	sshll.u32 s26, $0x1;
	_ =	strace $0x80000046;
	[dreg:$0x1] =	wrdreg $0xFFFFFFFF  }
0xa7: {  	s28 =	simm.s32 $_size_execute0_lowered;
	s3 =	sadd.s32 s3, s5;
	[dreg:$0x0] =	wrdreg $0x0  }
0xa8: {  	s5 =	sshll.u32 s28, $0x1;
	[dreg:$0x2] =	wrdreg s3  }
0xa9: {  	[dreg:$0x3] =	wrdreg s5  }
0xaa: {  	[dreg:$0x4] =	wrdreg $0xC0  }
0xab: {  	_ =	task [dreg:s7], $0x5FFFF  }
0xac: {  	[dreg:$0x1] =	wrdreg $0xFFFFFFFF  }
0xad: {  	[dreg:$0x0] =	wrdreg $0x60  }
0xae: {  	[dreg:$0x2] =	wrdreg s24  }
0xaf: {  	[dreg:$0x3] =	wrdreg s2  }
0xb0: {  	[dreg:$0x4] =	wrdreg $0x36000  }
0xb1: {  	[dreg:$0x5] =	wrdreg $0x9  }
0xb2: {  	_ =	task.clear_ibuf [dreg:s7], $0x6FFFF;
	_ =	strace $0x90000046  }
0xb3: {  	s29 =	simm.s32 $0x9;
	_ =	strace $0x80000048  }
0xb4: {  	_ =	swait.ge [sflag:s29], $0x1  }
0xb5: {  	[sflag:s29] =	ssyncadd.s32 $0xFFFFFFFF  }
0xb6: {  	_ =	strace $0x90000048  }
0xb7: {  	_ =	sfence  }
0xb8: {  	s30 =	sld [smem:$0x0];
	_ =	sdelay $0x2  }
0xb9: {  	s31 =	sshll.u32 s1, $0xD;
	s1 =	sshrl.u32 s1, $0x2  }
0xba: {  	s3 =	sand.u32 $0x4000, s31;
	s1 =	sadd.s32 s1, s30  }
0xbb: {  	s0 =	sor.u32 s3, s0;
	s1 =	sshll.u32 s1, $0x11  }
0xbc: {  	s0 =	sor.u32 s1, s0  }
0xbd: {  	s0 =	sadd.s32 $0x8F2B, s0  }
0xbe: {  	[sflag:s0] =	ssyncadd.remote.s32 $0x1  }
0xbf: {  	_ =	sfence.sel $0xFFFF  }
0xc0: {  	[dreg:$0x0] =	wrdreg $0xFFFFFFFF;
	(pc) =	sbr.abs _section_cstart, $3  }
0xc1: {  	[dreg:$0x1] =	wrdreg $0xFFFFFFFF  }
0xc2: {  	_ =	task.clear_ibuf [dreg:s7], $0x2FFFF;
	_ =	strace $0x9FFFFFFF  }
0xc3: {  	(tm) =	ssettm $0x7FFFFFFF  }
tec
execute0_lowered:
.L_overlay_start_1:
0x0: {  	(tag) =	ssettag $0x1  }
0x1: {  	s0 =	rddreg [dreg:$0x0]  }
0x2: {  	s4 =	rddreg [dreg:$0x1]  }
0x3: {  	s1 =	rddreg [dreg:$0x2];
	s2 =	simm.s32 $0x0;
	s11 =	srdreg.scid  }
0x4: {  	s6 =	stileid.u32;
	s28 =	simm.s32 $0x1;
	s29 =	simm.s32 $0x280  }
0x5: {  	s30 =	simm.s32 $0x380;
	s31 =	simm.s32 $0x3;
	[smem:$0x7FF] =	sst s2  }
0x6: {  	s3 =	sadd.s32 $0xD200, s0;
	s5 =	sadd.s32 $0x17000, s0;
	s0 =	sadd.s32 $0x17600, s0  }
0x7: {  	s8 =	sshll.u32 s6, $0x1;
	s9 =	smul.u32 $0x4E000, s6;
	s15 =	sshll.u32 s6, $0x6  }
0x8: {  	s17 =	sadd.s32 $0x138000, s1;
	_ =	strace $0x80000047;
	[dreg:$0x4] =	wrdreg s5  }
0x9: {  	s23 =	smul.u32 $0x4E20, s6;
	p0 =	sne.s32 s6, $0x0;
	[dreg:$0x6] =	wrdreg s15  }
0xa: {  	s5 =	sand.u32 $0x1, s11;
	s11 =	smul.u32 $0x13800, s6;
	[dreg:$0x8] =	wrdreg s17  }
0xb: {  	s7 =	ssub.s32 $0x2, s5;
	s8 =	sor.u32 s5, s8;
	s18 =	smul.u32 $0x138800, s5  }
0xc: {  	s13 =	sshrl.u32 s9, $0x2;
	s5 =	smul.u32 $0x2710, s5;
	s10 =	sshrl.u32 s7, $0x1  }
0xd: {  	s12 =	smul.u32 $0x2710, s8;
	s8 =	sadd.s32 s13, s1;
	s14 =	sshrl.u32 s11, $0x3  }
0xe: {  	s7 =	ssub.s32 s7, s10;
	[dreg:$0x5] =	wrdreg s8;
	s8 =	sadd.s32 s4, s14  }
0xf: {  	s4 =	sadd.s32 $0x27000, s4;
	s22 =	sadd.s32 s11, s18;
	s9 =	sshrl.u32 s18, $0x3  }
0x10: {  	s24 =	sadd.s32 s5, s23;
	s23 =	simm.s32 $0x600;
	[dreg:$0x7] =	wrdreg s8  }
0x11: {  	s8 =	sor.u32 $0x1C03, s15;
	s16 =	sshrl.u32 s12, $0x3;
	[dreg:$0x9] =	wrdreg s4  }
0x12: {  	s4 =	sshrl.u32 s22, $0x3;
	s18 =	smax.u32 s7, $0x1;
	s25 =	sadd.s32 $0x240, s24  }
0x13: {  	s5 =	sadd.s32 $0x2A0, s24;
	s26 =	sadd.s32 $0x1E0, s24;
	s22 =	sadd.s32 $0x180, s24  }
0x14: {  	s24 =	simm.s32 $0x4;
	s10 =	sadd.s32 s3, s16;
	s16 =	sadd.s32 s0, s4  }
0x15: {  	s0 =	sadd.s32 s0, s9;
	s4 =	sshrl.u32 s25, $0x3;
	s5 =	sshrl.u32 s5, $0x3  }
0x16: {  	s7 =	sshrl.u32 s26, $0x3;
	s25 =	simm.s32 $0x80;
	s19 =	sadd.s32 $0xC, s10  }
0x17: {  	s26 =	simm.s32 $0x180;
	s20 =	sadd.s32 $0x18, s10;
	[dreg:$0xa] =	wrdreg s19  }
0x18: {  	s21 =	sadd.s32 $0x24, s10;
	s15 =	sadd.s32 $0x4E0, s10;
	[dreg:$0xb] =	wrdreg s20  }
0x19: {  	s17 =	sadd.s32 $0x27000, s0;
	s0 =	simm.s32 $0x60;
	[dreg:$0xc] =	wrdreg s21  }
0x1a: {  	s19 =	sadd.s32 s4, s3;
	s20 =	sadd.s32 s5, s3;
	s21 =	sadd.s32 s7, s3  }
0x1b: {  	s4 =	simm.s32 $0x2;
	s5 =	simm.s32 $0x480;
	s7 =	simm.s32 $0x0  }
.LBB2_1:
0x1c: {  	s6 =	rddreg [dreg:$0x5]  }
0x1d: {  	s13 =	rddreg [dreg:$0x7];
	s11 =	sshrl.u32 s6, $0x3  }
0x1e: {  	[spmem:s11], [sflag:s8] =	dma.local [hbm:s13], $0x2700  }
0x1f: {  	s6 =	rddreg [dreg:$0x8]  }
0x20: {  	s9 =	sshrl.u32 @!p0 s6, $0x3;
	s6 =	rddreg [dreg:$0x9]  }
0x21: {  	[spmem:s9], [sflag:s8] =	dma.local @!p0 [hbm:s6], $0x100  }
0x22: {  	s6 =	rddreg [dreg:$0x4]  }
0x23: {  	[tilespmem:s23], [sflag:$0x4] =	stream.linear.gather [hbm4b:s6+s2], $0x3000, $0x38;
	[tilespmem:$0x16E80] =	vst v63  }
0x24: {  	_ =	swait.ge [sflag:s24], $0x3000  }
0x25: {  	[sflag:s24] =	ssyncset.done $0x0  }
0x26: {  	[sflag:s24] =	ssyncadd.s32 $0xFFFFD000  }
0x27: {  	[tilespmem:s25], [sflag:$0x1] =	stream.linear.gather [hbm4b:s10+s2], $0x60, $0x38;
	[tilespmem:$0x16E80] =	vst v63  }
0x28: {  	s14 =	rddreg [dreg:$0xa]  }
0x29: {  	[tilespmem:s26], [sflag:$0x1] =	stream.linear.gather [hbm4b:s14+s2], $0x60, $0x38;
	[tilespmem:$0x16E80] =	vst v63  }
0x2a: {  	_ =	swait.ge [sflag:s28], $0x60  }
0x2b: {  	[sflag:s28] =	ssyncset.done $0x0  }
0x2c: {  	[sflag:s28] =	ssyncadd.s32 $0xFFFFFFA0  }
0x2d: {  	_ =	swait.ge [sflag:s28], $0x60  }
0x2e: {  	[sflag:s28] =	ssyncset.done $0x0  }
0x2f: {  	s12 =	rddreg [dreg:$0xb];
	[sflag:s28] =	ssyncadd.s32 $0xFFFFFFA0  }
0x30: {  	[tilespmem:s29], [sflag:$0x1] =	stream.linear.gather [hbm4b:s12+s2], $0x60, $0x38;
	[tilespmem:$0x16E80] =	vst v63  }
0x31: {  	s13 =	rddreg [dreg:$0xc]  }
0x32: {  	[tilespmem:s30], [sflag:$0x1] =	stream.linear.gather [hbm4b:s13+s2], $0x60, $0x38;
	[tilespmem:$0x16E80] =	vst v63  }
0x33: {  	_ =	swait.ge [sflag:s28], $0x60  }
0x34: {  	[sflag:s28] =	ssyncset.done $0x0  }
0x35: {  	[sflag:s28] =	ssyncadd.s32 $0xFFFFFFA0  }
0x36: {  	_ =	swait.ge [sflag:s28], $0x60  }
0x37: {  	[sflag:s28] =	ssyncset.done $0x0  }
0x38: {  	[sflag:s28] =	ssyncadd.s32 $0xFFFFFFA0  }
0x39: {  	_ =	swait.ge [sflag:s31], $0x2700  }
0x3a: {  	[sflag:s31] =	ssyncset.done $0x0  }
0x3b: {  	s6 =	simm.s32 @!p0 $0x3;
	[sflag:s31] =	ssyncadd.s32 $0xFFFFD900  }
0x3c: {  	_ =	swait.ge @!p0 [sflag:s6], $0x100  }
0x3d: {  	[sflag:s6] =	ssyncset.done @!p0 $0x0  }
0x3e: {  	[sflag:s6] =	ssyncadd.s32 @!p0 $0xFFFFFF00  }
0x3f: {  	[bflag:$0x0] =	sbarrier.arrive $0xFFFF  }
0x40: {  	[spmem:s1] =	stream.indirect.scatter.add.f32 [tilespmem:s23], [sflag:$0x2], $0x80, s25, s0, $0xb8;
	[tilespmem:$0x16E80] =	vst v63  }
0x41: {  	_ = 	snop  }
0x42: {  	[spmem:s1] =	stream.indirect.scatter.add.f32 [tilespmem:s23], [sflag:$0x2], $0x80, s26, s0, $0xb8;
	[tilespmem:$0x16E80] =	vst v63  }
0x43: {  	_ = 	snop  }
0x44: {  	[spmem:s1] =	stream.indirect.scatter.add.f32 [tilespmem:s23], [sflag:$0x2], $0x80, s29, s0, $0xb8;
	[tilespmem:$0x16E80] =	vst v63  }
0x45: {  	_ = 	snop  }
0x46: {  	[spmem:s1] =	stream.indirect.scatter.add.f32 [tilespmem:s23], [sflag:$0x2], $0x80, s30, s0, $0xb8;
	[tilespmem:$0x16E80] =	vst v63  }
0x47: {  	_ =	swait.ge [sflag:s4], $0x3000  }
0x48: {  	[sflag:s4] =	ssyncset.done $0x0  }
0x49: {  	[sflag:s4] =	ssyncadd.s32 $0xFFFFD000  }
0x4a: {  	_ =	swait.ge [sflag:s4], $0x3000  }
0x4b: {  	s14 =	sshrl.u32 s22, $0x3;
	[sflag:s4] =	ssyncset.done $0x0  }
0x4c: {  	s6 =	sadd.s32 s3, s14;
	[sflag:s4] =	ssyncadd.s32 $0xFFFFD000  }
0x4d: {  	[tilespmem:s25], [sflag:$0x1] =	stream.linear.gather [hbm4b:s6+s2], $0x60, $0x38;
	[tilespmem:$0x16E80] =	vst v63  }
0x4e: {  	s12 =	sadd.s32 $0x0, s21  }
0x4f: {  	[tilespmem:s26], [sflag:$0x1] =	stream.linear.gather [hbm4b:s12+s2], $0x60, $0x38;
	[tilespmem:$0x16E80] =	vst v63  }
0x50: {  	_ =	swait.ge [sflag:s28], $0x60  }
0x51: {  	[sflag:s28] =	ssyncset.done $0x0  }
0x52: {  	[sflag:s28] =	ssyncadd.s32 $0xFFFFFFA0  }
0x53: {  	_ =	swait.ge [sflag:s28], $0x60  }
0x54: {  	[sflag:s28] =	ssyncset.done $0x0  }
0x55: {  	[sflag:s28] =	ssyncadd.s32 $0xFFFFFFA0  }
0x56: {  	[spmem:s1] =	stream.indirect.scatter.add.f32 [tilespmem:s23], [sflag:$0x2], $0x80, s25, s0, $0xb8;
	[tilespmem:$0x16E80] =	vst v63  }
0x57: {  	_ = 	snop  }
0x58: {  	[spmem:s1] =	stream.indirect.scatter.add.f32 [tilespmem:s23], [sflag:$0x2], $0x80, s26, s0, $0xb8;
	[tilespmem:$0x16E80] =	vst v63  }
0x59: {  	_ =	swait.ge [sflag:s4], $0x3000  }
0x5a: {  	[sflag:s4] =	ssyncset.done $0x0  }
0x5b: {  	[sflag:s4] =	ssyncadd.s32 $0xFFFFD000  }
0x5c: {  	_ =	swait.ge [sflag:s4], $0x3000  }
0x5d: {  	[sflag:s4] =	ssyncset.done $0x0  }
0x5e: {  	s13 =	sadd.s32 $0x0, s19;
	[sflag:s4] =	ssyncadd.s32 $0xFFFFD000  }
0x5f: {  	[tilespmem:s29], [sflag:$0x1] =	stream.linear.gather [hbm4b:s13+s2], $0x60, $0x38;
	[tilespmem:$0x16E80] =	vst v63  }
0x60: {  	s14 =	sadd.s32 $0x0, s20  }
0x61: {  	[tilespmem:s30], [sflag:$0x1] =	stream.linear.gather [hbm4b:s14+s2], $0x60, $0x38;
	[tilespmem:$0x16E80] =	vst v63  }
0x62: {  	_ =	swait.ge [sflag:s28], $0x60  }
0x63: {  	[sflag:s28] =	ssyncset.done $0x0  }
0x64: {  	[sflag:s28] =	ssyncadd.s32 $0xFFFFFFA0  }
0x65: {  	_ =	swait.ge [sflag:s28], $0x60  }
0x66: {  	[sflag:s28] =	ssyncset.done $0x0  }
0x67: {  	s6 =	simm.s32 $0x30;
	s12 =	sadd.s32 $0x180, s22;
	[sflag:s28] =	ssyncadd.s32 $0xFFFFFFA0  }
0x68: {  	[spmem:s1] =	stream.indirect.scatter.add.f32 [tilespmem:s23], [sflag:$0x2], $0x80, s29, s0, $0xb8;
	[tilespmem:$0x16E80] =	vst v63  }
.LBB2_2:
0x69: {  	[spmem:s1] =	stream.indirect.scatter.add.f32 [tilespmem:s23], [sflag:$0x2], $0x80, s30, s0, $0xb8;
	[tilespmem:$0x16E80] =	vst v63  }
0x6a: {  	s13 =	smov.u32 s6  }
0x6b: {  	p1 =	sne.s32 s6, $0x480;
	s6 =	sadd.s32 $0x30, s6;
	_ =	swait.ge [sflag:s4], $0x3000  }
0x6c: {  	[sflag:s4] =	ssyncset.done $0x0  }
0x6d: {  	[sflag:s4] =	ssyncadd.s32 $0xFFFFD000  }
0x6e: {  	_ =	swait.ge [sflag:s4], $0x3000  }
0x6f: {  	s14 =	sshrl.u32 s12, $0x3;
	[sflag:s4] =	ssyncset.done $0x0  }
0x70: {  	s14 =	sadd.s32 s3, s14;
	[sflag:s4] =	ssyncadd.s32 $0xFFFFD000  }
0x71: {  	[tilespmem:s25], [sflag:$0x1] =	stream.linear.gather [hbm4b:s14+s2], $0x60, $0x38;
	[tilespmem:$0x16E80] =	vst v63  }
0x72: {  	s14 =	sadd.s32 s13, s21  }
0x73: {  	[tilespmem:s26], [sflag:$0x1] =	stream.linear.gather [hbm4b:s14+s2], $0x60, $0x38;
	[tilespmem:$0x16E80] =	vst v63  }
0x74: {  	_ =	swait.ge [sflag:s28], $0x60  }
0x75: {  	[sflag:s28] =	ssyncset.done $0x0  }
0x76: {  	[sflag:s28] =	ssyncadd.s32 $0xFFFFFFA0  }
0x77: {  	_ =	swait.ge [sflag:s28], $0x60  }
0x78: {  	[sflag:s28] =	ssyncset.done $0x0  }
0x79: {  	[sflag:s28] =	ssyncadd.s32 $0xFFFFFFA0  }
0x7a: {  	[spmem:s1] =	stream.indirect.scatter.add.f32 [tilespmem:s23], [sflag:$0x2], $0x80, s25, s0, $0xb8;
	[tilespmem:$0x16E80] =	vst v63  }
0x7b: {  	_ = 	snop  }
0x7c: {  	[spmem:s1] =	stream.indirect.scatter.add.f32 [tilespmem:s23], [sflag:$0x2], $0x80, s26, s0, $0xb8;
	[tilespmem:$0x16E80] =	vst v63  }
0x7d: {  	_ =	swait.ge [sflag:s4], $0x3000  }
0x7e: {  	[sflag:s4] =	ssyncset.done $0x0  }
0x7f: {  	[sflag:s4] =	ssyncadd.s32 $0xFFFFD000  }
0x80: {  	_ =	swait.ge [sflag:s4], $0x3000  }
0x81: {  	[sflag:s4] =	ssyncset.done $0x0  }
0x82: {  	s14 =	sadd.s32 s13, s19;
	[sflag:s4] =	ssyncadd.s32 $0xFFFFD000  }
0x83: {  	[tilespmem:s29], [sflag:$0x1] =	stream.linear.gather [hbm4b:s14+s2], $0x60, $0x38;
	[tilespmem:$0x16E80] =	vst v63  }
0x84: {  	s13 =	sadd.s32 s13, s20  }
0x85: {  	[tilespmem:s30], [sflag:$0x1] =	stream.linear.gather [hbm4b:s13+s2], $0x60, $0x38;
	[tilespmem:$0x16E80] =	vst v63  }
0x86: {  	_ =	swait.ge [sflag:s28], $0x60  }
0x87: {  	[sflag:s28] =	ssyncset.done $0x0  }
0x88: {  	[sflag:s28] =	ssyncadd.s32 $0xFFFFFFA0  }
.Ltmp0:
0x89: {  	_ =	swait.ge [sflag:s28], $0x60;
	(pc) =	sbr.rel @p1 .LBB2_2-.Ltmp0, $4  }
0x8a: {  	[sflag:s28] =	ssyncset.done $0x0  }
0x8b: {  	[sflag:s28] =	ssyncadd.s32 $0xFFFFFFA0  }
0x8c: {  	[spmem:s1] =	stream.indirect.scatter.add.f32 [tilespmem:s23], [sflag:$0x2], $0x80, s29, s0, $0xb8;
	[tilespmem:$0x16E80] =	vst v63  }
0x8d: {  	s12 =	sadd.s32 $0x180, s12  }
0x8e: {  	[spmem:s1] =	stream.indirect.scatter.add.f32 [tilespmem:s23], [sflag:$0x2], $0x80, s30, s0, $0xb8;
	[tilespmem:$0x16E80] =	vst v63  }
0x8f: {  	_ =	swait.ge [sflag:s4], $0x3000  }
0x90: {  	[sflag:s4] =	ssyncset.done $0x0  }
0x91: {  	[sflag:s4] =	ssyncadd.s32 $0xFFFFD000  }
0x92: {  	_ =	swait.ge [sflag:s4], $0x3000  }
0x93: {  	[sflag:s4] =	ssyncset.done $0x0  }
0x94: {  	[sflag:s4] =	ssyncadd.s32 $0xFFFFD000  }
0x95: {  	_ =	swait.ge [sflag:s4], $0x3000  }
0x96: {  	[sflag:s4] =	ssyncset.done $0x0  }
0x97: {  	[sflag:s4] =	ssyncadd.s32 $0xFFFFD000  }
0x98: {  	_ =	swait.ge [sflag:s4], $0x3000  }
0x99: {  	[sflag:s4] =	ssyncset.done $0x0  }
0x9a: {  	[sflag:s4] =	ssyncadd.s32 $0xFFFFD000  }
0x9b: {  	[tilespmem:s5], [sflag:$0x1] =	stream.linear.gather [hbm4b:s15+s2], $0x10, $0x38;
	[tilespmem:$0x16E80] =	vst v63  }
0x9c: {  	_ =	swait.ge [sflag:s28], $0x10  }
0x9d: {  	[sflag:s28] =	ssyncset.done $0x0  }
0x9e: {  	s6 =	simm.s32 $0x10;
	[sflag:s28] =	ssyncadd.s32 $0xFFFFFFF0  }
0x9f: {  	[spmem:s1] =	stream.indirect.scatter.add.f32 [tilespmem:s23], [sflag:$0x2], $0x80, s5, s6, $0xb8;
	[tilespmem:$0x16E80] =	vst v63  }
0xa0: {  	_ =	swait.ge [sflag:s4], $0x800  }
0xa1: {  	[sflag:s4] =	ssyncset.done $0x0  }
0xa2: {  	[sflag:s4] =	ssyncadd.s32 $0xFFFFF800  }
0xa3: {  	[bflag:$0x0] =	sbarrier.arrive $0xFFFF  }
0xa4: {  	s14 =	rddreg [dreg:$0x6]  }
0xa5: {  	s6 =	sor.u32 $0x1C04, s14  }
0xa6: {  	[hbm:s16], [sflag:s6] =	dma.local [spmem:s11], $0x2700  }
0xa7: {  	_ =	swait.ge [sflag:s24], $0x2700  }
0xa8: {  	s7 =	sadd.s32 $0x1, s7;
	[sflag:s24] =	ssyncset.done $0x0  }
0xa9: {  	p1 =	sne.s32 s7, s18;
	[sflag:s24] =	ssyncadd.s32 $0xFFFFD900  }
0xaa: {  	[hbm:s17], [sflag:s6] =	dma.local @!p0 [spmem:s9], $0x100  }
.Ltmp1:
0xab: {  	_ = 	snop;
	(pc) =	sbr.rel @p1 .LBB2_1-.Ltmp1, $4  }
0xac: {  	s6 =	simm.s32 @!p0 $0x4  }
0xad: {  	_ =	swait.ge @!p0 [sflag:s6], $0x100  }
0xae: {  	[sflag:s6] =	ssyncset.done @!p0 $0x0  }
0xaf: {  	[sflag:s6] =	ssyncadd.s32 @!p0 $0xFFFFFF00  }
0xb0: {  	_ =	sfence.sel $0x180000  }
0xb1: {  	[bflag:$0x0] =	sbarrier.arrive $0xFFFF  }
0xb2: {  	_ =	strace $0x90000047  }
0xb3: {  	[bflag:$0x2] =	sbarrier.arrive $0xFFFF  }
0xb4: {  	s0 =	rddreg [dreg:$0x3]  }
0xb5: {  	s0 =	sadd.s32 @!p0 $0x100000, s0  }
0xb6: {  	[sflag:s0] =	ssyncadd.tile.s32 @!p0 $0x1;
	_ =	shalt  }
.Lfunc_end2:
_tile_overlayer_lowered:
.L_overlay_start_2:
0xb7: {  	(tag) =	ssettag $0x2  }
0xb8: {  	s0 =	rddreg [dreg:$0x0];
	s2 =	stileid.u32  }
0xb9: {  	s1 =	rddreg [dreg:$0x1];
	p0 =	sne.s32 s2, $0x0  }
0xba: {  	s3 =	rddreg [dreg:$0x2];
	[bflag:$0x3] =	sbarrier.arrive $0xFFFF;
	s2 =	simm.s32 @!p0 $0x1C04  }
0xbb: {  	[timem:s3], [sflag:s2] =	dma.local @!p0 [hbm:s0], s1  }
0xbc: {  	s0 =	simm.s32 @!p0 $0x4  }
0xbd: {  	_ =	swait.ge @!p0 [sflag:s0], s1  }
0xbe: {  	s1 =	ssub.s32 @!p0 $0x0, s1;
	[sflag:s0] =	ssyncset.done @!p0 $0x0  }
0xbf: {  	[sflag:s0] =	ssyncadd.s32 @!p0 s1  }
0xc0: {  	[bflag:$0x3] =	sbarrier.arrive $0xFFFF  }
0xc1: {  	_ =	shalt  }

</sc_bundles>
